<compile_context>
chip_gen: v7x
topology: tpu7x:2x2x1
jax: 0.10.2.dev20260603
libtpu: 0.0.44.dev20260713+nightly
codegen_flags: <defaults>
</compile_context>

<pallas_src>
import jax
import jax.numpy as jnp
from jax import lax
from jax.experimental import pallas as pl
from jax.experimental.pallas import tpu as pltpu
from jax.experimental.pallas import tpu_sc as plsc

N = 10000
E = 320000
D = 128
G = 64
EPS = 1e-5

NC = 2
NS = 16
CHUNK = 128
BL = 4
BPT = 20
TOTB = NC * NS * BPT
EP = TOTB * BL * CHUNK
CHB = BPT
NP = 10112
RPT = NP // NS

_mesh = plsc.VectorSubcoreMesh(core_axis_name="c", subcore_axis_name="s",
                               num_cores=NC, num_subcores=NS)



def _fill(buf, value):
    val = jnp.full((16,), value, jnp.float32)

    @pl.loop(0, CHUNK)
    def _row(i):
        for j in range(D // 16):
            buf[i, pl.ds(j * 16, 16)] = val


def _zero_rows(zbuf, shared, sid):
    full, rem = RPT // CHUNK, RPT % CHUNK
    for t in range(full):
        pltpu.sync_copy(zbuf, shared.at[pl.ds(sid * RPT + t * CHUNK, CHUNK)])
    if rem:
        pltpu.sync_copy(zbuf.at[pl.ds(0, rem)],
                        shared.at[pl.ds(sid * RPT + full * CHUNK, rem)])


def _deg_body(sd, out, idx_v, ones_v, deg_sh):
    cid = lax.axis_index("c")
    sid = lax.axis_index("s")
    base = cid * NS * CHB + sid * CHB
    _fill(ones_v, 0.0)
    _zero_rows(ones_v, deg_sh, sid)
    _fill(ones_v, 1.0)
    plsc.subcore_barrier()

    @pl.loop(0, CHB)
    def _block(b):
        pltpu.sync_copy(sd.at[base + b], idx_v)
        for r in range(BL):
            pltpu.sync_copy(ones_v, deg_sh.at[idx_v.at[BL + r]], add=True)

    plsc.subcore_barrier()
    pltpu.sync_copy(deg_sh.at[pl.ds(sid * RPT, RPT)],
                    out.at[pl.ds(cid * NP + sid * RPT, RPT)])


_deg_call = pl.kernel(
    _deg_body,
    out_type=jax.ShapeDtypeStruct((NC * NP, D), jnp.float32),
    mesh=_mesh,
    scratch_types=[
        pltpu.VMEM((2 * BL, CHUNK), jnp.int32),
        pltpu.VMEM((CHUNK, D), jnp.float32),
        pltpu.VMEM_SHARED((NP, D), jnp.float32),
    ],
)


def _agg_body(hs, sd, out, i0, i1, g0, g1, agg_sh,
              semi0, semi1, semg0, semg1):
    cid = lax.axis_index("c")
    sid = lax.axis_index("s")
    base = (cid * NS + sid) * BPT
    _fill(g0, 0.0)
    _zero_rows(g0, agg_sh, sid)
    plsc.subcore_barrier()

    iblk = (i0, i1)
    isem = (semi0, semi1)
    gb = (g0, g1)
    gsem = (semg0, semg1)

    def idx_start(b, q):
        pltpu.async_copy(sd.at[base + b], iblk[q], isem[q])

    def idx_wait(b, q):
        pltpu.make_async_copy(sd.at[base + b], iblk[q], isem[q]).wait()

    def gather_start(q, r, p):
        pltpu.async_copy(hs.at[iblk[q].at[r]], gb[p], gsem[p])

    def gather_wait(q, r, p):
        pltpu.make_async_copy(hs.at[iblk[q].at[r]], gb[p], gsem[p]).wait()

    def scat(q, r, p):
        pltpu.sync_copy(gb[p], agg_sh.at[iblk[q].at[BL + r]], add=True)

    def pair(b, prefetch, last):
        for k in range(2 * BL):
            q = (k // BL) & 1
            r = k % BL
            p = k & 1
            if prefetch and k == BL:
                idx_start(b + 2, 0)
            if k < 2 * BL - 1 or not last:
                nk = k + 1
                nq, nr, npp = (nk // BL) & 1, nk % BL, nk & 1
                if nk == 2 * BL:
                    idx_wait(b + 2, 0)
                    nq, nr = 0, 0
                elif nk == BL:
                    idx_wait(b + 1, 1)
                gather_start(nq, nr, npp)
            gather_wait(q, r, p)
            scat(q, r, p)
            if prefetch and k == 2 * BL - 1:
                idx_start(b + 3, 1)

    idx_start(0, 0)
    idx_start(1, 1)
    idx_wait(0, 0)
    gather_start(0, 0, 0)

    @pl.loop(0, BPT - 2, step=2)
    def _body(b):
        pair(b, prefetch=True, last=False)

    pair(BPT - 2, prefetch=False, last=True)

    plsc.subcore_barrier()
    pltpu.sync_copy(agg_sh.at[pl.ds(sid * RPT, RPT)],
                    out.at[pl.ds(cid * NP + sid * RPT, RPT)])


_agg_call = pl.kernel(
    _agg_body,
    out_type=jax.ShapeDtypeStruct((NC * NP, D), jnp.float32),
    mesh=_mesh,
    scratch_types=[
        pltpu.VMEM((2 * BL, CHUNK), jnp.int32),
        pltpu.VMEM((2 * BL, CHUNK), jnp.int32),
        pltpu.VMEM((CHUNK, D), jnp.float32),
        pltpu.VMEM((CHUNK, D), jnp.float32),
        pltpu.VMEM_SHARED((NP, D), jnp.float32),
        pltpu.SemaphoreType.DMA,
        pltpu.SemaphoreType.DMA,
        pltpu.SemaphoreType.DMA,
        pltpu.SemaphoreType.DMA,
    ],
)



def _dis(degc_ref):
    deg = (degc_ref[0:N, :] + degc_ref[NP:NP + N, :]) + 1.0
    return lax.rsqrt(deg)


def _t1_body(x_ref, w_ref, degp_ref, hs_ref):
    hs_ref[...] = _dis(degp_ref) * jnp.dot(
        x_ref[...], w_ref[...], preferred_element_type=jnp.float32)


def _layer_epilogue(aggp_ref, hs_ref, degp_ref, b_ref, g_ref, bb_ref):
    dis = _dis(degp_ref)
    agg = aggp_ref[0:N, :] + aggp_ref[NP:NP + N, :]
    a = jax.nn.relu(dis * (agg + hs_ref[...]) + b_ref[...])
    gscale = g_ref[...] * (1.0 / jnp.sqrt(1.0 + EPS))
    return a * gscale + bb_ref[...]


def _tmid_body(aggp_ref, hs_ref, degp_ref, b_ref, g_ref, bb_ref, w_ref,
               hsn_ref):
    a = _layer_epilogue(aggp_ref, hs_ref, degp_ref, b_ref, g_ref, bb_ref)
    hsn_ref[...] = _dis(degp_ref) * jnp.dot(
        a, w_ref[...], preferred_element_type=jnp.float32)


def _t4_body(aggp_ref, hs_ref, degp_ref, b_ref, g_ref, bb_ref, batch_ref,
             fc1w_ref, fc1b_ref, fc2w_ref, fc2b_ref, out_ref):
    a3 = _layer_epilogue(aggp_ref, hs_ref, degp_ref, b_ref, g_ref, bb_ref)
    gid = lax.broadcasted_iota(jnp.int32, (N, G), 1)
    onehot = (batch_ref[...] == gid).astype(jnp.float32)
    dn = (((0,), (0,)), ((), ()))
    sums = lax.dot_general(onehot, a3, dn,
                           preferred_element_type=jnp.float32)
    cnts = lax.dot_general(onehot, jnp.ones((N, 1), jnp.float32), dn,
                           preferred_element_type=jnp.float32)
    mean = sums / jnp.maximum(cnts, 1.0)
    dn_t = (((1,), (1,)), ((), ()))
    p = jax.nn.relu(
        lax.dot_general(mean, fc1w_ref[...], dn_t,
                        preferred_element_type=jnp.float32) + fc1b_ref[...])
    out_ref[...] = lax.dot_general(
        p, fc2w_ref[...], dn_t,
        preferred_element_type=jnp.float32) + fc2b_ref[...]


def _tc(body, out_shape):
    return pl.pallas_call(body, out_shape=out_shape)



def kernel(x, edge_index, batch, W1, b1, W2, b2, W3, b3,
           bn1_g, bn1_b, bn2_g, bn2_b, bn3_g, bn3_b,
           fc1_W, fc1_b, fc2_W, fc2_b):
    src = edge_index[0]
    dst = edge_index[1]
    pad = EP - E
    junk_src = jnp.arange(pad, dtype=jnp.int32) % N
    srcp = jnp.concatenate([src, junk_src]).reshape(TOTB, BL, CHUNK)
    junk = N + (jnp.arange(pad, dtype=jnp.int32) % (NP - N))
    dstp = jnp.concatenate([dst, junk]).reshape(TOTB, BL, CHUNK)
    sd = jnp.concatenate([srcp, dstp], axis=1)
    batch2 = batch.reshape(N, 1)

    r1 = lambda v: v.reshape(1, D)

    degp = _deg_call(sd)
    degc = degp[:, 0:1]

    f32 = jnp.float32
    hs1 = _tc(_t1_body, jax.ShapeDtypeStruct((N, D), f32))(x, W1, degc)
    agg1 = _agg_call(hs1, sd)
    hs2 = _tc(_tmid_body, jax.ShapeDtypeStruct((N, D), f32))(
        agg1, hs1, degc, r1(b1), r1(bn1_g), r1(bn1_b), W2)
    agg2 = _agg_call(hs2, sd)
    hs3 = _tc(_tmid_body, jax.ShapeDtypeStruct((N, D), f32))(
        agg2, hs2, degc, r1(b2), r1(bn2_g), r1(bn2_b), W3)
    agg3 = _agg_call(hs3, sd)
    out = _tc(_t4_body, jax.ShapeDtypeStruct((G, D), f32))(
        agg3, hs3, degc, r1(b3), r1(bn3_g), r1(bn3_b), batch2,
        fc1_W, r1(fc1_b), fc2_W, r1(fc2_b))
    return out

# --- scband reference (transcript-rebuilt; emitter-appended) ---
"""Pipeline reference for scband-compound-gnn-82394652606592 (READ-ONLY COPY).

The authoritative reference and input builder live on the scoring server;
editing this copy changes nothing except your own understanding.
"""

import jax, jax.numpy as jnp
import numpy as np

N = 10000
E = 320000
D = 128
G = 64
EPS = 1e-5


def setup_inputs(seed: int = 0) -> dict:
    key = jax.random.key(seed)
    ks = jax.random.split(key, 24)
    x = jax.random.normal(ks[0], (N, D), dtype=jnp.float32)
    edge_index = jax.random.randint(ks[1], (2, E), 0, N, dtype=jnp.int32)
    batch = jnp.sort(jax.random.randint(ks[2], (N,), 0, G, dtype=jnp.int32))
    s = 1.0 / np.sqrt(D)
    def lin_w(k):
        return jax.random.uniform(k, (D, D), dtype=jnp.float32, minval=-s, maxval=s)
    def lin_b(k):
        return jax.random.uniform(k, (D,), dtype=jnp.float32, minval=-s, maxval=s)
    return {
        "x": x,
        "edge_index": edge_index,
        "batch": batch,
        "W1": lin_w(ks[3]), "b1": lin_b(ks[4]),
        "W2": lin_w(ks[5]), "b2": lin_b(ks[6]),
        "W3": lin_w(ks[7]), "b3": lin_b(ks[8]),
        "bn1_g": jnp.ones((D,), jnp.float32), "bn1_b": jnp.zeros((D,), jnp.float32),
        "bn2_g": jnp.ones((D,), jnp.float32), "bn2_b": jnp.zeros((D,), jnp.float32),
        "bn3_g": jnp.ones((D,), jnp.float32), "bn3_b": jnp.zeros((D,), jnp.float32),
        "fc1_W": lin_w(ks[9]), "fc1_b": lin_b(ks[10]),
        "fc2_W": lin_w(ks[11]), "fc2_b": lin_b(ks[12]),
    }


def _gcn_conv(x, src, dst, W, b):
    # PyG GCNConv: linear transform, add self-loops, symmetric deg normalization, scatter-add
    h = x @ W
    loop = jnp.arange(N, dtype=src.dtype)
    s = jnp.concatenate([src, loop])
    d = jnp.concatenate([dst, loop])
    deg = jnp.zeros((N,), jnp.float32).at[d].add(1.0)
    dis = jnp.where(deg > 0, deg ** -0.5, 0.0)
    norm = dis[s] * dis[d]
    msg = norm[:, None] * h[s]
    out = jnp.zeros_like(h).at[d].add(msg)
    return out + b


def _bn_eval(x, g, b):
    # eval-mode BatchNorm1d with running_mean=0, running_var=1
    return x * (g / jnp.sqrt(1.0 + EPS)) + b


def _global_mean_pool(x, batch):
    sums = jax.ops.segment_sum(x, batch, num_segments=G)
    cnts = jax.ops.segment_sum(jnp.ones((x.shape[0],), jnp.float32), batch, num_segments=G)
    return sums / jnp.clip(cnts, 1.0)[:, None]


def reference(x, edge_index, batch, W1, b1, W2, b2, W3, b3,
              bn1_g, bn1_b, bn2_g, bn2_b, bn3_g, bn3_b,
              fc1_W, fc1_b, fc2_W, fc2_b):
    src = edge_index[0]
    dst = edge_index[1]
    h = jax.nn.relu(_gcn_conv(x, src, dst, W1, b1))
    h = _bn_eval(h, bn1_g, bn1_b)
    # dropout is identity in eval mode
    h = jax.nn.relu(_gcn_conv(h, src, dst, W2, b2))
    h = _bn_eval(h, bn2_g, bn2_b)
    h = jax.nn.relu(_gcn_conv(h, src, dst, W3, b3))
    h = _bn_eval(h, bn3_g, bn3_b)
    p = _global_mean_pool(h, batch)
    p = jax.nn.relu(p @ fc1_W.T + fc1_b)
    p = p @ fc2_W.T + fc2_b
    return p

if __name__ == "__main__":
    import jax
    _d = setup_inputs()
    print(jax.jit(kernel)(*tuple(_d.values())))

</pallas_src>

<mosaic_0001>
#map = affine_map<(d0, d1) -> (0, 0)>
#map1 = affine_map<(d0, d1) -> (0, 0, 0)>
module attributes {stable_mosaic.version = 14 : i64} {
  func.func @_agg_body(%arg0: i32, %arg1: i32, %arg2: memref<10000x128xf32, #tpu.memory_space<hbm>>, %arg3: memref<640x8x128xi32, #tpu.memory_space<hbm>>, %arg4: memref<20224x128xf32, #tpu.memory_space<hbm>>, %arg5: memref<8x128xi32, #tpu.memory_space<vmem>>, %arg6: memref<8x128xi32, #tpu.memory_space<vmem>>, %arg7: memref<128x128xf32, #tpu.memory_space<vmem>>, %arg8: memref<128x128xf32, #tpu.memory_space<vmem>>, %arg9: memref<10112x128xf32, #tpu.memory_space<vmem_shared>>, %arg10: memref<!tpu.dma_semaphore, #tpu.memory_space<semaphore_mem>>, %arg11: memref<!tpu.dma_semaphore, #tpu.memory_space<semaphore_mem>>, %arg12: memref<!tpu.dma_semaphore, #tpu.memory_space<semaphore_mem>>, %arg13: memref<!tpu.dma_semaphore, #tpu.memory_space<semaphore_mem>>) attributes {dimension_semantics = [#tpu.dimension_semantics<core_parallel>, #tpu.dimension_semantics<subcore_parallel>], iteration_bounds = array<i64: 2, 16>, scalar_prefetch = 0 : i64, scratch_operands = 9 : i64, tpu.core_type = #tpu.core_type<sc_vector_subcore>, window_params = [{transform_indices = #map}, {transform_indices = #map1}, {transform_indices = #map}]} {
    %mul3A = arith.constant 16 : i32
    %mul3A_0 = arith.muli %arg0, %mul3A : i32
    %add3A = arith.addi %mul3A_0, %arg1 : i32
    %mul3A_1 = arith.constant 20 : i32
    %mul3A_2 = arith.muli %add3A, %mul3A_1 : i32
    %broadcast_in_dim3A = arith.constant 0.000000e+00 : f32
    %broadcast_in_dim3A_3 = vector.broadcast %broadcast_in_dim3A : f32 to vector<16xf32>
    %scan3A = arith.constant 0 : i32
    %scan3A_4 = arith.constant 128 : i32
    %scan3A_5 = arith.addi %scan3A, %scan3A_4 : i32
    %scan3A_6 = arith.constant 1 : i32
    scf.for %scan3A_198 = %scan3A to %scan3A_5 step %scan3A_6  : i32 {
      %mul3A_199 = arith.constant 1 : i32
      %mul3A_200 = arith.muli %scan3A_198, %mul3A_199 : i32
      %add3A_201 = arith.constant 0 : i32
      %add3A_202 = arith.addi %add3A_201, %mul3A_200 : i32
      %swap3A = arith.index_cast %add3A_202 : i32 to index
      %swap3A_203 = arith.constant 0 : index
      %swap3A_204 = tpu.vector_load %arg7[%swap3A, %swap3A_203] {strides = array<i32>} : memref<128x128xf32, #tpu.memory_space<vmem>>, vector<1x16xf32>,
      %swap3A_205 = vector.shape_cast %swap3A_204 : vector<1x16xf32> to vector<16xf32>
      %swap3A_206 = vector.shape_cast %broadcast_in_dim3A_3 : vector<16xf32> to vector<1x16xf32>
      tpu.vector_store %arg7[%swap3A, %swap3A_203], %swap3A_206 {strides = array<i32>} : memref<128x128xf32, #tpu.memory_space<vmem>>, vector<1x16xf32>,
      %swap3A_207 = arith.index_cast %add3A_202 : i32 to index
      %swap3A_208 = arith.constant 16 : index
      %swap3A_209 = tpu.vector_load %arg7[%swap3A_207, %swap3A_208] {strides = array<i32>} : memref<128x128xf32, #tpu.memory_space<vmem>>, vector<1x16xf32>,
      %swap3A_210 = vector.shape_cast %swap3A_209 : vector<1x16xf32> to vector<16xf32>
      %swap3A_211 = vector.shape_cast %broadcast_in_dim3A_3 : vector<16xf32> to vector<1x16xf32>
      tpu.vector_store %arg7[%swap3A_207, %swap3A_208], %swap3A_211 {strides = array<i32>} : memref<128x128xf32, #tpu.memory_space<vmem>>, vector<1x16xf32>,
      %swap3A_212 = arith.index_cast %add3A_202 : i32 to index
      %swap3A_213 = arith.constant 32 : index
      %swap3A_214 = tpu.vector_load %arg7[%swap3A_212, %swap3A_213] {strides = array<i32>} : memref<128x128xf32, #tpu.memory_space<vmem>>, vector<1x16xf32>,
      %swap3A_215 = vector.shape_cast %swap3A_214 : vector<1x16xf32> to vector<16xf32>
      %swap3A_216 = vector.shape_cast %broadcast_in_dim3A_3 : vector<16xf32> to vector<1x16xf32>
      tpu.vector_store %arg7[%swap3A_212, %swap3A_213], %swap3A_216 {strides = array<i32>} : memref<128x128xf32, #tpu.memory_space<vmem>>, vector<1x16xf32>,
      %swap3A_217 = arith.index_cast %add3A_202 : i32 to index
      %swap3A_218 = arith.constant 48 : index
      %swap3A_219 = tpu.vector_load %arg7[%swap3A_217, %swap3A_218] {strides = array<i32>} : memref<128x128xf32, #tpu.memory_space<vmem>>, vector<1x16xf32>,
      %swap3A_220 = vector.shape_cast %swap3A_219 : vector<1x16xf32> to vector<16xf32>
      %swap3A_221 = vector.shape_cast %broadcast_in_dim3A_3 : vector<16xf32> to vector<1x16xf32>
      tpu.vector_store %arg7[%swap3A_217, %swap3A_218], %swap3A_221 {strides = array<i32>} : memref<128x128xf32, #tpu.memory_space<vmem>>, vector<1x16xf32>,
      %swap3A_222 = arith.index_cast %add3A_202 : i32 to index
      %swap3A_223 = arith.constant 64 : index
      %swap3A_224 = tpu.vector_load %arg7[%swap3A_222, %swap3A_223] {strides = array<i32>} : memref<128x128xf32, #tpu.memory_space<vmem>>, vector<1x16xf32>,
      %swap3A_225 = vector.shape_cast %swap3A_224 : vector<1x16xf32> to vector<16xf32>
      %swap3A_226 = vector.shape_cast %broadcast_in_dim3A_3 : vector<16xf32> to vector<1x16xf32>
      tpu.vector_store %arg7[%swap3A_222, %swap3A_223], %swap3A_226 {strides = array<i32>} : memref<128x128xf32, #tpu.memory_space<vmem>>, vector<1x16xf32>,
      %swap3A_227 = arith.index_cast %add3A_202 : i32 to index
      %swap3A_228 = arith.constant 80 : index
      %swap3A_229 = tpu.vector_load %arg7[%swap3A_227, %swap3A_228] {strides = array<i32>} : memref<128x128xf32, #tpu.memory_space<vmem>>, vector<1x16xf32>,
      %swap3A_230 = vector.shape_cast %swap3A_229 : vector<1x16xf32> to vector<16xf32>
      %swap3A_231 = vector.shape_cast %broadcast_in_dim3A_3 : vector<16xf32> to vector<1x16xf32>
      tpu.vector_store %arg7[%swap3A_227, %swap3A_228], %swap3A_231 {strides = array<i32>} : memref<128x128xf32, #tpu.memory_space<vmem>>, vector<1x16xf32>,
      %swap3A_232 = arith.index_cast %add3A_202 : i32 to index
      %swap3A_233 = arith.constant 96 : index
      %swap3A_234 = tpu.vector_load %arg7[%swap3A_232, %swap3A_233] {strides = array<i32>} : memref<128x128xf32, #tpu.memory_space<vmem>>, vector<1x16xf32>,
      %swap3A_235 = vector.shape_cast %swap3A_234 : vector<1x16xf32> to vector<16xf32>
      %swap3A_236 = vector.shape_cast %broadcast_in_dim3A_3 : vector<16xf32> to vector<1x16xf32>
      tpu.vector_store %arg7[%swap3A_232, %swap3A_233], %swap3A_236 {strides = array<i32>} : memref<128x128xf32, #tpu.memory_space<vmem>>, vector<1x16xf32>,
      %swap3A_237 = arith.index_cast %add3A_202 : i32 to index
      %swap3A_238 = arith.constant 112 : index
      %swap3A_239 = tpu.vector_load %arg7[%swap3A_237, %swap3A_238] {strides = array<i32>} : memref<128x128xf32, #tpu.memory_space<vmem>>, vector<1x16xf32>,
      %swap3A_240 = vector.shape_cast %swap3A_239 : vector<1x16xf32> to vector<16xf32>
      %swap3A_241 = vector.shape_cast %broadcast_in_dim3A_3 : vector<16xf32> to vector<1x16xf32>
      tpu.vector_store %arg7[%swap3A_237, %swap3A_238], %swap3A_241 {strides = array<i32>} : memref<128x128xf32, #tpu.memory_space<vmem>>, vector<1x16xf32>,
    }
    %scan3A_7 = arith.constant 128 : i32
    %mul3A_8 = arith.constant 632 : i32
    %mul3A_9 = arith.muli %arg1, %mul3A_8 : i32
    %add3A_10 = arith.constant 0 : i32
    %add3A_11 = arith.addi %mul3A_9, %add3A_10 : i32
    "tpu.region"() ({
      %run_scoped3A_198 = tpu.sem_alloc : memref<!tpu.dma_semaphore, #tpu.memory_space<semaphore_mem>>
      %dma_start3A_199 = arith.constant 0 : i32
      %dma_start3A_200 = tpu.memref_slice %arg9[%add3A_11, %dma_start3A_199] : memref<10112x128xf32, #tpu.memory_space<vmem_shared>> -> memref<128x128xf32, #tpu.memory_space<vmem_shared>>
      %dma_start3A_201 = arith.constant 0 : i32
      %dma_start3A_202 = tpu.memref_slice %arg9[%add3A_11, %dma_start3A_201] : memref<10112x128xf32, #tpu.memory_space<vmem_shared>> -> memref<128x128xf32, #tpu.memory_space<vmem_shared>>
      tpu.enqueue_dma source(%arg7 : memref<128x128xf32, #tpu.memory_space<vmem>>) target(%dma_start3A_202 : memref<128x128xf32, #tpu.memory_space<vmem_shared>>) target_semaphore(%run_scoped3A_198 : memref<!tpu.dma_semaphore, #tpu.memory_space<semaphore_mem>>)
      %dma_wait3A_203 = arith.constant 0 : i32
      %dma_wait3A_204 = tpu.memref_slice %arg9[%add3A_11, %dma_wait3A_203] : memref<10112x128xf32, #tpu.memory_space<vmem_shared>> -> memref<128x128xf32, #tpu.memory_space<vmem_shared>>
      %dma_wait3A_205 = arith.constant 0 : i32
      %dma_wait3A_206 = tpu.memref_slice %arg9[%add3A_11, %dma_wait3A_205] : memref<10112x128xf32, #tpu.memory_space<vmem_shared>> -> memref<128x128xf32, #tpu.memory_space<vmem_shared>>
      tpu.wait_dma2 semaphore(%run_scoped3A_198 : memref<!tpu.dma_semaphore, #tpu.memory_space<semaphore_mem>>) src(%arg7 : memref<128x128xf32, #tpu.memory_space<vmem>>) dst(%dma_wait3A_206 : memref<128x128xf32, #tpu.memory_space<vmem_shared>>)
      tpu.yield
    }) : () -> ()
    %mul3A_12 = arith.constant 632 : i32
    %mul3A_13 = arith.muli %arg1, %mul3A_12 : i32
    %add3A_14 = arith.constant 128 : i32
    %add3A_15 = arith.addi %mul3A_13, %add3A_14 : i32
    "tpu.region"() ({
      %run_scoped3A_198 = tpu.sem_alloc : memref<!tpu.dma_semaphore, #tpu.memory_space<semaphore_mem>>
      %dma_start3A_199 = arith.constant 0 : i32
      %dma_start3A_200 = tpu.memref_slice %arg9[%add3A_15, %dma_start3A_199] : memref<10112x128xf32, #tpu.memory_space<vmem_shared>> -> memref<128x128xf32, #tpu.memory_space<vmem_shared>>
      %dma_start3A_201 = arith.constant 0 : i32
      %dma_start3A_202 = tpu.memref_slice %arg9[%add3A_15, %dma_start3A_201] : memref<10112x128xf32, #tpu.memory_space<vmem_shared>> -> memref<128x128xf32, #tpu.memory_space<vmem_shared>>
      tpu.enqueue_dma source(%arg7 : memref<128x128xf32, #tpu.memory_space<vmem>>) target(%dma_start3A_202 : memref<128x128xf32, #tpu.memory_space<vmem_shared>>) target_semaphore(%run_scoped3A_198 : memref<!tpu.dma_semaphore, #tpu.memory_space<semaphore_mem>>)
      %dma_wait3A_203 = arith.constant 0 : i32
      %dma_wait3A_204 = tpu.memref_slice %arg9[%add3A_15, %dma_wait3A_203] : memref<10112x128xf32, #tpu.memory_space<vmem_shared>> -> memref<128x128xf32, #tpu.memory_space<vmem_shared>>
      %dma_wait3A_205 = arith.constant 0 : i32
      %dma_wait3A_206 = tpu.memref_slice %arg9[%add3A_15, %dma_wait3A_205] : memref<10112x128xf32, #tpu.memory_space<vmem_shared>> -> memref<128x128xf32, #tpu.memory_space<vmem_shared>>
      tpu.wait_dma2 semaphore(%run_scoped3A_198 : memref<!tpu.dma_semaphore, #tpu.memory_space<semaphore_mem>>) src(%arg7 : memref<128x128xf32, #tpu.memory_space<vmem>>) dst(%dma_wait3A_206 : memref<128x128xf32, #tpu.memory_space<vmem_shared>>)
      tpu.yield
    }) : () -> ()
    %mul3A_16 = arith.constant 632 : i32
    %mul3A_17 = arith.muli %arg1, %mul3A_16 : i32
    %add3A_18 = arith.constant 256 : i32
    %add3A_19 = arith.addi %mul3A_17, %add3A_18 : i32
    "tpu.region"() ({
      %run_scoped3A_198 = tpu.sem_alloc : memref<!tpu.dma_semaphore, #tpu.memory_space<semaphore_mem>>
      %dma_start3A_199 = arith.constant 0 : i32
      %dma_start3A_200 = tpu.memref_slice %arg9[%add3A_19, %dma_start3A_199] : memref<10112x128xf32, #tpu.memory_space<vmem_shared>> -> memref<128x128xf32, #tpu.memory_space<vmem_shared>>
      %dma_start3A_201 = arith.constant 0 : i32
      %dma_start3A_202 = tpu.memref_slice %arg9[%add3A_19, %dma_start3A_201] : memref<10112x128xf32, #tpu.memory_space<vmem_shared>> -> memref<128x128xf32, #tpu.memory_space<vmem_shared>>
      tpu.enqueue_dma source(%arg7 : memref<128x128xf32, #tpu.memory_space<vmem>>) target(%dma_start3A_202 : memref<128x128xf32, #tpu.memory_space<vmem_shared>>) target_semaphore(%run_scoped3A_198 : memref<!tpu.dma_semaphore, #tpu.memory_space<semaphore_mem>>)
      %dma_wait3A_203 = arith.constant 0 : i32
      %dma_wait3A_204 = tpu.memref_slice %arg9[%add3A_19, %dma_wait3A_203] : memref<10112x128xf32, #tpu.memory_space<vmem_shared>> -> memref<128x128xf32, #tpu.memory_space<vmem_shared>>
      %dma_wait3A_205 = arith.constant 0 : i32
      %dma_wait3A_206 = tpu.memref_slice %arg9[%add3A_19, %dma_wait3A_205] : memref<10112x128xf32, #tpu.memory_space<vmem_shared>> -> memref<128x128xf32, #tpu.memory_space<vmem_shared>>
      tpu.wait_dma2 semaphore(%run_scoped3A_198 : memref<!tpu.dma_semaphore, #tpu.memory_space<semaphore_mem>>) src(%arg7 : memref<128x128xf32, #tpu.memory_space<vmem>>) dst(%dma_wait3A_206 : memref<128x128xf32, #tpu.memory_space<vmem_shared>>)
      tpu.yield
    }) : () -> ()
    %mul3A_20 = arith.constant 632 : i32
    %mul3A_21 = arith.muli %arg1, %mul3A_20 : i32
    %add3A_22 = arith.constant 384 : i32
    %add3A_23 = arith.addi %mul3A_21, %add3A_22 : i32
    "tpu.region"() ({
      %run_scoped3A_198 = tpu.sem_alloc : memref<!tpu.dma_semaphore, #tpu.memory_space<semaphore_mem>>
      %dma_start3A_199 = arith.constant 0 : i32
      %dma_start3A_200 = tpu.memref_slice %arg9[%add3A_23, %dma_start3A_199] : memref<10112x128xf32, #tpu.memory_space<vmem_shared>> -> memref<128x128xf32, #tpu.memory_space<vmem_shared>>
      %dma_start3A_201 = arith.constant 0 : i32
      %dma_start3A_202 = tpu.memref_slice %arg9[%add3A_23, %dma_start3A_201] : memref<10112x128xf32, #tpu.memory_space<vmem_shared>> -> memref<128x128xf32, #tpu.memory_space<vmem_shared>>
      tpu.enqueue_dma source(%arg7 : memref<128x128xf32, #tpu.memory_space<vmem>>) target(%dma_start3A_202 : memref<128x128xf32, #tpu.memory_space<vmem_shared>>) target_semaphore(%run_scoped3A_198 : memref<!tpu.dma_semaphore, #tpu.memory_space<semaphore_mem>>)
      %dma_wait3A_203 = arith.constant 0 : i32
      %dma_wait3A_204 = tpu.memref_slice %arg9[%add3A_23, %dma_wait3A_203] : memref<10112x128xf32, #tpu.memory_space<vmem_shared>> -> memref<128x128xf32, #tpu.memory_space<vmem_shared>>
      %dma_wait3A_205 = arith.constant 0 : i32
      %dma_wait3A_206 = tpu.memref_slice %arg9[%add3A_23, %dma_wait3A_205] : memref<10112x128xf32, #tpu.memory_space<vmem_shared>> -> memref<128x128xf32, #tpu.memory_space<vmem_shared>>
      tpu.wait_dma2 semaphore(%run_scoped3A_198 : memref<!tpu.dma_semaphore, #tpu.memory_space<semaphore_mem>>) src(%arg7 : memref<128x128xf32, #tpu.memory_space<vmem>>) dst(%dma_wait3A_206 : memref<128x128xf32, #tpu.memory_space<vmem_shared>>)
      tpu.yield
    }) : () -> ()
    %mul3A_24 = arith.constant 632 : i32
    %mul3A_25 = arith.muli %arg1, %mul3A_24 : i32
    %add3A_26 = arith.constant 512 : i32
    %add3A_27 = arith.addi %mul3A_25, %add3A_26 : i32
    "tpu.region"() ({
      %run_scoped3A_198 = tpu.sem_alloc : memref<!tpu.dma_semaphore, #tpu.memory_space<semaphore_mem>>
      %dma_start3A_199 = arith.constant 0 : i32
      %dma_start3A_200 = arith.constant 0 : i32
      %dma_start3A_201 = tpu.memref_slice %arg7[%dma_start3A_199, %dma_start3A_200] : memref<128x128xf32, #tpu.memory_space<vmem>> -> memref<120x128xf32, #tpu.memory_space<vmem>>
      %dma_start3A_202 = arith.constant 0 : i32
      %dma_start3A_203 = tpu.memref_slice %arg9[%add3A_27, %dma_start3A_202] : memref<10112x128xf32, #tpu.memory_space<vmem_shared>> -> memref<120x128xf32, #tpu.memory_space<vmem_shared>>
      %dma_start3A_204 = arith.constant 0 : i32
      %dma_start3A_205 = tpu.memref_slice %arg9[%add3A_27, %dma_start3A_204] : memref<10112x128xf32, #tpu.memory_space<vmem_shared>> -> memref<120x128xf32, #tpu.memory_space<vmem_shared>>
      %dma_start3A_206 = arith.constant 0 : i32
      %dma_start3A_207 = arith.constant 0 : i32
      %dma_start3A_208 = tpu.memref_slice %arg7[%dma_start3A_206, %dma_start3A_207] : memref<128x128xf32, #tpu.memory_space<vmem>> -> memref<120x128xf32, #tpu.memory_space<vmem>>
      tpu.enqueue_dma source(%dma_start3A_208 : memref<120x128xf32, #tpu.memory_space<vmem>>) target(%dma_start3A_205 : memref<120x128xf32, #tpu.memory_space<vmem_shared>>) target_semaphore(%run_scoped3A_198 : memref<!tpu.dma_semaphore, #tpu.memory_space<semaphore_mem>>)
      %dma_wait3A_209 = arith.constant 0 : i32
      %dma_wait3A_210 = arith.constant 0 : i32
      %dma_wait3A_211 = tpu.memref_slice %arg7[%dma_wait3A_209, %dma_wait3A_210] : memref<128x128xf32, #tpu.memory_space<vmem>> -> memref<120x128xf32, #tpu.memory_space<vmem>>
      %dma_wait3A_212 = arith.constant 0 : i32
      %dma_wait3A_213 = tpu.memref_slice %arg9[%add3A_27, %dma_wait3A_212] : memref<10112x128xf32, #tpu.memory_space<vmem_shared>> -> memref<120x128xf32, #tpu.memory_space<vmem_shared>>
      %dma_wait3A_214 = arith.constant 0 : i32
      %dma_wait3A_215 = tpu.memref_slice %arg9[%add3A_27, %dma_wait3A_214] : memref<10112x128xf32, #tpu.memory_space<vmem_shared>> -> memref<120x128xf32, #tpu.memory_space<vmem_shared>>
      %dma_wait3A_216 = arith.constant 0 : i32
      %dma_wait3A_217 = arith.constant 0 : i32
      %dma_wait3A_218 = tpu.memref_slice %arg7[%dma_wait3A_216, %dma_wait3A_217] : memref<128x128xf32, #tpu.memory_space<vmem>> -> memref<120x128xf32, #tpu.memory_space<vmem>>
      tpu.wait_dma2 semaphore(%run_scoped3A_198 : memref<!tpu.dma_semaphore, #tpu.memory_space<semaphore_mem>>) src(%dma_wait3A_218 : memref<120x128xf32, #tpu.memory_space<vmem>>) dst(%dma_wait3A_215 : memref<120x128xf32, #tpu.memory_space<vmem_shared>>)
      tpu.yield
    }) : () -> ()
    %barrier3A = arith.constant 0 : index
    tpu.barrier barrier_id(%barrier3A)
    %add3A_28 = arith.constant 0 : i32
    %add3A_29 = arith.addi %mul3A_2, %add3A_28 : i32
    %dma_start3A = arith.constant 0 : i32
    %dma_start3A_30 = arith.constant 0 : i32
    %dma_start3A_31 = tpu.memref_slice %arg3[%add3A_29, %dma_start3A, %dma_start3A_30] : memref<640x8x128xi32, #tpu.memory_space<hbm>> -> memref<1x8x128xi32, #tpu.memory_space<hbm>>
    %dma_start3A_32 = tpu.memref_squeeze %dma_start3A_31 : memref<1x8x128xi32, #tpu.memory_space<hbm>> -> memref<8x128xi32, #tpu.memory_space<hbm>>
    %dma_start3A_33 = arith.constant 0 : i32
    %dma_start3A_34 = arith.constant 0 : i32
    %dma_start3A_35 = tpu.memref_slice %arg3[%add3A_29, %dma_start3A_33, %dma_start3A_34] : memref<640x8x128xi32, #tpu.memory_space<hbm>> -> memref<1x8x128xi32, #tpu.memory_space<hbm>>
    %dma_start3A_36 = tpu.memref_squeeze %dma_start3A_35 : memref<1x8x128xi32, #tpu.memory_space<hbm>> -> memref<8x128xi32, #tpu.memory_space<hbm>>
    tpu.enqueue_dma source(%dma_start3A_36 : memref<8x128xi32, #tpu.memory_space<hbm>>) target(%arg5 : memref<8x128xi32, #tpu.memory_space<vmem>>) target_semaphore(%arg10 : memref<!tpu.dma_semaphore, #tpu.memory_space<semaphore_mem>>)
    %add3A_37 = arith.constant 1 : i32
    %add3A_38 = arith.addi %mul3A_2, %add3A_37 : i32
    %dma_start3A_39 = arith.constant 0 : i32
    %dma_start3A_40 = arith.constant 0 : i32
    %dma_start3A_41 = tpu.memref_slice %arg3[%add3A_38, %dma_start3A_39, %dma_start3A_40] : memref<640x8x128xi32, #tpu.memory_space<hbm>> -> memref<1x8x128xi32, #tpu.memory_space<hbm>>
    %dma_start3A_42 = tpu.memref_squeeze %dma_start3A_41 : memref<1x8x128xi32, #tpu.memory_space<hbm>> -> memref<8x128xi32, #tpu.memory_space<hbm>>
    %dma_start3A_43 = arith.constant 0 : i32
    %dma_start3A_44 = arith.constant 0 : i32
    %dma_start3A_45 = tpu.memref_slice %arg3[%add3A_38, %dma_start3A_43, %dma_start3A_44] : memref<640x8x128xi32, #tpu.memory_space<hbm>> -> memref<1x8x128xi32, #tpu.memory_space<hbm>>
    %dma_start3A_46 = tpu.memref_squeeze %dma_start3A_45 : memref<1x8x128xi32, #tpu.memory_space<hbm>> -> memref<8x128xi32, #tpu.memory_space<hbm>>
    tpu.enqueue_dma source(%dma_start3A_46 : memref<8x128xi32, #tpu.memory_space<hbm>>) target(%arg6 : memref<8x128xi32, #tpu.memory_space<vmem>>) target_semaphore(%arg11 : memref<!tpu.dma_semaphore, #tpu.memory_space<semaphore_mem>>)
    %add3A_47 = arith.constant 0 : i32
    %add3A_48 = arith.addi %mul3A_2, %add3A_47 : i32
    %dma_wait3A = arith.constant 0 : i32
    %dma_wait3A_49 = arith.constant 0 : i32
    %dma_wait3A_50 = tpu.memref_slice %arg3[%add3A_48, %dma_wait3A, %dma_wait3A_49] : memref<640x8x128xi32, #tpu.memory_space<hbm>> -> memref<1x8x128xi32, #tpu.memory_space<hbm>>
    %dma_wait3A_51 = tpu.memref_squeeze %dma_wait3A_50 : memref<1x8x128xi32, #tpu.memory_space<hbm>> -> memref<8x128xi32, #tpu.memory_space<hbm>>
    %dma_wait3A_52 = arith.constant 0 : i32
    %dma_wait3A_53 = arith.constant 0 : i32
    %dma_wait3A_54 = tpu.memref_slice %arg3[%add3A_48, %dma_wait3A_52, %dma_wait3A_53] : memref<640x8x128xi32, #tpu.memory_space<hbm>> -> memref<1x8x128xi32, #tpu.memory_space<hbm>>
    %dma_wait3A_55 = tpu.memref_squeeze %dma_wait3A_54 : memref<1x8x128xi32, #tpu.memory_space<hbm>> -> memref<8x128xi32, #tpu.memory_space<hbm>>
    tpu.wait_dma2 semaphore(%arg10 : memref<!tpu.dma_semaphore, #tpu.memory_space<semaphore_mem>>) src(%dma_wait3A_55 : memref<8x128xi32, #tpu.memory_space<hbm>>) dst(%arg5 : memref<8x128xi32, #tpu.memory_space<vmem>>)
    %dma_start3A_56 = arith.constant 0 : i32
    %dma_start3A_57 = arith.constant 0 : i32
    %dma_start3A_58 = tpu.memref_slice %arg5[%dma_start3A_56, %dma_start3A_57] : memref<8x128xi32, #tpu.memory_space<vmem>> -> memref<1x128xi32, #tpu.memory_space<vmem>>
    %dma_start3A_59 = tpu.memref_squeeze %dma_start3A_58 : memref<1x128xi32, #tpu.memory_space<vmem>> -> memref<128xi32, #tpu.memory_space<vmem>>
    %dma_start3A_60 = arith.constant 0 : i32
    %dma_start3A_61 = arith.constant 0 : i32
    %dma_start3A_62 = tpu.memref_slice %arg2[%dma_start3A_60, %dma_start3A_61] : memref<10000x128xf32, #tpu.memory_space<hbm>> -> memref<10000x128xf32, #tpu.memory_space<hbm>>
    tpu.enqueue_indirect_dma source(%dma_start3A_62 : memref<10000x128xf32, #tpu.memory_space<hbm>>) target(%arg7 : memref<128x128xf32, #tpu.memory_space<vmem>>) offsets(%dma_start3A_59 : memref<128xi32, #tpu.memory_space<vmem>>) semaphore(%arg12 : memref<!tpu.dma_semaphore, #tpu.memory_space<semaphore_mem>>)
    %scan3A_63 = arith.constant 0 : i32
    %scan3A_64 = arith.constant 9 : i32
    %scan3A_65 = arith.addi %scan3A_63, %scan3A_64 : i32
    %scan3A_66 = arith.constant 1 : i32
    scf.for %scan3A_198 = %scan3A_63 to %scan3A_65 step %scan3A_66  : i32 {
      %mul3A_199 = arith.constant 2 : i32
      %mul3A_200 = arith.muli %scan3A_198, %mul3A_199 : i32
      %add3A_201 = arith.constant 0 : i32
      %add3A_202 = arith.addi %add3A_201, %mul3A_200 : i32
      %dma_start3A_203 = arith.constant 1 : i32
      %dma_start3A_204 = arith.constant 0 : i32
      %dma_start3A_205 = tpu.memref_slice %arg5[%dma_start3A_203, %dma_start3A_204] : memref<8x128xi32, #tpu.memory_space<vmem>> -> memref<1x128xi32, #tpu.memory_space<vmem>>
      %dma_start3A_206 = tpu.memref_squeeze %dma_start3A_205 : memref<1x128xi32, #tpu.memory_space<vmem>> -> memref<128xi32, #tpu.memory_space<vmem>>
      %dma_start3A_207 = arith.constant 0 : i32
      %dma_start3A_208 = arith.constant 0 : i32
      %dma_start3A_209 = tpu.memref_slice %arg2[%dma_start3A_207, %dma_start3A_208] : memref<10000x128xf32, #tpu.memory_space<hbm>> -> memref<10000x128xf32, #tpu.memory_space<hbm>>
      tpu.enqueue_indirect_dma source(%dma_start3A_209 : memref<10000x128xf32, #tpu.memory_space<hbm>>) target(%arg8 : memref<128x128xf32, #tpu.memory_space<vmem>>) offsets(%dma_start3A_206 : memref<128xi32, #tpu.memory_space<vmem>>) semaphore(%arg13 : memref<!tpu.dma_semaphore, #tpu.memory_space<semaphore_mem>>)
      %dma_wait3A_210 = arith.constant 0 : i32
      %dma_wait3A_211 = arith.constant 0 : i32
      %dma_wait3A_212 = tpu.memref_slice %arg5[%dma_wait3A_210, %dma_wait3A_211] : memref<8x128xi32, #tpu.memory_space<vmem>> -> memref<1x128xi32, #tpu.memory_space<vmem>>
      %dma_wait3A_213 = tpu.memref_squeeze %dma_wait3A_212 : memref<1x128xi32, #tpu.memory_space<vmem>> -> memref<128xi32, #tpu.memory_space<vmem>>
      %dma_wait3A_214 = arith.constant 0 : i32
      %dma_wait3A_215 = arith.constant 0 : i32
      %dma_wait3A_216 = tpu.memref_slice %arg2[%dma_wait3A_214, %dma_wait3A_215] : memref<10000x128xf32, #tpu.memory_space<hbm>> -> memref<10000x128xf32, #tpu.memory_space<hbm>>
      tpu.wait_indirect_dma semaphore(%arg12 : memref<!tpu.dma_semaphore, #tpu.memory_space<semaphore_mem>>) src(%dma_wait3A_216 : memref<10000x128xf32, #tpu.memory_space<hbm>>) dst(%arg7 : memref<128x128xf32, #tpu.memory_space<vmem>>)
      %run_scoped3A_217 = arith.constant 4 : i32
      "tpu.region"() ({
        %run_scoped3A_367 = tpu.sem_alloc : memref<!tpu.dma_semaphore, #tpu.memory_space<semaphore_mem>>
        %dma_start3A_368 = arith.constant 0 : i32
        %dma_start3A_369 = tpu.memref_slice %arg5[%run_scoped3A_217, %dma_start3A_368] : memref<8x128xi32, #tpu.memory_space<vmem>> -> memref<1x128xi32, #tpu.memory_space<vmem>>
        %dma_start3A_370 = tpu.memref_squeeze %dma_start3A_369 : memref<1x128xi32, #tpu.memory_space<vmem>> -> memref<128xi32, #tpu.memory_space<vmem>>
        %dma_start3A_371 = arith.constant 0 : i32
        %dma_start3A_372 = arith.constant 0 : i32
        %dma_start3A_373 = tpu.memref_slice %arg9[%dma_start3A_371, %dma_start3A_372] : memref<10112x128xf32, #tpu.memory_space<vmem_shared>> -> memref<10112x128xf32, #tpu.memory_space<vmem_shared>>
        tpu.enqueue_indirect_dma source(%arg7 : memref<128x128xf32, #tpu.memory_space<vmem>>) target(%dma_start3A_373 : memref<10112x128xf32, #tpu.memory_space<vmem_shared>>) offsets(%dma_start3A_370 : memref<128xi32, #tpu.memory_space<vmem>>) semaphore(%run_scoped3A_367 : memref<!tpu.dma_semaphore, #tpu.memory_space<semaphore_mem>>) {add = true}
        %dma_wait3A_374 = arith.constant 0 : i32
        %dma_wait3A_375 = tpu.memref_slice %arg5[%run_scoped3A_217, %dma_wait3A_374] : memref<8x128xi32, #tpu.memory_space<vmem>> -> memref<1x128xi32, #tpu.memory_space<vmem>>
        %dma_wait3A_376 = tpu.memref_squeeze %dma_wait3A_375 : memref<1x128xi32, #tpu.memory_space<vmem>> -> memref<128xi32, #tpu.memory_space<vmem>>
        %dma_wait3A_377 = arith.constant 0 : i32
        %dma_wait3A_378 = arith.constant 0 : i32
        %dma_wait3A_379 = tpu.memref_slice %arg9[%dma_wait3A_377, %dma_wait3A_378] : memref<10112x128xf32, #tpu.memory_space<vmem_shared>> -> memref<10112x128xf32, #tpu.memory_space<vmem_shared>>
        tpu.wait_indirect_dma semaphore(%run_scoped3A_367 : memref<!tpu.dma_semaphore, #tpu.memory_space<semaphore_mem>>) src(%arg7 : memref<128x128xf32, #tpu.memory_space<vmem>>) dst(%dma_wait3A_379 : memref<10112x128xf32, #tpu.memory_space<vmem_shared>>)
        tpu.yield
      }) : () -> ()
      %dma_start3A_218 = arith.constant 2 : i32
      %dma_start3A_219 = arith.constant 0 : i32
      %dma_start3A_220 = tpu.memref_slice %arg5[%dma_start3A_218, %dma_start3A_219] : memref<8x128xi32, #tpu.memory_space<vmem>> -> memref<1x128xi32, #tpu.memory_space<vmem>>
      %dma_start3A_221 = tpu.memref_squeeze %dma_start3A_220 : memref<1x128xi32, #tpu.memory_space<vmem>> -> memref<128xi32, #tpu.memory_space<vmem>>
      %dma_start3A_222 = arith.constant 0 : i32
      %dma_start3A_223 = arith.constant 0 : i32
      %dma_start3A_224 = tpu.memref_slice %arg2[%dma_start3A_222, %dma_start3A_223] : memref<10000x128xf32, #tpu.memory_space<hbm>> -> memref<10000x128xf32, #tpu.memory_space<hbm>>
      tpu.enqueue_indirect_dma source(%dma_start3A_224 : memref<10000x128xf32, #tpu.memory_space<hbm>>) target(%arg7 : memref<128x128xf32, #tpu.memory_space<vmem>>) offsets(%dma_start3A_221 : memref<128xi32, #tpu.memory_space<vmem>>) semaphore(%arg12 : memref<!tpu.dma_semaphore, #tpu.memory_space<semaphore_mem>>)
      %dma_wait3A_225 = arith.constant 1 : i32
      %dma_wait3A_226 = arith.constant 0 : i32
      %dma_wait3A_227 = tpu.memref_slice %arg5[%dma_wait3A_225, %dma_wait3A_226] : memref<8x128xi32, #tpu.memory_space<vmem>> -> memref<1x128xi32, #tpu.memory_space<vmem>>
      %dma_wait3A_228 = tpu.memref_squeeze %dma_wait3A_227 : memref<1x128xi32, #tpu.memory_space<vmem>> -> memref<128xi32, #tpu.memory_space<vmem>>
      %dma_wait3A_229 = arith.constant 0 : i32
      %dma_wait3A_230 = arith.constant 0 : i32
      %dma_wait3A_231 = tpu.memref_slice %arg2[%dma_wait3A_229, %dma_wait3A_230] : memref<10000x128xf32, #tpu.memory_space<hbm>> -> memref<10000x128xf32, #tpu.memory_space<hbm>>
      tpu.wait_indirect_dma semaphore(%arg13 : memref<!tpu.dma_semaphore, #tpu.memory_space<semaphore_mem>>) src(%dma_wait3A_231 : memref<10000x128xf32, #tpu.memory_space<hbm>>) dst(%arg8 : memref<128x128xf32, #tpu.memory_space<vmem>>)
      %run_scoped3A_232 = arith.constant 5 : i32
      "tpu.region"() ({
        %run_scoped3A_367 = tpu.sem_alloc : memref<!tpu.dma_semaphore, #tpu.memory_space<semaphore_mem>>
        %dma_start3A_368 = arith.constant 0 : i32
        %dma_start3A_369 = tpu.memref_slice %arg5[%run_scoped3A_232, %dma_start3A_368] : memref<8x128xi32, #tpu.memory_space<vmem>> -> memref<1x128xi32, #tpu.memory_space<vmem>>
        %dma_start3A_370 = tpu.memref_squeeze %dma_start3A_369 : memref<1x128xi32, #tpu.memory_space<vmem>> -> memref<128xi32, #tpu.memory_space<vmem>>
        %dma_start3A_371 = arith.constant 0 : i32
        %dma_start3A_372 = arith.constant 0 : i32
        %dma_start3A_373 = tpu.memref_slice %arg9[%dma_start3A_371, %dma_start3A_372] : memref<10112x128xf32, #tpu.memory_space<vmem_shared>> -> memref<10112x128xf32, #tpu.memory_space<vmem_shared>>
        tpu.enqueue_indirect_dma source(%arg8 : memref<128x128xf32, #tpu.memory_space<vmem>>) target(%dma_start3A_373 : memref<10112x128xf32, #tpu.memory_space<vmem_shared>>) offsets(%dma_start3A_370 : memref<128xi32, #tpu.memory_space<vmem>>) semaphore(%run_scoped3A_367 : memref<!tpu.dma_semaphore, #tpu.memory_space<semaphore_mem>>) {add = true}
        %dma_wait3A_374 = arith.constant 0 : i32
        %dma_wait3A_375 = tpu.memref_slice %arg5[%run_scoped3A_232, %dma_wait3A_374] : memref<8x128xi32, #tpu.memory_space<vmem>> -> memref<1x128xi32, #tpu.memory_space<vmem>>
        %dma_wait3A_376 = tpu.memref_squeeze %dma_wait3A_375 : memref<1x128xi32, #tpu.memory_space<vmem>> -> memref<128xi32, #tpu.memory_space<vmem>>
        %dma_wait3A_377 = arith.constant 0 : i32
        %dma_wait3A_378 = arith.constant 0 : i32
        %dma_wait3A_379 = tpu.memref_slice %arg9[%dma_wait3A_377, %dma_wait3A_378] : memref<10112x128xf32, #tpu.memory_space<vmem_shared>> -> memref<10112x128xf32, #tpu.memory_space<vmem_shared>>
        tpu.wait_indirect_dma semaphore(%run_scoped3A_367 : memref<!tpu.dma_semaphore, #tpu.memory_space<semaphore_mem>>) src(%arg8 : memref<128x128xf32, #tpu.memory_space<vmem>>) dst(%dma_wait3A_379 : memref<10112x128xf32, #tpu.memory_space<vmem_shared>>)
        tpu.yield
      }) : () -> ()
      %dma_start3A_233 = arith.constant 3 : i32
      %dma_start3A_234 = arith.constant 0 : i32
      %dma_start3A_235 = tpu.memref_slice %arg5[%dma_start3A_233, %dma_start3A_234] : memref<8x128xi32, #tpu.memory_space<vmem>> -> memref<1x128xi32, #tpu.memory_space<vmem>>
      %dma_start3A_236 = tpu.memref_squeeze %dma_start3A_235 : memref<1x128xi32, #tpu.memory_space<vmem>> -> memref<128xi32, #tpu.memory_space<vmem>>
      %dma_start3A_237 = arith.constant 0 : i32
      %dma_start3A_238 = arith.constant 0 : i32
      %dma_start3A_239 = tpu.memref_slice %arg2[%dma_start3A_237, %dma_start3A_238] : memref<10000x128xf32, #tpu.memory_space<hbm>> -> memref<10000x128xf32, #tpu.memory_space<hbm>>
      tpu.enqueue_indirect_dma source(%dma_start3A_239 : memref<10000x128xf32, #tpu.memory_space<hbm>>) target(%arg8 : memref<128x128xf32, #tpu.memory_space<vmem>>) offsets(%dma_start3A_236 : memref<128xi32, #tpu.memory_space<vmem>>) semaphore(%arg13 : memref<!tpu.dma_semaphore, #tpu.memory_space<semaphore_mem>>)
      %dma_wait3A_240 = arith.constant 2 : i32
      %dma_wait3A_241 = arith.constant 0 : i32
      %dma_wait3A_242 = tpu.memref_slice %arg5[%dma_wait3A_240, %dma_wait3A_241] : memref<8x128xi32, #tpu.memory_space<vmem>> -> memref<1x128xi32, #tpu.memory_space<vmem>>
      %dma_wait3A_243 = tpu.memref_squeeze %dma_wait3A_242 : memref<1x128xi32, #tpu.memory_space<vmem>> -> memref<128xi32, #tpu.memory_space<vmem>>
      %dma_wait3A_244 = arith.constant 0 : i32
      %dma_wait3A_245 = arith.constant 0 : i32
      %dma_wait3A_246 = tpu.memref_slice %arg2[%dma_wait3A_244, %dma_wait3A_245] : memref<10000x128xf32, #tpu.memory_space<hbm>> -> memref<10000x128xf32, #tpu.memory_space<hbm>>
      tpu.wait_indirect_dma semaphore(%arg12 : memref<!tpu.dma_semaphore, #tpu.memory_space<semaphore_mem>>) src(%dma_wait3A_246 : memref<10000x128xf32, #tpu.memory_space<hbm>>) dst(%arg7 : memref<128x128xf32, #tpu.memory_space<vmem>>)
      %run_scoped3A_247 = arith.constant 6 : i32
      "tpu.region"() ({
        %run_scoped3A_367 = tpu.sem_alloc : memref<!tpu.dma_semaphore, #tpu.memory_space<semaphore_mem>>
        %dma_start3A_368 = arith.constant 0 : i32
        %dma_start3A_369 = tpu.memref_slice %arg5[%run_scoped3A_247, %dma_start3A_368] : memref<8x128xi32, #tpu.memory_space<vmem>> -> memref<1x128xi32, #tpu.memory_space<vmem>>
        %dma_start3A_370 = tpu.memref_squeeze %dma_start3A_369 : memref<1x128xi32, #tpu.memory_space<vmem>> -> memref<128xi32, #tpu.memory_space<vmem>>
        %dma_start3A_371 = arith.constant 0 : i32
        %dma_start3A_372 = arith.constant 0 : i32
        %dma_start3A_373 = tpu.memref_slice %arg9[%dma_start3A_371, %dma_start3A_372] : memref<10112x128xf32, #tpu.memory_space<vmem_shared>> -> memref<10112x128xf32, #tpu.memory_space<vmem_shared>>
        tpu.enqueue_indirect_dma source(%arg7 : memref<128x128xf32, #tpu.memory_space<vmem>>) target(%dma_start3A_373 : memref<10112x128xf32, #tpu.memory_space<vmem_shared>>) offsets(%dma_start3A_370 : memref<128xi32, #tpu.memory_space<vmem>>) semaphore(%run_scoped3A_367 : memref<!tpu.dma_semaphore, #tpu.memory_space<semaphore_mem>>) {add = true}
        %dma_wait3A_374 = arith.constant 0 : i32
        %dma_wait3A_375 = tpu.memref_slice %arg5[%run_scoped3A_247, %dma_wait3A_374] : memref<8x128xi32, #tpu.memory_space<vmem>> -> memref<1x128xi32, #tpu.memory_space<vmem>>
        %dma_wait3A_376 = tpu.memref_squeeze %dma_wait3A_375 : memref<1x128xi32, #tpu.memory_space<vmem>> -> memref<128xi32, #tpu.memory_space<vmem>>
        %dma_wait3A_377 = arith.constant 0 : i32
        %dma_wait3A_378 = arith.constant 0 : i32
        %dma_wait3A_379 = tpu.memref_slice %arg9[%dma_wait3A_377, %dma_wait3A_378] : memref<10112x128xf32, #tpu.memory_space<vmem_shared>> -> memref<10112x128xf32, #tpu.memory_space<vmem_shared>>
        tpu.wait_indirect_dma semaphore(%run_scoped3A_367 : memref<!tpu.dma_semaphore, #tpu.memory_space<semaphore_mem>>) src(%arg7 : memref<128x128xf32, #tpu.memory_space<vmem>>) dst(%dma_wait3A_379 : memref<10112x128xf32, #tpu.memory_space<vmem_shared>>)
        tpu.yield
      }) : () -> ()
      %add3A_248 = arith.constant 1 : i32
      %add3A_249 = arith.addi %add3A_202, %add3A_248 : i32
      %add3A_250 = arith.addi %mul3A_2, %add3A_249 : i32
      %dma_wait3A_251 = arith.constant 0 : i32
      %dma_wait3A_252 = arith.constant 0 : i32
      %dma_wait3A_253 = tpu.memref_slice %arg3[%add3A_250, %dma_wait3A_251, %dma_wait3A_252] : memref<640x8x128xi32, #tpu.memory_space<hbm>> -> memref<1x8x128xi32, #tpu.memory_space<hbm>>
      %dma_wait3A_254 = tpu.memref_squeeze %dma_wait3A_253 : memref<1x8x128xi32, #tpu.memory_space<hbm>> -> memref<8x128xi32, #tpu.memory_space<hbm>>
      %dma_wait3A_255 = arith.constant 0 : i32
      %dma_wait3A_256 = arith.constant 0 : i32
      %dma_wait3A_257 = tpu.memref_slice %arg3[%add3A_250, %dma_wait3A_255, %dma_wait3A_256] : memref<640x8x128xi32, #tpu.memory_space<hbm>> -> memref<1x8x128xi32, #tpu.memory_space<hbm>>
      %dma_wait3A_258 = tpu.memref_squeeze %dma_wait3A_257 : memref<1x8x128xi32, #tpu.memory_space<hbm>> -> memref<8x128xi32, #tpu.memory_space<hbm>>
      tpu.wait_dma2 semaphore(%arg11 : memref<!tpu.dma_semaphore, #tpu.memory_space<semaphore_mem>>) src(%dma_wait3A_258 : memref<8x128xi32, #tpu.memory_space<hbm>>) dst(%arg6 : memref<8x128xi32, #tpu.memory_space<vmem>>)
      %dma_start3A_259 = arith.constant 0 : i32
      %dma_start3A_260 = arith.constant 0 : i32
      %dma_start3A_261 = tpu.memref_slice %arg6[%dma_start3A_259, %dma_start3A_260] : memref<8x128xi32, #tpu.memory_space<vmem>> -> memref<1x128xi32, #tpu.memory_space<vmem>>
      %dma_start3A_262 = tpu.memref_squeeze %dma_start3A_261 : memref<1x128xi32, #tpu.memory_space<vmem>> -> memref<128xi32, #tpu.memory_space<vmem>>
      %dma_start3A_263 = arith.constant 0 : i32
      %dma_start3A_264 = arith.constant 0 : i32
      %dma_start3A_265 = tpu.memref_slice %arg2[%dma_start3A_263, %dma_start3A_264] : memref<10000x128xf32, #tpu.memory_space<hbm>> -> memref<10000x128xf32, #tpu.memory_space<hbm>>
      tpu.enqueue_indirect_dma source(%dma_start3A_265 : memref<10000x128xf32, #tpu.memory_space<hbm>>) target(%arg7 : memref<128x128xf32, #tpu.memory_space<vmem>>) offsets(%dma_start3A_262 : memref<128xi32, #tpu.memory_space<vmem>>) semaphore(%arg12 : memref<!tpu.dma_semaphore, #tpu.memory_space<semaphore_mem>>)
      %dma_wait3A_266 = arith.constant 3 : i32
      %dma_wait3A_267 = arith.constant 0 : i32
      %dma_wait3A_268 = tpu.memref_slice %arg5[%dma_wait3A_266, %dma_wait3A_267] : memref<8x128xi32, #tpu.memory_space<vmem>> -> memref<1x128xi32, #tpu.memory_space<vmem>>
      %dma_wait3A_269 = tpu.memref_squeeze %dma_wait3A_268 : memref<1x128xi32, #tpu.memory_space<vmem>> -> memref<128xi32, #tpu.memory_space<vmem>>
      %dma_wait3A_270 = arith.constant 0 : i32
      %dma_wait3A_271 = arith.constant 0 : i32
      %dma_wait3A_272 = tpu.memref_slice %arg2[%dma_wait3A_270, %dma_wait3A_271] : memref<10000x128xf32, #tpu.memory_space<hbm>> -> memref<10000x128xf32, #tpu.memory_space<hbm>>
      tpu.wait_indirect_dma semaphore(%arg13 : memref<!tpu.dma_semaphore, #tpu.memory_space<semaphore_mem>>) src(%dma_wait3A_272 : memref<10000x128xf32, #tpu.memory_space<hbm>>) dst(%arg8 : memref<128x128xf32, #tpu.memory_space<vmem>>)
      %run_scoped3A_273 = arith.constant 7 : i32
      "tpu.region"() ({
        %run_scoped3A_367 = tpu.sem_alloc : memref<!tpu.dma_semaphore, #tpu.memory_space<semaphore_mem>>
        %dma_start3A_368 = arith.constant 0 : i32
        %dma_start3A_369 = tpu.memref_slice %arg5[%run_scoped3A_273, %dma_start3A_368] : memref<8x128xi32, #tpu.memory_space<vmem>> -> memref<1x128xi32, #tpu.memory_space<vmem>>
        %dma_start3A_370 = tpu.memref_squeeze %dma_start3A_369 : memref<1x128xi32, #tpu.memory_space<vmem>> -> memref<128xi32, #tpu.memory_space<vmem>>
        %dma_start3A_371 = arith.constant 0 : i32
        %dma_start3A_372 = arith.constant 0 : i32
        %dma_start3A_373 = tpu.memref_slice %arg9[%dma_start3A_371, %dma_start3A_372] : memref<10112x128xf32, #tpu.memory_space<vmem_shared>> -> memref<10112x128xf32, #tpu.memory_space<vmem_shared>>
        tpu.enqueue_indirect_dma source(%arg8 : memref<128x128xf32, #tpu.memory_space<vmem>>) target(%dma_start3A_373 : memref<10112x128xf32, #tpu.memory_space<vmem_shared>>) offsets(%dma_start3A_370 : memref<128xi32, #tpu.memory_space<vmem>>) semaphore(%run_scoped3A_367 : memref<!tpu.dma_semaphore, #tpu.memory_space<semaphore_mem>>) {add = true}
        %dma_wait3A_374 = arith.constant 0 : i32
        %dma_wait3A_375 = tpu.memref_slice %arg5[%run_scoped3A_273, %dma_wait3A_374] : memref<8x128xi32, #tpu.memory_space<vmem>> -> memref<1x128xi32, #tpu.memory_space<vmem>>
        %dma_wait3A_376 = tpu.memref_squeeze %dma_wait3A_375 : memref<1x128xi32, #tpu.memory_space<vmem>> -> memref<128xi32, #tpu.memory_space<vmem>>
        %dma_wait3A_377 = arith.constant 0 : i32
        %dma_wait3A_378 = arith.constant 0 : i32
        %dma_wait3A_379 = tpu.memref_slice %arg9[%dma_wait3A_377, %dma_wait3A_378] : memref<10112x128xf32, #tpu.memory_space<vmem_shared>> -> memref<10112x128xf32, #tpu.memory_space<vmem_shared>>
        tpu.wait_indirect_dma semaphore(%run_scoped3A_367 : memref<!tpu.dma_semaphore, #tpu.memory_space<semaphore_mem>>) src(%arg8 : memref<128x128xf32, #tpu.memory_space<vmem>>) dst(%dma_wait3A_379 : memref<10112x128xf32, #tpu.memory_space<vmem_shared>>)
        tpu.yield
      }) : () -> ()
      %add3A_274 = arith.constant 2 : i32
      %add3A_275 = arith.addi %add3A_202, %add3A_274 : i32
      %add3A_276 = arith.addi %mul3A_2, %add3A_275 : i32
      %dma_start3A_277 = arith.constant 0 : i32
      %dma_start3A_278 = arith.constant 0 : i32
      %dma_start3A_279 = tpu.memref_slice %arg3[%add3A_276, %dma_start3A_277, %dma_start3A_278] : memref<640x8x128xi32, #tpu.memory_space<hbm>> -> memref<1x8x128xi32, #tpu.memory_space<hbm>>
      %dma_start3A_280 = tpu.memref_squeeze %dma_start3A_279 : memref<1x8x128xi32, #tpu.memory_space<hbm>> -> memref<8x128xi32, #tpu.memory_space<hbm>>
      %dma_start3A_281 = arith.constant 0 : i32
      %dma_start3A_282 = arith.constant 0 : i32
      %dma_start3A_283 = tpu.memref_slice %arg3[%add3A_276, %dma_start3A_281, %dma_start3A_282] : memref<640x8x128xi32, #tpu.memory_space<hbm>> -> memref<1x8x128xi32, #tpu.memory_space<hbm>>
      %dma_start3A_284 = tpu.memref_squeeze %dma_start3A_283 : memref<1x8x128xi32, #tpu.memory_space<hbm>> -> memref<8x128xi32, #tpu.memory_space<hbm>>
      tpu.enqueue_dma source(%dma_start3A_284 : memref<8x128xi32, #tpu.memory_space<hbm>>) target(%arg5 : memref<8x128xi32, #tpu.memory_space<vmem>>) target_semaphore(%arg10 : memref<!tpu.dma_semaphore, #tpu.memory_space<semaphore_mem>>)
      %dma_start3A_285 = arith.constant 1 : i32
      %dma_start3A_286 = arith.constant 0 : i32
      %dma_start3A_287 = tpu.memref_slice %arg6[%dma_start3A_285, %dma_start3A_286] : memref<8x128xi32, #tpu.memory_space<vmem>> -> memref<1x128xi32, #tpu.memory_space<vmem>>
      %dma_start3A_288 = tpu.memref_squeeze %dma_start3A_287 : memref<1x128xi32, #tpu.memory_space<vmem>> -> memref<128xi32, #tpu.memory_space<vmem>>
      %dma_start3A_289 = arith.constant 0 : i32
      %dma_start3A_290 = arith.constant 0 : i32
      %dma_start3A_291 = tpu.memref_slice %arg2[%dma_start3A_289, %dma_start3A_290] : memref<10000x128xf32, #tpu.memory_space<hbm>> -> memref<10000x128xf32, #tpu.memory_space<hbm>>
      tpu.enqueue_indirect_dma source(%dma_start3A_291 : memref<10000x128xf32, #tpu.memory_space<hbm>>) target(%arg8 : memref<128x128xf32, #tpu.memory_space<vmem>>) offsets(%dma_start3A_288 : memref<128xi32, #tpu.memory_space<vmem>>) semaphore(%arg13 : memref<!tpu.dma_semaphore, #tpu.memory_space<semaphore_mem>>)
      %dma_wait3A_292 = arith.constant 0 : i32
      %dma_wait3A_293 = arith.constant 0 : i32
      %dma_wait3A_294 = tpu.memref_slice %arg6[%dma_wait3A_292, %dma_wait3A_293] : memref<8x128xi32, #tpu.memory_space<vmem>> -> memref<1x128xi32, #tpu.memory_space<vmem>>
      %dma_wait3A_295 = tpu.memref_squeeze %dma_wait3A_294 : memref<1x128xi32, #tpu.memory_space<vmem>> -> memref<128xi32, #tpu.memory_space<vmem>>
      %dma_wait3A_296 = arith.constant 0 : i32
      %dma_wait3A_297 = arith.constant 0 : i32
      %dma_wait3A_298 = tpu.memref_slice %arg2[%dma_wait3A_296, %dma_wait3A_297] : memref<10000x128xf32, #tpu.memory_space<hbm>> -> memref<10000x128xf32, #tpu.memory_space<hbm>>
      tpu.wait_indirect_dma semaphore(%arg12 : memref<!tpu.dma_semaphore, #tpu.memory_space<semaphore_mem>>) src(%dma_wait3A_298 : memref<10000x128xf32, #tpu.memory_space<hbm>>) dst(%arg7 : memref<128x128xf32, #tpu.memory_space<vmem>>)
      %run_scoped3A_299 = arith.constant 4 : i32
      "tpu.region"() ({
        %run_scoped3A_367 = tpu.sem_alloc : memref<!tpu.dma_semaphore, #tpu.memory_space<semaphore_mem>>
        %dma_start3A_368 = arith.constant 0 : i32
        %dma_start3A_369 = tpu.memref_slice %arg6[%run_scoped3A_299, %dma_start3A_368] : memref<8x128xi32, #tpu.memory_space<vmem>> -> memref<1x128xi32, #tpu.memory_space<vmem>>
        %dma_start3A_370 = tpu.memref_squeeze %dma_start3A_369 : memref<1x128xi32, #tpu.memory_space<vmem>> -> memref<128xi32, #tpu.memory_space<vmem>>
        %dma_start3A_371 = arith.constant 0 : i32
        %dma_start3A_372 = arith.constant 0 : i32
        %dma_start3A_373 = tpu.memref_slice %arg9[%dma_start3A_371, %dma_start3A_372] : memref<10112x128xf32, #tpu.memory_space<vmem_shared>> -> memref<10112x128xf32, #tpu.memory_space<vmem_shared>>
        tpu.enqueue_indirect_dma source(%arg7 : memref<128x128xf32, #tpu.memory_space<vmem>>) target(%dma_start3A_373 : memref<10112x128xf32, #tpu.memory_space<vmem_shared>>) offsets(%dma_start3A_370 : memref<128xi32, #tpu.memory_space<vmem>>) semaphore(%run_scoped3A_367 : memref<!tpu.dma_semaphore, #tpu.memory_space<semaphore_mem>>) {add = true}
        %dma_wait3A_374 = arith.constant 0 : i32
        %dma_wait3A_375 = tpu.memref_slice %arg6[%run_scoped3A_299, %dma_wait3A_374] : memref<8x128xi32, #tpu.memory_space<vmem>> -> memref<1x128xi32, #tpu.memory_space<vmem>>
        %dma_wait3A_376 = tpu.memref_squeeze %dma_wait3A_375 : memref<1x128xi32, #tpu.memory_space<vmem>> -> memref<128xi32, #tpu.memory_space<vmem>>
        %dma_wait3A_377 = arith.constant 0 : i32
        %dma_wait3A_378 = arith.constant 0 : i32
        %dma_wait3A_379 = tpu.memref_slice %arg9[%dma_wait3A_377, %dma_wait3A_378] : memref<10112x128xf32, #tpu.memory_space<vmem_shared>> -> memref<10112x128xf32, #tpu.memory_space<vmem_shared>>
        tpu.wait_indirect_dma semaphore(%run_scoped3A_367 : memref<!tpu.dma_semaphore, #tpu.memory_space<semaphore_mem>>) src(%arg7 : memref<128x128xf32, #tpu.memory_space<vmem>>) dst(%dma_wait3A_379 : memref<10112x128xf32, #tpu.memory_space<vmem_shared>>)
        tpu.yield
      }) : () -> ()
      %dma_start3A_300 = arith.constant 2 : i32
      %dma_start3A_301 = arith.constant 0 : i32
      %dma_start3A_302 = tpu.memref_slice %arg6[%dma_start3A_300, %dma_start3A_301] : memref<8x128xi32, #tpu.memory_space<vmem>> -> memref<1x128xi32, #tpu.memory_space<vmem>>
      %dma_start3A_303 = tpu.memref_squeeze %dma_start3A_302 : memref<1x128xi32, #tpu.memory_space<vmem>> -> memref<128xi32, #tpu.memory_space<vmem>>
      %dma_start3A_304 = arith.constant 0 : i32
      %dma_start3A_305 = arith.constant 0 : i32
      %dma_start3A_306 = tpu.memref_slice %arg2[%dma_start3A_304, %dma_start3A_305] : memref<10000x128xf32, #tpu.memory_space<hbm>> -> memref<10000x128xf32, #tpu.memory_space<hbm>>
      tpu.enqueue_indirect_dma source(%dma_start3A_306 : memref<10000x128xf32, #tpu.memory_space<hbm>>) target(%arg7 : memref<128x128xf32, #tpu.memory_space<vmem>>) offsets(%dma_start3A_303 : memref<128xi32, #tpu.memory_space<vmem>>) semaphore(%arg12 : memref<!tpu.dma_semaphore, #tpu.memory_space<semaphore_mem>>)
      %dma_wait3A_307 = arith.constant 1 : i32
      %dma_wait3A_308 = arith.constant 0 : i32
      %dma_wait3A_309 = tpu.memref_slice %arg6[%dma_wait3A_307, %dma_wait3A_308] : memref<8x128xi32, #tpu.memory_space<vmem>> -> memref<1x128xi32, #tpu.memory_space<vmem>>
      %dma_wait3A_310 = tpu.memref_squeeze %dma_wait3A_309 : memref<1x128xi32, #tpu.memory_space<vmem>> -> memref<128xi32, #tpu.memory_space<vmem>>
      %dma_wait3A_311 = arith.constant 0 : i32
      %dma_wait3A_312 = arith.constant 0 : i32
      %dma_wait3A_313 = tpu.memref_slice %arg2[%dma_wait3A_311, %dma_wait3A_312] : memref<10000x128xf32, #tpu.memory_space<hbm>> -> memref<10000x128xf32, #tpu.memory_space<hbm>>
      tpu.wait_indirect_dma semaphore(%arg13 : memref<!tpu.dma_semaphore, #tpu.memory_space<semaphore_mem>>) src(%dma_wait3A_313 : memref<10000x128xf32, #tpu.memory_space<hbm>>) dst(%arg8 : memref<128x128xf32, #tpu.memory_space<vmem>>)
      %run_scoped3A_314 = arith.constant 5 : i32
      "tpu.region"() ({
        %run_scoped3A_367 = tpu.sem_alloc : memref<!tpu.dma_semaphore, #tpu.memory_space<semaphore_mem>>
        %dma_start3A_368 = arith.constant 0 : i32
        %dma_start3A_369 = tpu.memref_slice %arg6[%run_scoped3A_314, %dma_start3A_368] : memref<8x128xi32, #tpu.memory_space<vmem>> -> memref<1x128xi32, #tpu.memory_space<vmem>>
        %dma_start3A_370 = tpu.memref_squeeze %dma_start3A_369 : memref<1x128xi32, #tpu.memory_space<vmem>> -> memref<128xi32, #tpu.memory_space<vmem>>
        %dma_start3A_371 = arith.constant 0 : i32
        %dma_start3A_372 = arith.constant 0 : i32
        %dma_start3A_373 = tpu.memref_slice %arg9[%dma_start3A_371, %dma_start3A_372] : memref<10112x128xf32, #tpu.memory_space<vmem_shared>> -> memref<10112x128xf32, #tpu.memory_space<vmem_shared>>
        tpu.enqueue_indirect_dma source(%arg8 : memref<128x128xf32, #tpu.memory_space<vmem>>) target(%dma_start3A_373 : memref<10112x128xf32, #tpu.memory_space<vmem_shared>>) offsets(%dma_start3A_370 : memref<128xi32, #tpu.memory_space<vmem>>) semaphore(%run_scoped3A_367 : memref<!tpu.dma_semaphore, #tpu.memory_space<semaphore_mem>>) {add = true}
        %dma_wait3A_374 = arith.constant 0 : i32
        %dma_wait3A_375 = tpu.memref_slice %arg6[%run_scoped3A_314, %dma_wait3A_374] : memref<8x128xi32, #tpu.memory_space<vmem>> -> memref<1x128xi32, #tpu.memory_space<vmem>>
        %dma_wait3A_376 = tpu.memref_squeeze %dma_wait3A_375 : memref<1x128xi32, #tpu.memory_space<vmem>> -> memref<128xi32, #tpu.memory_space<vmem>>
        %dma_wait3A_377 = arith.constant 0 : i32
        %dma_wait3A_378 = arith.constant 0 : i32
        %dma_wait3A_379 = tpu.memref_slice %arg9[%dma_wait3A_377, %dma_wait3A_378] : memref<10112x128xf32, #tpu.memory_space<vmem_shared>> -> memref<10112x128xf32, #tpu.memory_space<vmem_shared>>
        tpu.wait_indirect_dma semaphore(%run_scoped3A_367 : memref<!tpu.dma_semaphore, #tpu.memory_space<semaphore_mem>>) src(%arg8 : memref<128x128xf32, #tpu.memory_space<vmem>>) dst(%dma_wait3A_379 : memref<10112x128xf32, #tpu.memory_space<vmem_shared>>)
        tpu.yield
      }) : () -> ()
      %dma_start3A_315 = arith.constant 3 : i32
      %dma_start3A_316 = arith.constant 0 : i32
      %dma_start3A_317 = tpu.memref_slice %arg6[%dma_start3A_315, %dma_start3A_316] : memref<8x128xi32, #tpu.memory_space<vmem>> -> memref<1x128xi32, #tpu.memory_space<vmem>>
      %dma_start3A_318 = tpu.memref_squeeze %dma_start3A_317 : memref<1x128xi32, #tpu.memory_space<vmem>> -> memref<128xi32, #tpu.memory_space<vmem>>
      %dma_start3A_319 = arith.constant 0 : i32
      %dma_start3A_320 = arith.constant 0 : i32
      %dma_start3A_321 = tpu.memref_slice %arg2[%dma_start3A_319, %dma_start3A_320] : memref<10000x128xf32, #tpu.memory_space<hbm>> -> memref<10000x128xf32, #tpu.memory_space<hbm>>
      tpu.enqueue_indirect_dma source(%dma_start3A_321 : memref<10000x128xf32, #tpu.memory_space<hbm>>) target(%arg8 : memref<128x128xf32, #tpu.memory_space<vmem>>) offsets(%dma_start3A_318 : memref<128xi32, #tpu.memory_space<vmem>>) semaphore(%arg13 : memref<!tpu.dma_semaphore, #tpu.memory_space<semaphore_mem>>)
      %dma_wait3A_322 = arith.constant 2 : i32
      %dma_wait3A_323 = arith.constant 0 : i32
      %dma_wait3A_324 = tpu.memref_slice %arg6[%dma_wait3A_322, %dma_wait3A_323] : memref<8x128xi32, #tpu.memory_space<vmem>> -> memref<1x128xi32, #tpu.memory_space<vmem>>
      %dma_wait3A_325 = tpu.memref_squeeze %dma_wait3A_324 : memref<1x128xi32, #tpu.memory_space<vmem>> -> memref<128xi32, #tpu.memory_space<vmem>>
      %dma_wait3A_326 = arith.constant 0 : i32
      %dma_wait3A_327 = arith.constant 0 : i32
      %dma_wait3A_328 = tpu.memref_slice %arg2[%dma_wait3A_326, %dma_wait3A_327] : memref<10000x128xf32, #tpu.memory_space<hbm>> -> memref<10000x128xf32, #tpu.memory_space<hbm>>
      tpu.wait_indirect_dma semaphore(%arg12 : memref<!tpu.dma_semaphore, #tpu.memory_space<semaphore_mem>>) src(%dma_wait3A_328 : memref<10000x128xf32, #tpu.memory_space<hbm>>) dst(%arg7 : memref<128x128xf32, #tpu.memory_space<vmem>>)
      %run_scoped3A_329 = arith.constant 6 : i32
      "tpu.region"() ({
        %run_scoped3A_367 = tpu.sem_alloc : memref<!tpu.dma_semaphore, #tpu.memory_space<semaphore_mem>>
        %dma_start3A_368 = arith.constant 0 : i32
        %dma_start3A_369 = tpu.memref_slice %arg6[%run_scoped3A_329, %dma_start3A_368] : memref<8x128xi32, #tpu.memory_space<vmem>> -> memref<1x128xi32, #tpu.memory_space<vmem>>
        %dma_start3A_370 = tpu.memref_squeeze %dma_start3A_369 : memref<1x128xi32, #tpu.memory_space<vmem>> -> memref<128xi32, #tpu.memory_space<vmem>>
        %dma_start3A_371 = arith.constant 0 : i32
        %dma_start3A_372 = arith.constant 0 : i32
        %dma_start3A_373 = tpu.memref_slice %arg9[%dma_start3A_371, %dma_start3A_372] : memref<10112x128xf32, #tpu.memory_space<vmem_shared>> -> memref<10112x128xf32, #tpu.memory_space<vmem_shared>>
        tpu.enqueue_indirect_dma source(%arg7 : memref<128x128xf32, #tpu.memory_space<vmem>>) target(%dma_start3A_373 : memref<10112x128xf32, #tpu.memory_space<vmem_shared>>) offsets(%dma_start3A_370 : memref<128xi32, #tpu.memory_space<vmem>>) semaphore(%run_scoped3A_367 : memref<!tpu.dma_semaphore, #tpu.memory_space<semaphore_mem>>) {add = true}
        %dma_wait3A_374 = arith.constant 0 : i32
        %dma_wait3A_375 = tpu.memref_slice %arg6[%run_scoped3A_329, %dma_wait3A_374] : memref<8x128xi32, #tpu.memory_space<vmem>> -> memref<1x128xi32, #tpu.memory_space<vmem>>
        %dma_wait3A_376 = tpu.memref_squeeze %dma_wait3A_375 : memref<1x128xi32, #tpu.memory_space<vmem>> -> memref<128xi32, #tpu.memory_space<vmem>>
        %dma_wait3A_377 = arith.constant 0 : i32
        %dma_wait3A_378 = arith.constant 0 : i32
        %dma_wait3A_379 = tpu.memref_slice %arg9[%dma_wait3A_377, %dma_wait3A_378] : memref<10112x128xf32, #tpu.memory_space<vmem_shared>> -> memref<10112x128xf32, #tpu.memory_space<vmem_shared>>
        tpu.wait_indirect_dma semaphore(%run_scoped3A_367 : memref<!tpu.dma_semaphore, #tpu.memory_space<semaphore_mem>>) src(%arg7 : memref<128x128xf32, #tpu.memory_space<vmem>>) dst(%dma_wait3A_379 : memref<10112x128xf32, #tpu.memory_space<vmem_shared>>)
        tpu.yield
      }) : () -> ()
      %add3A_330 = arith.constant 2 : i32
      %add3A_331 = arith.addi %add3A_202, %add3A_330 : i32
      %add3A_332 = arith.addi %mul3A_2, %add3A_331 : i32
      %dma_wait3A_333 = arith.constant 0 : i32
      %dma_wait3A_334 = arith.constant 0 : i32
      %dma_wait3A_335 = tpu.memref_slice %arg3[%add3A_332, %dma_wait3A_333, %dma_wait3A_334] : memref<640x8x128xi32, #tpu.memory_space<hbm>> -> memref<1x8x128xi32, #tpu.memory_space<hbm>>
      %dma_wait3A_336 = tpu.memref_squeeze %dma_wait3A_335 : memref<1x8x128xi32, #tpu.memory_space<hbm>> -> memref<8x128xi32, #tpu.memory_space<hbm>>
      %dma_wait3A_337 = arith.constant 0 : i32
      %dma_wait3A_338 = arith.constant 0 : i32
      %dma_wait3A_339 = tpu.memref_slice %arg3[%add3A_332, %dma_wait3A_337, %dma_wait3A_338] : memref<640x8x128xi32, #tpu.memory_space<hbm>> -> memref<1x8x128xi32, #tpu.memory_space<hbm>>
      %dma_wait3A_340 = tpu.memref_squeeze %dma_wait3A_339 : memref<1x8x128xi32, #tpu.memory_space<hbm>> -> memref<8x128xi32, #tpu.memory_space<hbm>>
      tpu.wait_dma2 semaphore(%arg10 : memref<!tpu.dma_semaphore, #tpu.memory_space<semaphore_mem>>) src(%dma_wait3A_340 : memref<8x128xi32, #tpu.memory_space<hbm>>) dst(%arg5 : memref<8x128xi32, #tpu.memory_space<vmem>>)
      %dma_start3A_341 = arith.constant 0 : i32
      %dma_start3A_342 = arith.constant 0 : i32
      %dma_start3A_343 = tpu.memref_slice %arg5[%dma_start3A_341, %dma_start3A_342] : memref<8x128xi32, #tpu.memory_space<vmem>> -> memref<1x128xi32, #tpu.memory_space<vmem>>
      %dma_start3A_344 = tpu.memref_squeeze %dma_start3A_343 : memref<1x128xi32, #tpu.memory_space<vmem>> -> memref<128xi32, #tpu.memory_space<vmem>>
      %dma_start3A_345 = arith.constant 0 : i32
      %dma_start3A_346 = arith.constant 0 : i32
      %dma_start3A_347 = tpu.memref_slice %arg2[%dma_start3A_345, %dma_start3A_346] : memref<10000x128xf32, #tpu.memory_space<hbm>> -> memref<10000x128xf32, #tpu.memory_space<hbm>>
      tpu.enqueue_indirect_dma source(%dma_start3A_347 : memref<10000x128xf32, #tpu.memory_space<hbm>>) target(%arg7 : memref<128x128xf32, #tpu.memory_space<vmem>>) offsets(%dma_start3A_344 : memref<128xi32, #tpu.memory_space<vmem>>) semaphore(%arg12 : memref<!tpu.dma_semaphore, #tpu.memory_space<semaphore_mem>>)
      %dma_wait3A_348 = arith.constant 3 : i32
      %dma_wait3A_349 = arith.constant 0 : i32
      %dma_wait3A_350 = tpu.memref_slice %arg6[%dma_wait3A_348, %dma_wait3A_349] : memref<8x128xi32, #tpu.memory_space<vmem>> -> memref<1x128xi32, #tpu.memory_space<vmem>>
      %dma_wait3A_351 = tpu.memref_squeeze %dma_wait3A_350 : memref<1x128xi32, #tpu.memory_space<vmem>> -> memref<128xi32, #tpu.memory_space<vmem>>
      %dma_wait3A_352 = arith.constant 0 : i32
      %dma_wait3A_353 = arith.constant 0 : i32
      %dma_wait3A_354 = tpu.memref_slice %arg2[%dma_wait3A_352, %dma_wait3A_353] : memref<10000x128xf32, #tpu.memory_space<hbm>> -> memref<10000x128xf32, #tpu.memory_space<hbm>>
      tpu.wait_indirect_dma semaphore(%arg13 : memref<!tpu.dma_semaphore, #tpu.memory_space<semaphore_mem>>) src(%dma_wait3A_354 : memref<10000x128xf32, #tpu.memory_space<hbm>>) dst(%arg8 : memref<128x128xf32, #tpu.memory_space<vmem>>)
      %run_scoped3A_355 = arith.constant 7 : i32
      "tpu.region"() ({
        %run_scoped3A_367 = tpu.sem_alloc : memref<!tpu.dma_semaphore, #tpu.memory_space<semaphore_mem>>
        %dma_start3A_368 = arith.constant 0 : i32
        %dma_start3A_369 = tpu.memref_slice %arg6[%run_scoped3A_355, %dma_start3A_368] : memref<8x128xi32, #tpu.memory_space<vmem>> -> memref<1x128xi32, #tpu.memory_space<vmem>>
        %dma_start3A_370 = tpu.memref_squeeze %dma_start3A_369 : memref<1x128xi32, #tpu.memory_space<vmem>> -> memref<128xi32, #tpu.memory_space<vmem>>
        %dma_start3A_371 = arith.constant 0 : i32
        %dma_start3A_372 = arith.constant 0 : i32
        %dma_start3A_373 = tpu.memref_slice %arg9[%dma_start3A_371, %dma_start3A_372] : memref<10112x128xf32, #tpu.memory_space<vmem_shared>> -> memref<10112x128xf32, #tpu.memory_space<vmem_shared>>
        tpu.enqueue_indirect_dma source(%arg8 : memref<128x128xf32, #tpu.memory_space<vmem>>) target(%dma_start3A_373 : memref<10112x128xf32, #tpu.memory_space<vmem_shared>>) offsets(%dma_start3A_370 : memref<128xi32, #tpu.memory_space<vmem>>) semaphore(%run_scoped3A_367 : memref<!tpu.dma_semaphore, #tpu.memory_space<semaphore_mem>>) {add = true}
        %dma_wait3A_374 = arith.constant 0 : i32
        %dma_wait3A_375 = tpu.memref_slice %arg6[%run_scoped3A_355, %dma_wait3A_374] : memref<8x128xi32, #tpu.memory_space<vmem>> -> memref<1x128xi32, #tpu.memory_space<vmem>>
        %dma_wait3A_376 = tpu.memref_squeeze %dma_wait3A_375 : memref<1x128xi32, #tpu.memory_space<vmem>> -> memref<128xi32, #tpu.memory_space<vmem>>
        %dma_wait3A_377 = arith.constant 0 : i32
        %dma_wait3A_378 = arith.constant 0 : i32
        %dma_wait3A_379 = tpu.memref_slice %arg9[%dma_wait3A_377, %dma_wait3A_378] : memref<10112x128xf32, #tpu.memory_space<vmem_shared>> -> memref<10112x128xf32, #tpu.memory_space<vmem_shared>>
        tpu.wait_indirect_dma semaphore(%run_scoped3A_367 : memref<!tpu.dma_semaphore, #tpu.memory_space<semaphore_mem>>) src(%arg8 : memref<128x128xf32, #tpu.memory_space<vmem>>) dst(%dma_wait3A_379 : memref<10112x128xf32, #tpu.memory_space<vmem_shared>>)
        tpu.yield
      }) : () -> ()
      %add3A_356 = arith.constant 3 : i32
      %add3A_357 = arith.addi %add3A_202, %add3A_356 : i32
      %add3A_358 = arith.addi %mul3A_2, %add3A_357 : i32
      %dma_start3A_359 = arith.constant 0 : i32
      %dma_start3A_360 = arith.constant 0 : i32
      %dma_start3A_361 = tpu.memref_slice %arg3[%add3A_358, %dma_start3A_359, %dma_start3A_360] : memref<640x8x128xi32, #tpu.memory_space<hbm>> -> memref<1x8x128xi32, #tpu.memory_space<hbm>>
      %dma_start3A_362 = tpu.memref_squeeze %dma_start3A_361 : memref<1x8x128xi32, #tpu.memory_space<hbm>> -> memref<8x128xi32, #tpu.memory_space<hbm>>
      %dma_start3A_363 = arith.constant 0 : i32
      %dma_start3A_364 = arith.constant 0 : i32
      %dma_start3A_365 = tpu.memref_slice %arg3[%add3A_358, %dma_start3A_363, %dma_start3A_364] : memref<640x8x128xi32, #tpu.memory_space<hbm>> -> memref<1x8x128xi32, #tpu.memory_space<hbm>>
      %dma_start3A_366 = tpu.memref_squeeze %dma_start3A_365 : memref<1x8x128xi32, #tpu.memory_space<hbm>> -> memref<8x128xi32, #tpu.memory_space<hbm>>
      tpu.enqueue_dma source(%dma_start3A_366 : memref<8x128xi32, #tpu.memory_space<hbm>>) target(%arg6 : memref<8x128xi32, #tpu.memory_space<vmem>>) target_semaphore(%arg11 : memref<!tpu.dma_semaphore, #tpu.memory_space<semaphore_mem>>)
    }
    %scan3A_67 = arith.constant 9 : i32
    %dma_start3A_68 = arith.constant 1 : i32
    %dma_start3A_69 = arith.constant 0 : i32
    %dma_start3A_70 = tpu.memref_slice %arg5[%dma_start3A_68, %dma_start3A_69] : memref<8x128xi32, #tpu.memory_space<vmem>> -> memref<1x128xi32, #tpu.memory_space<vmem>>
    %dma_start3A_71 = tpu.memref_squeeze %dma_start3A_70 : memref<1x128xi32, #tpu.memory_space<vmem>> -> memref<128xi32, #tpu.memory_space<vmem>>
    %dma_start3A_72 = arith.constant 0 : i32
    %dma_start3A_73 = arith.constant 0 : i32
    %dma_start3A_74 = tpu.memref_slice %arg2[%dma_start3A_72, %dma_start3A_73] : memref<10000x128xf32, #tpu.memory_space<hbm>> -> memref<10000x128xf32, #tpu.memory_space<hbm>>
    tpu.enqueue_indirect_dma source(%dma_start3A_74 : memref<10000x128xf32, #tpu.memory_space<hbm>>) target(%arg8 : memref<128x128xf32, #tpu.memory_space<vmem>>) offsets(%dma_start3A_71 : memref<128xi32, #tpu.memory_space<vmem>>) semaphore(%arg13 : memref<!tpu.dma_semaphore, #tpu.memory_space<semaphore_mem>>)
    %dma_wait3A_75 = arith.constant 0 : i32
    %dma_wait3A_76 = arith.constant 0 : i32
    %dma_wait3A_77 = tpu.memref_slice %arg5[%dma_wait3A_75, %dma_wait3A_76] : memref<8x128xi32, #tpu.memory_space<vmem>> -> memref<1x128xi32, #tpu.memory_space<vmem>>
    %dma_wait3A_78 = tpu.memref_squeeze %dma_wait3A_77 : memref<1x128xi32, #tpu.memory_space<vmem>> -> memref<128xi32, #tpu.memory_space<vmem>>
    %dma_wait3A_79 = arith.constant 0 : i32
    %dma_wait3A_80 = arith.constant 0 : i32
    %dma_wait3A_81 = tpu.memref_slice %arg2[%dma_wait3A_79, %dma_wait3A_80] : memref<10000x128xf32, #tpu.memory_space<hbm>> -> memref<10000x128xf32, #tpu.memory_space<hbm>>
    tpu.wait_indirect_dma semaphore(%arg12 : memref<!tpu.dma_semaphore, #tpu.memory_space<semaphore_mem>>) src(%dma_wait3A_81 : memref<10000x128xf32, #tpu.memory_space<hbm>>) dst(%arg7 : memref<128x128xf32, #tpu.memory_space<vmem>>)
    %run_scoped3A = arith.constant 4 : i32
    "tpu.region"() ({
      %run_scoped3A_198 = tpu.sem_alloc : memref<!tpu.dma_semaphore, #tpu.memory_space<semaphore_mem>>
      %dma_start3A_199 = arith.constant 0 : i32
      %dma_start3A_200 = tpu.memref_slice %arg5[%run_scoped3A, %dma_start3A_199] : memref<8x128xi32, #tpu.memory_space<vmem>> -> memref<1x128xi32, #tpu.memory_space<vmem>>
      %dma_start3A_201 = tpu.memref_squeeze %dma_start3A_200 : memref<1x128xi32, #tpu.memory_space<vmem>> -> memref<128xi32, #tpu.memory_space<vmem>>
      %dma_start3A_202 = arith.constant 0 : i32
      %dma_start3A_203 = arith.constant 0 : i32
      %dma_start3A_204 = tpu.memref_slice %arg9[%dma_start3A_202, %dma_start3A_203] : memref<10112x128xf32, #tpu.memory_space<vmem_shared>> -> memref<10112x128xf32, #tpu.memory_space<vmem_shared>>
      tpu.enqueue_indirect_dma source(%arg7 : memref<128x128xf32, #tpu.memory_space<vmem>>) target(%dma_start3A_204 : memref<10112x128xf32, #tpu.memory_space<vmem_shared>>) offsets(%dma_start3A_201 : memref<128xi32, #tpu.memory_space<vmem>>) semaphore(%run_scoped3A_198 : memref<!tpu.dma_semaphore, #tpu.memory_space<semaphore_mem>>) {add = true}
      %dma_wait3A_205 = arith.constant 0 : i32
      %dma_wait3A_206 = tpu.memref_slice %arg5[%run_scoped3A, %dma_wait3A_205] : memref<8x128xi32, #tpu.memory_space<vmem>> -> memref<1x128xi32, #tpu.memory_space<vmem>>
      %dma_wait3A_207 = tpu.memref_squeeze %dma_wait3A_206 : memref<1x128xi32, #tpu.memory_space<vmem>> -> memref<128xi32, #tpu.memory_space<vmem>>
      %dma_wait3A_208 = arith.constant 0 : i32
      %dma_wait3A_209 = arith.constant 0 : i32
      %dma_wait3A_210 = tpu.memref_slice %arg9[%dma_wait3A_208, %dma_wait3A_209] : memref<10112x128xf32, #tpu.memory_space<vmem_shared>> -> memref<10112x128xf32, #tpu.memory_space<vmem_shared>>
      tpu.wait_indirect_dma semaphore(%run_scoped3A_198 : memref<!tpu.dma_semaphore, #tpu.memory_space<semaphore_mem>>) src(%arg7 : memref<128x128xf32, #tpu.memory_space<vmem>>) dst(%dma_wait3A_210 : memref<10112x128xf32, #tpu.memory_space<vmem_shared>>)
      tpu.yield
    }) : () -> ()
    %dma_start3A_82 = arith.constant 2 : i32
    %dma_start3A_83 = arith.constant 0 : i32
    %dma_start3A_84 = tpu.memref_slice %arg5[%dma_start3A_82, %dma_start3A_83] : memref<8x128xi32, #tpu.memory_space<vmem>> -> memref<1x128xi32, #tpu.memory_space<vmem>>
    %dma_start3A_85 = tpu.memref_squeeze %dma_start3A_84 : memref<1x128xi32, #tpu.memory_space<vmem>> -> memref<128xi32, #tpu.memory_space<vmem>>
    %dma_start3A_86 = arith.constant 0 : i32
    %dma_start3A_87 = arith.constant 0 : i32
    %dma_start3A_88 = tpu.memref_slice %arg2[%dma_start3A_86, %dma_start3A_87] : memref<10000x128xf32, #tpu.memory_space<hbm>> -> memref<10000x128xf32, #tpu.memory_space<hbm>>
    tpu.enqueue_indirect_dma source(%dma_start3A_88 : memref<10000x128xf32, #tpu.memory_space<hbm>>) target(%arg7 : memref<128x128xf32, #tpu.memory_space<vmem>>) offsets(%dma_start3A_85 : memref<128xi32, #tpu.memory_space<vmem>>) semaphore(%arg12 : memref<!tpu.dma_semaphore, #tpu.memory_space<semaphore_mem>>)
    %dma_wait3A_89 = arith.constant 1 : i32
    %dma_wait3A_90 = arith.constant 0 : i32
    %dma_wait3A_91 = tpu.memref_slice %arg5[%dma_wait3A_89, %dma_wait3A_90] : memref<8x128xi32, #tpu.memory_space<vmem>> -> memref<1x128xi32, #tpu.memory_space<vmem>>
    %dma_wait3A_92 = tpu.memref_squeeze %dma_wait3A_91 : memref<1x128xi32, #tpu.memory_space<vmem>> -> memref<128xi32, #tpu.memory_space<vmem>>
    %dma_wait3A_93 = arith.constant 0 : i32
    %dma_wait3A_94 = arith.constant 0 : i32
    %dma_wait3A_95 = tpu.memref_slice %arg2[%dma_wait3A_93, %dma_wait3A_94] : memref<10000x128xf32, #tpu.memory_space<hbm>> -> memref<10000x128xf32, #tpu.memory_space<hbm>>
    tpu.wait_indirect_dma semaphore(%arg13 : memref<!tpu.dma_semaphore, #tpu.memory_space<semaphore_mem>>) src(%dma_wait3A_95 : memref<10000x128xf32, #tpu.memory_space<hbm>>) dst(%arg8 : memref<128x128xf32, #tpu.memory_space<vmem>>)
    %run_scoped3A_96 = arith.constant 5 : i32
    "tpu.region"() ({
      %run_scoped3A_198 = tpu.sem_alloc : memref<!tpu.dma_semaphore, #tpu.memory_space<semaphore_mem>>
      %dma_start3A_199 = arith.constant 0 : i32
      %dma_start3A_200 = tpu.memref_slice %arg5[%run_scoped3A_96, %dma_start3A_199] : memref<8x128xi32, #tpu.memory_space<vmem>> -> memref<1x128xi32, #tpu.memory_space<vmem>>
      %dma_start3A_201 = tpu.memref_squeeze %dma_start3A_200 : memref<1x128xi32, #tpu.memory_space<vmem>> -> memref<128xi32, #tpu.memory_space<vmem>>
      %dma_start3A_202 = arith.constant 0 : i32
      %dma_start3A_203 = arith.constant 0 : i32
      %dma_start3A_204 = tpu.memref_slice %arg9[%dma_start3A_202, %dma_start3A_203] : memref<10112x128xf32, #tpu.memory_space<vmem_shared>> -> memref<10112x128xf32, #tpu.memory_space<vmem_shared>>
      tpu.enqueue_indirect_dma source(%arg8 : memref<128x128xf32, #tpu.memory_space<vmem>>) target(%dma_start3A_204 : memref<10112x128xf32, #tpu.memory_space<vmem_shared>>) offsets(%dma_start3A_201 : memref<128xi32, #tpu.memory_space<vmem>>) semaphore(%run_scoped3A_198 : memref<!tpu.dma_semaphore, #tpu.memory_space<semaphore_mem>>) {add = true}
      %dma_wait3A_205 = arith.constant 0 : i32
      %dma_wait3A_206 = tpu.memref_slice %arg5[%run_scoped3A_96, %dma_wait3A_205] : memref<8x128xi32, #tpu.memory_space<vmem>> -> memref<1x128xi32, #tpu.memory_space<vmem>>
      %dma_wait3A_207 = tpu.memref_squeeze %dma_wait3A_206 : memref<1x128xi32, #tpu.memory_space<vmem>> -> memref<128xi32, #tpu.memory_space<vmem>>
      %dma_wait3A_208 = arith.constant 0 : i32
      %dma_wait3A_209 = arith.constant 0 : i32
      %dma_wait3A_210 = tpu.memref_slice %arg9[%dma_wait3A_208, %dma_wait3A_209] : memref<10112x128xf32, #tpu.memory_space<vmem_shared>> -> memref<10112x128xf32, #tpu.memory_space<vmem_shared>>
      tpu.wait_indirect_dma semaphore(%run_scoped3A_198 : memref<!tpu.dma_semaphore, #tpu.memory_space<semaphore_mem>>) src(%arg8 : memref<128x128xf32, #tpu.memory_space<vmem>>) dst(%dma_wait3A_210 : memref<10112x128xf32, #tpu.memory_space<vmem_shared>>)
      tpu.yield
    }) : () -> ()
    %dma_start3A_97 = arith.constant 3 : i32
    %dma_start3A_98 = arith.constant 0 : i32
    %dma_start3A_99 = tpu.memref_slice %arg5[%dma_start3A_97, %dma_start3A_98] : memref<8x128xi32, #tpu.memory_space<vmem>> -> memref<1x128xi32, #tpu.memory_space<vmem>>
    %dma_start3A_100 = tpu.memref_squeeze %dma_start3A_99 : memref<1x128xi32, #tpu.memory_space<vmem>> -> memref<128xi32, #tpu.memory_space<vmem>>
    %dma_start3A_101 = arith.constant 0 : i32
    %dma_start3A_102 = arith.constant 0 : i32
    %dma_start3A_103 = tpu.memref_slice %arg2[%dma_start3A_101, %dma_start3A_102] : memref<10000x128xf32, #tpu.memory_space<hbm>> -> memref<10000x128xf32, #tpu.memory_space<hbm>>
    tpu.enqueue_indirect_dma source(%dma_start3A_103 : memref<10000x128xf32, #tpu.memory_space<hbm>>) target(%arg8 : memref<128x128xf32, #tpu.memory_space<vmem>>) offsets(%dma_start3A_100 : memref<128xi32, #tpu.memory_space<vmem>>) semaphore(%arg13 : memref<!tpu.dma_semaphore, #tpu.memory_space<semaphore_mem>>)
    %dma_wait3A_104 = arith.constant 2 : i32
    %dma_wait3A_105 = arith.constant 0 : i32
    %dma_wait3A_106 = tpu.memref_slice %arg5[%dma_wait3A_104, %dma_wait3A_105] : memref<8x128xi32, #tpu.memory_space<vmem>> -> memref<1x128xi32, #tpu.memory_space<vmem>>
    %dma_wait3A_107 = tpu.memref_squeeze %dma_wait3A_106 : memref<1x128xi32, #tpu.memory_space<vmem>> -> memref<128xi32, #tpu.memory_space<vmem>>
    %dma_wait3A_108 = arith.constant 0 : i32
    %dma_wait3A_109 = arith.constant 0 : i32
    %dma_wait3A_110 = tpu.memref_slice %arg2[%dma_wait3A_108, %dma_wait3A_109] : memref<10000x128xf32, #tpu.memory_space<hbm>> -> memref<10000x128xf32, #tpu.memory_space<hbm>>
    tpu.wait_indirect_dma semaphore(%arg12 : memref<!tpu.dma_semaphore, #tpu.memory_space<semaphore_mem>>) src(%dma_wait3A_110 : memref<10000x128xf32, #tpu.memory_space<hbm>>) dst(%arg7 : memref<128x128xf32, #tpu.memory_space<vmem>>)
    %run_scoped3A_111 = arith.constant 6 : i32
    "tpu.region"() ({
      %run_scoped3A_198 = tpu.sem_alloc : memref<!tpu.dma_semaphore, #tpu.memory_space<semaphore_mem>>
      %dma_start3A_199 = arith.constant 0 : i32
      %dma_start3A_200 = tpu.memref_slice %arg5[%run_scoped3A_111, %dma_start3A_199] : memref<8x128xi32, #tpu.memory_space<vmem>> -> memref<1x128xi32, #tpu.memory_space<vmem>>
      %dma_start3A_201 = tpu.memref_squeeze %dma_start3A_200 : memref<1x128xi32, #tpu.memory_space<vmem>> -> memref<128xi32, #tpu.memory_space<vmem>>
      %dma_start3A_202 = arith.constant 0 : i32
      %dma_start3A_203 = arith.constant 0 : i32
      %dma_start3A_204 = tpu.memref_slice %arg9[%dma_start3A_202, %dma_start3A_203] : memref<10112x128xf32, #tpu.memory_space<vmem_shared>> -> memref<10112x128xf32, #tpu.memory_space<vmem_shared>>
      tpu.enqueue_indirect_dma source(%arg7 : memref<128x128xf32, #tpu.memory_space<vmem>>) target(%dma_start3A_204 : memref<10112x128xf32, #tpu.memory_space<vmem_shared>>) offsets(%dma_start3A_201 : memref<128xi32, #tpu.memory_space<vmem>>) semaphore(%run_scoped3A_198 : memref<!tpu.dma_semaphore, #tpu.memory_space<semaphore_mem>>) {add = true}
      %dma_wait3A_205 = arith.constant 0 : i32
      %dma_wait3A_206 = tpu.memref_slice %arg5[%run_scoped3A_111, %dma_wait3A_205] : memref<8x128xi32, #tpu.memory_space<vmem>> -> memref<1x128xi32, #tpu.memory_space<vmem>>
      %dma_wait3A_207 = tpu.memref_squeeze %dma_wait3A_206 : memref<1x128xi32, #tpu.memory_space<vmem>> -> memref<128xi32, #tpu.memory_space<vmem>>
      %dma_wait3A_208 = arith.constant 0 : i32
      %dma_wait3A_209 = arith.constant 0 : i32
      %dma_wait3A_210 = tpu.memref_slice %arg9[%dma_wait3A_208, %dma_wait3A_209] : memref<10112x128xf32, #tpu.memory_space<vmem_shared>> -> memref<10112x128xf32, #tpu.memory_space<vmem_shared>>
      tpu.wait_indirect_dma semaphore(%run_scoped3A_198 : memref<!tpu.dma_semaphore, #tpu.memory_space<semaphore_mem>>) src(%arg7 : memref<128x128xf32, #tpu.memory_space<vmem>>) dst(%dma_wait3A_210 : memref<10112x128xf32, #tpu.memory_space<vmem_shared>>)
      tpu.yield
    }) : () -> ()
    %add3A_112 = arith.constant 19 : i32
    %add3A_113 = arith.addi %mul3A_2, %add3A_112 : i32
    %dma_wait3A_114 = arith.constant 0 : i32
    %dma_wait3A_115 = arith.constant 0 : i32
    %dma_wait3A_116 = tpu.memref_slice %arg3[%add3A_113, %dma_wait3A_114, %dma_wait3A_115] : memref<640x8x128xi32, #tpu.memory_space<hbm>> -> memref<1x8x128xi32, #tpu.memory_space<hbm>>
    %dma_wait3A_117 = tpu.memref_squeeze %dma_wait3A_116 : memref<1x8x128xi32, #tpu.memory_space<hbm>> -> memref<8x128xi32, #tpu.memory_space<hbm>>
    %dma_wait3A_118 = arith.constant 0 : i32
    %dma_wait3A_119 = arith.constant 0 : i32
    %dma_wait3A_120 = tpu.memref_slice %arg3[%add3A_113, %dma_wait3A_118, %dma_wait3A_119] : memref<640x8x128xi32, #tpu.memory_space<hbm>> -> memref<1x8x128xi32, #tpu.memory_space<hbm>>
    %dma_wait3A_121 = tpu.memref_squeeze %dma_wait3A_120 : memref<1x8x128xi32, #tpu.memory_space<hbm>> -> memref<8x128xi32, #tpu.memory_space<hbm>>
    tpu.wait_dma2 semaphore(%arg11 : memref<!tpu.dma_semaphore, #tpu.memory_space<semaphore_mem>>) src(%dma_wait3A_121 : memref<8x128xi32, #tpu.memory_space<hbm>>) dst(%arg6 : memref<8x128xi32, #tpu.memory_space<vmem>>)
    %dma_start3A_122 = arith.constant 0 : i32
    %dma_start3A_123 = arith.constant 0 : i32
    %dma_start3A_124 = tpu.memref_slice %arg6[%dma_start3A_122, %dma_start3A_123] : memref<8x128xi32, #tpu.memory_space<vmem>> -> memref<1x128xi32, #tpu.memory_space<vmem>>
    %dma_start3A_125 = tpu.memref_squeeze %dma_start3A_124 : memref<1x128xi32, #tpu.memory_space<vmem>> -> memref<128xi32, #tpu.memory_space<vmem>>
    %dma_start3A_126 = arith.constant 0 : i32
    %dma_start3A_127 = arith.constant 0 : i32
    %dma_start3A_128 = tpu.memref_slice %arg2[%dma_start3A_126, %dma_start3A_127] : memref<10000x128xf32, #tpu.memory_space<hbm>> -> memref<10000x128xf32, #tpu.memory_space<hbm>>
    tpu.enqueue_indirect_dma source(%dma_start3A_128 : memref<10000x128xf32, #tpu.memory_space<hbm>>) target(%arg7 : memref<128x128xf32, #tpu.memory_space<vmem>>) offsets(%dma_start3A_125 : memref<128xi32, #tpu.memory_space<vmem>>) semaphore(%arg12 : memref<!tpu.dma_semaphore, #tpu.memory_space<semaphore_mem>>)
    %dma_wait3A_129 = arith.constant 3 : i32
    %dma_wait3A_130 = arith.constant 0 : i32
    %dma_wait3A_131 = tpu.memref_slice %arg5[%dma_wait3A_129, %dma_wait3A_130] : memref<8x128xi32, #tpu.memory_space<vmem>> -> memref<1x128xi32, #tpu.memory_space<vmem>>
    %dma_wait3A_132 = tpu.memref_squeeze %dma_wait3A_131 : memref<1x128xi32, #tpu.memory_space<vmem>> -> memref<128xi32, #tpu.memory_space<vmem>>
    %dma_wait3A_133 = arith.constant 0 : i32
    %dma_wait3A_134 = arith.constant 0 : i32
    %dma_wait3A_135 = tpu.memref_slice %arg2[%dma_wait3A_133, %dma_wait3A_134] : memref<10000x128xf32, #tpu.memory_space<hbm>> -> memref<10000x128xf32, #tpu.memory_space<hbm>>
    tpu.wait_indirect_dma semaphore(%arg13 : memref<!tpu.dma_semaphore, #tpu.memory_space<semaphore_mem>>) src(%dma_wait3A_135 : memref<10000x128xf32, #tpu.memory_space<hbm>>) dst(%arg8 : memref<128x128xf32, #tpu.memory_space<vmem>>)
    %run_scoped3A_136 = arith.constant 7 : i32
    "tpu.region"() ({
      %run_scoped3A_198 = tpu.sem_alloc : memref<!tpu.dma_semaphore, #tpu.memory_space<semaphore_mem>>
      %dma_start3A_199 = arith.constant 0 : i32
      %dma_start3A_200 = tpu.memref_slice %arg5[%run_scoped3A_136, %dma_start3A_199] : memref<8x128xi32, #tpu.memory_space<vmem>> -> memref<1x128xi32, #tpu.memory_space<vmem>>
      %dma_start3A_201 = tpu.memref_squeeze %dma_start3A_200 : memref<1x128xi32, #tpu.memory_space<vmem>> -> memref<128xi32, #tpu.memory_space<vmem>>
      %dma_start3A_202 = arith.constant 0 : i32
      %dma_start3A_203 = arith.constant 0 : i32
      %dma_start3A_204 = tpu.memref_slice %arg9[%dma_start3A_202, %dma_start3A_203] : memref<10112x128xf32, #tpu.memory_space<vmem_shared>> -> memref<10112x128xf32, #tpu.memory_space<vmem_shared>>
      tpu.enqueue_indirect_dma source(%arg8 : memref<128x128xf32, #tpu.memory_space<vmem>>) target(%dma_start3A_204 : memref<10112x128xf32, #tpu.memory_space<vmem_shared>>) offsets(%dma_start3A_201 : memref<128xi32, #tpu.memory_space<vmem>>) semaphore(%run_scoped3A_198 : memref<!tpu.dma_semaphore, #tpu.memory_space<semaphore_mem>>) {add = true}
      %dma_wait3A_205 = arith.constant 0 : i32
      %dma_wait3A_206 = tpu.memref_slice %arg5[%run_scoped3A_136, %dma_wait3A_205] : memref<8x128xi32, #tpu.memory_space<vmem>> -> memref<1x128xi32, #tpu.memory_space<vmem>>
      %dma_wait3A_207 = tpu.memref_squeeze %dma_wait3A_206 : memref<1x128xi32, #tpu.memory_space<vmem>> -> memref<128xi32, #tpu.memory_space<vmem>>
      %dma_wait3A_208 = arith.constant 0 : i32
      %dma_wait3A_209 = arith.constant 0 : i32
      %dma_wait3A_210 = tpu.memref_slice %arg9[%dma_wait3A_208, %dma_wait3A_209] : memref<10112x128xf32, #tpu.memory_space<vmem_shared>> -> memref<10112x128xf32, #tpu.memory_space<vmem_shared>>
      tpu.wait_indirect_dma semaphore(%run_scoped3A_198 : memref<!tpu.dma_semaphore, #tpu.memory_space<semaphore_mem>>) src(%arg8 : memref<128x128xf32, #tpu.memory_space<vmem>>) dst(%dma_wait3A_210 : memref<10112x128xf32, #tpu.memory_space<vmem_shared>>)
      tpu.yield
    }) : () -> ()
    %dma_start3A_137 = arith.constant 1 : i32
    %dma_start3A_138 = arith.constant 0 : i32
    %dma_start3A_139 = tpu.memref_slice %arg6[%dma_start3A_137, %dma_start3A_138] : memref<8x128xi32, #tpu.memory_space<vmem>> -> memref<1x128xi32, #tpu.memory_space<vmem>>
    %dma_start3A_140 = tpu.memref_squeeze %dma_start3A_139 : memref<1x128xi32, #tpu.memory_space<vmem>> -> memref<128xi32, #tpu.memory_space<vmem>>
    %dma_start3A_141 = arith.constant 0 : i32
    %dma_start3A_142 = arith.constant 0 : i32
    %dma_start3A_143 = tpu.memref_slice %arg2[%dma_start3A_141, %dma_start3A_142] : memref<10000x128xf32, #tpu.memory_space<hbm>> -> memref<10000x128xf32, #tpu.memory_space<hbm>>
    tpu.enqueue_indirect_dma source(%dma_start3A_143 : memref<10000x128xf32, #tpu.memory_space<hbm>>) target(%arg8 : memref<128x128xf32, #tpu.memory_space<vmem>>) offsets(%dma_start3A_140 : memref<128xi32, #tpu.memory_space<vmem>>) semaphore(%arg13 : memref<!tpu.dma_semaphore, #tpu.memory_space<semaphore_mem>>)
    %dma_wait3A_144 = arith.constant 0 : i32
    %dma_wait3A_145 = arith.constant 0 : i32
    %dma_wait3A_146 = tpu.memref_slice %arg6[%dma_wait3A_144, %dma_wait3A_145] : memref<8x128xi32, #tpu.memory_space<vmem>> -> memref<1x128xi32, #tpu.memory_space<vmem>>
    %dma_wait3A_147 = tpu.memref_squeeze %dma_wait3A_146 : memref<1x128xi32, #tpu.memory_space<vmem>> -> memref<128xi32, #tpu.memory_space<vmem>>
    %dma_wait3A_148 = arith.constant 0 : i32
    %dma_wait3A_149 = arith.constant 0 : i32
    %dma_wait3A_150 = tpu.memref_slice %arg2[%dma_wait3A_148, %dma_wait3A_149] : memref<10000x128xf32, #tpu.memory_space<hbm>> -> memref<10000x128xf32, #tpu.memory_space<hbm>>
    tpu.wait_indirect_dma semaphore(%arg12 : memref<!tpu.dma_semaphore, #tpu.memory_space<semaphore_mem>>) src(%dma_wait3A_150 : memref<10000x128xf32, #tpu.memory_space<hbm>>) dst(%arg7 : memref<128x128xf32, #tpu.memory_space<vmem>>)
    %run_scoped3A_151 = arith.constant 4 : i32
    "tpu.region"() ({
      %run_scoped3A_198 = tpu.sem_alloc : memref<!tpu.dma_semaphore, #tpu.memory_space<semaphore_mem>>
      %dma_start3A_199 = arith.constant 0 : i32
      %dma_start3A_200 = tpu.memref_slice %arg6[%run_scoped3A_151, %dma_start3A_199] : memref<8x128xi32, #tpu.memory_space<vmem>> -> memref<1x128xi32, #tpu.memory_space<vmem>>
      %dma_start3A_201 = tpu.memref_squeeze %dma_start3A_200 : memref<1x128xi32, #tpu.memory_space<vmem>> -> memref<128xi32, #tpu.memory_space<vmem>>
      %dma_start3A_202 = arith.constant 0 : i32
      %dma_start3A_203 = arith.constant 0 : i32
      %dma_start3A_204 = tpu.memref_slice %arg9[%dma_start3A_202, %dma_start3A_203] : memref<10112x128xf32, #tpu.memory_space<vmem_shared>> -> memref<10112x128xf32, #tpu.memory_space<vmem_shared>>
      tpu.enqueue_indirect_dma source(%arg7 : memref<128x128xf32, #tpu.memory_space<vmem>>) target(%dma_start3A_204 : memref<10112x128xf32, #tpu.memory_space<vmem_shared>>) offsets(%dma_start3A_201 : memref<128xi32, #tpu.memory_space<vmem>>) semaphore(%run_scoped3A_198 : memref<!tpu.dma_semaphore, #tpu.memory_space<semaphore_mem>>) {add = true}
      %dma_wait3A_205 = arith.constant 0 : i32
      %dma_wait3A_206 = tpu.memref_slice %arg6[%run_scoped3A_151, %dma_wait3A_205] : memref<8x128xi32, #tpu.memory_space<vmem>> -> memref<1x128xi32, #tpu.memory_space<vmem>>
      %dma_wait3A_207 = tpu.memref_squeeze %dma_wait3A_206 : memref<1x128xi32, #tpu.memory_space<vmem>> -> memref<128xi32, #tpu.memory_space<vmem>>
      %dma_wait3A_208 = arith.constant 0 : i32
      %dma_wait3A_209 = arith.constant 0 : i32
      %dma_wait3A_210 = tpu.memref_slice %arg9[%dma_wait3A_208, %dma_wait3A_209] : memref<10112x128xf32, #tpu.memory_space<vmem_shared>> -> memref<10112x128xf32, #tpu.memory_space<vmem_shared>>
      tpu.wait_indirect_dma semaphore(%run_scoped3A_198 : memref<!tpu.dma_semaphore, #tpu.memory_space<semaphore_mem>>) src(%arg7 : memref<128x128xf32, #tpu.memory_space<vmem>>) dst(%dma_wait3A_210 : memref<10112x128xf32, #tpu.memory_space<vmem_shared>>)
      tpu.yield
    }) : () -> ()
    %dma_start3A_152 = arith.constant 2 : i32
    %dma_start3A_153 = arith.constant 0 : i32
    %dma_start3A_154 = tpu.memref_slice %arg6[%dma_start3A_152, %dma_start3A_153] : memref<8x128xi32, #tpu.memory_space<vmem>> -> memref<1x128xi32, #tpu.memory_space<vmem>>
    %dma_start3A_155 = tpu.memref_squeeze %dma_start3A_154 : memref<1x128xi32, #tpu.memory_space<vmem>> -> memref<128xi32, #tpu.memory_space<vmem>>
    %dma_start3A_156 = arith.constant 0 : i32
    %dma_start3A_157 = arith.constant 0 : i32
    %dma_start3A_158 = tpu.memref_slice %arg2[%dma_start3A_156, %dma_start3A_157] : memref<10000x128xf32, #tpu.memory_space<hbm>> -> memref<10000x128xf32, #tpu.memory_space<hbm>>
    tpu.enqueue_indirect_dma source(%dma_start3A_158 : memref<10000x128xf32, #tpu.memory_space<hbm>>) target(%arg7 : memref<128x128xf32, #tpu.memory_space<vmem>>) offsets(%dma_start3A_155 : memref<128xi32, #tpu.memory_space<vmem>>) semaphore(%arg12 : memref<!tpu.dma_semaphore, #tpu.memory_space<semaphore_mem>>)
    %dma_wait3A_159 = arith.constant 1 : i32
    %dma_wait3A_160 = arith.constant 0 : i32
    %dma_wait3A_161 = tpu.memref_slice %arg6[%dma_wait3A_159, %dma_wait3A_160] : memref<8x128xi32, #tpu.memory_space<vmem>> -> memref<1x128xi32, #tpu.memory_space<vmem>>
    %dma_wait3A_162 = tpu.memref_squeeze %dma_wait3A_161 : memref<1x128xi32, #tpu.memory_space<vmem>> -> memref<128xi32, #tpu.memory_space<vmem>>
    %dma_wait3A_163 = arith.constant 0 : i32
    %dma_wait3A_164 = arith.constant 0 : i32
    %dma_wait3A_165 = tpu.memref_slice %arg2[%dma_wait3A_163, %dma_wait3A_164] : memref<10000x128xf32, #tpu.memory_space<hbm>> -> memref<10000x128xf32, #tpu.memory_space<hbm>>
    tpu.wait_indirect_dma semaphore(%arg13 : memref<!tpu.dma_semaphore, #tpu.memory_space<semaphore_mem>>) src(%dma_wait3A_165 : memref<10000x128xf32, #tpu.memory_space<hbm>>) dst(%arg8 : memref<128x128xf32, #tpu.memory_space<vmem>>)
    %run_scoped3A_166 = arith.constant 5 : i32
    "tpu.region"() ({
      %run_scoped3A_198 = tpu.sem_alloc : memref<!tpu.dma_semaphore, #tpu.memory_space<semaphore_mem>>
      %dma_start3A_199 = arith.constant 0 : i32
      %dma_start3A_200 = tpu.memref_slice %arg6[%run_scoped3A_166, %dma_start3A_199] : memref<8x128xi32, #tpu.memory_space<vmem>> -> memref<1x128xi32, #tpu.memory_space<vmem>>
      %dma_start3A_201 = tpu.memref_squeeze %dma_start3A_200 : memref<1x128xi32, #tpu.memory_space<vmem>> -> memref<128xi32, #tpu.memory_space<vmem>>
      %dma_start3A_202 = arith.constant 0 : i32
      %dma_start3A_203 = arith.constant 0 : i32
      %dma_start3A_204 = tpu.memref_slice %arg9[%dma_start3A_202, %dma_start3A_203] : memref<10112x128xf32, #tpu.memory_space<vmem_shared>> -> memref<10112x128xf32, #tpu.memory_space<vmem_shared>>
      tpu.enqueue_indirect_dma source(%arg8 : memref<128x128xf32, #tpu.memory_space<vmem>>) target(%dma_start3A_204 : memref<10112x128xf32, #tpu.memory_space<vmem_shared>>) offsets(%dma_start3A_201 : memref<128xi32, #tpu.memory_space<vmem>>) semaphore(%run_scoped3A_198 : memref<!tpu.dma_semaphore, #tpu.memory_space<semaphore_mem>>) {add = true}
      %dma_wait3A_205 = arith.constant 0 : i32
      %dma_wait3A_206 = tpu.memref_slice %arg6[%run_scoped3A_166, %dma_wait3A_205] : memref<8x128xi32, #tpu.memory_space<vmem>> -> memref<1x128xi32, #tpu.memory_space<vmem>>
      %dma_wait3A_207 = tpu.memref_squeeze %dma_wait3A_206 : memref<1x128xi32, #tpu.memory_space<vmem>> -> memref<128xi32, #tpu.memory_space<vmem>>
      %dma_wait3A_208 = arith.constant 0 : i32
      %dma_wait3A_209 = arith.constant 0 : i32
      %dma_wait3A_210 = tpu.memref_slice %arg9[%dma_wait3A_208, %dma_wait3A_209] : memref<10112x128xf32, #tpu.memory_space<vmem_shared>> -> memref<10112x128xf32, #tpu.memory_space<vmem_shared>>
      tpu.wait_indirect_dma semaphore(%run_scoped3A_198 : memref<!tpu.dma_semaphore, #tpu.memory_space<semaphore_mem>>) src(%arg8 : memref<128x128xf32, #tpu.memory_space<vmem>>) dst(%dma_wait3A_210 : memref<10112x128xf32, #tpu.memory_space<vmem_shared>>)
      tpu.yield
    }) : () -> ()
    %dma_start3A_167 = arith.constant 3 : i32
    %dma_start3A_168 = arith.constant 0 : i32
    %dma_start3A_169 = tpu.memref_slice %arg6[%dma_start3A_167, %dma_start3A_168] : memref<8x128xi32, #tpu.memory_space<vmem>> -> memref<1x128xi32, #tpu.memory_space<vmem>>
    %dma_start3A_170 = tpu.memref_squeeze %dma_start3A_169 : memref<1x128xi32, #tpu.memory_space<vmem>> -> memref<128xi32, #tpu.memory_space<vmem>>
    %dma_start3A_171 = arith.constant 0 : i32
    %dma_start3A_172 = arith.constant 0 : i32
    %dma_start3A_173 = tpu.memref_slice %arg2[%dma_start3A_171, %dma_start3A_172] : memref<10000x128xf32, #tpu.memory_space<hbm>> -> memref<10000x128xf32, #tpu.memory_space<hbm>>
    tpu.enqueue_indirect_dma source(%dma_start3A_173 : memref<10000x128xf32, #tpu.memory_space<hbm>>) target(%arg8 : memref<128x128xf32, #tpu.memory_space<vmem>>) offsets(%dma_start3A_170 : memref<128xi32, #tpu.memory_space<vmem>>) semaphore(%arg13 : memref<!tpu.dma_semaphore, #tpu.memory_space<semaphore_mem>>)
    %dma_wait3A_174 = arith.constant 2 : i32
    %dma_wait3A_175 = arith.constant 0 : i32
    %dma_wait3A_176 = tpu.memref_slice %arg6[%dma_wait3A_174, %dma_wait3A_175] : memref<8x128xi32, #tpu.memory_space<vmem>> -> memref<1x128xi32, #tpu.memory_space<vmem>>
    %dma_wait3A_177 = tpu.memref_squeeze %dma_wait3A_176 : memref<1x128xi32, #tpu.memory_space<vmem>> -> memref<128xi32, #tpu.memory_space<vmem>>
    %dma_wait3A_178 = arith.constant 0 : i32
    %dma_wait3A_179 = arith.constant 0 : i32
    %dma_wait3A_180 = tpu.memref_slice %arg2[%dma_wait3A_178, %dma_wait3A_179] : memref<10000x128xf32, #tpu.memory_space<hbm>> -> memref<10000x128xf32, #tpu.memory_space<hbm>>
    tpu.wait_indirect_dma semaphore(%arg12 : memref<!tpu.dma_semaphore, #tpu.memory_space<semaphore_mem>>) src(%dma_wait3A_180 : memref<10000x128xf32, #tpu.memory_space<hbm>>) dst(%arg7 : memref<128x128xf32, #tpu.memory_space<vmem>>)
    %run_scoped3A_181 = arith.constant 6 : i32
    "tpu.region"() ({
      %run_scoped3A_198 = tpu.sem_alloc : memref<!tpu.dma_semaphore, #tpu.memory_space<semaphore_mem>>
      %dma_start3A_199 = arith.constant 0 : i32
      %dma_start3A_200 = tpu.memref_slice %arg6[%run_scoped3A_181, %dma_start3A_199] : memref<8x128xi32, #tpu.memory_space<vmem>> -> memref<1x128xi32, #tpu.memory_space<vmem>>
      %dma_start3A_201 = tpu.memref_squeeze %dma_start3A_200 : memref<1x128xi32, #tpu.memory_space<vmem>> -> memref<128xi32, #tpu.memory_space<vmem>>
      %dma_start3A_202 = arith.constant 0 : i32
      %dma_start3A_203 = arith.constant 0 : i32
      %dma_start3A_204 = tpu.memref_slice %arg9[%dma_start3A_202, %dma_start3A_203] : memref<10112x128xf32, #tpu.memory_space<vmem_shared>> -> memref<10112x128xf32, #tpu.memory_space<vmem_shared>>
      tpu.enqueue_indirect_dma source(%arg7 : memref<128x128xf32, #tpu.memory_space<vmem>>) target(%dma_start3A_204 : memref<10112x128xf32, #tpu.memory_space<vmem_shared>>) offsets(%dma_start3A_201 : memref<128xi32, #tpu.memory_space<vmem>>) semaphore(%run_scoped3A_198 : memref<!tpu.dma_semaphore, #tpu.memory_space<semaphore_mem>>) {add = true}
      %dma_wait3A_205 = arith.constant 0 : i32
      %dma_wait3A_206 = tpu.memref_slice %arg6[%run_scoped3A_181, %dma_wait3A_205] : memref<8x128xi32, #tpu.memory_space<vmem>> -> memref<1x128xi32, #tpu.memory_space<vmem>>
      %dma_wait3A_207 = tpu.memref_squeeze %dma_wait3A_206 : memref<1x128xi32, #tpu.memory_space<vmem>> -> memref<128xi32, #tpu.memory_space<vmem>>
      %dma_wait3A_208 = arith.constant 0 : i32
      %dma_wait3A_209 = arith.constant 0 : i32
      %dma_wait3A_210 = tpu.memref_slice %arg9[%dma_wait3A_208, %dma_wait3A_209] : memref<10112x128xf32, #tpu.memory_space<vmem_shared>> -> memref<10112x128xf32, #tpu.memory_space<vmem_shared>>
      tpu.wait_indirect_dma semaphore(%run_scoped3A_198 : memref<!tpu.dma_semaphore, #tpu.memory_space<semaphore_mem>>) src(%arg7 : memref<128x128xf32, #tpu.memory_space<vmem>>) dst(%dma_wait3A_210 : memref<10112x128xf32, #tpu.memory_space<vmem_shared>>)
      tpu.yield
    }) : () -> ()
    %dma_wait3A_182 = arith.constant 3 : i32
    %dma_wait3A_183 = arith.constant 0 : i32
    %dma_wait3A_184 = tpu.memref_slice %arg6[%dma_wait3A_182, %dma_wait3A_183] : memref<8x128xi32, #tpu.memory_space<vmem>> -> memref<1x128xi32, #tpu.memory_space<vmem>>
    %dma_wait3A_185 = tpu.memref_squeeze %dma_wait3A_184 : memref<1x128xi32, #tpu.memory_space<vmem>> -> memref<128xi32, #tpu.memory_space<vmem>>
    %dma_wait3A_186 = arith.constant 0 : i32
    %dma_wait3A_187 = arith.constant 0 : i32
    %dma_wait3A_188 = tpu.memref_slice %arg2[%dma_wait3A_186, %dma_wait3A_187] : memref<10000x128xf32, #tpu.memory_space<hbm>> -> memref<10000x128xf32, #tpu.memory_space<hbm>>
    tpu.wait_indirect_dma semaphore(%arg13 : memref<!tpu.dma_semaphore, #tpu.memory_space<semaphore_mem>>) src(%dma_wait3A_188 : memref<10000x128xf32, #tpu.memory_space<hbm>>) dst(%arg8 : memref<128x128xf32, #tpu.memory_space<vmem>>)
    %run_scoped3A_189 = arith.constant 7 : i32
    "tpu.region"() ({
      %run_scoped3A_198 = tpu.sem_alloc : memref<!tpu.dma_semaphore, #tpu.memory_space<semaphore_mem>>
      %dma_start3A_199 = arith.constant 0 : i32
      %dma_start3A_200 = tpu.memref_slice %arg6[%run_scoped3A_189, %dma_start3A_199] : memref<8x128xi32, #tpu.memory_space<vmem>> -> memref<1x128xi32, #tpu.memory_space<vmem>>
      %dma_start3A_201 = tpu.memref_squeeze %dma_start3A_200 : memref<1x128xi32, #tpu.memory_space<vmem>> -> memref<128xi32, #tpu.memory_space<vmem>>
      %dma_start3A_202 = arith.constant 0 : i32
      %dma_start3A_203 = arith.constant 0 : i32
      %dma_start3A_204 = tpu.memref_slice %arg9[%dma_start3A_202, %dma_start3A_203] : memref<10112x128xf32, #tpu.memory_space<vmem_shared>> -> memref<10112x128xf32, #tpu.memory_space<vmem_shared>>
      tpu.enqueue_indirect_dma source(%arg8 : memref<128x128xf32, #tpu.memory_space<vmem>>) target(%dma_start3A_204 : memref<10112x128xf32, #tpu.memory_space<vmem_shared>>) offsets(%dma_start3A_201 : memref<128xi32, #tpu.memory_space<vmem>>) semaphore(%run_scoped3A_198 : memref<!tpu.dma_semaphore, #tpu.memory_space<semaphore_mem>>) {add = true}
      %dma_wait3A_205 = arith.constant 0 : i32
      %dma_wait3A_206 = tpu.memref_slice %arg6[%run_scoped3A_189, %dma_wait3A_205] : memref<8x128xi32, #tpu.memory_space<vmem>> -> memref<1x128xi32, #tpu.memory_space<vmem>>
      %dma_wait3A_207 = tpu.memref_squeeze %dma_wait3A_206 : memref<1x128xi32, #tpu.memory_space<vmem>> -> memref<128xi32, #tpu.memory_space<vmem>>
      %dma_wait3A_208 = arith.constant 0 : i32
      %dma_wait3A_209 = arith.constant 0 : i32
      %dma_wait3A_210 = tpu.memref_slice %arg9[%dma_wait3A_208, %dma_wait3A_209] : memref<10112x128xf32, #tpu.memory_space<vmem_shared>> -> memref<10112x128xf32, #tpu.memory_space<vmem_shared>>
      tpu.wait_indirect_dma semaphore(%run_scoped3A_198 : memref<!tpu.dma_semaphore, #tpu.memory_space<semaphore_mem>>) src(%arg8 : memref<128x128xf32, #tpu.memory_space<vmem>>) dst(%dma_wait3A_210 : memref<10112x128xf32, #tpu.memory_space<vmem_shared>>)
      tpu.yield
    }) : () -> ()
    %barrier3A_190 = arith.constant 0 : index
    tpu.barrier barrier_id(%barrier3A_190)
    %mul3A_191 = arith.constant 632 : i32
    %mul3A_192 = arith.muli %arg1, %mul3A_191 : i32
    %mul3A_193 = arith.constant 10112 : i32
    %mul3A_194 = arith.muli %arg0, %mul3A_193 : i32
    %mul3A_195 = arith.constant 632 : i32
    %mul3A_196 = arith.muli %arg1, %mul3A_195 : i32
    %add3A_197 = arith.addi %mul3A_194, %mul3A_196 : i32
    "tpu.region"() ({
      %run_scoped3A_198 = tpu.sem_alloc : memref<!tpu.dma_semaphore, #tpu.memory_space<semaphore_mem>>
      %dma_start3A_199 = arith.constant 0 : i32
      %dma_start3A_200 = tpu.memref_slice %arg4[%add3A_197, %dma_start3A_199] : memref<20224x128xf32, #tpu.memory_space<hbm>> -> memref<632x128xf32, #tpu.memory_space<hbm>>
      %dma_start3A_201 = arith.constant 0 : i32
      %dma_start3A_202 = tpu.memref_slice %arg9[%mul3A_192, %dma_start3A_201] : memref<10112x128xf32, #tpu.memory_space<vmem_shared>> -> memref<632x128xf32, #tpu.memory_space<vmem_shared>>
      tpu.enqueue_dma source(%dma_start3A_202 : memref<632x128xf32, #tpu.memory_space<vmem_shared>>) target(%dma_start3A_200 : memref<632x128xf32, #tpu.memory_space<hbm>>) target_semaphore(%run_scoped3A_198 : memref<!tpu.dma_semaphore, #tpu.memory_space<semaphore_mem>>)
      %dma_wait3A_203 = arith.constant 0 : i32
      %dma_wait3A_204 = tpu.memref_slice %arg4[%add3A_197, %dma_wait3A_203] : memref<20224x128xf32, #tpu.memory_space<hbm>> -> memref<632x128xf32, #tpu.memory_space<hbm>>
      %dma_wait3A_205 = arith.constant 0 : i32
      %dma_wait3A_206 = tpu.memref_slice %arg9[%mul3A_192, %dma_wait3A_205] : memref<10112x128xf32, #tpu.memory_space<vmem_shared>> -> memref<632x128xf32, #tpu.memory_space<vmem_shared>>
      tpu.wait_dma2 semaphore(%run_scoped3A_198 : memref<!tpu.dma_semaphore, #tpu.memory_space<semaphore_mem>>) src(%dma_wait3A_206 : memref<632x128xf32, #tpu.memory_space<vmem_shared>>) dst(%dma_wait3A_204 : memref<632x128xf32, #tpu.memory_space<hbm>>)
      tpu.yield
    }) : () -> ()
    return
  }
}

#map = affine_map<(d0, d1) -> (0, 0, 0)>
#map1 = affine_map<(d0, d1) -> (0, 0)>
module attributes {stable_mosaic.version = 14 : i64} {
  func.func @_deg_body(%arg0: i32, %arg1: i32, %arg2: memref<640x8x128xi32, #tpu.memory_space<hbm>>, %arg3: memref<20224x128xf32, #tpu.memory_space<hbm>>, %arg4: memref<8x128xi32, #tpu.memory_space<vmem>>, %arg5: memref<128x128xf32, #tpu.memory_space<vmem>>, %arg6: memref<10112x128xf32, #tpu.memory_space<vmem_shared>>) attributes {dimension_semantics = [#tpu.dimension_semantics<core_parallel>, #tpu.dimension_semantics<subcore_parallel>], iteration_bounds = array<i64: 2, 16>, scalar_prefetch = 0 : i64, scratch_operands = 3 : i64, tpu.core_type = #tpu.core_type<sc_vector_subcore>, window_params = [{transform_indices = #map}, {transform_indices = #map1}]} {
    %mul3A = arith.constant 16 : i32
    %mul3A_0 = arith.muli %arg0, %mul3A : i32
    %mul3A_1 = arith.constant 20 : i32
    %mul3A_2 = arith.muli %mul3A_0, %mul3A_1 : i32
    %mul3A_3 = arith.constant 20 : i32
    %mul3A_4 = arith.muli %arg1, %mul3A_3 : i32
    %add3A = arith.addi %mul3A_2, %mul3A_4 : i32
    %broadcast_in_dim3A = arith.constant 0.000000e+00 : f32
    %broadcast_in_dim3A_5 = vector.broadcast %broadcast_in_dim3A : f32 to vector<16xf32>
    %scan3A = arith.constant 0 : i32
    %scan3A_6 = arith.constant 128 : i32
    %scan3A_7 = arith.addi %scan3A, %scan3A_6 : i32
    %scan3A_8 = arith.constant 1 : i32
    scf.for %scan3A_50 = %scan3A to %scan3A_7 step %scan3A_8  : i32 {
      %mul3A_51 = arith.constant 1 : i32
      %mul3A_52 = arith.muli %scan3A_50, %mul3A_51 : i32
      %add3A_53 = arith.constant 0 : i32
      %add3A_54 = arith.addi %add3A_53, %mul3A_52 : i32
      %swap3A = arith.index_cast %add3A_54 : i32 to index
      %swap3A_55 = arith.constant 0 : index
      %swap3A_56 = tpu.vector_load %arg5[%swap3A, %swap3A_55] {strides = array<i32>} : memref<128x128xf32, #tpu.memory_space<vmem>>, vector<1x16xf32>,
      %swap3A_57 = vector.shape_cast %swap3A_56 : vector<1x16xf32> to vector<16xf32>
      %swap3A_58 = vector.shape_cast %broadcast_in_dim3A_5 : vector<16xf32> to vector<1x16xf32>
      tpu.vector_store %arg5[%swap3A, %swap3A_55], %swap3A_58 {strides = array<i32>} : memref<128x128xf32, #tpu.memory_space<vmem>>, vector<1x16xf32>,
      %swap3A_59 = arith.index_cast %add3A_54 : i32 to index
      %swap3A_60 = arith.constant 16 : index
      %swap3A_61 = tpu.vector_load %arg5[%swap3A_59, %swap3A_60] {strides = array<i32>} : memref<128x128xf32, #tpu.memory_space<vmem>>, vector<1x16xf32>,
      %swap3A_62 = vector.shape_cast %swap3A_61 : vector<1x16xf32> to vector<16xf32>
      %swap3A_63 = vector.shape_cast %broadcast_in_dim3A_5 : vector<16xf32> to vector<1x16xf32>
      tpu.vector_store %arg5[%swap3A_59, %swap3A_60], %swap3A_63 {strides = array<i32>} : memref<128x128xf32, #tpu.memory_space<vmem>>, vector<1x16xf32>,
      %swap3A_64 = arith.index_cast %add3A_54 : i32 to index
      %swap3A_65 = arith.constant 32 : index
      %swap3A_66 = tpu.vector_load %arg5[%swap3A_64, %swap3A_65] {strides = array<i32>} : memref<128x128xf32, #tpu.memory_space<vmem>>, vector<1x16xf32>,
      %swap3A_67 = vector.shape_cast %swap3A_66 : vector<1x16xf32> to vector<16xf32>
      %swap3A_68 = vector.shape_cast %broadcast_in_dim3A_5 : vector<16xf32> to vector<1x16xf32>
      tpu.vector_store %arg5[%swap3A_64, %swap3A_65], %swap3A_68 {strides = array<i32>} : memref<128x128xf32, #tpu.memory_space<vmem>>, vector<1x16xf32>,
      %swap3A_69 = arith.index_cast %add3A_54 : i32 to index
      %swap3A_70 = arith.constant 48 : index
      %swap3A_71 = tpu.vector_load %arg5[%swap3A_69, %swap3A_70] {strides = array<i32>} : memref<128x128xf32, #tpu.memory_space<vmem>>, vector<1x16xf32>,
      %swap3A_72 = vector.shape_cast %swap3A_71 : vector<1x16xf32> to vector<16xf32>
      %swap3A_73 = vector.shape_cast %broadcast_in_dim3A_5 : vector<16xf32> to vector<1x16xf32>
      tpu.vector_store %arg5[%swap3A_69, %swap3A_70], %swap3A_73 {strides = array<i32>} : memref<128x128xf32, #tpu.memory_space<vmem>>, vector<1x16xf32>,
      %swap3A_74 = arith.index_cast %add3A_54 : i32 to index
      %swap3A_75 = arith.constant 64 : index
      %swap3A_76 = tpu.vector_load %arg5[%swap3A_74, %swap3A_75] {strides = array<i32>} : memref<128x128xf32, #tpu.memory_space<vmem>>, vector<1x16xf32>,
      %swap3A_77 = vector.shape_cast %swap3A_76 : vector<1x16xf32> to vector<16xf32>
      %swap3A_78 = vector.shape_cast %broadcast_in_dim3A_5 : vector<16xf32> to vector<1x16xf32>
      tpu.vector_store %arg5[%swap3A_74, %swap3A_75], %swap3A_78 {strides = array<i32>} : memref<128x128xf32, #tpu.memory_space<vmem>>, vector<1x16xf32>,
      %swap3A_79 = arith.index_cast %add3A_54 : i32 to index
      %swap3A_80 = arith.constant 80 : index
      %swap3A_81 = tpu.vector_load %arg5[%swap3A_79, %swap3A_80] {strides = array<i32>} : memref<128x128xf32, #tpu.memory_space<vmem>>, vector<1x16xf32>,
      %swap3A_82 = vector.shape_cast %swap3A_81 : vector<1x16xf32> to vector<16xf32>
      %swap3A_83 = vector.shape_cast %broadcast_in_dim3A_5 : vector<16xf32> to vector<1x16xf32>
      tpu.vector_store %arg5[%swap3A_79, %swap3A_80], %swap3A_83 {strides = array<i32>} : memref<128x128xf32, #tpu.memory_space<vmem>>, vector<1x16xf32>,
      %swap3A_84 = arith.index_cast %add3A_54 : i32 to index
      %swap3A_85 = arith.constant 96 : index
      %swap3A_86 = tpu.vector_load %arg5[%swap3A_84, %swap3A_85] {strides = array<i32>} : memref<128x128xf32, #tpu.memory_space<vmem>>, vector<1x16xf32>,
      %swap3A_87 = vector.shape_cast %swap3A_86 : vector<1x16xf32> to vector<16xf32>
      %swap3A_88 = vector.shape_cast %broadcast_in_dim3A_5 : vector<16xf32> to vector<1x16xf32>
      tpu.vector_store %arg5[%swap3A_84, %swap3A_85], %swap3A_88 {strides = array<i32>} : memref<128x128xf32, #tpu.memory_space<vmem>>, vector<1x16xf32>,
      %swap3A_89 = arith.index_cast %add3A_54 : i32 to index
      %swap3A_90 = arith.constant 112 : index
      %swap3A_91 = tpu.vector_load %arg5[%swap3A_89, %swap3A_90] {strides = array<i32>} : memref<128x128xf32, #tpu.memory_space<vmem>>, vector<1x16xf32>,
      %swap3A_92 = vector.shape_cast %swap3A_91 : vector<1x16xf32> to vector<16xf32>
      %swap3A_93 = vector.shape_cast %broadcast_in_dim3A_5 : vector<16xf32> to vector<1x16xf32>
      tpu.vector_store %arg5[%swap3A_89, %swap3A_90], %swap3A_93 {strides = array<i32>} : memref<128x128xf32, #tpu.memory_space<vmem>>, vector<1x16xf32>,
    }
    %scan3A_9 = arith.constant 128 : i32
    %mul3A_10 = arith.constant 632 : i32
    %mul3A_11 = arith.muli %arg1, %mul3A_10 : i32
    %add3A_12 = arith.constant 0 : i32
    %add3A_13 = arith.addi %mul3A_11, %add3A_12 : i32
    "tpu.region"() ({
      %run_scoped3A = tpu.sem_alloc : memref<!tpu.dma_semaphore, #tpu.memory_space<semaphore_mem>>
      %dma_start3A = arith.constant 0 : i32
      %dma_start3A_50 = tpu.memref_slice %arg6[%add3A_13, %dma_start3A] : memref<10112x128xf32, #tpu.memory_space<vmem_shared>> -> memref<128x128xf32, #tpu.memory_space<vmem_shared>>
      %dma_start3A_51 = arith.constant 0 : i32
      %dma_start3A_52 = tpu.memref_slice %arg6[%add3A_13, %dma_start3A_51] : memref<10112x128xf32, #tpu.memory_space<vmem_shared>> -> memref<128x128xf32, #tpu.memory_space<vmem_shared>>
      tpu.enqueue_dma source(%arg5 : memref<128x128xf32, #tpu.memory_space<vmem>>) target(%dma_start3A_52 : memref<128x128xf32, #tpu.memory_space<vmem_shared>>) target_semaphore(%run_scoped3A : memref<!tpu.dma_semaphore, #tpu.memory_space<semaphore_mem>>)
      %dma_wait3A = arith.constant 0 : i32
      %dma_wait3A_53 = tpu.memref_slice %arg6[%add3A_13, %dma_wait3A] : memref<10112x128xf32, #tpu.memory_space<vmem_shared>> -> memref<128x128xf32, #tpu.memory_space<vmem_shared>>
      %dma_wait3A_54 = arith.constant 0 : i32
      %dma_wait3A_55 = tpu.memref_slice %arg6[%add3A_13, %dma_wait3A_54] : memref<10112x128xf32, #tpu.memory_space<vmem_shared>> -> memref<128x128xf32, #tpu.memory_space<vmem_shared>>
      tpu.wait_dma2 semaphore(%run_scoped3A : memref<!tpu.dma_semaphore, #tpu.memory_space<semaphore_mem>>) src(%arg5 : memref<128x128xf32, #tpu.memory_space<vmem>>) dst(%dma_wait3A_55 : memref<128x128xf32, #tpu.memory_space<vmem_shared>>)
      tpu.yield
    }) : () -> ()
    %mul3A_14 = arith.constant 632 : i32
    %mul3A_15 = arith.muli %arg1, %mul3A_14 : i32
    %add3A_16 = arith.constant 128 : i32
    %add3A_17 = arith.addi %mul3A_15, %add3A_16 : i32
    "tpu.region"() ({
      %run_scoped3A = tpu.sem_alloc : memref<!tpu.dma_semaphore, #tpu.memory_space<semaphore_mem>>
      %dma_start3A = arith.constant 0 : i32
      %dma_start3A_50 = tpu.memref_slice %arg6[%add3A_17, %dma_start3A] : memref<10112x128xf32, #tpu.memory_space<vmem_shared>> -> memref<128x128xf32, #tpu.memory_space<vmem_shared>>
      %dma_start3A_51 = arith.constant 0 : i32
      %dma_start3A_52 = tpu.memref_slice %arg6[%add3A_17, %dma_start3A_51] : memref<10112x128xf32, #tpu.memory_space<vmem_shared>> -> memref<128x128xf32, #tpu.memory_space<vmem_shared>>
      tpu.enqueue_dma source(%arg5 : memref<128x128xf32, #tpu.memory_space<vmem>>) target(%dma_start3A_52 : memref<128x128xf32, #tpu.memory_space<vmem_shared>>) target_semaphore(%run_scoped3A : memref<!tpu.dma_semaphore, #tpu.memory_space<semaphore_mem>>)
      %dma_wait3A = arith.constant 0 : i32
      %dma_wait3A_53 = tpu.memref_slice %arg6[%add3A_17, %dma_wait3A] : memref<10112x128xf32, #tpu.memory_space<vmem_shared>> -> memref<128x128xf32, #tpu.memory_space<vmem_shared>>
      %dma_wait3A_54 = arith.constant 0 : i32
      %dma_wait3A_55 = tpu.memref_slice %arg6[%add3A_17, %dma_wait3A_54] : memref<10112x128xf32, #tpu.memory_space<vmem_shared>> -> memref<128x128xf32, #tpu.memory_space<vmem_shared>>
      tpu.wait_dma2 semaphore(%run_scoped3A : memref<!tpu.dma_semaphore, #tpu.memory_space<semaphore_mem>>) src(%arg5 : memref<128x128xf32, #tpu.memory_space<vmem>>) dst(%dma_wait3A_55 : memref<128x128xf32, #tpu.memory_space<vmem_shared>>)
      tpu.yield
    }) : () -> ()
    %mul3A_18 = arith.constant 632 : i32
    %mul3A_19 = arith.muli %arg1, %mul3A_18 : i32
    %add3A_20 = arith.constant 256 : i32
    %add3A_21 = arith.addi %mul3A_19, %add3A_20 : i32
    "tpu.region"() ({
      %run_scoped3A = tpu.sem_alloc : memref<!tpu.dma_semaphore, #tpu.memory_space<semaphore_mem>>
      %dma_start3A = arith.constant 0 : i32
      %dma_start3A_50 = tpu.memref_slice %arg6[%add3A_21, %dma_start3A] : memref<10112x128xf32, #tpu.memory_space<vmem_shared>> -> memref<128x128xf32, #tpu.memory_space<vmem_shared>>
      %dma_start3A_51 = arith.constant 0 : i32
      %dma_start3A_52 = tpu.memref_slice %arg6[%add3A_21, %dma_start3A_51] : memref<10112x128xf32, #tpu.memory_space<vmem_shared>> -> memref<128x128xf32, #tpu.memory_space<vmem_shared>>
      tpu.enqueue_dma source(%arg5 : memref<128x128xf32, #tpu.memory_space<vmem>>) target(%dma_start3A_52 : memref<128x128xf32, #tpu.memory_space<vmem_shared>>) target_semaphore(%run_scoped3A : memref<!tpu.dma_semaphore, #tpu.memory_space<semaphore_mem>>)
      %dma_wait3A = arith.constant 0 : i32
      %dma_wait3A_53 = tpu.memref_slice %arg6[%add3A_21, %dma_wait3A] : memref<10112x128xf32, #tpu.memory_space<vmem_shared>> -> memref<128x128xf32, #tpu.memory_space<vmem_shared>>
      %dma_wait3A_54 = arith.constant 0 : i32
      %dma_wait3A_55 = tpu.memref_slice %arg6[%add3A_21, %dma_wait3A_54] : memref<10112x128xf32, #tpu.memory_space<vmem_shared>> -> memref<128x128xf32, #tpu.memory_space<vmem_shared>>
      tpu.wait_dma2 semaphore(%run_scoped3A : memref<!tpu.dma_semaphore, #tpu.memory_space<semaphore_mem>>) src(%arg5 : memref<128x128xf32, #tpu.memory_space<vmem>>) dst(%dma_wait3A_55 : memref<128x128xf32, #tpu.memory_space<vmem_shared>>)
      tpu.yield
    }) : () -> ()
    %mul3A_22 = arith.constant 632 : i32
    %mul3A_23 = arith.muli %arg1, %mul3A_22 : i32
    %add3A_24 = arith.constant 384 : i32
    %add3A_25 = arith.addi %mul3A_23, %add3A_24 : i32
    "tpu.region"() ({
      %run_scoped3A = tpu.sem_alloc : memref<!tpu.dma_semaphore, #tpu.memory_space<semaphore_mem>>
      %dma_start3A = arith.constant 0 : i32
      %dma_start3A_50 = tpu.memref_slice %arg6[%add3A_25, %dma_start3A] : memref<10112x128xf32, #tpu.memory_space<vmem_shared>> -> memref<128x128xf32, #tpu.memory_space<vmem_shared>>
      %dma_start3A_51 = arith.constant 0 : i32
      %dma_start3A_52 = tpu.memref_slice %arg6[%add3A_25, %dma_start3A_51] : memref<10112x128xf32, #tpu.memory_space<vmem_shared>> -> memref<128x128xf32, #tpu.memory_space<vmem_shared>>
      tpu.enqueue_dma source(%arg5 : memref<128x128xf32, #tpu.memory_space<vmem>>) target(%dma_start3A_52 : memref<128x128xf32, #tpu.memory_space<vmem_shared>>) target_semaphore(%run_scoped3A : memref<!tpu.dma_semaphore, #tpu.memory_space<semaphore_mem>>)
      %dma_wait3A = arith.constant 0 : i32
      %dma_wait3A_53 = tpu.memref_slice %arg6[%add3A_25, %dma_wait3A] : memref<10112x128xf32, #tpu.memory_space<vmem_shared>> -> memref<128x128xf32, #tpu.memory_space<vmem_shared>>
      %dma_wait3A_54 = arith.constant 0 : i32
      %dma_wait3A_55 = tpu.memref_slice %arg6[%add3A_25, %dma_wait3A_54] : memref<10112x128xf32, #tpu.memory_space<vmem_shared>> -> memref<128x128xf32, #tpu.memory_space<vmem_shared>>
      tpu.wait_dma2 semaphore(%run_scoped3A : memref<!tpu.dma_semaphore, #tpu.memory_space<semaphore_mem>>) src(%arg5 : memref<128x128xf32, #tpu.memory_space<vmem>>) dst(%dma_wait3A_55 : memref<128x128xf32, #tpu.memory_space<vmem_shared>>)
      tpu.yield
    }) : () -> ()
    %mul3A_26 = arith.constant 632 : i32
    %mul3A_27 = arith.muli %arg1, %mul3A_26 : i32
    %add3A_28 = arith.constant 512 : i32
    %add3A_29 = arith.addi %mul3A_27, %add3A_28 : i32
    "tpu.region"() ({
      %run_scoped3A = tpu.sem_alloc : memref<!tpu.dma_semaphore, #tpu.memory_space<semaphore_mem>>
      %dma_start3A = arith.constant 0 : i32
      %dma_start3A_50 = arith.constant 0 : i32
      %dma_start3A_51 = tpu.memref_slice %arg5[%dma_start3A, %dma_start3A_50] : memref<128x128xf32, #tpu.memory_space<vmem>> -> memref<120x128xf32, #tpu.memory_space<vmem>>
      %dma_start3A_52 = arith.constant 0 : i32
      %dma_start3A_53 = tpu.memref_slice %arg6[%add3A_29, %dma_start3A_52] : memref<10112x128xf32, #tpu.memory_space<vmem_shared>> -> memref<120x128xf32, #tpu.memory_space<vmem_shared>>
      %dma_start3A_54 = arith.constant 0 : i32
      %dma_start3A_55 = tpu.memref_slice %arg6[%add3A_29, %dma_start3A_54] : memref<10112x128xf32, #tpu.memory_space<vmem_shared>> -> memref<120x128xf32, #tpu.memory_space<vmem_shared>>
      %dma_start3A_56 = arith.constant 0 : i32
      %dma_start3A_57 = arith.constant 0 : i32
      %dma_start3A_58 = tpu.memref_slice %arg5[%dma_start3A_56, %dma_start3A_57] : memref<128x128xf32, #tpu.memory_space<vmem>> -> memref<120x128xf32, #tpu.memory_space<vmem>>
      tpu.enqueue_dma source(%dma_start3A_58 : memref<120x128xf32, #tpu.memory_space<vmem>>) target(%dma_start3A_55 : memref<120x128xf32, #tpu.memory_space<vmem_shared>>) target_semaphore(%run_scoped3A : memref<!tpu.dma_semaphore, #tpu.memory_space<semaphore_mem>>)
      %dma_wait3A = arith.constant 0 : i32
      %dma_wait3A_59 = arith.constant 0 : i32
      %dma_wait3A_60 = tpu.memref_slice %arg5[%dma_wait3A, %dma_wait3A_59] : memref<128x128xf32, #tpu.memory_space<vmem>> -> memref<120x128xf32, #tpu.memory_space<vmem>>
      %dma_wait3A_61 = arith.constant 0 : i32
      %dma_wait3A_62 = tpu.memref_slice %arg6[%add3A_29, %dma_wait3A_61] : memref<10112x128xf32, #tpu.memory_space<vmem_shared>> -> memref<120x128xf32, #tpu.memory_space<vmem_shared>>
      %dma_wait3A_63 = arith.constant 0 : i32
      %dma_wait3A_64 = tpu.memref_slice %arg6[%add3A_29, %dma_wait3A_63] : memref<10112x128xf32, #tpu.memory_space<vmem_shared>> -> memref<120x128xf32, #tpu.memory_space<vmem_shared>>
      %dma_wait3A_65 = arith.constant 0 : i32
      %dma_wait3A_66 = arith.constant 0 : i32
      %dma_wait3A_67 = tpu.memref_slice %arg5[%dma_wait3A_65, %dma_wait3A_66] : memref<128x128xf32, #tpu.memory_space<vmem>> -> memref<120x128xf32, #tpu.memory_space<vmem>>
      tpu.wait_dma2 semaphore(%run_scoped3A : memref<!tpu.dma_semaphore, #tpu.memory_space<semaphore_mem>>) src(%dma_wait3A_67 : memref<120x128xf32, #tpu.memory_space<vmem>>) dst(%dma_wait3A_64 : memref<120x128xf32, #tpu.memory_space<vmem_shared>>)
      tpu.yield
    }) : () -> ()
    %broadcast_in_dim3A_30 = arith.constant 1.000000e+00 : f32
    %broadcast_in_dim3A_31 = vector.broadcast %broadcast_in_dim3A_30 : f32 to vector<16xf32>
    %scan3A_32 = arith.constant 0 : i32
    %scan3A_33 = arith.constant 128 : i32
    %scan3A_34 = arith.addi %scan3A_32, %scan3A_33 : i32
    %scan3A_35 = arith.constant 1 : i32
    scf.for %scan3A_50 = %scan3A_32 to %scan3A_34 step %scan3A_35  : i32 {
      %mul3A_51 = arith.constant 1 : i32
      %mul3A_52 = arith.muli %scan3A_50, %mul3A_51 : i32
      %add3A_53 = arith.constant 0 : i32
      %add3A_54 = arith.addi %add3A_53, %mul3A_52 : i32
      %swap3A = arith.index_cast %add3A_54 : i32 to index
      %swap3A_55 = arith.constant 0 : index
      %swap3A_56 = tpu.vector_load %arg5[%swap3A, %swap3A_55] {strides = array<i32>} : memref<128x128xf32, #tpu.memory_space<vmem>>, vector<1x16xf32>,
      %swap3A_57 = vector.shape_cast %swap3A_56 : vector<1x16xf32> to vector<16xf32>
      %swap3A_58 = vector.shape_cast %broadcast_in_dim3A_31 : vector<16xf32> to vector<1x16xf32>
      tpu.vector_store %arg5[%swap3A, %swap3A_55], %swap3A_58 {strides = array<i32>} : memref<128x128xf32, #tpu.memory_space<vmem>>, vector<1x16xf32>,
      %swap3A_59 = arith.index_cast %add3A_54 : i32 to index
      %swap3A_60 = arith.constant 16 : index
      %swap3A_61 = tpu.vector_load %arg5[%swap3A_59, %swap3A_60] {strides = array<i32>} : memref<128x128xf32, #tpu.memory_space<vmem>>, vector<1x16xf32>,
      %swap3A_62 = vector.shape_cast %swap3A_61 : vector<1x16xf32> to vector<16xf32>
      %swap3A_63 = vector.shape_cast %broadcast_in_dim3A_31 : vector<16xf32> to vector<1x16xf32>
      tpu.vector_store %arg5[%swap3A_59, %swap3A_60], %swap3A_63 {strides = array<i32>} : memref<128x128xf32, #tpu.memory_space<vmem>>, vector<1x16xf32>,
      %swap3A_64 = arith.index_cast %add3A_54 : i32 to index
      %swap3A_65 = arith.constant 32 : index
      %swap3A_66 = tpu.vector_load %arg5[%swap3A_64, %swap3A_65] {strides = array<i32>} : memref<128x128xf32, #tpu.memory_space<vmem>>, vector<1x16xf32>,
      %swap3A_67 = vector.shape_cast %swap3A_66 : vector<1x16xf32> to vector<16xf32>
      %swap3A_68 = vector.shape_cast %broadcast_in_dim3A_31 : vector<16xf32> to vector<1x16xf32>
      tpu.vector_store %arg5[%swap3A_64, %swap3A_65], %swap3A_68 {strides = array<i32>} : memref<128x128xf32, #tpu.memory_space<vmem>>, vector<1x16xf32>,
      %swap3A_69 = arith.index_cast %add3A_54 : i32 to index
      %swap3A_70 = arith.constant 48 : index
      %swap3A_71 = tpu.vector_load %arg5[%swap3A_69, %swap3A_70] {strides = array<i32>} : memref<128x128xf32, #tpu.memory_space<vmem>>, vector<1x16xf32>,
      %swap3A_72 = vector.shape_cast %swap3A_71 : vector<1x16xf32> to vector<16xf32>
      %swap3A_73 = vector.shape_cast %broadcast_in_dim3A_31 : vector<16xf32> to vector<1x16xf32>
      tpu.vector_store %arg5[%swap3A_69, %swap3A_70], %swap3A_73 {strides = array<i32>} : memref<128x128xf32, #tpu.memory_space<vmem>>, vector<1x16xf32>,
      %swap3A_74 = arith.index_cast %add3A_54 : i32 to index
      %swap3A_75 = arith.constant 64 : index
      %swap3A_76 = tpu.vector_load %arg5[%swap3A_74, %swap3A_75] {strides = array<i32>} : memref<128x128xf32, #tpu.memory_space<vmem>>, vector<1x16xf32>,
      %swap3A_77 = vector.shape_cast %swap3A_76 : vector<1x16xf32> to vector<16xf32>
      %swap3A_78 = vector.shape_cast %broadcast_in_dim3A_31 : vector<16xf32> to vector<1x16xf32>
      tpu.vector_store %arg5[%swap3A_74, %swap3A_75], %swap3A_78 {strides = array<i32>} : memref<128x128xf32, #tpu.memory_space<vmem>>, vector<1x16xf32>,
      %swap3A_79 = arith.index_cast %add3A_54 : i32 to index
      %swap3A_80 = arith.constant 80 : index
      %swap3A_81 = tpu.vector_load %arg5[%swap3A_79, %swap3A_80] {strides = array<i32>} : memref<128x128xf32, #tpu.memory_space<vmem>>, vector<1x16xf32>,
      %swap3A_82 = vector.shape_cast %swap3A_81 : vector<1x16xf32> to vector<16xf32>
      %swap3A_83 = vector.shape_cast %broadcast_in_dim3A_31 : vector<16xf32> to vector<1x16xf32>
      tpu.vector_store %arg5[%swap3A_79, %swap3A_80], %swap3A_83 {strides = array<i32>} : memref<128x128xf32, #tpu.memory_space<vmem>>, vector<1x16xf32>,
      %swap3A_84 = arith.index_cast %add3A_54 : i32 to index
      %swap3A_85 = arith.constant 96 : index
      %swap3A_86 = tpu.vector_load %arg5[%swap3A_84, %swap3A_85] {strides = array<i32>} : memref<128x128xf32, #tpu.memory_space<vmem>>, vector<1x16xf32>,
      %swap3A_87 = vector.shape_cast %swap3A_86 : vector<1x16xf32> to vector<16xf32>
      %swap3A_88 = vector.shape_cast %broadcast_in_dim3A_31 : vector<16xf32> to vector<1x16xf32>
      tpu.vector_store %arg5[%swap3A_84, %swap3A_85], %swap3A_88 {strides = array<i32>} : memref<128x128xf32, #tpu.memory_space<vmem>>, vector<1x16xf32>,
      %swap3A_89 = arith.index_cast %add3A_54 : i32 to index
      %swap3A_90 = arith.constant 112 : index
      %swap3A_91 = tpu.vector_load %arg5[%swap3A_89, %swap3A_90] {strides = array<i32>} : memref<128x128xf32, #tpu.memory_space<vmem>>, vector<1x16xf32>,
      %swap3A_92 = vector.shape_cast %swap3A_91 : vector<1x16xf32> to vector<16xf32>
      %swap3A_93 = vector.shape_cast %broadcast_in_dim3A_31 : vector<16xf32> to vector<1x16xf32>
      tpu.vector_store %arg5[%swap3A_89, %swap3A_90], %swap3A_93 {strides = array<i32>} : memref<128x128xf32, #tpu.memory_space<vmem>>, vector<1x16xf32>,
    }
    %scan3A_36 = arith.constant 128 : i32
    %barrier3A = arith.constant 0 : index
    tpu.barrier barrier_id(%barrier3A)
    %scan3A_37 = arith.constant 0 : i32
    %scan3A_38 = arith.constant 20 : i32
    %scan3A_39 = arith.addi %scan3A_37, %scan3A_38 : i32
    %scan3A_40 = arith.constant 1 : i32
    scf.for %scan3A_50 = %scan3A_37 to %scan3A_39 step %scan3A_40  : i32 {
      %mul3A_51 = arith.constant 1 : i32
      %mul3A_52 = arith.muli %scan3A_50, %mul3A_51 : i32
      %add3A_53 = arith.constant 0 : i32
      %add3A_54 = arith.addi %add3A_53, %mul3A_52 : i32
      %add3A_55 = arith.addi %add3A, %add3A_54 : i32
      "tpu.region"() ({
        %run_scoped3A_59 = tpu.sem_alloc : memref<!tpu.dma_semaphore, #tpu.memory_space<semaphore_mem>>
        %dma_start3A = arith.constant 0 : i32
        %dma_start3A_60 = arith.constant 0 : i32
        %dma_start3A_61 = tpu.memref_slice %arg2[%add3A_55, %dma_start3A, %dma_start3A_60] : memref<640x8x128xi32, #tpu.memory_space<hbm>> -> memref<1x8x128xi32, #tpu.memory_space<hbm>>
        %dma_start3A_62 = tpu.memref_squeeze %dma_start3A_61 : memref<1x8x128xi32, #tpu.memory_space<hbm>> -> memref<8x128xi32, #tpu.memory_space<hbm>>
        %dma_start3A_63 = arith.constant 0 : i32
        %dma_start3A_64 = arith.constant 0 : i32
        %dma_start3A_65 = tpu.memref_slice %arg2[%add3A_55, %dma_start3A_63, %dma_start3A_64] : memref<640x8x128xi32, #tpu.memory_space<hbm>> -> memref<1x8x128xi32, #tpu.memory_space<hbm>>
        %dma_start3A_66 = tpu.memref_squeeze %dma_start3A_65 : memref<1x8x128xi32, #tpu.memory_space<hbm>> -> memref<8x128xi32, #tpu.memory_space<hbm>>
        tpu.enqueue_dma source(%dma_start3A_66 : memref<8x128xi32, #tpu.memory_space<hbm>>) target(%arg4 : memref<8x128xi32, #tpu.memory_space<vmem>>) target_semaphore(%run_scoped3A_59 : memref<!tpu.dma_semaphore, #tpu.memory_space<semaphore_mem>>)
        %dma_wait3A = arith.constant 0 : i32
        %dma_wait3A_67 = arith.constant 0 : i32
        %dma_wait3A_68 = tpu.memref_slice %arg2[%add3A_55, %dma_wait3A, %dma_wait3A_67] : memref<640x8x128xi32, #tpu.memory_space<hbm>> -> memref<1x8x128xi32, #tpu.memory_space<hbm>>
        %dma_wait3A_69 = tpu.memref_squeeze %dma_wait3A_68 : memref<1x8x128xi32, #tpu.memory_space<hbm>> -> memref<8x128xi32, #tpu.memory_space<hbm>>
        %dma_wait3A_70 = arith.constant 0 : i32
        %dma_wait3A_71 = arith.constant 0 : i32
        %dma_wait3A_72 = tpu.memref_slice %arg2[%add3A_55, %dma_wait3A_70, %dma_wait3A_71] : memref<640x8x128xi32, #tpu.memory_space<hbm>> -> memref<1x8x128xi32, #tpu.memory_space<hbm>>
        %dma_wait3A_73 = tpu.memref_squeeze %dma_wait3A_72 : memref<1x8x128xi32, #tpu.memory_space<hbm>> -> memref<8x128xi32, #tpu.memory_space<hbm>>
        tpu.wait_dma2 semaphore(%run_scoped3A_59 : memref<!tpu.dma_semaphore, #tpu.memory_space<semaphore_mem>>) src(%dma_wait3A_73 : memref<8x128xi32, #tpu.memory_space<hbm>>) dst(%arg4 : memref<8x128xi32, #tpu.memory_space<vmem>>)
        tpu.yield
      }) : () -> ()
      %run_scoped3A = arith.constant 4 : i32
      "tpu.region"() ({
        %run_scoped3A_59 = tpu.sem_alloc : memref<!tpu.dma_semaphore, #tpu.memory_space<semaphore_mem>>
        %dma_start3A = arith.constant 0 : i32
        %dma_start3A_60 = tpu.memref_slice %arg4[%run_scoped3A, %dma_start3A] : memref<8x128xi32, #tpu.memory_space<vmem>> -> memref<1x128xi32, #tpu.memory_space<vmem>>
        %dma_start3A_61 = tpu.memref_squeeze %dma_start3A_60 : memref<1x128xi32, #tpu.memory_space<vmem>> -> memref<128xi32, #tpu.memory_space<vmem>>
        %dma_start3A_62 = arith.constant 0 : i32
        %dma_start3A_63 = arith.constant 0 : i32
        %dma_start3A_64 = tpu.memref_slice %arg6[%dma_start3A_62, %dma_start3A_63] : memref<10112x128xf32, #tpu.memory_space<vmem_shared>> -> memref<10112x128xf32, #tpu.memory_space<vmem_shared>>
        tpu.enqueue_indirect_dma source(%arg5 : memref<128x128xf32, #tpu.memory_space<vmem>>) target(%dma_start3A_64 : memref<10112x128xf32, #tpu.memory_space<vmem_shared>>) offsets(%dma_start3A_61 : memref<128xi32, #tpu.memory_space<vmem>>) semaphore(%run_scoped3A_59 : memref<!tpu.dma_semaphore, #tpu.memory_space<semaphore_mem>>) {add = true}
        %dma_wait3A = arith.constant 0 : i32
        %dma_wait3A_65 = tpu.memref_slice %arg4[%run_scoped3A, %dma_wait3A] : memref<8x128xi32, #tpu.memory_space<vmem>> -> memref<1x128xi32, #tpu.memory_space<vmem>>
        %dma_wait3A_66 = tpu.memref_squeeze %dma_wait3A_65 : memref<1x128xi32, #tpu.memory_space<vmem>> -> memref<128xi32, #tpu.memory_space<vmem>>
        %dma_wait3A_67 = arith.constant 0 : i32
        %dma_wait3A_68 = arith.constant 0 : i32
        %dma_wait3A_69 = tpu.memref_slice %arg6[%dma_wait3A_67, %dma_wait3A_68] : memref<10112x128xf32, #tpu.memory_space<vmem_shared>> -> memref<10112x128xf32, #tpu.memory_space<vmem_shared>>
        tpu.wait_indirect_dma semaphore(%run_scoped3A_59 : memref<!tpu.dma_semaphore, #tpu.memory_space<semaphore_mem>>) src(%arg5 : memref<128x128xf32, #tpu.memory_space<vmem>>) dst(%dma_wait3A_69 : memref<10112x128xf32, #tpu.memory_space<vmem_shared>>)
        tpu.yield
      }) : () -> ()
      %run_scoped3A_56 = arith.constant 5 : i32
      "tpu.region"() ({
        %run_scoped3A_59 = tpu.sem_alloc : memref<!tpu.dma_semaphore, #tpu.memory_space<semaphore_mem>>
        %dma_start3A = arith.constant 0 : i32
        %dma_start3A_60 = tpu.memref_slice %arg4[%run_scoped3A_56, %dma_start3A] : memref<8x128xi32, #tpu.memory_space<vmem>> -> memref<1x128xi32, #tpu.memory_space<vmem>>
        %dma_start3A_61 = tpu.memref_squeeze %dma_start3A_60 : memref<1x128xi32, #tpu.memory_space<vmem>> -> memref<128xi32, #tpu.memory_space<vmem>>
        %dma_start3A_62 = arith.constant 0 : i32
        %dma_start3A_63 = arith.constant 0 : i32
        %dma_start3A_64 = tpu.memref_slice %arg6[%dma_start3A_62, %dma_start3A_63] : memref<10112x128xf32, #tpu.memory_space<vmem_shared>> -> memref<10112x128xf32, #tpu.memory_space<vmem_shared>>
        tpu.enqueue_indirect_dma source(%arg5 : memref<128x128xf32, #tpu.memory_space<vmem>>) target(%dma_start3A_64 : memref<10112x128xf32, #tpu.memory_space<vmem_shared>>) offsets(%dma_start3A_61 : memref<128xi32, #tpu.memory_space<vmem>>) semaphore(%run_scoped3A_59 : memref<!tpu.dma_semaphore, #tpu.memory_space<semaphore_mem>>) {add = true}
        %dma_wait3A = arith.constant 0 : i32
        %dma_wait3A_65 = tpu.memref_slice %arg4[%run_scoped3A_56, %dma_wait3A] : memref<8x128xi32, #tpu.memory_space<vmem>> -> memref<1x128xi32, #tpu.memory_space<vmem>>
        %dma_wait3A_66 = tpu.memref_squeeze %dma_wait3A_65 : memref<1x128xi32, #tpu.memory_space<vmem>> -> memref<128xi32, #tpu.memory_space<vmem>>
        %dma_wait3A_67 = arith.constant 0 : i32
        %dma_wait3A_68 = arith.constant 0 : i32
        %dma_wait3A_69 = tpu.memref_slice %arg6[%dma_wait3A_67, %dma_wait3A_68] : memref<10112x128xf32, #tpu.memory_space<vmem_shared>> -> memref<10112x128xf32, #tpu.memory_space<vmem_shared>>
        tpu.wait_indirect_dma semaphore(%run_scoped3A_59 : memref<!tpu.dma_semaphore, #tpu.memory_space<semaphore_mem>>) src(%arg5 : memref<128x128xf32, #tpu.memory_space<vmem>>) dst(%dma_wait3A_69 : memref<10112x128xf32, #tpu.memory_space<vmem_shared>>)
        tpu.yield
      }) : () -> ()
      %run_scoped3A_57 = arith.constant 6 : i32
      "tpu.region"() ({
        %run_scoped3A_59 = tpu.sem_alloc : memref<!tpu.dma_semaphore, #tpu.memory_space<semaphore_mem>>
        %dma_start3A = arith.constant 0 : i32
        %dma_start3A_60 = tpu.memref_slice %arg4[%run_scoped3A_57, %dma_start3A] : memref<8x128xi32, #tpu.memory_space<vmem>> -> memref<1x128xi32, #tpu.memory_space<vmem>>
        %dma_start3A_61 = tpu.memref_squeeze %dma_start3A_60 : memref<1x128xi32, #tpu.memory_space<vmem>> -> memref<128xi32, #tpu.memory_space<vmem>>
        %dma_start3A_62 = arith.constant 0 : i32
        %dma_start3A_63 = arith.constant 0 : i32
        %dma_start3A_64 = tpu.memref_slice %arg6[%dma_start3A_62, %dma_start3A_63] : memref<10112x128xf32, #tpu.memory_space<vmem_shared>> -> memref<10112x128xf32, #tpu.memory_space<vmem_shared>>
        tpu.enqueue_indirect_dma source(%arg5 : memref<128x128xf32, #tpu.memory_space<vmem>>) target(%dma_start3A_64 : memref<10112x128xf32, #tpu.memory_space<vmem_shared>>) offsets(%dma_start3A_61 : memref<128xi32, #tpu.memory_space<vmem>>) semaphore(%run_scoped3A_59 : memref<!tpu.dma_semaphore, #tpu.memory_space<semaphore_mem>>) {add = true}
        %dma_wait3A = arith.constant 0 : i32
        %dma_wait3A_65 = tpu.memref_slice %arg4[%run_scoped3A_57, %dma_wait3A] : memref<8x128xi32, #tpu.memory_space<vmem>> -> memref<1x128xi32, #tpu.memory_space<vmem>>
        %dma_wait3A_66 = tpu.memref_squeeze %dma_wait3A_65 : memref<1x128xi32, #tpu.memory_space<vmem>> -> memref<128xi32, #tpu.memory_space<vmem>>
        %dma_wait3A_67 = arith.constant 0 : i32
        %dma_wait3A_68 = arith.constant 0 : i32
        %dma_wait3A_69 = tpu.memref_slice %arg6[%dma_wait3A_67, %dma_wait3A_68] : memref<10112x128xf32, #tpu.memory_space<vmem_shared>> -> memref<10112x128xf32, #tpu.memory_space<vmem_shared>>
        tpu.wait_indirect_dma semaphore(%run_scoped3A_59 : memref<!tpu.dma_semaphore, #tpu.memory_space<semaphore_mem>>) src(%arg5 : memref<128x128xf32, #tpu.memory_space<vmem>>) dst(%dma_wait3A_69 : memref<10112x128xf32, #tpu.memory_space<vmem_shared>>)
        tpu.yield
      }) : () -> ()
      %run_scoped3A_58 = arith.constant 7 : i32
      "tpu.region"() ({
        %run_scoped3A_59 = tpu.sem_alloc : memref<!tpu.dma_semaphore, #tpu.memory_space<semaphore_mem>>
        %dma_start3A = arith.constant 0 : i32
        %dma_start3A_60 = tpu.memref_slice %arg4[%run_scoped3A_58, %dma_start3A] : memref<8x128xi32, #tpu.memory_space<vmem>> -> memref<1x128xi32, #tpu.memory_space<vmem>>
        %dma_start3A_61 = tpu.memref_squeeze %dma_start3A_60 : memref<1x128xi32, #tpu.memory_space<vmem>> -> memref<128xi32, #tpu.memory_space<vmem>>
        %dma_start3A_62 = arith.constant 0 : i32
        %dma_start3A_63 = arith.constant 0 : i32
        %dma_start3A_64 = tpu.memref_slice %arg6[%dma_start3A_62, %dma_start3A_63] : memref<10112x128xf32, #tpu.memory_space<vmem_shared>> -> memref<10112x128xf32, #tpu.memory_space<vmem_shared>>
        tpu.enqueue_indirect_dma source(%arg5 : memref<128x128xf32, #tpu.memory_space<vmem>>) target(%dma_start3A_64 : memref<10112x128xf32, #tpu.memory_space<vmem_shared>>) offsets(%dma_start3A_61 : memref<128xi32, #tpu.memory_space<vmem>>) semaphore(%run_scoped3A_59 : memref<!tpu.dma_semaphore, #tpu.memory_space<semaphore_mem>>) {add = true}
        %dma_wait3A = arith.constant 0 : i32
        %dma_wait3A_65 = tpu.memref_slice %arg4[%run_scoped3A_58, %dma_wait3A] : memref<8x128xi32, #tpu.memory_space<vmem>> -> memref<1x128xi32, #tpu.memory_space<vmem>>
        %dma_wait3A_66 = tpu.memref_squeeze %dma_wait3A_65 : memref<1x128xi32, #tpu.memory_space<vmem>> -> memref<128xi32, #tpu.memory_space<vmem>>
        %dma_wait3A_67 = arith.constant 0 : i32
        %dma_wait3A_68 = arith.constant 0 : i32
        %dma_wait3A_69 = tpu.memref_slice %arg6[%dma_wait3A_67, %dma_wait3A_68] : memref<10112x128xf32, #tpu.memory_space<vmem_shared>> -> memref<10112x128xf32, #tpu.memory_space<vmem_shared>>
        tpu.wait_indirect_dma semaphore(%run_scoped3A_59 : memref<!tpu.dma_semaphore, #tpu.memory_space<semaphore_mem>>) src(%arg5 : memref<128x128xf32, #tpu.memory_space<vmem>>) dst(%dma_wait3A_69 : memref<10112x128xf32, #tpu.memory_space<vmem_shared>>)
        tpu.yield
      }) : () -> ()
    }
    %scan3A_41 = arith.constant 20 : i32
    %barrier3A_42 = arith.constant 0 : index
    tpu.barrier barrier_id(%barrier3A_42)
    %mul3A_43 = arith.constant 632 : i32
    %mul3A_44 = arith.muli %arg1, %mul3A_43 : i32
    %mul3A_45 = arith.constant 10112 : i32
    %mul3A_46 = arith.muli %arg0, %mul3A_45 : i32
    %mul3A_47 = arith.constant 632 : i32
    %mul3A_48 = arith.muli %arg1, %mul3A_47 : i32
    %add3A_49 = arith.addi %mul3A_46, %mul3A_48 : i32
    "tpu.region"() ({
      %run_scoped3A = tpu.sem_alloc : memref<!tpu.dma_semaphore, #tpu.memory_space<semaphore_mem>>
      %dma_start3A = arith.constant 0 : i32
      %dma_start3A_50 = tpu.memref_slice %arg3[%add3A_49, %dma_start3A] : memref<20224x128xf32, #tpu.memory_space<hbm>> -> memref<632x128xf32, #tpu.memory_space<hbm>>
      %dma_start3A_51 = arith.constant 0 : i32
      %dma_start3A_52 = tpu.memref_slice %arg6[%mul3A_44, %dma_start3A_51] : memref<10112x128xf32, #tpu.memory_space<vmem_shared>> -> memref<632x128xf32, #tpu.memory_space<vmem_shared>>
      tpu.enqueue_dma source(%dma_start3A_52 : memref<632x128xf32, #tpu.memory_space<vmem_shared>>) target(%dma_start3A_50 : memref<632x128xf32, #tpu.memory_space<hbm>>) target_semaphore(%run_scoped3A : memref<!tpu.dma_semaphore, #tpu.memory_space<semaphore_mem>>)
      %dma_wait3A = arith.constant 0 : i32
      %dma_wait3A_53 = tpu.memref_slice %arg3[%add3A_49, %dma_wait3A] : memref<20224x128xf32, #tpu.memory_space<hbm>> -> memref<632x128xf32, #tpu.memory_space<hbm>>
      %dma_wait3A_54 = arith.constant 0 : i32
      %dma_wait3A_55 = tpu.memref_slice %arg6[%mul3A_44, %dma_wait3A_54] : memref<10112x128xf32, #tpu.memory_space<vmem_shared>> -> memref<632x128xf32, #tpu.memory_space<vmem_shared>>
      tpu.wait_dma2 semaphore(%run_scoped3A : memref<!tpu.dma_semaphore, #tpu.memory_space<semaphore_mem>>) src(%dma_wait3A_55 : memref<632x128xf32, #tpu.memory_space<vmem_shared>>) dst(%dma_wait3A_53 : memref<632x128xf32, #tpu.memory_space<hbm>>)
      tpu.yield
    }) : () -> ()
    return
  }
}

#map = affine_map<(d0, d1) -> (0, 0)>
#map1 = affine_map<(d0, d1) -> (0, 0, 0)>
module attributes {stable_mosaic.version = 14 : i64} {
  func.func @_agg_body(%arg0: i32, %arg1: i32, %arg2: memref<10000x128xf32, #tpu.memory_space<hbm>>, %arg3: memref<640x8x128xi32, #tpu.memory_space<hbm>>, %arg4: memref<20224x128xf32, #tpu.memory_space<hbm>>, %arg5: memref<8x128xi32, #tpu.memory_space<vmem>>, %arg6: memref<8x128xi32, #tpu.memory_space<vmem>>, %arg7: memref<128x128xf32, #tpu.memory_space<vmem>>, %arg8: memref<128x128xf32, #tpu.memory_space<vmem>>, %arg9: memref<10112x128xf32, #tpu.memory_space<vmem_shared>>, %arg10: memref<!tpu.dma_semaphore, #tpu.memory_space<semaphore_mem>>, %arg11: memref<!tpu.dma_semaphore, #tpu.memory_space<semaphore_mem>>, %arg12: memref<!tpu.dma_semaphore, #tpu.memory_space<semaphore_mem>>, %arg13: memref<!tpu.dma_semaphore, #tpu.memory_space<semaphore_mem>>) attributes {dimension_semantics = [#tpu.dimension_semantics<core_parallel>, #tpu.dimension_semantics<subcore_parallel>], iteration_bounds = array<i64: 2, 16>, scalar_prefetch = 0 : i64, scratch_operands = 9 : i64, tpu.core_type = #tpu.core_type<sc_vector_subcore>, window_params = [{transform_indices = #map}, {transform_indices = #map1}, {transform_indices = #map}]} {
    %mul3A = arith.constant 16 : i32
    %mul3A_0 = arith.muli %arg0, %mul3A : i32
    %add3A = arith.addi %mul3A_0, %arg1 : i32
    %mul3A_1 = arith.constant 20 : i32
    %mul3A_2 = arith.muli %add3A, %mul3A_1 : i32
    %broadcast_in_dim3A = arith.constant 0.000000e+00 : f32
    %broadcast_in_dim3A_3 = vector.broadcast %broadcast_in_dim3A : f32 to vector<16xf32>
    %scan3A = arith.constant 0 : i32
    %scan3A_4 = arith.constant 128 : i32
    %scan3A_5 = arith.addi %scan3A, %scan3A_4 : i32
    %scan3A_6 = arith.constant 1 : i32
    scf.for %scan3A_198 = %scan3A to %scan3A_5 step %scan3A_6  : i32 {
      %mul3A_199 = arith.constant 1 : i32
      %mul3A_200 = arith.muli %scan3A_198, %mul3A_199 : i32
      %add3A_201 = arith.constant 0 : i32
      %add3A_202 = arith.addi %add3A_201, %mul3A_200 : i32
      %swap3A = arith.index_cast %add3A_202 : i32 to index
      %swap3A_203 = arith.constant 0 : index
      %swap3A_204 = tpu.vector_load %arg7[%swap3A, %swap3A_203] {strides = array<i32>} : memref<128x128xf32, #tpu.memory_space<vmem>>, vector<1x16xf32>,
      %swap3A_205 = vector.shape_cast %swap3A_204 : vector<1x16xf32> to vector<16xf32>
      %swap3A_206 = vector.shape_cast %broadcast_in_dim3A_3 : vector<16xf32> to vector<1x16xf32>
      tpu.vector_store %arg7[%swap3A, %swap3A_203], %swap3A_206 {strides = array<i32>} : memref<128x128xf32, #tpu.memory_space<vmem>>, vector<1x16xf32>,
      %swap3A_207 = arith.index_cast %add3A_202 : i32 to index
      %swap3A_208 = arith.constant 16 : index
      %swap3A_209 = tpu.vector_load %arg7[%swap3A_207, %swap3A_208] {strides = array<i32>} : memref<128x128xf32, #tpu.memory_space<vmem>>, vector<1x16xf32>,
      %swap3A_210 = vector.shape_cast %swap3A_209 : vector<1x16xf32> to vector<16xf32>
      %swap3A_211 = vector.shape_cast %broadcast_in_dim3A_3 : vector<16xf32> to vector<1x16xf32>
      tpu.vector_store %arg7[%swap3A_207, %swap3A_208], %swap3A_211 {strides = array<i32>} : memref<128x128xf32, #tpu.memory_space<vmem>>, vector<1x16xf32>,
      %swap3A_212 = arith.index_cast %add3A_202 : i32 to index
      %swap3A_213 = arith.constant 32 : index
      %swap3A_214 = tpu.vector_load %arg7[%swap3A_212, %swap3A_213] {strides = array<i32>} : memref<128x128xf32, #tpu.memory_space<vmem>>, vector<1x16xf32>,
      %swap3A_215 = vector.shape_cast %swap3A_214 : vector<1x16xf32> to vector<16xf32>
      %swap3A_216 = vector.shape_cast %broadcast_in_dim3A_3 : vector<16xf32> to vector<1x16xf32>
      tpu.vector_store %arg7[%swap3A_212, %swap3A_213], %swap3A_216 {strides = array<i32>} : memref<128x128xf32, #tpu.memory_space<vmem>>, vector<1x16xf32>,
      %swap3A_217 = arith.index_cast %add3A_202 : i32 to index
      %swap3A_218 = arith.constant 48 : index
      %swap3A_219 = tpu.vector_load %arg7[%swap3A_217, %swap3A_218] {strides = array<i32>} : memref<128x128xf32, #tpu.memory_space<vmem>>, vector<1x16xf32>,
      %swap3A_220 = vector.shape_cast %swap3A_219 : vector<1x16xf32> to vector<16xf32>
      %swap3A_221 = vector.shape_cast %broadcast_in_dim3A_3 : vector<16xf32> to vector<1x16xf32>
      tpu.vector_store %arg7[%swap3A_217, %swap3A_218], %swap3A_221 {strides = array<i32>} : memref<128x128xf32, #tpu.memory_space<vmem>>, vector<1x16xf32>,
      %swap3A_222 = arith.index_cast %add3A_202 : i32 to index
      %swap3A_223 = arith.constant 64 : index
      %swap3A_224 = tpu.vector_load %arg7[%swap3A_222, %swap3A_223] {strides = array<i32>} : memref<128x128xf32, #tpu.memory_space<vmem>>, vector<1x16xf32>,
      %swap3A_225 = vector.shape_cast %swap3A_224 : vector<1x16xf32> to vector<16xf32>
      %swap3A_226 = vector.shape_cast %broadcast_in_dim3A_3 : vector<16xf32> to vector<1x16xf32>
      tpu.vector_store %arg7[%swap3A_222, %swap3A_223], %swap3A_226 {strides = array<i32>} : memref<128x128xf32, #tpu.memory_space<vmem>>, vector<1x16xf32>,
      %swap3A_227 = arith.index_cast %add3A_202 : i32 to index
      %swap3A_228 = arith.constant 80 : index
      %swap3A_229 = tpu.vector_load %arg7[%swap3A_227, %swap3A_228] {strides = array<i32>} : memref<128x128xf32, #tpu.memory_space<vmem>>, vector<1x16xf32>,
      %swap3A_230 = vector.shape_cast %swap3A_229 : vector<1x16xf32> to vector<16xf32>
      %swap3A_231 = vector.shape_cast %broadcast_in_dim3A_3 : vector<16xf32> to vector<1x16xf32>
      tpu.vector_store %arg7[%swap3A_227, %swap3A_228], %swap3A_231 {strides = array<i32>} : memref<128x128xf32, #tpu.memory_space<vmem>>, vector<1x16xf32>,
      %swap3A_232 = arith.index_cast %add3A_202 : i32 to index
      %swap3A_233 = arith.constant 96 : index
      %swap3A_234 = tpu.vector_load %arg7[%swap3A_232, %swap3A_233] {strides = array<i32>} : memref<128x128xf32, #tpu.memory_space<vmem>>, vector<1x16xf32>,
      %swap3A_235 = vector.shape_cast %swap3A_234 : vector<1x16xf32> to vector<16xf32>
      %swap3A_236 = vector.shape_cast %broadcast_in_dim3A_3 : vector<16xf32> to vector<1x16xf32>
      tpu.vector_store %arg7[%swap3A_232, %swap3A_233], %swap3A_236 {strides = array<i32>} : memref<128x128xf32, #tpu.memory_space<vmem>>, vector<1x16xf32>,
      %swap3A_237 = arith.index_cast %add3A_202 : i32 to index
      %swap3A_238 = arith.constant 112 : index
      %swap3A_239 = tpu.vector_load %arg7[%swap3A_237, %swap3A_238] {strides = array<i32>} : memref<128x128xf32, #tpu.memory_space<vmem>>, vector<1x16xf32>,
      %swap3A_240 = vector.shape_cast %swap3A_239 : vector<1x16xf32> to vector<16xf32>
      %swap3A_241 = vector.shape_cast %broadcast_in_dim3A_3 : vector<16xf32> to vector<1x16xf32>
      tpu.vector_store %arg7[%swap3A_237, %swap3A_238], %swap3A_241 {strides = array<i32>} : memref<128x128xf32, #tpu.memory_space<vmem>>, vector<1x16xf32>,
    }
    %scan3A_7 = arith.constant 128 : i32
    %mul3A_8 = arith.constant 632 : i32
    %mul3A_9 = arith.muli %arg1, %mul3A_8 : i32
    %add3A_10 = arith.constant 0 : i32
    %add3A_11 = arith.addi %mul3A_9, %add3A_10 : i32
    "tpu.region"() ({
      %run_scoped3A_198 = tpu.sem_alloc : memref<!tpu.dma_semaphore, #tpu.memory_space<semaphore_mem>>
      %dma_start3A_199 = arith.constant 0 : i32
      %dma_start3A_200 = tpu.memref_slice %arg9[%add3A_11, %dma_start3A_199] : memref<10112x128xf32, #tpu.memory_space<vmem_shared>> -> memref<128x128xf32, #tpu.memory_space<vmem_shared>>
      %dma_start3A_201 = arith.constant 0 : i32
      %dma_start3A_202 = tpu.memref_slice %arg9[%add3A_11, %dma_start3A_201] : memref<10112x128xf32, #tpu.memory_space<vmem_shared>> -> memref<128x128xf32, #tpu.memory_space<vmem_shared>>
      tpu.enqueue_dma source(%arg7 : memref<128x128xf32, #tpu.memory_space<vmem>>) target(%dma_start3A_202 : memref<128x128xf32, #tpu.memory_space<vmem_shared>>) target_semaphore(%run_scoped3A_198 : memref<!tpu.dma_semaphore, #tpu.memory_space<semaphore_mem>>)
      %dma_wait3A_203 = arith.constant 0 : i32
      %dma_wait3A_204 = tpu.memref_slice %arg9[%add3A_11, %dma_wait3A_203] : memref<10112x128xf32, #tpu.memory_space<vmem_shared>> -> memref<128x128xf32, #tpu.memory_space<vmem_shared>>
      %dma_wait3A_205 = arith.constant 0 : i32
      %dma_wait3A_206 = tpu.memref_slice %arg9[%add3A_11, %dma_wait3A_205] : memref<10112x128xf32, #tpu.memory_space<vmem_shared>> -> memref<128x128xf32, #tpu.memory_space<vmem_shared>>
      tpu.wait_dma2 semaphore(%run_scoped3A_198 : memref<!tpu.dma_semaphore, #tpu.memory_space<semaphore_mem>>) src(%arg7 : memref<128x128xf32, #tpu.memory_space<vmem>>) dst(%dma_wait3A_206 : memref<128x128xf32, #tpu.memory_space<vmem_shared>>)
      tpu.yield
    }) : () -> ()
    %mul3A_12 = arith.constant 632 : i32
    %mul3A_13 = arith.muli %arg1, %mul3A_12 : i32
    %add3A_14 = arith.constant 128 : i32
    %add3A_15 = arith.addi %mul3A_13, %add3A_14 : i32
    "tpu.region"() ({
      %run_scoped3A_198 = tpu.sem_alloc : memref<!tpu.dma_semaphore, #tpu.memory_space<semaphore_mem>>
      %dma_start3A_199 = arith.constant 0 : i32
      %dma_start3A_200 = tpu.memref_slice %arg9[%add3A_15, %dma_start3A_199] : memref<10112x128xf32, #tpu.memory_space<vmem_shared>> -> memref<128x128xf32, #tpu.memory_space<vmem_shared>>
      %dma_start3A_201 = arith.constant 0 : i32
      %dma_start3A_202 = tpu.memref_slice %arg9[%add3A_15, %dma_start3A_201] : memref<10112x128xf32, #tpu.memory_space<vmem_shared>> -> memref<128x128xf32, #tpu.memory_space<vmem_shared>>
      tpu.enqueue_dma source(%arg7 : memref<128x128xf32, #tpu.memory_space<vmem>>) target(%dma_start3A_202 : memref<128x128xf32, #tpu.memory_space<vmem_shared>>) target_semaphore(%run_scoped3A_198 : memref<!tpu.dma_semaphore, #tpu.memory_space<semaphore_mem>>)
      %dma_wait3A_203 = arith.constant 0 : i32
      %dma_wait3A_204 = tpu.memref_slice %arg9[%add3A_15, %dma_wait3A_203] : memref<10112x128xf32, #tpu.memory_space<vmem_shared>> -> memref<128x128xf32, #tpu.memory_space<vmem_shared>>
      %dma_wait3A_205 = arith.constant 0 : i32
      %dma_wait3A_206 = tpu.memref_slice %arg9[%add3A_15, %dma_wait3A_205] : memref<10112x128xf32, #tpu.memory_space<vmem_shared>> -> memref<128x128xf32, #tpu.memory_space<vmem_shared>>
      tpu.wait_dma2 semaphore(%run_scoped3A_198 : memref<!tpu.dma_semaphore, #tpu.memory_space<semaphore_mem>>) src(%arg7 : memref<128x128xf32, #tpu.memory_space<vmem>>) dst(%dma_wait3A_206 : memref<128x128xf32, #tpu.memory_space<vmem_shared>>)
      tpu.yield
    }) : () -> ()
    %mul3A_16 = arith.constant 632 : i32
    %mul3A_17 = arith.muli %arg1, %mul3A_16 : i32
    %add3A_18 = arith.constant 256 : i32
    %add3A_19 = arith.addi %mul3A_17, %add3A_18 : i32
    "tpu.region"() ({
      %run_scoped3A_198 = tpu.sem_alloc : memref<!tpu.dma_semaphore, #tpu.memory_space<semaphore_mem>>
      %dma_start3A_199 = arith.constant 0 : i32
      %dma_start3A_200 = tpu.memref_slice %arg9[%add3A_19, %dma_start3A_199] : memref<10112x128xf32, #tpu.memory_space<vmem_shared>> -> memref<128x128xf32, #tpu.memory_space<vmem_shared>>
      %dma_start3A_201 = arith.constant 0 : i32
      %dma_start3A_202 = tpu.memref_slice %arg9[%add3A_19, %dma_start3A_201] : memref<10112x128xf32, #tpu.memory_space<vmem_shared>> -> memref<128x128xf32, #tpu.memory_space<vmem_shared>>
      tpu.enqueue_dma source(%arg7 : memref<128x128xf32, #tpu.memory_space<vmem>>) target(%dma_start3A_202 : memref<128x128xf32, #tpu.memory_space<vmem_shared>>) target_semaphore(%run_scoped3A_198 : memref<!tpu.dma_semaphore, #tpu.memory_space<semaphore_mem>>)
      %dma_wait3A_203 = arith.constant 0 : i32
      %dma_wait3A_204 = tpu.memref_slice %arg9[%add3A_19, %dma_wait3A_203] : memref<10112x128xf32, #tpu.memory_space<vmem_shared>> -> memref<128x128xf32, #tpu.memory_space<vmem_shared>>
      %dma_wait3A_205 = arith.constant 0 : i32
      %dma_wait3A_206 = tpu.memref_slice %arg9[%add3A_19, %dma_wait3A_205] : memref<10112x128xf32, #tpu.memory_space<vmem_shared>> -> memref<128x128xf32, #tpu.memory_space<vmem_shared>>
      tpu.wait_dma2 semaphore(%run_scoped3A_198 : memref<!tpu.dma_semaphore, #tpu.memory_space<semaphore_mem>>) src(%arg7 : memref<128x128xf32, #tpu.memory_space<vmem>>) dst(%dma_wait3A_206 : memref<128x128xf32, #tpu.memory_space<vmem_shared>>)
      tpu.yield
    }) : () -> ()
    %mul3A_20 = arith.constant 632 : i32
    %mul3A_21 = arith.muli %arg1, %mul3A_20 : i32
    %add3A_22 = arith.constant 384 : i32
    %add3A_23 = arith.addi %mul3A_21, %add3A_22 : i32
    "tpu.region"() ({
      %run_scoped3A_198 = tpu.sem_alloc : memref<!tpu.dma_semaphore, #tpu.memory_space<semaphore_mem>>
      %dma_start3A_199 = arith.constant 0 : i32
      %dma_start3A_200 = tpu.memref_slice %arg9[%add3A_23, %dma_start3A_199] : memref<10112x128xf32, #tpu.memory_space<vmem_shared>> -> memref<128x128xf32, #tpu.memory_space<vmem_shared>>
      %dma_start3A_201 = arith.constant 0 : i32
      %dma_start3A_202 = tpu.memref_slice %arg9[%add3A_23, %dma_start3A_201] : memref<10112x128xf32, #tpu.memory_space<vmem_shared>> -> memref<128x128xf32, #tpu.memory_space<vmem_shared>>
      tpu.enqueue_dma source(%arg7 : memref<128x128xf32, #tpu.memory_space<vmem>>) target(%dma_start3A_202 : memref<128x128xf32, #tpu.memory_space<vmem_shared>>) target_semaphore(%run_scoped3A_198 : memref<!tpu.dma_semaphore, #tpu.memory_space<semaphore_mem>>)
      %dma_wait3A_203 = arith.constant 0 : i32
      %dma_wait3A_204 = tpu.memref_slice %arg9[%add3A_23, %dma_wait3A_203] : memref<10112x128xf32, #tpu.memory_space<vmem_shared>> -> memref<128x128xf32, #tpu.memory_space<vmem_shared>>
      %dma_wait3A_205 = arith.constant 0 : i32
      %dma_wait3A_206 = tpu.memref_slice %arg9[%add3A_23, %dma_wait3A_205] : memref<10112x128xf32, #tpu.memory_space<vmem_shared>> -> memref<128x128xf32, #tpu.memory_space<vmem_shared>>
      tpu.wait_dma2 semaphore(%run_scoped3A_198 : memref<!tpu.dma_semaphore, #tpu.memory_space<semaphore_mem>>) src(%arg7 : memref<128x128xf32, #tpu.memory_space<vmem>>) dst(%dma_wait3A_206 : memref<128x128xf32, #tpu.memory_space<vmem_shared>>)
      tpu.yield
    }) : () -> ()
    %mul3A_24 = arith.constant 632 : i32
    %mul3A_25 = arith.muli %arg1, %mul3A_24 : i32
    %add3A_26 = arith.constant 512 : i32
    %add3A_27 = arith.addi %mul3A_25, %add3A_26 : i32
    "tpu.region"() ({
      %run_scoped3A_198 = tpu.sem_alloc : memref<!tpu.dma_semaphore, #tpu.memory_space<semaphore_mem>>
      %dma_start3A_199 = arith.constant 0 : i32
      %dma_start3A_200 = arith.constant 0 : i32
      %dma_start3A_201 = tpu.memref_slice %arg7[%dma_start3A_199, %dma_start3A_200] : memref<128x128xf32, #tpu.memory_space<vmem>> -> memref<120x128xf32, #tpu.memory_space<vmem>>
      %dma_start3A_202 = arith.constant 0 : i32
      %dma_start3A_203 = tpu.memref_slice %arg9[%add3A_27, %dma_start3A_202] : memref<10112x128xf32, #tpu.memory_space<vmem_shared>> -> memref<120x128xf32, #tpu.memory_space<vmem_shared>>
      %dma_start3A_204 = arith.constant 0 : i32
      %dma_start3A_205 = tpu.memref_slice %arg9[%add3A_27, %dma_start3A_204] : memref<10112x128xf32, #tpu.memory_space<vmem_shared>> -> memref<120x128xf32, #tpu.memory_space<vmem_shared>>
      %dma_start3A_206 = arith.constant 0 : i32
      %dma_start3A_207 = arith.constant 0 : i32
      %dma_start3A_208 = tpu.memref_slice %arg7[%dma_start3A_206, %dma_start3A_207] : memref<128x128xf32, #tpu.memory_space<vmem>> -> memref<120x128xf32, #tpu.memory_space<vmem>>
      tpu.enqueue_dma source(%dma_start3A_208 : memref<120x128xf32, #tpu.memory_space<vmem>>) target(%dma_start3A_205 : memref<120x128xf32, #tpu.memory_space<vmem_shared>>) target_semaphore(%run_scoped3A_198 : memref<!tpu.dma_semaphore, #tpu.memory_space<semaphore_mem>>)
      %dma_wait3A_209 = arith.constant 0 : i32
      %dma_wait3A_210 = arith.constant 0 : i32
      %dma_wait3A_211 = tpu.memref_slice %arg7[%dma_wait3A_209, %dma_wait3A_210] : memref<128x128xf32, #tpu.memory_space<vmem>> -> memref<120x128xf32, #tpu.memory_space<vmem>>
      %dma_wait3A_212 = arith.constant 0 : i32
      %dma_wait3A_213 = tpu.memref_slice %arg9[%add3A_27, %dma_wait3A_212] : memref<10112x128xf32, #tpu.memory_space<vmem_shared>> -> memref<120x128xf32, #tpu.memory_space<vmem_shared>>
      %dma_wait3A_214 = arith.constant 0 : i32
      %dma_wait3A_215 = tpu.memref_slice %arg9[%add3A_27, %dma_wait3A_214] : memref<10112x128xf32, #tpu.memory_space<vmem_shared>> -> memref<120x128xf32, #tpu.memory_space<vmem_shared>>
      %dma_wait3A_216 = arith.constant 0 : i32
      %dma_wait3A_217 = arith.constant 0 : i32
      %dma_wait3A_218 = tpu.memref_slice %arg7[%dma_wait3A_216, %dma_wait3A_217] : memref<128x128xf32, #tpu.memory_space<vmem>> -> memref<120x128xf32, #tpu.memory_space<vmem>>
      tpu.wait_dma2 semaphore(%run_scoped3A_198 : memref<!tpu.dma_semaphore, #tpu.memory_space<semaphore_mem>>) src(%dma_wait3A_218 : memref<120x128xf32, #tpu.memory_space<vmem>>) dst(%dma_wait3A_215 : memref<120x128xf32, #tpu.memory_space<vmem_shared>>)
      tpu.yield
    }) : () -> ()
    %barrier3A = arith.constant 0 : index
    tpu.barrier barrier_id(%barrier3A)
    %add3A_28 = arith.constant 0 : i32
    %add3A_29 = arith.addi %mul3A_2, %add3A_28 : i32
    %dma_start3A = arith.constant 0 : i32
    %dma_start3A_30 = arith.constant 0 : i32
    %dma_start3A_31 = tpu.memref_slice %arg3[%add3A_29, %dma_start3A, %dma_start3A_30] : memref<640x8x128xi32, #tpu.memory_space<hbm>> -> memref<1x8x128xi32, #tpu.memory_space<hbm>>
    %dma_start3A_32 = tpu.memref_squeeze %dma_start3A_31 : memref<1x8x128xi32, #tpu.memory_space<hbm>> -> memref<8x128xi32, #tpu.memory_space<hbm>>
    %dma_start3A_33 = arith.constant 0 : i32
    %dma_start3A_34 = arith.constant 0 : i32
    %dma_start3A_35 = tpu.memref_slice %arg3[%add3A_29, %dma_start3A_33, %dma_start3A_34] : memref<640x8x128xi32, #tpu.memory_space<hbm>> -> memref<1x8x128xi32, #tpu.memory_space<hbm>>
    %dma_start3A_36 = tpu.memref_squeeze %dma_start3A_35 : memref<1x8x128xi32, #tpu.memory_space<hbm>> -> memref<8x128xi32, #tpu.memory_space<hbm>>
    tpu.enqueue_dma source(%dma_start3A_36 : memref<8x128xi32, #tpu.memory_space<hbm>>) target(%arg5 : memref<8x128xi32, #tpu.memory_space<vmem>>) target_semaphore(%arg10 : memref<!tpu.dma_semaphore, #tpu.memory_space<semaphore_mem>>)
    %add3A_37 = arith.constant 1 : i32
    %add3A_38 = arith.addi %mul3A_2, %add3A_37 : i32
    %dma_start3A_39 = arith.constant 0 : i32
    %dma_start3A_40 = arith.constant 0 : i32
    %dma_start3A_41 = tpu.memref_slice %arg3[%add3A_38, %dma_start3A_39, %dma_start3A_40] : memref<640x8x128xi32, #tpu.memory_space<hbm>> -> memref<1x8x128xi32, #tpu.memory_space<hbm>>
    %dma_start3A_42 = tpu.memref_squeeze %dma_start3A_41 : memref<1x8x128xi32, #tpu.memory_space<hbm>> -> memref<8x128xi32, #tpu.memory_space<hbm>>
    %dma_start3A_43 = arith.constant 0 : i32
    %dma_start3A_44 = arith.constant 0 : i32
    %dma_start3A_45 = tpu.memref_slice %arg3[%add3A_38, %dma_start3A_43, %dma_start3A_44] : memref<640x8x128xi32, #tpu.memory_space<hbm>> -> memref<1x8x128xi32, #tpu.memory_space<hbm>>
    %dma_start3A_46 = tpu.memref_squeeze %dma_start3A_45 : memref<1x8x128xi32, #tpu.memory_space<hbm>> -> memref<8x128xi32, #tpu.memory_space<hbm>>
    tpu.enqueue_dma source(%dma_start3A_46 : memref<8x128xi32, #tpu.memory_space<hbm>>) target(%arg6 : memref<8x128xi32, #tpu.memory_space<vmem>>) target_semaphore(%arg11 : memref<!tpu.dma_semaphore, #tpu.memory_space<semaphore_mem>>)
    %add3A_47 = arith.constant 0 : i32
    %add3A_48 = arith.addi %mul3A_2, %add3A_47 : i32
    %dma_wait3A = arith.constant 0 : i32
    %dma_wait3A_49 = arith.constant 0 : i32
    %dma_wait3A_50 = tpu.memref_slice %arg3[%add3A_48, %dma_wait3A, %dma_wait3A_49] : memref<640x8x128xi32, #tpu.memory_space<hbm>> -> memref<1x8x128xi32, #tpu.memory_space<hbm>>
    %dma_wait3A_51 = tpu.memref_squeeze %dma_wait3A_50 : memref<1x8x128xi32, #tpu.memory_space<hbm>> -> memref<8x128xi32, #tpu.memory_space<hbm>>
    %dma_wait3A_52 = arith.constant 0 : i32
    %dma_wait3A_53 = arith.constant 0 : i32
    %dma_wait3A_54 = tpu.memref_slice %arg3[%add3A_48, %dma_wait3A_52, %dma_wait3A_53] : memref<640x8x128xi32, #tpu.memory_space<hbm>> -> memref<1x8x128xi32, #tpu.memory_space<hbm>>
    %dma_wait3A_55 = tpu.memref_squeeze %dma_wait3A_54 : memref<1x8x128xi32, #tpu.memory_space<hbm>> -> memref<8x128xi32, #tpu.memory_space<hbm>>
    tpu.wait_dma2 semaphore(%arg10 : memref<!tpu.dma_semaphore, #tpu.memory_space<semaphore_mem>>) src(%dma_wait3A_55 : memref<8x128xi32, #tpu.memory_space<hbm>>) dst(%arg5 : memref<8x128xi32, #tpu.memory_space<vmem>>)
    %dma_start3A_56 = arith.constant 0 : i32
    %dma_start3A_57 = arith.constant 0 : i32
    %dma_start3A_58 = tpu.memref_slice %arg5[%dma_start3A_56, %dma_start3A_57] : memref<8x128xi32, #tpu.memory_space<vmem>> -> memref<1x128xi32, #tpu.memory_space<vmem>>
    %dma_start3A_59 = tpu.memref_squeeze %dma_start3A_58 : memref<1x128xi32, #tpu.memory_space<vmem>> -> memref<128xi32, #tpu.memory_space<vmem>>
    %dma_start3A_60 = arith.constant 0 : i32
    %dma_start3A_61 = arith.constant 0 : i32
    %dma_start3A_62 = tpu.memref_slice %arg2[%dma_start3A_60, %dma_start3A_61] : memref<10000x128xf32, #tpu.memory_space<hbm>> -> memref<10000x128xf32, #tpu.memory_space<hbm>>
    tpu.enqueue_indirect_dma source(%dma_start3A_62 : memref<10000x128xf32, #tpu.memory_space<hbm>>) target(%arg7 : memref<128x128xf32, #tpu.memory_space<vmem>>) offsets(%dma_start3A_59 : memref<128xi32, #tpu.memory_space<vmem>>) semaphore(%arg12 : memref<!tpu.dma_semaphore, #tpu.memory_space<semaphore_mem>>)
    %scan3A_63 = arith.constant 0 : i32
    %scan3A_64 = arith.constant 9 : i32
    %scan3A_65 = arith.addi %scan3A_63, %scan3A_64 : i32
    %scan3A_66 = arith.constant 1 : i32
    scf.for %scan3A_198 = %scan3A_63 to %scan3A_65 step %scan3A_66  : i32 {
      %mul3A_199 = arith.constant 2 : i32
      %mul3A_200 = arith.muli %scan3A_198, %mul3A_199 : i32
      %add3A_201 = arith.constant 0 : i32
      %add3A_202 = arith.addi %add3A_201, %mul3A_200 : i32
      %dma_start3A_203 = arith.constant 1 : i32
      %dma_start3A_204 = arith.constant 0 : i32
      %dma_start3A_205 = tpu.memref_slice %arg5[%dma_start3A_203, %dma_start3A_204] : memref<8x128xi32, #tpu.memory_space<vmem>> -> memref<1x128xi32, #tpu.memory_space<vmem>>
      %dma_start3A_206 = tpu.memref_squeeze %dma_start3A_205 : memref<1x128xi32, #tpu.memory_space<vmem>> -> memref<128xi32, #tpu.memory_space<vmem>>
      %dma_start3A_207 = arith.constant 0 : i32
      %dma_start3A_208 = arith.constant 0 : i32
      %dma_start3A_209 = tpu.memref_slice %arg2[%dma_start3A_207, %dma_start3A_208] : memref<10000x128xf32, #tpu.memory_space<hbm>> -> memref<10000x128xf32, #tpu.memory_space<hbm>>
      tpu.enqueue_indirect_dma source(%dma_start3A_209 : memref<10000x128xf32, #tpu.memory_space<hbm>>) target(%arg8 : memref<128x128xf32, #tpu.memory_space<vmem>>) offsets(%dma_start3A_206 : memref<128xi32, #tpu.memory_space<vmem>>) semaphore(%arg13 : memref<!tpu.dma_semaphore, #tpu.memory_space<semaphore_mem>>)
      %dma_wait3A_210 = arith.constant 0 : i32
      %dma_wait3A_211 = arith.constant 0 : i32
      %dma_wait3A_212 = tpu.memref_slice %arg5[%dma_wait3A_210, %dma_wait3A_211] : memref<8x128xi32, #tpu.memory_space<vmem>> -> memref<1x128xi32, #tpu.memory_space<vmem>>
      %dma_wait3A_213 = tpu.memref_squeeze %dma_wait3A_212 : memref<1x128xi32, #tpu.memory_space<vmem>> -> memref<128xi32, #tpu.memory_space<vmem>>
      %dma_wait3A_214 = arith.constant 0 : i32
      %dma_wait3A_215 = arith.constant 0 : i32
      %dma_wait3A_216 = tpu.memref_slice %arg2[%dma_wait3A_214, %dma_wait3A_215] : memref<10000x128xf32, #tpu.memory_space<hbm>> -> memref<10000x128xf32, #tpu.memory_space<hbm>>
      tpu.wait_indirect_dma semaphore(%arg12 : memref<!tpu.dma_semaphore, #tpu.memory_space<semaphore_mem>>) src(%dma_wait3A_216 : memref<10000x128xf32, #tpu.memory_space<hbm>>) dst(%arg7 : memref<128x128xf32, #tpu.memory_space<vmem>>)
      %run_scoped3A_217 = arith.constant 4 : i32
      "tpu.region"() ({
        %run_scoped3A_367 = tpu.sem_alloc : memref<!tpu.dma_semaphore, #tpu.memory_space<semaphore_mem>>
        %dma_start3A_368 = arith.constant 0 : i32
        %dma_start3A_369 = tpu.memref_slice %arg5[%run_scoped3A_217, %dma_start3A_368] : memref<8x128xi32, #tpu.memory_space<vmem>> -> memref<1x128xi32, #tpu.memory_space<vmem>>
        %dma_start3A_370 = tpu.memref_squeeze %dma_start3A_369 : memref<1x128xi32, #tpu.memory_space<vmem>> -> memref<128xi32, #tpu.memory_space<vmem>>
        %dma_start3A_371 = arith.constant 0 : i32
        %dma_start3A_372 = arith.constant 0 : i32
        %dma_start3A_373 = tpu.memref_slice %arg9[%dma_start3A_371, %dma_start3A_372] : memref<10112x128xf32, #tpu.memory_space<vmem_shared>> -> memref<10112x128xf32, #tpu.memory_space<vmem_shared>>
        tpu.enqueue_indirect_dma source(%arg7 : memref<128x128xf32, #tpu.memory_space<vmem>>) target(%dma_start3A_373 : memref<10112x128xf32, #tpu.memory_space<vmem_shared>>) offsets(%dma_start3A_370 : memref<128xi32, #tpu.memory_space<vmem>>) semaphore(%run_scoped3A_367 : memref<!tpu.dma_semaphore, #tpu.memory_space<semaphore_mem>>) {add = true}
        %dma_wait3A_374 = arith.constant 0 : i32
        %dma_wait3A_375 = tpu.memref_slice %arg5[%run_scoped3A_217, %dma_wait3A_374] : memref<8x128xi32, #tpu.memory_space<vmem>> -> memref<1x128xi32, #tpu.memory_space<vmem>>
        %dma_wait3A_376 = tpu.memref_squeeze %dma_wait3A_375 : memref<1x128xi32, #tpu.memory_space<vmem>> -> memref<128xi32, #tpu.memory_space<vmem>>
        %dma_wait3A_377 = arith.constant 0 : i32
        %dma_wait3A_378 = arith.constant 0 : i32
        %dma_wait3A_379 = tpu.memref_slice %arg9[%dma_wait3A_377, %dma_wait3A_378] : memref<10112x128xf32, #tpu.memory_space<vmem_shared>> -> memref<10112x128xf32, #tpu.memory_space<vmem_shared>>
        tpu.wait_indirect_dma semaphore(%run_scoped3A_367 : memref<!tpu.dma_semaphore, #tpu.memory_space<semaphore_mem>>) src(%arg7 : memref<128x128xf32, #tpu.memory_space<vmem>>) dst(%dma_wait3A_379 : memref<10112x128xf32, #tpu.memory_space<vmem_shared>>)
        tpu.yield
      }) : () -> ()
      %dma_start3A_218 = arith.constant 2 : i32
      %dma_start3A_219 = arith.constant 0 : i32
      %dma_start3A_220 = tpu.memref_slice %arg5[%dma_start3A_218, %dma_start3A_219] : memref<8x128xi32, #tpu.memory_space<vmem>> -> memref<1x128xi32, #tpu.memory_space<vmem>>
      %dma_start3A_221 = tpu.memref_squeeze %dma_start3A_220 : memref<1x128xi32, #tpu.memory_space<vmem>> -> memref<128xi32, #tpu.memory_space<vmem>>
      %dma_start3A_222 = arith.constant 0 : i32
      %dma_start3A_223 = arith.constant 0 : i32
      %dma_start3A_224 = tpu.memref_slice %arg2[%dma_start3A_222, %dma_start3A_223] : memref<10000x128xf32, #tpu.memory_space<hbm>> -> memref<10000x128xf32, #tpu.memory_space<hbm>>
      tpu.enqueue_indirect_dma source(%dma_start3A_224 : memref<10000x128xf32, #tpu.memory_space<hbm>>) target(%arg7 : memref<128x128xf32, #tpu.memory_space<vmem>>) offsets(%dma_start3A_221 : memref<128xi32, #tpu.memory_space<vmem>>) semaphore(%arg12 : memref<!tpu.dma_semaphore, #tpu.memory_space<semaphore_mem>>)
      %dma_wait3A_225 = arith.constant 1 : i32
      %dma_wait3A_226 = arith.constant 0 : i32
      %dma_wait3A_227 = tpu.memref_slice %arg5[%dma_wait3A_225, %dma_wait3A_226] : memref<8x128xi32, #tpu.memory_space<vmem>> -> memref<1x128xi32, #tpu.memory_space<vmem>>
      %dma_wait3A_228 = tpu.memref_squeeze %dma_wait3A_227 : memref<1x128xi32, #tpu.memory_space<vmem>> -> memref<128xi32, #tpu.memory_space<vmem>>
      %dma_wait3A_229 = arith.constant 0 : i32
      %dma_wait3A_230 = arith.constant 0 : i32
      %dma_wait3A_231 = tpu.memref_slice %arg2[%dma_wait3A_229, %dma_wait3A_230] : memref<10000x128xf32, #tpu.memory_space<hbm>> -> memref<10000x128xf32, #tpu.memory_space<hbm>>
      tpu.wait_indirect_dma semaphore(%arg13 : memref<!tpu.dma_semaphore, #tpu.memory_space<semaphore_mem>>) src(%dma_wait3A_231 : memref<10000x128xf32, #tpu.memory_space<hbm>>) dst(%arg8 : memref<128x128xf32, #tpu.memory_space<vmem>>)
      %run_scoped3A_232 = arith.constant 5 : i32
      "tpu.region"() ({
        %run_scoped3A_367 = tpu.sem_alloc : memref<!tpu.dma_semaphore, #tpu.memory_space<semaphore_mem>>
        %dma_start3A_368 = arith.constant 0 : i32
        %dma_start3A_369 = tpu.memref_slice %arg5[%run_scoped3A_232, %dma_start3A_368] : memref<8x128xi32, #tpu.memory_space<vmem>> -> memref<1x128xi32, #tpu.memory_space<vmem>>
        %dma_start3A_370 = tpu.memref_squeeze %dma_start3A_369 : memref<1x128xi32, #tpu.memory_space<vmem>> -> memref<128xi32, #tpu.memory_space<vmem>>
        %dma_start3A_371 = arith.constant 0 : i32
        %dma_start3A_372 = arith.constant 0 : i32
        %dma_start3A_373 = tpu.memref_slice %arg9[%dma_start3A_371, %dma_start3A_372] : memref<10112x128xf32, #tpu.memory_space<vmem_shared>> -> memref<10112x128xf32, #tpu.memory_space<vmem_shared>>
        tpu.enqueue_indirect_dma source(%arg8 : memref<128x128xf32, #tpu.memory_space<vmem>>) target(%dma_start3A_373 : memref<10112x128xf32, #tpu.memory_space<vmem_shared>>) offsets(%dma_start3A_370 : memref<128xi32, #tpu.memory_space<vmem>>) semaphore(%run_scoped3A_367 : memref<!tpu.dma_semaphore, #tpu.memory_space<semaphore_mem>>) {add = true}
        %dma_wait3A_374 = arith.constant 0 : i32
        %dma_wait3A_375 = tpu.memref_slice %arg5[%run_scoped3A_232, %dma_wait3A_374] : memref<8x128xi32, #tpu.memory_space<vmem>> -> memref<1x128xi32, #tpu.memory_space<vmem>>
        %dma_wait3A_376 = tpu.memref_squeeze %dma_wait3A_375 : memref<1x128xi32, #tpu.memory_space<vmem>> -> memref<128xi32, #tpu.memory_space<vmem>>
        %dma_wait3A_377 = arith.constant 0 : i32
        %dma_wait3A_378 = arith.constant 0 : i32
        %dma_wait3A_379 = tpu.memref_slice %arg9[%dma_wait3A_377, %dma_wait3A_378] : memref<10112x128xf32, #tpu.memory_space<vmem_shared>> -> memref<10112x128xf32, #tpu.memory_space<vmem_shared>>
        tpu.wait_indirect_dma semaphore(%run_scoped3A_367 : memref<!tpu.dma_semaphore, #tpu.memory_space<semaphore_mem>>) src(%arg8 : memref<128x128xf32, #tpu.memory_space<vmem>>) dst(%dma_wait3A_379 : memref<10112x128xf32, #tpu.memory_space<vmem_shared>>)
        tpu.yield
      }) : () -> ()
      %dma_start3A_233 = arith.constant 3 : i32
      %dma_start3A_234 = arith.constant 0 : i32
      %dma_start3A_235 = tpu.memref_slice %arg5[%dma_start3A_233, %dma_start3A_234] : memref<8x128xi32, #tpu.memory_space<vmem>> -> memref<1x128xi32, #tpu.memory_space<vmem>>
      %dma_start3A_236 = tpu.memref_squeeze %dma_start3A_235 : memref<1x128xi32, #tpu.memory_space<vmem>> -> memref<128xi32, #tpu.memory_space<vmem>>
      %dma_start3A_237 = arith.constant 0 : i32
      %dma_start3A_238 = arith.constant 0 : i32
      %dma_start3A_239 = tpu.memref_slice %arg2[%dma_start3A_237, %dma_start3A_238] : memref<10000x128xf32, #tpu.memory_space<hbm>> -> memref<10000x128xf32, #tpu.memory_space<hbm>>
      tpu.enqueue_indirect_dma source(%dma_start3A_239 : memref<10000x128xf32, #tpu.memory_space<hbm>>) target(%arg8 : memref<128x128xf32, #tpu.memory_space<vmem>>) offsets(%dma_start3A_236 : memref<128xi32, #tpu.memory_space<vmem>>) semaphore(%arg13 : memref<!tpu.dma_semaphore, #tpu.memory_space<semaphore_mem>>)
      %dma_wait3A_240 = arith.constant 2 : i32
      %dma_wait3A_241 = arith.constant 0 : i32
      %dma_wait3A_242 = tpu.memref_slice %arg5[%dma_wait3A_240, %dma_wait3A_241] : memref<8x128xi32, #tpu.memory_space<vmem>> -> memref<1x128xi32, #tpu.memory_space<vmem>>
      %dma_wait3A_243 = tpu.memref_squeeze %dma_wait3A_242 : memref<1x128xi32, #tpu.memory_space<vmem>> -> memref<128xi32, #tpu.memory_space<vmem>>
      %dma_wait3A_244 = arith.constant 0 : i32
      %dma_wait3A_245 = arith.constant 0 : i32
      %dma_wait3A_246 = tpu.memref_slice %arg2[%dma_wait3A_244, %dma_wait3A_245] : memref<10000x128xf32, #tpu.memory_space<hbm>> -> memref<10000x128xf32, #tpu.memory_space<hbm>>
      tpu.wait_indirect_dma semaphore(%arg12 : memref<!tpu.dma_semaphore, #tpu.memory_space<semaphore_mem>>) src(%dma_wait3A_246 : memref<10000x128xf32, #tpu.memory_space<hbm>>) dst(%arg7 : memref<128x128xf32, #tpu.memory_space<vmem>>)
      %run_scoped3A_247 = arith.constant 6 : i32
      "tpu.region"() ({
        %run_scoped3A_367 = tpu.sem_alloc : memref<!tpu.dma_semaphore, #tpu.memory_space<semaphore_mem>>
        %dma_start3A_368 = arith.constant 0 : i32
        %dma_start3A_369 = tpu.memref_slice %arg5[%run_scoped3A_247, %dma_start3A_368] : memref<8x128xi32, #tpu.memory_space<vmem>> -> memref<1x128xi32, #tpu.memory_space<vmem>>
        %dma_start3A_370 = tpu.memref_squeeze %dma_start3A_369 : memref<1x128xi32, #tpu.memory_space<vmem>> -> memref<128xi32, #tpu.memory_space<vmem>>
        %dma_start3A_371 = arith.constant 0 : i32
        %dma_start3A_372 = arith.constant 0 : i32
        %dma_start3A_373 = tpu.memref_slice %arg9[%dma_start3A_371, %dma_start3A_372] : memref<10112x128xf32, #tpu.memory_space<vmem_shared>> -> memref<10112x128xf32, #tpu.memory_space<vmem_shared>>
        tpu.enqueue_indirect_dma source(%arg7 : memref<128x128xf32, #tpu.memory_space<vmem>>) target(%dma_start3A_373 : memref<10112x128xf32, #tpu.memory_space<vmem_shared>>) offsets(%dma_start3A_370 : memref<128xi32, #tpu.memory_space<vmem>>) semaphore(%run_scoped3A_367 : memref<!tpu.dma_semaphore, #tpu.memory_space<semaphore_mem>>) {add = true}
        %dma_wait3A_374 = arith.constant 0 : i32
        %dma_wait3A_375 = tpu.memref_slice %arg5[%run_scoped3A_247, %dma_wait3A_374] : memref<8x128xi32, #tpu.memory_space<vmem>> -> memref<1x128xi32, #tpu.memory_space<vmem>>
        %dma_wait3A_376 = tpu.memref_squeeze %dma_wait3A_375 : memref<1x128xi32, #tpu.memory_space<vmem>> -> memref<128xi32, #tpu.memory_space<vmem>>
        %dma_wait3A_377 = arith.constant 0 : i32
        %dma_wait3A_378 = arith.constant 0 : i32
        %dma_wait3A_379 = tpu.memref_slice %arg9[%dma_wait3A_377, %dma_wait3A_378] : memref<10112x128xf32, #tpu.memory_space<vmem_shared>> -> memref<10112x128xf32, #tpu.memory_space<vmem_shared>>
        tpu.wait_indirect_dma semaphore(%run_scoped3A_367 : memref<!tpu.dma_semaphore, #tpu.memory_space<semaphore_mem>>) src(%arg7 : memref<128x128xf32, #tpu.memory_space<vmem>>) dst(%dma_wait3A_379 : memref<10112x128xf32, #tpu.memory_space<vmem_shared>>)
        tpu.yield
      }) : () -> ()
      %add3A_248 = arith.constant 1 : i32
      %add3A_249 = arith.addi %add3A_202, %add3A_248 : i32
      %add3A_250 = arith.addi %mul3A_2, %add3A_249 : i32
      %dma_wait3A_251 = arith.constant 0 : i32
      %dma_wait3A_252 = arith.constant 0 : i32
      %dma_wait3A_253 = tpu.memref_slice %arg3[%add3A_250, %dma_wait3A_251, %dma_wait3A_252] : memref<640x8x128xi32, #tpu.memory_space<hbm>> -> memref<1x8x128xi32, #tpu.memory_space<hbm>>
      %dma_wait3A_254 = tpu.memref_squeeze %dma_wait3A_253 : memref<1x8x128xi32, #tpu.memory_space<hbm>> -> memref<8x128xi32, #tpu.memory_space<hbm>>
      %dma_wait3A_255 = arith.constant 0 : i32
      %dma_wait3A_256 = arith.constant 0 : i32
      %dma_wait3A_257 = tpu.memref_slice %arg3[%add3A_250, %dma_wait3A_255, %dma_wait3A_256] : memref<640x8x128xi32, #tpu.memory_space<hbm>> -> memref<1x8x128xi32, #tpu.memory_space<hbm>>
      %dma_wait3A_258 = tpu.memref_squeeze %dma_wait3A_257 : memref<1x8x128xi32, #tpu.memory_space<hbm>> -> memref<8x128xi32, #tpu.memory_space<hbm>>
      tpu.wait_dma2 semaphore(%arg11 : memref<!tpu.dma_semaphore, #tpu.memory_space<semaphore_mem>>) src(%dma_wait3A_258 : memref<8x128xi32, #tpu.memory_space<hbm>>) dst(%arg6 : memref<8x128xi32, #tpu.memory_space<vmem>>)
      %dma_start3A_259 = arith.constant 0 : i32
      %dma_start3A_260 = arith.constant 0 : i32
      %dma_start3A_261 = tpu.memref_slice %arg6[%dma_start3A_259, %dma_start3A_260] : memref<8x128xi32, #tpu.memory_space<vmem>> -> memref<1x128xi32, #tpu.memory_space<vmem>>
      %dma_start3A_262 = tpu.memref_squeeze %dma_start3A_261 : memref<1x128xi32, #tpu.memory_space<vmem>> -> memref<128xi32, #tpu.memory_space<vmem>>
      %dma_start3A_263 = arith.constant 0 : i32
      %dma_start3A_264 = arith.constant 0 : i32
      %dma_start3A_265 = tpu.memref_slice %arg2[%dma_start3A_263, %dma_start3A_264] : memref<10000x128xf32, #tpu.memory_space<hbm>> -> memref<10000x128xf32, #tpu.memory_space<hbm>>
      tpu.enqueue_indirect_dma source(%dma_start3A_265 : memref<10000x128xf32, #tpu.memory_space<hbm>>) target(%arg7 : memref<128x128xf32, #tpu.memory_space<vmem>>) offsets(%dma_start3A_262 : memref<128xi32, #tpu.memory_space<vmem>>) semaphore(%arg12 : memref<!tpu.dma_semaphore, #tpu.memory_space<semaphore_mem>>)
      %dma_wait3A_266 = arith.constant 3 : i32
      %dma_wait3A_267 = arith.constant 0 : i32
      %dma_wait3A_268 = tpu.memref_slice %arg5[%dma_wait3A_266, %dma_wait3A_267] : memref<8x128xi32, #tpu.memory_space<vmem>> -> memref<1x128xi32, #tpu.memory_space<vmem>>
      %dma_wait3A_269 = tpu.memref_squeeze %dma_wait3A_268 : memref<1x128xi32, #tpu.memory_space<vmem>> -> memref<128xi32, #tpu.memory_space<vmem>>
      %dma_wait3A_270 = arith.constant 0 : i32
      %dma_wait3A_271 = arith.constant 0 : i32
      %dma_wait3A_272 = tpu.memref_slice %arg2[%dma_wait3A_270, %dma_wait3A_271] : memref<10000x128xf32, #tpu.memory_space<hbm>> -> memref<10000x128xf32, #tpu.memory_space<hbm>>
      tpu.wait_indirect_dma semaphore(%arg13 : memref<!tpu.dma_semaphore, #tpu.memory_space<semaphore_mem>>) src(%dma_wait3A_272 : memref<10000x128xf32, #tpu.memory_space<hbm>>) dst(%arg8 : memref<128x128xf32, #tpu.memory_space<vmem>>)
      %run_scoped3A_273 = arith.constant 7 : i32
      "tpu.region"() ({
        %run_scoped3A_367 = tpu.sem_alloc : memref<!tpu.dma_semaphore, #tpu.memory_space<semaphore_mem>>
        %dma_start3A_368 = arith.constant 0 : i32
        %dma_start3A_369 = tpu.memref_slice %arg5[%run_scoped3A_273, %dma_start3A_368] : memref<8x128xi32, #tpu.memory_space<vmem>> -> memref<1x128xi32, #tpu.memory_space<vmem>>
        %dma_start3A_370 = tpu.memref_squeeze %dma_start3A_369 : memref<1x128xi32, #tpu.memory_space<vmem>> -> memref<128xi32, #tpu.memory_space<vmem>>
        %dma_start3A_371 = arith.constant 0 : i32
        %dma_start3A_372 = arith.constant 0 : i32
        %dma_start3A_373 = tpu.memref_slice %arg9[%dma_start3A_371, %dma_start3A_372] : memref<10112x128xf32, #tpu.memory_space<vmem_shared>> -> memref<10112x128xf32, #tpu.memory_space<vmem_shared>>
        tpu.enqueue_indirect_dma source(%arg8 : memref<128x128xf32, #tpu.memory_space<vmem>>) target(%dma_start3A_373 : memref<10112x128xf32, #tpu.memory_space<vmem_shared>>) offsets(%dma_start3A_370 : memref<128xi32, #tpu.memory_space<vmem>>) semaphore(%run_scoped3A_367 : memref<!tpu.dma_semaphore, #tpu.memory_space<semaphore_mem>>) {add = true}
        %dma_wait3A_374 = arith.constant 0 : i32
        %dma_wait3A_375 = tpu.memref_slice %arg5[%run_scoped3A_273, %dma_wait3A_374] : memref<8x128xi32, #tpu.memory_space<vmem>> -> memref<1x128xi32, #tpu.memory_space<vmem>>
        %dma_wait3A_376 = tpu.memref_squeeze %dma_wait3A_375 : memref<1x128xi32, #tpu.memory_space<vmem>> -> memref<128xi32, #tpu.memory_space<vmem>>
        %dma_wait3A_377 = arith.constant 0 : i32
        %dma_wait3A_378 = arith.constant 0 : i32
        %dma_wait3A_379 = tpu.memref_slice %arg9[%dma_wait3A_377, %dma_wait3A_378] : memref<10112x128xf32, #tpu.memory_space<vmem_shared>> -> memref<10112x128xf32, #tpu.memory_space<vmem_shared>>
        tpu.wait_indirect_dma semaphore(%run_scoped3A_367 : memref<!tpu.dma_semaphore, #tpu.memory_space<semaphore_mem>>) src(%arg8 : memref<128x128xf32, #tpu.memory_space<vmem>>) dst(%dma_wait3A_379 : memref<10112x128xf32, #tpu.memory_space<vmem_shared>>)
        tpu.yield
      }) : () -> ()
      %add3A_274 = arith.constant 2 : i32
      %add3A_275 = arith.addi %add3A_202, %add3A_274 : i32
      %add3A_276 = arith.addi %mul3A_2, %add3A_275 : i32
      %dma_start3A_277 = arith.constant 0 : i32
      %dma_start3A_278 = arith.constant 0 : i32
      %dma_start3A_279 = tpu.memref_slice %arg3[%add3A_276, %dma_start3A_277, %dma_start3A_278] : memref<640x8x128xi32, #tpu.memory_space<hbm>> -> memref<1x8x128xi32, #tpu.memory_space<hbm>>
      %dma_start3A_280 = tpu.memref_squeeze %dma_start3A_279 : memref<1x8x128xi32, #tpu.memory_space<hbm>> -> memref<8x128xi32, #tpu.memory_space<hbm>>
      %dma_start3A_281 = arith.constant 0 : i32
      %dma_start3A_282 = arith.constant 0 : i32
      %dma_start3A_283 = tpu.memref_slice %arg3[%add3A_276, %dma_start3A_281, %dma_start3A_282] : memref<640x8x128xi32, #tpu.memory_space<hbm>> -> memref<1x8x128xi32, #tpu.memory_space<hbm>>
      %dma_start3A_284 = tpu.memref_squeeze %dma_start3A_283 : memref<1x8x128xi32, #tpu.memory_space<hbm>> -> memref<8x128xi32, #tpu.memory_space<hbm>>
      tpu.enqueue_dma source(%dma_start3A_284 : memref<8x128xi32, #tpu.memory_space<hbm>>) target(%arg5 : memref<8x128xi32, #tpu.memory_space<vmem>>) target_semaphore(%arg10 : memref<!tpu.dma_semaphore, #tpu.memory_space<semaphore_mem>>)
      %dma_start3A_285 = arith.constant 1 : i32
      %dma_start3A_286 = arith.constant 0 : i32
      %dma_start3A_287 = tpu.memref_slice %arg6[%dma_start3A_285, %dma_start3A_286] : memref<8x128xi32, #tpu.memory_space<vmem>> -> memref<1x128xi32, #tpu.memory_space<vmem>>
      %dma_start3A_288 = tpu.memref_squeeze %dma_start3A_287 : memref<1x128xi32, #tpu.memory_space<vmem>> -> memref<128xi32, #tpu.memory_space<vmem>>
      %dma_start3A_289 = arith.constant 0 : i32
      %dma_start3A_290 = arith.constant 0 : i32
      %dma_start3A_291 = tpu.memref_slice %arg2[%dma_start3A_289, %dma_start3A_290] : memref<10000x128xf32, #tpu.memory_space<hbm>> -> memref<10000x128xf32, #tpu.memory_space<hbm>>
      tpu.enqueue_indirect_dma source(%dma_start3A_291 : memref<10000x128xf32, #tpu.memory_space<hbm>>) target(%arg8 : memref<128x128xf32, #tpu.memory_space<vmem>>) offsets(%dma_start3A_288 : memref<128xi32, #tpu.memory_space<vmem>>) semaphore(%arg13 : memref<!tpu.dma_semaphore, #tpu.memory_space<semaphore_mem>>)
      %dma_wait3A_292 = arith.constant 0 : i32
      %dma_wait3A_293 = arith.constant 0 : i32
      %dma_wait3A_294 = tpu.memref_slice %arg6[%dma_wait3A_292, %dma_wait3A_293] : memref<8x128xi32, #tpu.memory_space<vmem>> -> memref<1x128xi32, #tpu.memory_space<vmem>>
      %dma_wait3A_295 = tpu.memref_squeeze %dma_wait3A_294 : memref<1x128xi32, #tpu.memory_space<vmem>> -> memref<128xi32, #tpu.memory_space<vmem>>
      %dma_wait3A_296 = arith.constant 0 : i32
      %dma_wait3A_297 = arith.constant 0 : i32
      %dma_wait3A_298 = tpu.memref_slice %arg2[%dma_wait3A_296, %dma_wait3A_297] : memref<10000x128xf32, #tpu.memory_space<hbm>> -> memref<10000x128xf32, #tpu.memory_space<hbm>>
      tpu.wait_indirect_dma semaphore(%arg12 : memref<!tpu.dma_semaphore, #tpu.memory_space<semaphore_mem>>) src(%dma_wait3A_298 : memref<10000x128xf32, #tpu.memory_space<hbm>>) dst(%arg7 : memref<128x128xf32, #tpu.memory_space<vmem>>)
      %run_scoped3A_299 = arith.constant 4 : i32
      "tpu.region"() ({
        %run_scoped3A_367 = tpu.sem_alloc : memref<!tpu.dma_semaphore, #tpu.memory_space<semaphore_mem>>
        %dma_start3A_368 = arith.constant 0 : i32
        %dma_start3A_369 = tpu.memref_slice %arg6[%run_scoped3A_299, %dma_start3A_368] : memref<8x128xi32, #tpu.memory_space<vmem>> -> memref<1x128xi32, #tpu.memory_space<vmem>>
        %dma_start3A_370 = tpu.memref_squeeze %dma_start3A_369 : memref<1x128xi32, #tpu.memory_space<vmem>> -> memref<128xi32, #tpu.memory_space<vmem>>
        %dma_start3A_371 = arith.constant 0 : i32
        %dma_start3A_372 = arith.constant 0 : i32
        %dma_start3A_373 = tpu.memref_slice %arg9[%dma_start3A_371, %dma_start3A_372] : memref<10112x128xf32, #tpu.memory_space<vmem_shared>> -> memref<10112x128xf32, #tpu.memory_space<vmem_shared>>
        tpu.enqueue_indirect_dma source(%arg7 : memref<128x128xf32, #tpu.memory_space<vmem>>) target(%dma_start3A_373 : memref<10112x128xf32, #tpu.memory_space<vmem_shared>>) offsets(%dma_start3A_370 : memref<128xi32, #tpu.memory_space<vmem>>) semaphore(%run_scoped3A_367 : memref<!tpu.dma_semaphore, #tpu.memory_space<semaphore_mem>>) {add = true}
        %dma_wait3A_374 = arith.constant 0 : i32
        %dma_wait3A_375 = tpu.memref_slice %arg6[%run_scoped3A_299, %dma_wait3A_374] : memref<8x128xi32, #tpu.memory_space<vmem>> -> memref<1x128xi32, #tpu.memory_space<vmem>>
        %dma_wait3A_376 = tpu.memref_squeeze %dma_wait3A_375 : memref<1x128xi32, #tpu.memory_space<vmem>> -> memref<128xi32, #tpu.memory_space<vmem>>
        %dma_wait3A_377 = arith.constant 0 : i32
        %dma_wait3A_378 = arith.constant 0 : i32
        %dma_wait3A_379 = tpu.memref_slice %arg9[%dma_wait3A_377, %dma_wait3A_378] : memref<10112x128xf32, #tpu.memory_space<vmem_shared>> -> memref<10112x128xf32, #tpu.memory_space<vmem_shared>>
        tpu.wait_indirect_dma semaphore(%run_scoped3A_367 : memref<!tpu.dma_semaphore, #tpu.memory_space<semaphore_mem>>) src(%arg7 : memref<128x128xf32, #tpu.memory_space<vmem>>) dst(%dma_wait3A_379 : memref<10112x128xf32, #tpu.memory_space<vmem_shared>>)
        tpu.yield
      }) : () -> ()
      %dma_start3A_300 = arith.constant 2 : i32
      %dma_start3A_301 = arith.constant 0 : i32
      %dma_start3A_302 = tpu.memref_slice %arg6[%dma_start3A_300, %dma_start3A_301] : memref<8x128xi32, #tpu.memory_space<vmem>> -> memref<1x128xi32, #tpu.memory_space<vmem>>
      %dma_start3A_303 = tpu.memref_squeeze %dma_start3A_302 : memref<1x128xi32, #tpu.memory_space<vmem>> -> memref<128xi32, #tpu.memory_space<vmem>>
      %dma_start3A_304 = arith.constant 0 : i32
      %dma_start3A_305 = arith.constant 0 : i32
      %dma_start3A_306 = tpu.memref_slice %arg2[%dma_start3A_304, %dma_start3A_305] : memref<10000x128xf32, #tpu.memory_space<hbm>> -> memref<10000x128xf32, #tpu.memory_space<hbm>>
      tpu.enqueue_indirect_dma source(%dma_start3A_306 : memref<10000x128xf32, #tpu.memory_space<hbm>>) target(%arg7 : memref<128x128xf32, #tpu.memory_space<vmem>>) offsets(%dma_start3A_303 : memref<128xi32, #tpu.memory_space<vmem>>) semaphore(%arg12 : memref<!tpu.dma_semaphore, #tpu.memory_space<semaphore_mem>>)
      %dma_wait3A_307 = arith.constant 1 : i32
      %dma_wait3A_308 = arith.constant 0 : i32
      %dma_wait3A_309 = tpu.memref_slice %arg6[%dma_wait3A_307, %dma_wait3A_308] : memref<8x128xi32, #tpu.memory_space<vmem>> -> memref<1x128xi32, #tpu.memory_space<vmem>>
      %dma_wait3A_310 = tpu.memref_squeeze %dma_wait3A_309 : memref<1x128xi32, #tpu.memory_space<vmem>> -> memref<128xi32, #tpu.memory_space<vmem>>
      %dma_wait3A_311 = arith.constant 0 : i32
      %dma_wait3A_312 = arith.constant 0 : i32
      %dma_wait3A_313 = tpu.memref_slice %arg2[%dma_wait3A_311, %dma_wait3A_312] : memref<10000x128xf32, #tpu.memory_space<hbm>> -> memref<10000x128xf32, #tpu.memory_space<hbm>>
      tpu.wait_indirect_dma semaphore(%arg13 : memref<!tpu.dma_semaphore, #tpu.memory_space<semaphore_mem>>) src(%dma_wait3A_313 : memref<10000x128xf32, #tpu.memory_space<hbm>>) dst(%arg8 : memref<128x128xf32, #tpu.memory_space<vmem>>)
      %run_scoped3A_314 = arith.constant 5 : i32
      "tpu.region"() ({
        %run_scoped3A_367 = tpu.sem_alloc : memref<!tpu.dma_semaphore, #tpu.memory_space<semaphore_mem>>
        %dma_start3A_368 = arith.constant 0 : i32
        %dma_start3A_369 = tpu.memref_slice %arg6[%run_scoped3A_314, %dma_start3A_368] : memref<8x128xi32, #tpu.memory_space<vmem>> -> memref<1x128xi32, #tpu.memory_space<vmem>>
        %dma_start3A_370 = tpu.memref_squeeze %dma_start3A_369 : memref<1x128xi32, #tpu.memory_space<vmem>> -> memref<128xi32, #tpu.memory_space<vmem>>
        %dma_start3A_371 = arith.constant 0 : i32
        %dma_start3A_372 = arith.constant 0 : i32
        %dma_start3A_373 = tpu.memref_slice %arg9[%dma_start3A_371, %dma_start3A_372] : memref<10112x128xf32, #tpu.memory_space<vmem_shared>> -> memref<10112x128xf32, #tpu.memory_space<vmem_shared>>
        tpu.enqueue_indirect_dma source(%arg8 : memref<128x128xf32, #tpu.memory_space<vmem>>) target(%dma_start3A_373 : memref<10112x128xf32, #tpu.memory_space<vmem_shared>>) offsets(%dma_start3A_370 : memref<128xi32, #tpu.memory_space<vmem>>) semaphore(%run_scoped3A_367 : memref<!tpu.dma_semaphore, #tpu.memory_space<semaphore_mem>>) {add = true}
        %dma_wait3A_374 = arith.constant 0 : i32
        %dma_wait3A_375 = tpu.memref_slice %arg6[%run_scoped3A_314, %dma_wait3A_374] : memref<8x128xi32, #tpu.memory_space<vmem>> -> memref<1x128xi32, #tpu.memory_space<vmem>>
        %dma_wait3A_376 = tpu.memref_squeeze %dma_wait3A_375 : memref<1x128xi32, #tpu.memory_space<vmem>> -> memref<128xi32, #tpu.memory_space<vmem>>
        %dma_wait3A_377 = arith.constant 0 : i32
        %dma_wait3A_378 = arith.constant 0 : i32
        %dma_wait3A_379 = tpu.memref_slice %arg9[%dma_wait3A_377, %dma_wait3A_378] : memref<10112x128xf32, #tpu.memory_space<vmem_shared>> -> memref<10112x128xf32, #tpu.memory_space<vmem_shared>>
        tpu.wait_indirect_dma semaphore(%run_scoped3A_367 : memref<!tpu.dma_semaphore, #tpu.memory_space<semaphore_mem>>) src(%arg8 : memref<128x128xf32, #tpu.memory_space<vmem>>) dst(%dma_wait3A_379 : memref<10112x128xf32, #tpu.memory_space<vmem_shared>>)
        tpu.yield
      }) : () -> ()
      %dma_start3A_315 = arith.constant 3 : i32
      %dma_start3A_316 = arith.constant 0 : i32
      %dma_start3A_317 = tpu.memref_slice %arg6[%dma_start3A_315, %dma_start3A_316] : memref<8x128xi32, #tpu.memory_space<vmem>> -> memref<1x128xi32, #tpu.memory_space<vmem>>
      %dma_start3A_318 = tpu.memref_squeeze %dma_start3A_317 : memref<1x128xi32, #tpu.memory_space<vmem>> -> memref<128xi32, #tpu.memory_space<vmem>>
      %dma_start3A_319 = arith.constant 0 : i32
      %dma_start3A_320 = arith.constant 0 : i32
      %dma_start3A_321 = tpu.memref_slice %arg2[%dma_start3A_319, %dma_start3A_320] : memref<10000x128xf32, #tpu.memory_space<hbm>> -> memref<10000x128xf32, #tpu.memory_space<hbm>>
      tpu.enqueue_indirect_dma source(%dma_start3A_321 : memref<10000x128xf32, #tpu.memory_space<hbm>>) target(%arg8 : memref<128x128xf32, #tpu.memory_space<vmem>>) offsets(%dma_start3A_318 : memref<128xi32, #tpu.memory_space<vmem>>) semaphore(%arg13 : memref<!tpu.dma_semaphore, #tpu.memory_space<semaphore_mem>>)
      %dma_wait3A_322 = arith.constant 2 : i32
      %dma_wait3A_323 = arith.constant 0 : i32
      %dma_wait3A_324 = tpu.memref_slice %arg6[%dma_wait3A_322, %dma_wait3A_323] : memref<8x128xi32, #tpu.memory_space<vmem>> -> memref<1x128xi32, #tpu.memory_space<vmem>>
      %dma_wait3A_325 = tpu.memref_squeeze %dma_wait3A_324 : memref<1x128xi32, #tpu.memory_space<vmem>> -> memref<128xi32, #tpu.memory_space<vmem>>
      %dma_wait3A_326 = arith.constant 0 : i32
      %dma_wait3A_327 = arith.constant 0 : i32
      %dma_wait3A_328 = tpu.memref_slice %arg2[%dma_wait3A_326, %dma_wait3A_327] : memref<10000x128xf32, #tpu.memory_space<hbm>> -> memref<10000x128xf32, #tpu.memory_space<hbm>>
      tpu.wait_indirect_dma semaphore(%arg12 : memref<!tpu.dma_semaphore, #tpu.memory_space<semaphore_mem>>) src(%dma_wait3A_328 : memref<10000x128xf32, #tpu.memory_space<hbm>>) dst(%arg7 : memref<128x128xf32, #tpu.memory_space<vmem>>)
      %run_scoped3A_329 = arith.constant 6 : i32
      "tpu.region"() ({
        %run_scoped3A_367 = tpu.sem_alloc : memref<!tpu.dma_semaphore, #tpu.memory_space<semaphore_mem>>
        %dma_start3A_368 = arith.constant 0 : i32
        %dma_start3A_369 = tpu.memref_slice %arg6[%run_scoped3A_329, %dma_start3A_368] : memref<8x128xi32, #tpu.memory_space<vmem>> -> memref<1x128xi32, #tpu.memory_space<vmem>>
        %dma_start3A_370 = tpu.memref_squeeze %dma_start3A_369 : memref<1x128xi32, #tpu.memory_space<vmem>> -> memref<128xi32, #tpu.memory_space<vmem>>
        %dma_start3A_371 = arith.constant 0 : i32
        %dma_start3A_372 = arith.constant 0 : i32
        %dma_start3A_373 = tpu.memref_slice %arg9[%dma_start3A_371, %dma_start3A_372] : memref<10112x128xf32, #tpu.memory_space<vmem_shared>> -> memref<10112x128xf32, #tpu.memory_space<vmem_shared>>
        tpu.enqueue_indirect_dma source(%arg7 : memref<128x128xf32, #tpu.memory_space<vmem>>) target(%dma_start3A_373 : memref<10112x128xf32, #tpu.memory_space<vmem_shared>>) offsets(%dma_start3A_370 : memref<128xi32, #tpu.memory_space<vmem>>) semaphore(%run_scoped3A_367 : memref<!tpu.dma_semaphore, #tpu.memory_space<semaphore_mem>>) {add = true}
        %dma_wait3A_374 = arith.constant 0 : i32
        %dma_wait3A_375 = tpu.memref_slice %arg6[%run_scoped3A_329, %dma_wait3A_374] : memref<8x128xi32, #tpu.memory_space<vmem>> -> memref<1x128xi32, #tpu.memory_space<vmem>>
        %dma_wait3A_376 = tpu.memref_squeeze %dma_wait3A_375 : memref<1x128xi32, #tpu.memory_space<vmem>> -> memref<128xi32, #tpu.memory_space<vmem>>
        %dma_wait3A_377 = arith.constant 0 : i32
        %dma_wait3A_378 = arith.constant 0 : i32
        %dma_wait3A_379 = tpu.memref_slice %arg9[%dma_wait3A_377, %dma_wait3A_378] : memref<10112x128xf32, #tpu.memory_space<vmem_shared>> -> memref<10112x128xf32, #tpu.memory_space<vmem_shared>>
        tpu.wait_indirect_dma semaphore(%run_scoped3A_367 : memref<!tpu.dma_semaphore, #tpu.memory_space<semaphore_mem>>) src(%arg7 : memref<128x128xf32, #tpu.memory_space<vmem>>) dst(%dma_wait3A_379 : memref<10112x128xf32, #tpu.memory_space<vmem_shared>>)
        tpu.yield
      }) : () -> ()
      %add3A_330 = arith.constant 2 : i32
      %add3A_331 = arith.addi %add3A_202, %add3A_330 : i32
      %add3A_332 = arith.addi %mul3A_2, %add3A_331 : i32
      %dma_wait3A_333 = arith.constant 0 : i32
      %dma_wait3A_334 = arith.constant 0 : i32
      %dma_wait3A_335 = tpu.memref_slice %arg3[%add3A_332, %dma_wait3A_333, %dma_wait3A_334] : memref<640x8x128xi32, #tpu.memory_space<hbm>> -> memref<1x8x128xi32, #tpu.memory_space<hbm>>
      %dma_wait3A_336 = tpu.memref_squeeze %dma_wait3A_335 : memref<1x8x128xi32, #tpu.memory_space<hbm>> -> memref<8x128xi32, #tpu.memory_space<hbm>>
      %dma_wait3A_337 = arith.constant 0 : i32
      %dma_wait3A_338 = arith.constant 0 : i32
      %dma_wait3A_339 = tpu.memref_slice %arg3[%add3A_332, %dma_wait3A_337, %dma_wait3A_338] : memref<640x8x128xi32, #tpu.memory_space<hbm>> -> memref<1x8x128xi32, #tpu.memory_space<hbm>>
      %dma_wait3A_340 = tpu.memref_squeeze %dma_wait3A_339 : memref<1x8x128xi32, #tpu.memory_space<hbm>> -> memref<8x128xi32, #tpu.memory_space<hbm>>
      tpu.wait_dma2 semaphore(%arg10 : memref<!tpu.dma_semaphore, #tpu.memory_space<semaphore_mem>>) src(%dma_wait3A_340 : memref<8x128xi32, #tpu.memory_space<hbm>>) dst(%arg5 : memref<8x128xi32, #tpu.memory_space<vmem>>)
      %dma_start3A_341 = arith.constant 0 : i32
      %dma_start3A_342 = arith.constant 0 : i32
      %dma_start3A_343 = tpu.memref_slice %arg5[%dma_start3A_341, %dma_start3A_342] : memref<8x128xi32, #tpu.memory_space<vmem>> -> memref<1x128xi32, #tpu.memory_space<vmem>>
      %dma_start3A_344 = tpu.memref_squeeze %dma_start3A_343 : memref<1x128xi32, #tpu.memory_space<vmem>> -> memref<128xi32, #tpu.memory_space<vmem>>
      %dma_start3A_345 = arith.constant 0 : i32
      %dma_start3A_346 = arith.constant 0 : i32
      %dma_start3A_347 = tpu.memref_slice %arg2[%dma_start3A_345, %dma_start3A_346] : memref<10000x128xf32, #tpu.memory_space<hbm>> -> memref<10000x128xf32, #tpu.memory_space<hbm>>
      tpu.enqueue_indirect_dma source(%dma_start3A_347 : memref<10000x128xf32, #tpu.memory_space<hbm>>) target(%arg7 : memref<128x128xf32, #tpu.memory_space<vmem>>) offsets(%dma_start3A_344 : memref<128xi32, #tpu.memory_space<vmem>>) semaphore(%arg12 : memref<!tpu.dma_semaphore, #tpu.memory_space<semaphore_mem>>)
      %dma_wait3A_348 = arith.constant 3 : i32
      %dma_wait3A_349 = arith.constant 0 : i32
      %dma_wait3A_350 = tpu.memref_slice %arg6[%dma_wait3A_348, %dma_wait3A_349] : memref<8x128xi32, #tpu.memory_space<vmem>> -> memref<1x128xi32, #tpu.memory_space<vmem>>
      %dma_wait3A_351 = tpu.memref_squeeze %dma_wait3A_350 : memref<1x128xi32, #tpu.memory_space<vmem>> -> memref<128xi32, #tpu.memory_space<vmem>>
      %dma_wait3A_352 = arith.constant 0 : i32
      %dma_wait3A_353 = arith.constant 0 : i32
      %dma_wait3A_354 = tpu.memref_slice %arg2[%dma_wait3A_352, %dma_wait3A_353] : memref<10000x128xf32, #tpu.memory_space<hbm>> -> memref<10000x128xf32, #tpu.memory_space<hbm>>
      tpu.wait_indirect_dma semaphore(%arg13 : memref<!tpu.dma_semaphore, #tpu.memory_space<semaphore_mem>>) src(%dma_wait3A_354 : memref<10000x128xf32, #tpu.memory_space<hbm>>) dst(%arg8 : memref<128x128xf32, #tpu.memory_space<vmem>>)
      %run_scoped3A_355 = arith.constant 7 : i32
      "tpu.region"() ({
        %run_scoped3A_367 = tpu.sem_alloc : memref<!tpu.dma_semaphore, #tpu.memory_space<semaphore_mem>>
        %dma_start3A_368 = arith.constant 0 : i32
        %dma_start3A_369 = tpu.memref_slice %arg6[%run_scoped3A_355, %dma_start3A_368] : memref<8x128xi32, #tpu.memory_space<vmem>> -> memref<1x128xi32, #tpu.memory_space<vmem>>
        %dma_start3A_370 = tpu.memref_squeeze %dma_start3A_369 : memref<1x128xi32, #tpu.memory_space<vmem>> -> memref<128xi32, #tpu.memory_space<vmem>>
        %dma_start3A_371 = arith.constant 0 : i32
        %dma_start3A_372 = arith.constant 0 : i32
        %dma_start3A_373 = tpu.memref_slice %arg9[%dma_start3A_371, %dma_start3A_372] : memref<10112x128xf32, #tpu.memory_space<vmem_shared>> -> memref<10112x128xf32, #tpu.memory_space<vmem_shared>>
        tpu.enqueue_indirect_dma source(%arg8 : memref<128x128xf32, #tpu.memory_space<vmem>>) target(%dma_start3A_373 : memref<10112x128xf32, #tpu.memory_space<vmem_shared>>) offsets(%dma_start3A_370 : memref<128xi32, #tpu.memory_space<vmem>>) semaphore(%run_scoped3A_367 : memref<!tpu.dma_semaphore, #tpu.memory_space<semaphore_mem>>) {add = true}
        %dma_wait3A_374 = arith.constant 0 : i32
        %dma_wait3A_375 = tpu.memref_slice %arg6[%run_scoped3A_355, %dma_wait3A_374] : memref<8x128xi32, #tpu.memory_space<vmem>> -> memref<1x128xi32, #tpu.memory_space<vmem>>
        %dma_wait3A_376 = tpu.memref_squeeze %dma_wait3A_375 : memref<1x128xi32, #tpu.memory_space<vmem>> -> memref<128xi32, #tpu.memory_space<vmem>>
        %dma_wait3A_377 = arith.constant 0 : i32
        %dma_wait3A_378 = arith.constant 0 : i32
        %dma_wait3A_379 = tpu.memref_slice %arg9[%dma_wait3A_377, %dma_wait3A_378] : memref<10112x128xf32, #tpu.memory_space<vmem_shared>> -> memref<10112x128xf32, #tpu.memory_space<vmem_shared>>
        tpu.wait_indirect_dma semaphore(%run_scoped3A_367 : memref<!tpu.dma_semaphore, #tpu.memory_space<semaphore_mem>>) src(%arg8 : memref<128x128xf32, #tpu.memory_space<vmem>>) dst(%dma_wait3A_379 : memref<10112x128xf32, #tpu.memory_space<vmem_shared>>)
        tpu.yield
      }) : () -> ()
      %add3A_356 = arith.constant 3 : i32
      %add3A_357 = arith.addi %add3A_202, %add3A_356 : i32
      %add3A_358 = arith.addi %mul3A_2, %add3A_357 : i32
      %dma_start3A_359 = arith.constant 0 : i32
      %dma_start3A_360 = arith.constant 0 : i32
      %dma_start3A_361 = tpu.memref_slice %arg3[%add3A_358, %dma_start3A_359, %dma_start3A_360] : memref<640x8x128xi32, #tpu.memory_space<hbm>> -> memref<1x8x128xi32, #tpu.memory_space<hbm>>
      %dma_start3A_362 = tpu.memref_squeeze %dma_start3A_361 : memref<1x8x128xi32, #tpu.memory_space<hbm>> -> memref<8x128xi32, #tpu.memory_space<hbm>>
      %dma_start3A_363 = arith.constant 0 : i32
      %dma_start3A_364 = arith.constant 0 : i32
      %dma_start3A_365 = tpu.memref_slice %arg3[%add3A_358, %dma_start3A_363, %dma_start3A_364] : memref<640x8x128xi32, #tpu.memory_space<hbm>> -> memref<1x8x128xi32, #tpu.memory_space<hbm>>
      %dma_start3A_366 = tpu.memref_squeeze %dma_start3A_365 : memref<1x8x128xi32, #tpu.memory_space<hbm>> -> memref<8x128xi32, #tpu.memory_space<hbm>>
      tpu.enqueue_dma source(%dma_start3A_366 : memref<8x128xi32, #tpu.memory_space<hbm>>) target(%arg6 : memref<8x128xi32, #tpu.memory_space<vmem>>) target_semaphore(%arg11 : memref<!tpu.dma_semaphore, #tpu.memory_space<semaphore_mem>>)
    }
    %scan3A_67 = arith.constant 9 : i32
    %dma_start3A_68 = arith.constant 1 : i32
    %dma_start3A_69 = arith.constant 0 : i32
    %dma_start3A_70 = tpu.memref_slice %arg5[%dma_start3A_68, %dma_start3A_69] : memref<8x128xi32, #tpu.memory_space<vmem>> -> memref<1x128xi32, #tpu.memory_space<vmem>>
    %dma_start3A_71 = tpu.memref_squeeze %dma_start3A_70 : memref<1x128xi32, #tpu.memory_space<vmem>> -> memref<128xi32, #tpu.memory_space<vmem>>
    %dma_start3A_72 = arith.constant 0 : i32
    %dma_start3A_73 = arith.constant 0 : i32
    %dma_start3A_74 = tpu.memref_slice %arg2[%dma_start3A_72, %dma_start3A_73] : memref<10000x128xf32, #tpu.memory_space<hbm>> -> memref<10000x128xf32, #tpu.memory_space<hbm>>
    tpu.enqueue_indirect_dma source(%dma_start3A_74 : memref<10000x128xf32, #tpu.memory_space<hbm>>) target(%arg8 : memref<128x128xf32, #tpu.memory_space<vmem>>) offsets(%dma_start3A_71 : memref<128xi32, #tpu.memory_space<vmem>>) semaphore(%arg13 : memref<!tpu.dma_semaphore, #tpu.memory_space<semaphore_mem>>)
    %dma_wait3A_75 = arith.constant 0 : i32
    %dma_wait3A_76 = arith.constant 0 : i32
    %dma_wait3A_77 = tpu.memref_slice %arg5[%dma_wait3A_75, %dma_wait3A_76] : memref<8x128xi32, #tpu.memory_space<vmem>> -> memref<1x128xi32, #tpu.memory_space<vmem>>
    %dma_wait3A_78 = tpu.memref_squeeze %dma_wait3A_77 : memref<1x128xi32, #tpu.memory_space<vmem>> -> memref<128xi32, #tpu.memory_space<vmem>>
    %dma_wait3A_79 = arith.constant 0 : i32
    %dma_wait3A_80 = arith.constant 0 : i32
    %dma_wait3A_81 = tpu.memref_slice %arg2[%dma_wait3A_79, %dma_wait3A_80] : memref<10000x128xf32, #tpu.memory_space<hbm>> -> memref<10000x128xf32, #tpu.memory_space<hbm>>
    tpu.wait_indirect_dma semaphore(%arg12 : memref<!tpu.dma_semaphore, #tpu.memory_space<semaphore_mem>>) src(%dma_wait3A_81 : memref<10000x128xf32, #tpu.memory_space<hbm>>) dst(%arg7 : memref<128x128xf32, #tpu.memory_space<vmem>>)
    %run_scoped3A = arith.constant 4 : i32
    "tpu.region"() ({
      %run_scoped3A_198 = tpu.sem_alloc : memref<!tpu.dma_semaphore, #tpu.memory_space<semaphore_mem>>
      %dma_start3A_199 = arith.constant 0 : i32
      %dma_start3A_200 = tpu.memref_slice %arg5[%run_scoped3A, %dma_start3A_199] : memref<8x128xi32, #tpu.memory_space<vmem>> -> memref<1x128xi32, #tpu.memory_space<vmem>>
      %dma_start3A_201 = tpu.memref_squeeze %dma_start3A_200 : memref<1x128xi32, #tpu.memory_space<vmem>> -> memref<128xi32, #tpu.memory_space<vmem>>
      %dma_start3A_202 = arith.constant 0 : i32
      %dma_start3A_203 = arith.constant 0 : i32
      %dma_start3A_204 = tpu.memref_slice %arg9[%dma_start3A_202, %dma_start3A_203] : memref<10112x128xf32, #tpu.memory_space<vmem_shared>> -> memref<10112x128xf32, #tpu.memory_space<vmem_shared>>
      tpu.enqueue_indirect_dma source(%arg7 : memref<128x128xf32, #tpu.memory_space<vmem>>) target(%dma_start3A_204 : memref<10112x128xf32, #tpu.memory_space<vmem_shared>>) offsets(%dma_start3A_201 : memref<128xi32, #tpu.memory_space<vmem>>) semaphore(%run_scoped3A_198 : memref<!tpu.dma_semaphore, #tpu.memory_space<semaphore_mem>>) {add = true}
      %dma_wait3A_205 = arith.constant 0 : i32
      %dma_wait3A_206 = tpu.memref_slice %arg5[%run_scoped3A, %dma_wait3A_205] : memref<8x128xi32, #tpu.memory_space<vmem>> -> memref<1x128xi32, #tpu.memory_space<vmem>>
      %dma_wait3A_207 = tpu.memref_squeeze %dma_wait3A_206 : memref<1x128xi32, #tpu.memory_space<vmem>> -> memref<128xi32, #tpu.memory_space<vmem>>
      %dma_wait3A_208 = arith.constant 0 : i32
      %dma_wait3A_209 = arith.constant 0 : i32
      %dma_wait3A_210 = tpu.memref_slice %arg9[%dma_wait3A_208, %dma_wait3A_209] : memref<10112x128xf32, #tpu.memory_space<vmem_shared>> -> memref<10112x128xf32, #tpu.memory_space<vmem_shared>>
      tpu.wait_indirect_dma semaphore(%run_scoped3A_198 : memref<!tpu.dma_semaphore, #tpu.memory_space<semaphore_mem>>) src(%arg7 : memref<128x128xf32, #tpu.memory_space<vmem>>) dst(%dma_wait3A_210 : memref<10112x128xf32, #tpu.memory_space<vmem_shared>>)
      tpu.yield
    }) : () -> ()
    %dma_start3A_82 = arith.constant 2 : i32
    %dma_start3A_83 = arith.constant 0 : i32
    %dma_start3A_84 = tpu.memref_slice %arg5[%dma_start3A_82, %dma_start3A_83] : memref<8x128xi32, #tpu.memory_space<vmem>> -> memref<1x128xi32, #tpu.memory_space<vmem>>
    %dma_start3A_85 = tpu.memref_squeeze %dma_start3A_84 : memref<1x128xi32, #tpu.memory_space<vmem>> -> memref<128xi32, #tpu.memory_space<vmem>>
    %dma_start3A_86 = arith.constant 0 : i32
    %dma_start3A_87 = arith.constant 0 : i32
    %dma_start3A_88 = tpu.memref_slice %arg2[%dma_start3A_86, %dma_start3A_87] : memref<10000x128xf32, #tpu.memory_space<hbm>> -> memref<10000x128xf32, #tpu.memory_space<hbm>>
    tpu.enqueue_indirect_dma source(%dma_start3A_88 : memref<10000x128xf32, #tpu.memory_space<hbm>>) target(%arg7 : memref<128x128xf32, #tpu.memory_space<vmem>>) offsets(%dma_start3A_85 : memref<128xi32, #tpu.memory_space<vmem>>) semaphore(%arg12 : memref<!tpu.dma_semaphore, #tpu.memory_space<semaphore_mem>>)
    %dma_wait3A_89 = arith.constant 1 : i32
    %dma_wait3A_90 = arith.constant 0 : i32
    %dma_wait3A_91 = tpu.memref_slice %arg5[%dma_wait3A_89, %dma_wait3A_90] : memref<8x128xi32, #tpu.memory_space<vmem>> -> memref<1x128xi32, #tpu.memory_space<vmem>>
    %dma_wait3A_92 = tpu.memref_squeeze %dma_wait3A_91 : memref<1x128xi32, #tpu.memory_space<vmem>> -> memref<128xi32, #tpu.memory_space<vmem>>
    %dma_wait3A_93 = arith.constant 0 : i32
    %dma_wait3A_94 = arith.constant 0 : i32
    %dma_wait3A_95 = tpu.memref_slice %arg2[%dma_wait3A_93, %dma_wait3A_94] : memref<10000x128xf32, #tpu.memory_space<hbm>> -> memref<10000x128xf32, #tpu.memory_space<hbm>>
    tpu.wait_indirect_dma semaphore(%arg13 : memref<!tpu.dma_semaphore, #tpu.memory_space<semaphore_mem>>) src(%dma_wait3A_95 : memref<10000x128xf32, #tpu.memory_space<hbm>>) dst(%arg8 : memref<128x128xf32, #tpu.memory_space<vmem>>)
    %run_scoped3A_96 = arith.constant 5 : i32
    "tpu.region"() ({
      %run_scoped3A_198 = tpu.sem_alloc : memref<!tpu.dma_semaphore, #tpu.memory_space<semaphore_mem>>
      %dma_start3A_199 = arith.constant 0 : i32
      %dma_start3A_200 = tpu.memref_slice %arg5[%run_scoped3A_96, %dma_start3A_199] : memref<8x128xi32, #tpu.memory_space<vmem>> -> memref<1x128xi32, #tpu.memory_space<vmem>>
      %dma_start3A_201 = tpu.memref_squeeze %dma_start3A_200 : memref<1x128xi32, #tpu.memory_space<vmem>> -> memref<128xi32, #tpu.memory_space<vmem>>
      %dma_start3A_202 = arith.constant 0 : i32
      %dma_start3A_203 = arith.constant 0 : i32
      %dma_start3A_204 = tpu.memref_slice %arg9[%dma_start3A_202, %dma_start3A_203] : memref<10112x128xf32, #tpu.memory_space<vmem_shared>> -> memref<10112x128xf32, #tpu.memory_space<vmem_shared>>
      tpu.enqueue_indirect_dma source(%arg8 : memref<128x128xf32, #tpu.memory_space<vmem>>) target(%dma_start3A_204 : memref<10112x128xf32, #tpu.memory_space<vmem_shared>>) offsets(%dma_start3A_201 : memref<128xi32, #tpu.memory_space<vmem>>) semaphore(%run_scoped3A_198 : memref<!tpu.dma_semaphore, #tpu.memory_space<semaphore_mem>>) {add = true}
      %dma_wait3A_205 = arith.constant 0 : i32
      %dma_wait3A_206 = tpu.memref_slice %arg5[%run_scoped3A_96, %dma_wait3A_205] : memref<8x128xi32, #tpu.memory_space<vmem>> -> memref<1x128xi32, #tpu.memory_space<vmem>>
      %dma_wait3A_207 = tpu.memref_squeeze %dma_wait3A_206 : memref<1x128xi32, #tpu.memory_space<vmem>> -> memref<128xi32, #tpu.memory_space<vmem>>
      %dma_wait3A_208 = arith.constant 0 : i32
      %dma_wait3A_209 = arith.constant 0 : i32
      %dma_wait3A_210 = tpu.memref_slice %arg9[%dma_wait3A_208, %dma_wait3A_209] : memref<10112x128xf32, #tpu.memory_space<vmem_shared>> -> memref<10112x128xf32, #tpu.memory_space<vmem_shared>>
      tpu.wait_indirect_dma semaphore(%run_scoped3A_198 : memref<!tpu.dma_semaphore, #tpu.memory_space<semaphore_mem>>) src(%arg8 : memref<128x128xf32, #tpu.memory_space<vmem>>) dst(%dma_wait3A_210 : memref<10112x128xf32, #tpu.memory_space<vmem_shared>>)
      tpu.yield
    }) : () -> ()
    %dma_start3A_97 = arith.constant 3 : i32
    %dma_start3A_98 = arith.constant 0 : i32
    %dma_start3A_99 = tpu.memref_slice %arg5[%dma_start3A_97, %dma_start3A_98] : memref<8x128xi32, #tpu.memory_space<vmem>> -> memref<1x128xi32, #tpu.memory_space<vmem>>
    %dma_start3A_100 = tpu.memref_squeeze %dma_start3A_99 : memref<1x128xi32, #tpu.memory_space<vmem>> -> memref<128xi32, #tpu.memory_space<vmem>>
    %dma_start3A_101 = arith.constant 0 : i32
    %dma_start3A_102 = arith.constant 0 : i32
    %dma_start3A_103 = tpu.memref_slice %arg2[%dma_start3A_101, %dma_start3A_102] : memref<10000x128xf32, #tpu.memory_space<hbm>> -> memref<10000x128xf32, #tpu.memory_space<hbm>>
    tpu.enqueue_indirect_dma source(%dma_start3A_103 : memref<10000x128xf32, #tpu.memory_space<hbm>>) target(%arg8 : memref<128x128xf32, #tpu.memory_space<vmem>>) offsets(%dma_start3A_100 : memref<128xi32, #tpu.memory_space<vmem>>) semaphore(%arg13 : memref<!tpu.dma_semaphore, #tpu.memory_space<semaphore_mem>>)
    %dma_wait3A_104 = arith.constant 2 : i32
    %dma_wait3A_105 = arith.constant 0 : i32
    %dma_wait3A_106 = tpu.memref_slice %arg5[%dma_wait3A_104, %dma_wait3A_105] : memref<8x128xi32, #tpu.memory_space<vmem>> -> memref<1x128xi32, #tpu.memory_space<vmem>>
    %dma_wait3A_107 = tpu.memref_squeeze %dma_wait3A_106 : memref<1x128xi32, #tpu.memory_space<vmem>> -> memref<128xi32, #tpu.memory_space<vmem>>
    %dma_wait3A_108 = arith.constant 0 : i32
    %dma_wait3A_109 = arith.constant 0 : i32
    %dma_wait3A_110 = tpu.memref_slice %arg2[%dma_wait3A_108, %dma_wait3A_109] : memref<10000x128xf32, #tpu.memory_space<hbm>> -> memref<10000x128xf32, #tpu.memory_space<hbm>>
    tpu.wait_indirect_dma semaphore(%arg12 : memref<!tpu.dma_semaphore, #tpu.memory_space<semaphore_mem>>) src(%dma_wait3A_110 : memref<10000x128xf32, #tpu.memory_space<hbm>>) dst(%arg7 : memref<128x128xf32, #tpu.memory_space<vmem>>)
    %run_scoped3A_111 = arith.constant 6 : i32
    "tpu.region"() ({
      %run_scoped3A_198 = tpu.sem_alloc : memref<!tpu.dma_semaphore, #tpu.memory_space<semaphore_mem>>
      %dma_start3A_199 = arith.constant 0 : i32
      %dma_start3A_200 = tpu.memref_slice %arg5[%run_scoped3A_111, %dma_start3A_199] : memref<8x128xi32, #tpu.memory_space<vmem>> -> memref<1x128xi32, #tpu.memory_space<vmem>>
      %dma_start3A_201 = tpu.memref_squeeze %dma_start3A_200 : memref<1x128xi32, #tpu.memory_space<vmem>> -> memref<128xi32, #tpu.memory_space<vmem>>
      %dma_start3A_202 = arith.constant 0 : i32
      %dma_start3A_203 = arith.constant 0 : i32
      %dma_start3A_204 = tpu.memref_slice %arg9[%dma_start3A_202, %dma_start3A_203] : memref<10112x128xf32, #tpu.memory_space<vmem_shared>> -> memref<10112x128xf32, #tpu.memory_space<vmem_shared>>
      tpu.enqueue_indirect_dma source(%arg7 : memref<128x128xf32, #tpu.memory_space<vmem>>) target(%dma_start3A_204 : memref<10112x128xf32, #tpu.memory_space<vmem_shared>>) offsets(%dma_start3A_201 : memref<128xi32, #tpu.memory_space<vmem>>) semaphore(%run_scoped3A_198 : memref<!tpu.dma_semaphore, #tpu.memory_space<semaphore_mem>>) {add = true}
      %dma_wait3A_205 = arith.constant 0 : i32
      %dma_wait3A_206 = tpu.memref_slice %arg5[%run_scoped3A_111, %dma_wait3A_205] : memref<8x128xi32, #tpu.memory_space<vmem>> -> memref<1x128xi32, #tpu.memory_space<vmem>>
      %dma_wait3A_207 = tpu.memref_squeeze %dma_wait3A_206 : memref<1x128xi32, #tpu.memory_space<vmem>> -> memref<128xi32, #tpu.memory_space<vmem>>
      %dma_wait3A_208 = arith.constant 0 : i32
      %dma_wait3A_209 = arith.constant 0 : i32
      %dma_wait3A_210 = tpu.memref_slice %arg9[%dma_wait3A_208, %dma_wait3A_209] : memref<10112x128xf32, #tpu.memory_space<vmem_shared>> -> memref<10112x128xf32, #tpu.memory_space<vmem_shared>>
      tpu.wait_indirect_dma semaphore(%run_scoped3A_198 : memref<!tpu.dma_semaphore, #tpu.memory_space<semaphore_mem>>) src(%arg7 : memref<128x128xf32, #tpu.memory_space<vmem>>) dst(%dma_wait3A_210 : memref<10112x128xf32, #tpu.memory_space<vmem_shared>>)
      tpu.yield
    }) : () -> ()
    %add3A_112 = arith.constant 19 : i32
    %add3A_113 = arith.addi %mul3A_2, %add3A_112 : i32
    %dma_wait3A_114 = arith.constant 0 : i32
    %dma_wait3A_115 = arith.constant 0 : i32
    %dma_wait3A_116 = tpu.memref_slice %arg3[%add3A_113, %dma_wait3A_114, %dma_wait3A_115] : memref<640x8x128xi32, #tpu.memory_space<hbm>> -> memref<1x8x128xi32, #tpu.memory_space<hbm>>
    %dma_wait3A_117 = tpu.memref_squeeze %dma_wait3A_116 : memref<1x8x128xi32, #tpu.memory_space<hbm>> -> memref<8x128xi32, #tpu.memory_space<hbm>>
    %dma_wait3A_118 = arith.constant 0 : i32
    %dma_wait3A_119 = arith.constant 0 : i32
    %dma_wait3A_120 = tpu.memref_slice %arg3[%add3A_113, %dma_wait3A_118, %dma_wait3A_119] : memref<640x8x128xi32, #tpu.memory_space<hbm>> -> memref<1x8x128xi32, #tpu.memory_space<hbm>>
    %dma_wait3A_121 = tpu.memref_squeeze %dma_wait3A_120 : memref<1x8x128xi32, #tpu.memory_space<hbm>> -> memref<8x128xi32, #tpu.memory_space<hbm>>
    tpu.wait_dma2 semaphore(%arg11 : memref<!tpu.dma_semaphore, #tpu.memory_space<semaphore_mem>>) src(%dma_wait3A_121 : memref<8x128xi32, #tpu.memory_space<hbm>>) dst(%arg6 : memref<8x128xi32, #tpu.memory_space<vmem>>)
    %dma_start3A_122 = arith.constant 0 : i32
    %dma_start3A_123 = arith.constant 0 : i32
    %dma_start3A_124 = tpu.memref_slice %arg6[%dma_start3A_122, %dma_start3A_123] : memref<8x128xi32, #tpu.memory_space<vmem>> -> memref<1x128xi32, #tpu.memory_space<vmem>>
    %dma_start3A_125 = tpu.memref_squeeze %dma_start3A_124 : memref<1x128xi32, #tpu.memory_space<vmem>> -> memref<128xi32, #tpu.memory_space<vmem>>
    %dma_start3A_126 = arith.constant 0 : i32
    %dma_start3A_127 = arith.constant 0 : i32
    %dma_start3A_128 = tpu.memref_slice %arg2[%dma_start3A_126, %dma_start3A_127] : memref<10000x128xf32, #tpu.memory_space<hbm>> -> memref<10000x128xf32, #tpu.memory_space<hbm>>
    tpu.enqueue_indirect_dma source(%dma_start3A_128 : memref<10000x128xf32, #tpu.memory_space<hbm>>) target(%arg7 : memref<128x128xf32, #tpu.memory_space<vmem>>) offsets(%dma_start3A_125 : memref<128xi32, #tpu.memory_space<vmem>>) semaphore(%arg12 : memref<!tpu.dma_semaphore, #tpu.memory_space<semaphore_mem>>)
    %dma_wait3A_129 = arith.constant 3 : i32
    %dma_wait3A_130 = arith.constant 0 : i32
    %dma_wait3A_131 = tpu.memref_slice %arg5[%dma_wait3A_129, %dma_wait3A_130] : memref<8x128xi32, #tpu.memory_space<vmem>> -> memref<1x128xi32, #tpu.memory_space<vmem>>
    %dma_wait3A_132 = tpu.memref_squeeze %dma_wait3A_131 : memref<1x128xi32, #tpu.memory_space<vmem>> -> memref<128xi32, #tpu.memory_space<vmem>>
    %dma_wait3A_133 = arith.constant 0 : i32
    %dma_wait3A_134 = arith.constant 0 : i32
    %dma_wait3A_135 = tpu.memref_slice %arg2[%dma_wait3A_133, %dma_wait3A_134] : memref<10000x128xf32, #tpu.memory_space<hbm>> -> memref<10000x128xf32, #tpu.memory_space<hbm>>
    tpu.wait_indirect_dma semaphore(%arg13 : memref<!tpu.dma_semaphore, #tpu.memory_space<semaphore_mem>>) src(%dma_wait3A_135 : memref<10000x128xf32, #tpu.memory_space<hbm>>) dst(%arg8 : memref<128x128xf32, #tpu.memory_space<vmem>>)
    %run_scoped3A_136 = arith.constant 7 : i32
    "tpu.region"() ({
      %run_scoped3A_198 = tpu.sem_alloc : memref<!tpu.dma_semaphore, #tpu.memory_space<semaphore_mem>>
      %dma_start3A_199 = arith.constant 0 : i32
      %dma_start3A_200 = tpu.memref_slice %arg5[%run_scoped3A_136, %dma_start3A_199] : memref<8x128xi32, #tpu.memory_space<vmem>> -> memref<1x128xi32, #tpu.memory_space<vmem>>
      %dma_start3A_201 = tpu.memref_squeeze %dma_start3A_200 : memref<1x128xi32, #tpu.memory_space<vmem>> -> memref<128xi32, #tpu.memory_space<vmem>>
      %dma_start3A_202 = arith.constant 0 : i32
      %dma_start3A_203 = arith.constant 0 : i32
      %dma_start3A_204 = tpu.memref_slice %arg9[%dma_start3A_202, %dma_start3A_203] : memref<10112x128xf32, #tpu.memory_space<vmem_shared>> -> memref<10112x128xf32, #tpu.memory_space<vmem_shared>>
      tpu.enqueue_indirect_dma source(%arg8 : memref<128x128xf32, #tpu.memory_space<vmem>>) target(%dma_start3A_204 : memref<10112x128xf32, #tpu.memory_space<vmem_shared>>) offsets(%dma_start3A_201 : memref<128xi32, #tpu.memory_space<vmem>>) semaphore(%run_scoped3A_198 : memref<!tpu.dma_semaphore, #tpu.memory_space<semaphore_mem>>) {add = true}
      %dma_wait3A_205 = arith.constant 0 : i32
      %dma_wait3A_206 = tpu.memref_slice %arg5[%run_scoped3A_136, %dma_wait3A_205] : memref<8x128xi32, #tpu.memory_space<vmem>> -> memref<1x128xi32, #tpu.memory_space<vmem>>
      %dma_wait3A_207 = tpu.memref_squeeze %dma_wait3A_206 : memref<1x128xi32, #tpu.memory_space<vmem>> -> memref<128xi32, #tpu.memory_space<vmem>>
      %dma_wait3A_208 = arith.constant 0 : i32
      %dma_wait3A_209 = arith.constant 0 : i32
      %dma_wait3A_210 = tpu.memref_slice %arg9[%dma_wait3A_208, %dma_wait3A_209] : memref<10112x128xf32, #tpu.memory_space<vmem_shared>> -> memref<10112x128xf32, #tpu.memory_space<vmem_shared>>
      tpu.wait_indirect_dma semaphore(%run_scoped3A_198 : memref<!tpu.dma_semaphore, #tpu.memory_space<semaphore_mem>>) src(%arg8 : memref<128x128xf32, #tpu.memory_space<vmem>>) dst(%dma_wait3A_210 : memref<10112x128xf32, #tpu.memory_space<vmem_shared>>)
      tpu.yield
    }) : () -> ()
    %dma_start3A_137 = arith.constant 1 : i32
    %dma_start3A_138 = arith.constant 0 : i32
    %dma_start3A_139 = tpu.memref_slice %arg6[%dma_start3A_137, %dma_start3A_138] : memref<8x128xi32, #tpu.memory_space<vmem>> -> memref<1x128xi32, #tpu.memory_space<vmem>>
    %dma_start3A_140 = tpu.memref_squeeze %dma_start3A_139 : memref<1x128xi32, #tpu.memory_space<vmem>> -> memref<128xi32, #tpu.memory_space<vmem>>
    %dma_start3A_141 = arith.constant 0 : i32
    %dma_start3A_142 = arith.constant 0 : i32
    %dma_start3A_143 = tpu.memref_slice %arg2[%dma_start3A_141, %dma_start3A_142] : memref<10000x128xf32, #tpu.memory_space<hbm>> -> memref<10000x128xf32, #tpu.memory_space<hbm>>
    tpu.enqueue_indirect_dma source(%dma_start3A_143 : memref<10000x128xf32, #tpu.memory_space<hbm>>) target(%arg8 : memref<128x128xf32, #tpu.memory_space<vmem>>) offsets(%dma_start3A_140 : memref<128xi32, #tpu.memory_space<vmem>>) semaphore(%arg13 : memref<!tpu.dma_semaphore, #tpu.memory_space<semaphore_mem>>)
    %dma_wait3A_144 = arith.constant 0 : i32
    %dma_wait3A_145 = arith.constant 0 : i32
    %dma_wait3A_146 = tpu.memref_slice %arg6[%dma_wait3A_144, %dma_wait3A_145] : memref<8x128xi32, #tpu.memory_space<vmem>> -> memref<1x128xi32, #tpu.memory_space<vmem>>
    %dma_wait3A_147 = tpu.memref_squeeze %dma_wait3A_146 : memref<1x128xi32, #tpu.memory_space<vmem>> -> memref<128xi32, #tpu.memory_space<vmem>>
    %dma_wait3A_148 = arith.constant 0 : i32
    %dma_wait3A_149 = arith.constant 0 : i32
    %dma_wait3A_150 = tpu.memref_slice %arg2[%dma_wait3A_148, %dma_wait3A_149] : memref<10000x128xf32, #tpu.memory_space<hbm>> -> memref<10000x128xf32, #tpu.memory_space<hbm>>
    tpu.wait_indirect_dma semaphore(%arg12 : memref<!tpu.dma_semaphore, #tpu.memory_space<semaphore_mem>>) src(%dma_wait3A_150 : memref<10000x128xf32, #tpu.memory_space<hbm>>) dst(%arg7 : memref<128x128xf32, #tpu.memory_space<vmem>>)
    %run_scoped3A_151 = arith.constant 4 : i32
    "tpu.region"() ({
      %run_scoped3A_198 = tpu.sem_alloc : memref<!tpu.dma_semaphore, #tpu.memory_space<semaphore_mem>>
      %dma_start3A_199 = arith.constant 0 : i32
      %dma_start3A_200 = tpu.memref_slice %arg6[%run_scoped3A_151, %dma_start3A_199] : memref<8x128xi32, #tpu.memory_space<vmem>> -> memref<1x128xi32, #tpu.memory_space<vmem>>
      %dma_start3A_201 = tpu.memref_squeeze %dma_start3A_200 : memref<1x128xi32, #tpu.memory_space<vmem>> -> memref<128xi32, #tpu.memory_space<vmem>>
      %dma_start3A_202 = arith.constant 0 : i32
      %dma_start3A_203 = arith.constant 0 : i32
      %dma_start3A_204 = tpu.memref_slice %arg9[%dma_start3A_202, %dma_start3A_203] : memref<10112x128xf32, #tpu.memory_space<vmem_shared>> -> memref<10112x128xf32, #tpu.memory_space<vmem_shared>>
      tpu.enqueue_indirect_dma source(%arg7 : memref<128x128xf32, #tpu.memory_space<vmem>>) target(%dma_start3A_204 : memref<10112x128xf32, #tpu.memory_space<vmem_shared>>) offsets(%dma_start3A_201 : memref<128xi32, #tpu.memory_space<vmem>>) semaphore(%run_scoped3A_198 : memref<!tpu.dma_semaphore, #tpu.memory_space<semaphore_mem>>) {add = true}
      %dma_wait3A_205 = arith.constant 0 : i32
      %dma_wait3A_206 = tpu.memref_slice %arg6[%run_scoped3A_151, %dma_wait3A_205] : memref<8x128xi32, #tpu.memory_space<vmem>> -> memref<1x128xi32, #tpu.memory_space<vmem>>
      %dma_wait3A_207 = tpu.memref_squeeze %dma_wait3A_206 : memref<1x128xi32, #tpu.memory_space<vmem>> -> memref<128xi32, #tpu.memory_space<vmem>>
      %dma_wait3A_208 = arith.constant 0 : i32
      %dma_wait3A_209 = arith.constant 0 : i32
      %dma_wait3A_210 = tpu.memref_slice %arg9[%dma_wait3A_208, %dma_wait3A_209] : memref<10112x128xf32, #tpu.memory_space<vmem_shared>> -> memref<10112x128xf32, #tpu.memory_space<vmem_shared>>
      tpu.wait_indirect_dma semaphore(%run_scoped3A_198 : memref<!tpu.dma_semaphore, #tpu.memory_space<semaphore_mem>>) src(%arg7 : memref<128x128xf32, #tpu.memory_space<vmem>>) dst(%dma_wait3A_210 : memref<10112x128xf32, #tpu.memory_space<vmem_shared>>)
      tpu.yield
    }) : () -> ()
    %dma_start3A_152 = arith.constant 2 : i32
    %dma_start3A_153 = arith.constant 0 : i32
    %dma_start3A_154 = tpu.memref_slice %arg6[%dma_start3A_152, %dma_start3A_153] : memref<8x128xi32, #tpu.memory_space<vmem>> -> memref<1x128xi32, #tpu.memory_space<vmem>>
    %dma_start3A_155 = tpu.memref_squeeze %dma_start3A_154 : memref<1x128xi32, #tpu.memory_space<vmem>> -> memref<128xi32, #tpu.memory_space<vmem>>
    %dma_start3A_156 = arith.constant 0 : i32
    %dma_start3A_157 = arith.constant 0 : i32
    %dma_start3A_158 = tpu.memref_slice %arg2[%dma_start3A_156, %dma_start3A_157] : memref<10000x128xf32, #tpu.memory_space<hbm>> -> memref<10000x128xf32, #tpu.memory_space<hbm>>
    tpu.enqueue_indirect_dma source(%dma_start3A_158 : memref<10000x128xf32, #tpu.memory_space<hbm>>) target(%arg7 : memref<128x128xf32, #tpu.memory_space<vmem>>) offsets(%dma_start3A_155 : memref<128xi32, #tpu.memory_space<vmem>>) semaphore(%arg12 : memref<!tpu.dma_semaphore, #tpu.memory_space<semaphore_mem>>)
    %dma_wait3A_159 = arith.constant 1 : i32
    %dma_wait3A_160 = arith.constant 0 : i32
    %dma_wait3A_161 = tpu.memref_slice %arg6[%dma_wait3A_159, %dma_wait3A_160] : memref<8x128xi32, #tpu.memory_space<vmem>> -> memref<1x128xi32, #tpu.memory_space<vmem>>
    %dma_wait3A_162 = tpu.memref_squeeze %dma_wait3A_161 : memref<1x128xi32, #tpu.memory_space<vmem>> -> memref<128xi32, #tpu.memory_space<vmem>>
    %dma_wait3A_163 = arith.constant 0 : i32
    %dma_wait3A_164 = arith.constant 0 : i32
    %dma_wait3A_165 = tpu.memref_slice %arg2[%dma_wait3A_163, %dma_wait3A_164] : memref<10000x128xf32, #tpu.memory_space<hbm>> -> memref<10000x128xf32, #tpu.memory_space<hbm>>
    tpu.wait_indirect_dma semaphore(%arg13 : memref<!tpu.dma_semaphore, #tpu.memory_space<semaphore_mem>>) src(%dma_wait3A_165 : memref<10000x128xf32, #tpu.memory_space<hbm>>) dst(%arg8 : memref<128x128xf32, #tpu.memory_space<vmem>>)
    %run_scoped3A_166 = arith.constant 5 : i32
    "tpu.region"() ({
      %run_scoped3A_198 = tpu.sem_alloc : memref<!tpu.dma_semaphore, #tpu.memory_space<semaphore_mem>>
      %dma_start3A_199 = arith.constant 0 : i32
      %dma_start3A_200 = tpu.memref_slice %arg6[%run_scoped3A_166, %dma_start3A_199] : memref<8x128xi32, #tpu.memory_space<vmem>> -> memref<1x128xi32, #tpu.memory_space<vmem>>
      %dma_start3A_201 = tpu.memref_squeeze %dma_start3A_200 : memref<1x128xi32, #tpu.memory_space<vmem>> -> memref<128xi32, #tpu.memory_space<vmem>>
      %dma_start3A_202 = arith.constant 0 : i32
      %dma_start3A_203 = arith.constant 0 : i32
      %dma_start3A_204 = tpu.memref_slice %arg9[%dma_start3A_202, %dma_start3A_203] : memref<10112x128xf32, #tpu.memory_space<vmem_shared>> -> memref<10112x128xf32, #tpu.memory_space<vmem_shared>>
      tpu.enqueue_indirect_dma source(%arg8 : memref<128x128xf32, #tpu.memory_space<vmem>>) target(%dma_start3A_204 : memref<10112x128xf32, #tpu.memory_space<vmem_shared>>) offsets(%dma_start3A_201 : memref<128xi32, #tpu.memory_space<vmem>>) semaphore(%run_scoped3A_198 : memref<!tpu.dma_semaphore, #tpu.memory_space<semaphore_mem>>) {add = true}
      %dma_wait3A_205 = arith.constant 0 : i32
      %dma_wait3A_206 = tpu.memref_slice %arg6[%run_scoped3A_166, %dma_wait3A_205] : memref<8x128xi32, #tpu.memory_space<vmem>> -> memref<1x128xi32, #tpu.memory_space<vmem>>
      %dma_wait3A_207 = tpu.memref_squeeze %dma_wait3A_206 : memref<1x128xi32, #tpu.memory_space<vmem>> -> memref<128xi32, #tpu.memory_space<vmem>>
      %dma_wait3A_208 = arith.constant 0 : i32
      %dma_wait3A_209 = arith.constant 0 : i32
      %dma_wait3A_210 = tpu.memref_slice %arg9[%dma_wait3A_208, %dma_wait3A_209] : memref<10112x128xf32, #tpu.memory_space<vmem_shared>> -> memref<10112x128xf32, #tpu.memory_space<vmem_shared>>
      tpu.wait_indirect_dma semaphore(%run_scoped3A_198 : memref<!tpu.dma_semaphore, #tpu.memory_space<semaphore_mem>>) src(%arg8 : memref<128x128xf32, #tpu.memory_space<vmem>>) dst(%dma_wait3A_210 : memref<10112x128xf32, #tpu.memory_space<vmem_shared>>)
      tpu.yield
    }) : () -> ()
    %dma_start3A_167 = arith.constant 3 : i32
    %dma_start3A_168 = arith.constant 0 : i32
    %dma_start3A_169 = tpu.memref_slice %arg6[%dma_start3A_167, %dma_start3A_168] : memref<8x128xi32, #tpu.memory_space<vmem>> -> memref<1x128xi32, #tpu.memory_space<vmem>>
    %dma_start3A_170 = tpu.memref_squeeze %dma_start3A_169 : memref<1x128xi32, #tpu.memory_space<vmem>> -> memref<128xi32, #tpu.memory_space<vmem>>
    %dma_start3A_171 = arith.constant 0 : i32
    %dma_start3A_172 = arith.constant 0 : i32
    %dma_start3A_173 = tpu.memref_slice %arg2[%dma_start3A_171, %dma_start3A_172] : memref<10000x128xf32, #tpu.memory_space<hbm>> -> memref<10000x128xf32, #tpu.memory_space<hbm>>
    tpu.enqueue_indirect_dma source(%dma_start3A_173 : memref<10000x128xf32, #tpu.memory_space<hbm>>) target(%arg8 : memref<128x128xf32, #tpu.memory_space<vmem>>) offsets(%dma_start3A_170 : memref<128xi32, #tpu.memory_space<vmem>>) semaphore(%arg13 : memref<!tpu.dma_semaphore, #tpu.memory_space<semaphore_mem>>)
    %dma_wait3A_174 = arith.constant 2 : i32
    %dma_wait3A_175 = arith.constant 0 : i32
    %dma_wait3A_176 = tpu.memref_slice %arg6[%dma_wait3A_174, %dma_wait3A_175] : memref<8x128xi32, #tpu.memory_space<vmem>> -> memref<1x128xi32, #tpu.memory_space<vmem>>
    %dma_wait3A_177 = tpu.memref_squeeze %dma_wait3A_176 : memref<1x128xi32, #tpu.memory_space<vmem>> -> memref<128xi32, #tpu.memory_space<vmem>>
    %dma_wait3A_178 = arith.constant 0 : i32
    %dma_wait3A_179 = arith.constant 0 : i32
    %dma_wait3A_180 = tpu.memref_slice %arg2[%dma_wait3A_178, %dma_wait3A_179] : memref<10000x128xf32, #tpu.memory_space<hbm>> -> memref<10000x128xf32, #tpu.memory_space<hbm>>
    tpu.wait_indirect_dma semaphore(%arg12 : memref<!tpu.dma_semaphore, #tpu.memory_space<semaphore_mem>>) src(%dma_wait3A_180 : memref<10000x128xf32, #tpu.memory_space<hbm>>) dst(%arg7 : memref<128x128xf32, #tpu.memory_space<vmem>>)
    %run_scoped3A_181 = arith.constant 6 : i32
    "tpu.region"() ({
      %run_scoped3A_198 = tpu.sem_alloc : memref<!tpu.dma_semaphore, #tpu.memory_space<semaphore_mem>>
      %dma_start3A_199 = arith.constant 0 : i32
      %dma_start3A_200 = tpu.memref_slice %arg6[%run_scoped3A_181, %dma_start3A_199] : memref<8x128xi32, #tpu.memory_space<vmem>> -> memref<1x128xi32, #tpu.memory_space<vmem>>
      %dma_start3A_201 = tpu.memref_squeeze %dma_start3A_200 : memref<1x128xi32, #tpu.memory_space<vmem>> -> memref<128xi32, #tpu.memory_space<vmem>>
      %dma_start3A_202 = arith.constant 0 : i32
      %dma_start3A_203 = arith.constant 0 : i32
      %dma_start3A_204 = tpu.memref_slice %arg9[%dma_start3A_202, %dma_start3A_203] : memref<10112x128xf32, #tpu.memory_space<vmem_shared>> -> memref<10112x128xf32, #tpu.memory_space<vmem_shared>>
      tpu.enqueue_indirect_dma source(%arg7 : memref<128x128xf32, #tpu.memory_space<vmem>>) target(%dma_start3A_204 : memref<10112x128xf32, #tpu.memory_space<vmem_shared>>) offsets(%dma_start3A_201 : memref<128xi32, #tpu.memory_space<vmem>>) semaphore(%run_scoped3A_198 : memref<!tpu.dma_semaphore, #tpu.memory_space<semaphore_mem>>) {add = true}
      %dma_wait3A_205 = arith.constant 0 : i32
      %dma_wait3A_206 = tpu.memref_slice %arg6[%run_scoped3A_181, %dma_wait3A_205] : memref<8x128xi32, #tpu.memory_space<vmem>> -> memref<1x128xi32, #tpu.memory_space<vmem>>
      %dma_wait3A_207 = tpu.memref_squeeze %dma_wait3A_206 : memref<1x128xi32, #tpu.memory_space<vmem>> -> memref<128xi32, #tpu.memory_space<vmem>>
      %dma_wait3A_208 = arith.constant 0 : i32
      %dma_wait3A_209 = arith.constant 0 : i32
      %dma_wait3A_210 = tpu.memref_slice %arg9[%dma_wait3A_208, %dma_wait3A_209] : memref<10112x128xf32, #tpu.memory_space<vmem_shared>> -> memref<10112x128xf32, #tpu.memory_space<vmem_shared>>
      tpu.wait_indirect_dma semaphore(%run_scoped3A_198 : memref<!tpu.dma_semaphore, #tpu.memory_space<semaphore_mem>>) src(%arg7 : memref<128x128xf32, #tpu.memory_space<vmem>>) dst(%dma_wait3A_210 : memref<10112x128xf32, #tpu.memory_space<vmem_shared>>)
      tpu.yield
    }) : () -> ()
    %dma_wait3A_182 = arith.constant 3 : i32
    %dma_wait3A_183 = arith.constant 0 : i32
    %dma_wait3A_184 = tpu.memref_slice %arg6[%dma_wait3A_182, %dma_wait3A_183] : memref<8x128xi32, #tpu.memory_space<vmem>> -> memref<1x128xi32, #tpu.memory_space<vmem>>
    %dma_wait3A_185 = tpu.memref_squeeze %dma_wait3A_184 : memref<1x128xi32, #tpu.memory_space<vmem>> -> memref<128xi32, #tpu.memory_space<vmem>>
    %dma_wait3A_186 = arith.constant 0 : i32
    %dma_wait3A_187 = arith.constant 0 : i32
    %dma_wait3A_188 = tpu.memref_slice %arg2[%dma_wait3A_186, %dma_wait3A_187] : memref<10000x128xf32, #tpu.memory_space<hbm>> -> memref<10000x128xf32, #tpu.memory_space<hbm>>
    tpu.wait_indirect_dma semaphore(%arg13 : memref<!tpu.dma_semaphore, #tpu.memory_space<semaphore_mem>>) src(%dma_wait3A_188 : memref<10000x128xf32, #tpu.memory_space<hbm>>) dst(%arg8 : memref<128x128xf32, #tpu.memory_space<vmem>>)
    %run_scoped3A_189 = arith.constant 7 : i32
    "tpu.region"() ({
      %run_scoped3A_198 = tpu.sem_alloc : memref<!tpu.dma_semaphore, #tpu.memory_space<semaphore_mem>>
      %dma_start3A_199 = arith.constant 0 : i32
      %dma_start3A_200 = tpu.memref_slice %arg6[%run_scoped3A_189, %dma_start3A_199] : memref<8x128xi32, #tpu.memory_space<vmem>> -> memref<1x128xi32, #tpu.memory_space<vmem>>
      %dma_start3A_201 = tpu.memref_squeeze %dma_start3A_200 : memref<1x128xi32, #tpu.memory_space<vmem>> -> memref<128xi32, #tpu.memory_space<vmem>>
      %dma_start3A_202 = arith.constant 0 : i32
      %dma_start3A_203 = arith.constant 0 : i32
      %dma_start3A_204 = tpu.memref_slice %arg9[%dma_start3A_202, %dma_start3A_203] : memref<10112x128xf32, #tpu.memory_space<vmem_shared>> -> memref<10112x128xf32, #tpu.memory_space<vmem_shared>>
      tpu.enqueue_indirect_dma source(%arg8 : memref<128x128xf32, #tpu.memory_space<vmem>>) target(%dma_start3A_204 : memref<10112x128xf32, #tpu.memory_space<vmem_shared>>) offsets(%dma_start3A_201 : memref<128xi32, #tpu.memory_space<vmem>>) semaphore(%run_scoped3A_198 : memref<!tpu.dma_semaphore, #tpu.memory_space<semaphore_mem>>) {add = true}
      %dma_wait3A_205 = arith.constant 0 : i32
      %dma_wait3A_206 = tpu.memref_slice %arg6[%run_scoped3A_189, %dma_wait3A_205] : memref<8x128xi32, #tpu.memory_space<vmem>> -> memref<1x128xi32, #tpu.memory_space<vmem>>
      %dma_wait3A_207 = tpu.memref_squeeze %dma_wait3A_206 : memref<1x128xi32, #tpu.memory_space<vmem>> -> memref<128xi32, #tpu.memory_space<vmem>>
      %dma_wait3A_208 = arith.constant 0 : i32
      %dma_wait3A_209 = arith.constant 0 : i32
      %dma_wait3A_210 = tpu.memref_slice %arg9[%dma_wait3A_208, %dma_wait3A_209] : memref<10112x128xf32, #tpu.memory_space<vmem_shared>> -> memref<10112x128xf32, #tpu.memory_space<vmem_shared>>
      tpu.wait_indirect_dma semaphore(%run_scoped3A_198 : memref<!tpu.dma_semaphore, #tpu.memory_space<semaphore_mem>>) src(%arg8 : memref<128x128xf32, #tpu.memory_space<vmem>>) dst(%dma_wait3A_210 : memref<10112x128xf32, #tpu.memory_space<vmem_shared>>)
      tpu.yield
    }) : () -> ()
    %barrier3A_190 = arith.constant 0 : index
    tpu.barrier barrier_id(%barrier3A_190)
    %mul3A_191 = arith.constant 632 : i32
    %mul3A_192 = arith.muli %arg1, %mul3A_191 : i32
    %mul3A_193 = arith.constant 10112 : i32
    %mul3A_194 = arith.muli %arg0, %mul3A_193 : i32
    %mul3A_195 = arith.constant 632 : i32
    %mul3A_196 = arith.muli %arg1, %mul3A_195 : i32
    %add3A_197 = arith.addi %mul3A_194, %mul3A_196 : i32
    "tpu.region"() ({
      %run_scoped3A_198 = tpu.sem_alloc : memref<!tpu.dma_semaphore, #tpu.memory_space<semaphore_mem>>
      %dma_start3A_199 = arith.constant 0 : i32
      %dma_start3A_200 = tpu.memref_slice %arg4[%add3A_197, %dma_start3A_199] : memref<20224x128xf32, #tpu.memory_space<hbm>> -> memref<632x128xf32, #tpu.memory_space<hbm>>
      %dma_start3A_201 = arith.constant 0 : i32
      %dma_start3A_202 = tpu.memref_slice %arg9[%mul3A_192, %dma_start3A_201] : memref<10112x128xf32, #tpu.memory_space<vmem_shared>> -> memref<632x128xf32, #tpu.memory_space<vmem_shared>>
      tpu.enqueue_dma source(%dma_start3A_202 : memref<632x128xf32, #tpu.memory_space<vmem_shared>>) target(%dma_start3A_200 : memref<632x128xf32, #tpu.memory_space<hbm>>) target_semaphore(%run_scoped3A_198 : memref<!tpu.dma_semaphore, #tpu.memory_space<semaphore_mem>>)
      %dma_wait3A_203 = arith.constant 0 : i32
      %dma_wait3A_204 = tpu.memref_slice %arg4[%add3A_197, %dma_wait3A_203] : memref<20224x128xf32, #tpu.memory_space<hbm>> -> memref<632x128xf32, #tpu.memory_space<hbm>>
      %dma_wait3A_205 = arith.constant 0 : i32
      %dma_wait3A_206 = tpu.memref_slice %arg9[%mul3A_192, %dma_wait3A_205] : memref<10112x128xf32, #tpu.memory_space<vmem_shared>> -> memref<632x128xf32, #tpu.memory_space<vmem_shared>>
      tpu.wait_dma2 semaphore(%run_scoped3A_198 : memref<!tpu.dma_semaphore, #tpu.memory_space<semaphore_mem>>) src(%dma_wait3A_206 : memref<632x128xf32, #tpu.memory_space<vmem_shared>>) dst(%dma_wait3A_204 : memref<632x128xf32, #tpu.memory_space<hbm>>)
      tpu.yield
    }) : () -> ()
    return
  }
}

#map = affine_map<(d0, d1) -> (0, 0)>
#map1 = affine_map<(d0, d1) -> (0, 0, 0)>
module attributes {stable_mosaic.version = 14 : i64} {
  func.func @_agg_body(%arg0: i32, %arg1: i32, %arg2: memref<10000x128xf32, #tpu.memory_space<hbm>>, %arg3: memref<640x8x128xi32, #tpu.memory_space<hbm>>, %arg4: memref<20224x128xf32, #tpu.memory_space<hbm>>, %arg5: memref<8x128xi32, #tpu.memory_space<vmem>>, %arg6: memref<8x128xi32, #tpu.memory_space<vmem>>, %arg7: memref<128x128xf32, #tpu.memory_space<vmem>>, %arg8: memref<128x128xf32, #tpu.memory_space<vmem>>, %arg9: memref<10112x128xf32, #tpu.memory_space<vmem_shared>>, %arg10: memref<!tpu.dma_semaphore, #tpu.memory_space<semaphore_mem>>, %arg11: memref<!tpu.dma_semaphore, #tpu.memory_space<semaphore_mem>>, %arg12: memref<!tpu.dma_semaphore, #tpu.memory_space<semaphore_mem>>, %arg13: memref<!tpu.dma_semaphore, #tpu.memory_space<semaphore_mem>>) attributes {dimension_semantics = [#tpu.dimension_semantics<core_parallel>, #tpu.dimension_semantics<subcore_parallel>], iteration_bounds = array<i64: 2, 16>, scalar_prefetch = 0 : i64, scratch_operands = 9 : i64, tpu.core_type = #tpu.core_type<sc_vector_subcore>, window_params = [{transform_indices = #map}, {transform_indices = #map1}, {transform_indices = #map}]} {
    %mul3A = arith.constant 16 : i32
    %mul3A_0 = arith.muli %arg0, %mul3A : i32
    %add3A = arith.addi %mul3A_0, %arg1 : i32
    %mul3A_1 = arith.constant 20 : i32
    %mul3A_2 = arith.muli %add3A, %mul3A_1 : i32
    %broadcast_in_dim3A = arith.constant 0.000000e+00 : f32
    %broadcast_in_dim3A_3 = vector.broadcast %broadcast_in_dim3A : f32 to vector<16xf32>
    %scan3A = arith.constant 0 : i32
    %scan3A_4 = arith.constant 128 : i32
    %scan3A_5 = arith.addi %scan3A, %scan3A_4 : i32
    %scan3A_6 = arith.constant 1 : i32
    scf.for %scan3A_198 = %scan3A to %scan3A_5 step %scan3A_6  : i32 {
      %mul3A_199 = arith.constant 1 : i32
      %mul3A_200 = arith.muli %scan3A_198, %mul3A_199 : i32
      %add3A_201 = arith.constant 0 : i32
      %add3A_202 = arith.addi %add3A_201, %mul3A_200 : i32
      %swap3A = arith.index_cast %add3A_202 : i32 to index
      %swap3A_203 = arith.constant 0 : index
      %swap3A_204 = tpu.vector_load %arg7[%swap3A, %swap3A_203] {strides = array<i32>} : memref<128x128xf32, #tpu.memory_space<vmem>>, vector<1x16xf32>,
      %swap3A_205 = vector.shape_cast %swap3A_204 : vector<1x16xf32> to vector<16xf32>
      %swap3A_206 = vector.shape_cast %broadcast_in_dim3A_3 : vector<16xf32> to vector<1x16xf32>
      tpu.vector_store %arg7[%swap3A, %swap3A_203], %swap3A_206 {strides = array<i32>} : memref<128x128xf32, #tpu.memory_space<vmem>>, vector<1x16xf32>,
      %swap3A_207 = arith.index_cast %add3A_202 : i32 to index
      %swap3A_208 = arith.constant 16 : index
      %swap3A_209 = tpu.vector_load %arg7[%swap3A_207, %swap3A_208] {strides = array<i32>} : memref<128x128xf32, #tpu.memory_space<vmem>>, vector<1x16xf32>,
      %swap3A_210 = vector.shape_cast %swap3A_209 : vector<1x16xf32> to vector<16xf32>
      %swap3A_211 = vector.shape_cast %broadcast_in_dim3A_3 : vector<16xf32> to vector<1x16xf32>
      tpu.vector_store %arg7[%swap3A_207, %swap3A_208], %swap3A_211 {strides = array<i32>} : memref<128x128xf32, #tpu.memory_space<vmem>>, vector<1x16xf32>,
      %swap3A_212 = arith.index_cast %add3A_202 : i32 to index
      %swap3A_213 = arith.constant 32 : index
      %swap3A_214 = tpu.vector_load %arg7[%swap3A_212, %swap3A_213] {strides = array<i32>} : memref<128x128xf32, #tpu.memory_space<vmem>>, vector<1x16xf32>,
      %swap3A_215 = vector.shape_cast %swap3A_214 : vector<1x16xf32> to vector<16xf32>
      %swap3A_216 = vector.shape_cast %broadcast_in_dim3A_3 : vector<16xf32> to vector<1x16xf32>
      tpu.vector_store %arg7[%swap3A_212, %swap3A_213], %swap3A_216 {strides = array<i32>} : memref<128x128xf32, #tpu.memory_space<vmem>>, vector<1x16xf32>,
      %swap3A_217 = arith.index_cast %add3A_202 : i32 to index
      %swap3A_218 = arith.constant 48 : index
      %swap3A_219 = tpu.vector_load %arg7[%swap3A_217, %swap3A_218] {strides = array<i32>} : memref<128x128xf32, #tpu.memory_space<vmem>>, vector<1x16xf32>,
      %swap3A_220 = vector.shape_cast %swap3A_219 : vector<1x16xf32> to vector<16xf32>
      %swap3A_221 = vector.shape_cast %broadcast_in_dim3A_3 : vector<16xf32> to vector<1x16xf32>
      tpu.vector_store %arg7[%swap3A_217, %swap3A_218], %swap3A_221 {strides = array<i32>} : memref<128x128xf32, #tpu.memory_space<vmem>>, vector<1x16xf32>,
      %swap3A_222 = arith.index_cast %add3A_202 : i32 to index
      %swap3A_223 = arith.constant 64 : index
      %swap3A_224 = tpu.vector_load %arg7[%swap3A_222, %swap3A_223] {strides = array<i32>} : memref<128x128xf32, #tpu.memory_space<vmem>>, vector<1x16xf32>,
      %swap3A_225 = vector.shape_cast %swap3A_224 : vector<1x16xf32> to vector<16xf32>
      %swap3A_226 = vector.shape_cast %broadcast_in_dim3A_3 : vector<16xf32> to vector<1x16xf32>
      tpu.vector_store %arg7[%swap3A_222, %swap3A_223], %swap3A_226 {strides = array<i32>} : memref<128x128xf32, #tpu.memory_space<vmem>>, vector<1x16xf32>,
      %swap3A_227 = arith.index_cast %add3A_202 : i32 to index
      %swap3A_228 = arith.constant 80 : index
      %swap3A_229 = tpu.vector_load %arg7[%swap3A_227, %swap3A_228] {strides = array<i32>} : memref<128x128xf32, #tpu.memory_space<vmem>>, vector<1x16xf32>,
      %swap3A_230 = vector.shape_cast %swap3A_229 : vector<1x16xf32> to vector<16xf32>
      %swap3A_231 = vector.shape_cast %broadcast_in_dim3A_3 : vector<16xf32> to vector<1x16xf32>
      tpu.vector_store %arg7[%swap3A_227, %swap3A_228], %swap3A_231 {strides = array<i32>} : memref<128x128xf32, #tpu.memory_space<vmem>>, vector<1x16xf32>,
      %swap3A_232 = arith.index_cast %add3A_202 : i32 to index
      %swap3A_233 = arith.constant 96 : index
      %swap3A_234 = tpu.vector_load %arg7[%swap3A_232, %swap3A_233] {strides = array<i32>} : memref<128x128xf32, #tpu.memory_space<vmem>>, vector<1x16xf32>,
      %swap3A_235 = vector.shape_cast %swap3A_234 : vector<1x16xf32> to vector<16xf32>
      %swap3A_236 = vector.shape_cast %broadcast_in_dim3A_3 : vector<16xf32> to vector<1x16xf32>
      tpu.vector_store %arg7[%swap3A_232, %swap3A_233], %swap3A_236 {strides = array<i32>} : memref<128x128xf32, #tpu.memory_space<vmem>>, vector<1x16xf32>,
      %swap3A_237 = arith.index_cast %add3A_202 : i32 to index
      %swap3A_238 = arith.constant 112 : index
      %swap3A_239 = tpu.vector_load %arg7[%swap3A_237, %swap3A_238] {strides = array<i32>} : memref<128x128xf32, #tpu.memory_space<vmem>>, vector<1x16xf32>,
      %swap3A_240 = vector.shape_cast %swap3A_239 : vector<1x16xf32> to vector<16xf32>
      %swap3A_241 = vector.shape_cast %broadcast_in_dim3A_3 : vector<16xf32> to vector<1x16xf32>
      tpu.vector_store %arg7[%swap3A_237, %swap3A_238], %swap3A_241 {strides = array<i32>} : memref<128x128xf32, #tpu.memory_space<vmem>>, vector<1x16xf32>,
    }
    %scan3A_7 = arith.constant 128 : i32
    %mul3A_8 = arith.constant 632 : i32
    %mul3A_9 = arith.muli %arg1, %mul3A_8 : i32
    %add3A_10 = arith.constant 0 : i32
    %add3A_11 = arith.addi %mul3A_9, %add3A_10 : i32
    "tpu.region"() ({
      %run_scoped3A_198 = tpu.sem_alloc : memref<!tpu.dma_semaphore, #tpu.memory_space<semaphore_mem>>
      %dma_start3A_199 = arith.constant 0 : i32
      %dma_start3A_200 = tpu.memref_slice %arg9[%add3A_11, %dma_start3A_199] : memref<10112x128xf32, #tpu.memory_space<vmem_shared>> -> memref<128x128xf32, #tpu.memory_space<vmem_shared>>
      %dma_start3A_201 = arith.constant 0 : i32
      %dma_start3A_202 = tpu.memref_slice %arg9[%add3A_11, %dma_start3A_201] : memref<10112x128xf32, #tpu.memory_space<vmem_shared>> -> memref<128x128xf32, #tpu.memory_space<vmem_shared>>
      tpu.enqueue_dma source(%arg7 : memref<128x128xf32, #tpu.memory_space<vmem>>) target(%dma_start3A_202 : memref<128x128xf32, #tpu.memory_space<vmem_shared>>) target_semaphore(%run_scoped3A_198 : memref<!tpu.dma_semaphore, #tpu.memory_space<semaphore_mem>>)
      %dma_wait3A_203 = arith.constant 0 : i32
      %dma_wait3A_204 = tpu.memref_slice %arg9[%add3A_11, %dma_wait3A_203] : memref<10112x128xf32, #tpu.memory_space<vmem_shared>> -> memref<128x128xf32, #tpu.memory_space<vmem_shared>>
      %dma_wait3A_205 = arith.constant 0 : i32
      %dma_wait3A_206 = tpu.memref_slice %arg9[%add3A_11, %dma_wait3A_205] : memref<10112x128xf32, #tpu.memory_space<vmem_shared>> -> memref<128x128xf32, #tpu.memory_space<vmem_shared>>
      tpu.wait_dma2 semaphore(%run_scoped3A_198 : memref<!tpu.dma_semaphore, #tpu.memory_space<semaphore_mem>>) src(%arg7 : memref<128x128xf32, #tpu.memory_space<vmem>>) dst(%dma_wait3A_206 : memref<128x128xf32, #tpu.memory_space<vmem_shared>>)
      tpu.yield
    }) : () -> ()
    %mul3A_12 = arith.constant 632 : i32
    %mul3A_13 = arith.muli %arg1, %mul3A_12 : i32
    %add3A_14 = arith.constant 128 : i32
    %add3A_15 = arith.addi %mul3A_13, %add3A_14 : i32
    "tpu.region"() ({
      %run_scoped3A_198 = tpu.sem_alloc : memref<!tpu.dma_semaphore, #tpu.memory_space<semaphore_mem>>
      %dma_start3A_199 = arith.constant 0 : i32
      %dma_start3A_200 = tpu.memref_slice %arg9[%add3A_15, %dma_start3A_199] : memref<10112x128xf32, #tpu.memory_space<vmem_shared>> -> memref<128x128xf32, #tpu.memory_space<vmem_shared>>
      %dma_start3A_201 = arith.constant 0 : i32
      %dma_start3A_202 = tpu.memref_slice %arg9[%add3A_15, %dma_start3A_201] : memref<10112x128xf32, #tpu.memory_space<vmem_shared>> -> memref<128x128xf32, #tpu.memory_space<vmem_shared>>
      tpu.enqueue_dma source(%arg7 : memref<128x128xf32, #tpu.memory_space<vmem>>) target(%dma_start3A_202 : memref<128x128xf32, #tpu.memory_space<vmem_shared>>) target_semaphore(%run_scoped3A_198 : memref<!tpu.dma_semaphore, #tpu.memory_space<semaphore_mem>>)
      %dma_wait3A_203 = arith.constant 0 : i32
      %dma_wait3A_204 = tpu.memref_slice %arg9[%add3A_15, %dma_wait3A_203] : memref<10112x128xf32, #tpu.memory_space<vmem_shared>> -> memref<128x128xf32, #tpu.memory_space<vmem_shared>>
      %dma_wait3A_205 = arith.constant 0 : i32
      %dma_wait3A_206 = tpu.memref_slice %arg9[%add3A_15, %dma_wait3A_205] : memref<10112x128xf32, #tpu.memory_space<vmem_shared>> -> memref<128x128xf32, #tpu.memory_space<vmem_shared>>
      tpu.wait_dma2 semaphore(%run_scoped3A_198 : memref<!tpu.dma_semaphore, #tpu.memory_space<semaphore_mem>>) src(%arg7 : memref<128x128xf32, #tpu.memory_space<vmem>>) dst(%dma_wait3A_206 : memref<128x128xf32, #tpu.memory_space<vmem_shared>>)
      tpu.yield
    }) : () -> ()
    %mul3A_16 = arith.constant 632 : i32
    %mul3A_17 = arith.muli %arg1, %mul3A_16 : i32
    %add3A_18 = arith.constant 256 : i32
    %add3A_19 = arith.addi %mul3A_17, %add3A_18 : i32
    "tpu.region"() ({
      %run_scoped3A_198 = tpu.sem_alloc : memref<!tpu.dma_semaphore, #tpu.memory_space<semaphore_mem>>
      %dma_start3A_199 = arith.constant 0 : i32
      %dma_start3A_200 = tpu.memref_slice %arg9[%add3A_19, %dma_start3A_199] : memref<10112x128xf32, #tpu.memory_space<vmem_shared>> -> memref<128x128xf32, #tpu.memory_space<vmem_shared>>
      %dma_start3A_201 = arith.constant 0 : i32
      %dma_start3A_202 = tpu.memref_slice %arg9[%add3A_19, %dma_start3A_201] : memref<10112x128xf32, #tpu.memory_space<vmem_shared>> -> memref<128x128xf32, #tpu.memory_space<vmem_shared>>
      tpu.enqueue_dma source(%arg7 : memref<128x128xf32, #tpu.memory_space<vmem>>) target(%dma_start3A_202 : memref<128x128xf32, #tpu.memory_space<vmem_shared>>) target_semaphore(%run_scoped3A_198 : memref<!tpu.dma_semaphore, #tpu.memory_space<semaphore_mem>>)
      %dma_wait3A_203 = arith.constant 0 : i32
      %dma_wait3A_204 = tpu.memref_slice %arg9[%add3A_19, %dma_wait3A_203] : memref<10112x128xf32, #tpu.memory_space<vmem_shared>> -> memref<128x128xf32, #tpu.memory_space<vmem_shared>>
      %dma_wait3A_205 = arith.constant 0 : i32
      %dma_wait3A_206 = tpu.memref_slice %arg9[%add3A_19, %dma_wait3A_205] : memref<10112x128xf32, #tpu.memory_space<vmem_shared>> -> memref<128x128xf32, #tpu.memory_space<vmem_shared>>
      tpu.wait_dma2 semaphore(%run_scoped3A_198 : memref<!tpu.dma_semaphore, #tpu.memory_space<semaphore_mem>>) src(%arg7 : memref<128x128xf32, #tpu.memory_space<vmem>>) dst(%dma_wait3A_206 : memref<128x128xf32, #tpu.memory_space<vmem_shared>>)
      tpu.yield
    }) : () -> ()
    %mul3A_20 = arith.constant 632 : i32
    %mul3A_21 = arith.muli %arg1, %mul3A_20 : i32
    %add3A_22 = arith.constant 384 : i32
    %add3A_23 = arith.addi %mul3A_21, %add3A_22 : i32
    "tpu.region"() ({
      %run_scoped3A_198 = tpu.sem_alloc : memref<!tpu.dma_semaphore, #tpu.memory_space<semaphore_mem>>
      %dma_start3A_199 = arith.constant 0 : i32
      %dma_start3A_200 = tpu.memref_slice %arg9[%add3A_23, %dma_start3A_199] : memref<10112x128xf32, #tpu.memory_space<vmem_shared>> -> memref<128x128xf32, #tpu.memory_space<vmem_shared>>
      %dma_start3A_201 = arith.constant 0 : i32
      %dma_start3A_202 = tpu.memref_slice %arg9[%add3A_23, %dma_start3A_201] : memref<10112x128xf32, #tpu.memory_space<vmem_shared>> -> memref<128x128xf32, #tpu.memory_space<vmem_shared>>
      tpu.enqueue_dma source(%arg7 : memref<128x128xf32, #tpu.memory_space<vmem>>) target(%dma_start3A_202 : memref<128x128xf32, #tpu.memory_space<vmem_shared>>) target_semaphore(%run_scoped3A_198 : memref<!tpu.dma_semaphore, #tpu.memory_space<semaphore_mem>>)
      %dma_wait3A_203 = arith.constant 0 : i32
      %dma_wait3A_204 = tpu.memref_slice %arg9[%add3A_23, %dma_wait3A_203] : memref<10112x128xf32, #tpu.memory_space<vmem_shared>> -> memref<128x128xf32, #tpu.memory_space<vmem_shared>>
      %dma_wait3A_205 = arith.constant 0 : i32
      %dma_wait3A_206 = tpu.memref_slice %arg9[%add3A_23, %dma_wait3A_205] : memref<10112x128xf32, #tpu.memory_space<vmem_shared>> -> memref<128x128xf32, #tpu.memory_space<vmem_shared>>
      tpu.wait_dma2 semaphore(%run_scoped3A_198 : memref<!tpu.dma_semaphore, #tpu.memory_space<semaphore_mem>>) src(%arg7 : memref<128x128xf32, #tpu.memory_space<vmem>>) dst(%dma_wait3A_206 : memref<128x128xf32, #tpu.memory_space<vmem_shared>>)
      tpu.yield
    }) : () -> ()
    %mul3A_24 = arith.constant 632 : i32
    %mul3A_25 = arith.muli %arg1, %mul3A_24 : i32
    %add3A_26 = arith.constant 512 : i32
    %add3A_27 = arith.addi %mul3A_25, %add3A_26 : i32
    "tpu.region"() ({
      %run_scoped3A_198 = tpu.sem_alloc : memref<!tpu.dma_semaphore, #tpu.memory_space<semaphore_mem>>
      %dma_start3A_199 = arith.constant 0 : i32
      %dma_start3A_200 = arith.constant 0 : i32
      %dma_start3A_201 = tpu.memref_slice %arg7[%dma_start3A_199, %dma_start3A_200] : memref<128x128xf32, #tpu.memory_space<vmem>> -> memref<120x128xf32, #tpu.memory_space<vmem>>
      %dma_start3A_202 = arith.constant 0 : i32
      %dma_start3A_203 = tpu.memref_slice %arg9[%add3A_27, %dma_start3A_202] : memref<10112x128xf32, #tpu.memory_space<vmem_shared>> -> memref<120x128xf32, #tpu.memory_space<vmem_shared>>
      %dma_start3A_204 = arith.constant 0 : i32
      %dma_start3A_205 = tpu.memref_slice %arg9[%add3A_27, %dma_start3A_204] : memref<10112x128xf32, #tpu.memory_space<vmem_shared>> -> memref<120x128xf32, #tpu.memory_space<vmem_shared>>
      %dma_start3A_206 = arith.constant 0 : i32
      %dma_start3A_207 = arith.constant 0 : i32
      %dma_start3A_208 = tpu.memref_slice %arg7[%dma_start3A_206, %dma_start3A_207] : memref<128x128xf32, #tpu.memory_space<vmem>> -> memref<120x128xf32, #tpu.memory_space<vmem>>
      tpu.enqueue_dma source(%dma_start3A_208 : memref<120x128xf32, #tpu.memory_space<vmem>>) target(%dma_start3A_205 : memref<120x128xf32, #tpu.memory_space<vmem_shared>>) target_semaphore(%run_scoped3A_198 : memref<!tpu.dma_semaphore, #tpu.memory_space<semaphore_mem>>)
      %dma_wait3A_209 = arith.constant 0 : i32
      %dma_wait3A_210 = arith.constant 0 : i32
      %dma_wait3A_211 = tpu.memref_slice %arg7[%dma_wait3A_209, %dma_wait3A_210] : memref<128x128xf32, #tpu.memory_space<vmem>> -> memref<120x128xf32, #tpu.memory_space<vmem>>
      %dma_wait3A_212 = arith.constant 0 : i32
      %dma_wait3A_213 = tpu.memref_slice %arg9[%add3A_27, %dma_wait3A_212] : memref<10112x128xf32, #tpu.memory_space<vmem_shared>> -> memref<120x128xf32, #tpu.memory_space<vmem_shared>>
      %dma_wait3A_214 = arith.constant 0 : i32
      %dma_wait3A_215 = tpu.memref_slice %arg9[%add3A_27, %dma_wait3A_214] : memref<10112x128xf32, #tpu.memory_space<vmem_shared>> -> memref<120x128xf32, #tpu.memory_space<vmem_shared>>
      %dma_wait3A_216 = arith.constant 0 : i32
      %dma_wait3A_217 = arith.constant 0 : i32
      %dma_wait3A_218 = tpu.memref_slice %arg7[%dma_wait3A_216, %dma_wait3A_217] : memref<128x128xf32, #tpu.memory_space<vmem>> -> memref<120x128xf32, #tpu.memory_space<vmem>>
      tpu.wait_dma2 semaphore(%run_scoped3A_198 : memref<!tpu.dma_semaphore, #tpu.memory_space<semaphore_mem>>) src(%dma_wait3A_218 : memref<120x128xf32, #tpu.memory_space<vmem>>) dst(%dma_wait3A_215 : memref<120x128xf32, #tpu.memory_space<vmem_shared>>)
      tpu.yield
    }) : () -> ()
    %barrier3A = arith.constant 0 : index
    tpu.barrier barrier_id(%barrier3A)
    %add3A_28 = arith.constant 0 : i32
    %add3A_29 = arith.addi %mul3A_2, %add3A_28 : i32
    %dma_start3A = arith.constant 0 : i32
    %dma_start3A_30 = arith.constant 0 : i32
    %dma_start3A_31 = tpu.memref_slice %arg3[%add3A_29, %dma_start3A, %dma_start3A_30] : memref<640x8x128xi32, #tpu.memory_space<hbm>> -> memref<1x8x128xi32, #tpu.memory_space<hbm>>
    %dma_start3A_32 = tpu.memref_squeeze %dma_start3A_31 : memref<1x8x128xi32, #tpu.memory_space<hbm>> -> memref<8x128xi32, #tpu.memory_space<hbm>>
    %dma_start3A_33 = arith.constant 0 : i32
    %dma_start3A_34 = arith.constant 0 : i32
    %dma_start3A_35 = tpu.memref_slice %arg3[%add3A_29, %dma_start3A_33, %dma_start3A_34] : memref<640x8x128xi32, #tpu.memory_space<hbm>> -> memref<1x8x128xi32, #tpu.memory_space<hbm>>
    %dma_start3A_36 = tpu.memref_squeeze %dma_start3A_35 : memref<1x8x128xi32, #tpu.memory_space<hbm>> -> memref<8x128xi32, #tpu.memory_space<hbm>>
    tpu.enqueue_dma source(%dma_start3A_36 : memref<8x128xi32, #tpu.memory_space<hbm>>) target(%arg5 : memref<8x128xi32, #tpu.memory_space<vmem>>) target_semaphore(%arg10 : memref<!tpu.dma_semaphore, #tpu.memory_space<semaphore_mem>>)
    %add3A_37 = arith.constant 1 : i32
    %add3A_38 = arith.addi %mul3A_2, %add3A_37 : i32
    %dma_start3A_39 = arith.constant 0 : i32
    %dma_start3A_40 = arith.constant 0 : i32
    %dma_start3A_41 = tpu.memref_slice %arg3[%add3A_38, %dma_start3A_39, %dma_start3A_40] : memref<640x8x128xi32, #tpu.memory_space<hbm>> -> memref<1x8x128xi32, #tpu.memory_space<hbm>>
    %dma_start3A_42 = tpu.memref_squeeze %dma_start3A_41 : memref<1x8x128xi32, #tpu.memory_space<hbm>> -> memref<8x128xi32, #tpu.memory_space<hbm>>
    %dma_start3A_43 = arith.constant 0 : i32
    %dma_start3A_44 = arith.constant 0 : i32
    %dma_start3A_45 = tpu.memref_slice %arg3[%add3A_38, %dma_start3A_43, %dma_start3A_44] : memref<640x8x128xi32, #tpu.memory_space<hbm>> -> memref<1x8x128xi32, #tpu.memory_space<hbm>>
    %dma_start3A_46 = tpu.memref_squeeze %dma_start3A_45 : memref<1x8x128xi32, #tpu.memory_space<hbm>> -> memref<8x128xi32, #tpu.memory_space<hbm>>
    tpu.enqueue_dma source(%dma_start3A_46 : memref<8x128xi32, #tpu.memory_space<hbm>>) target(%arg6 : memref<8x128xi32, #tpu.memory_space<vmem>>) target_semaphore(%arg11 : memref<!tpu.dma_semaphore, #tpu.memory_space<semaphore_mem>>)
    %add3A_47 = arith.constant 0 : i32
    %add3A_48 = arith.addi %mul3A_2, %add3A_47 : i32
    %dma_wait3A = arith.constant 0 : i32
    %dma_wait3A_49 = arith.constant 0 : i32
    %dma_wait3A_50 = tpu.memref_slice %arg3[%add3A_48, %dma_wait3A, %dma_wait3A_49] : memref<640x8x128xi32, #tpu.memory_space<hbm>> -> memref<1x8x128xi32, #tpu.memory_space<hbm>>
    %dma_wait3A_51 = tpu.memref_squeeze %dma_wait3A_50 : memref<1x8x128xi32, #tpu.memory_space<hbm>> -> memref<8x128xi32, #tpu.memory_space<hbm>>
    %dma_wait3A_52 = arith.constant 0 : i32
    %dma_wait3A_53 = arith.constant 0 : i32
    %dma_wait3A_54 = tpu.memref_slice %arg3[%add3A_48, %dma_wait3A_52, %dma_wait3A_53] : memref<640x8x128xi32, #tpu.memory_space<hbm>> -> memref<1x8x128xi32, #tpu.memory_space<hbm>>
    %dma_wait3A_55 = tpu.memref_squeeze %dma_wait3A_54 : memref<1x8x128xi32, #tpu.memory_space<hbm>> -> memref<8x128xi32, #tpu.memory_space<hbm>>
    tpu.wait_dma2 semaphore(%arg10 : memref<!tpu.dma_semaphore, #tpu.memory_space<semaphore_mem>>) src(%dma_wait3A_55 : memref<8x128xi32, #tpu.memory_space<hbm>>) dst(%arg5 : memref<8x128xi32, #tpu.memory_space<vmem>>)
    %dma_start3A_56 = arith.constant 0 : i32
    %dma_start3A_57 = arith.constant 0 : i32
    %dma_start3A_58 = tpu.memref_slice %arg5[%dma_start3A_56, %dma_start3A_57] : memref<8x128xi32, #tpu.memory_space<vmem>> -> memref<1x128xi32, #tpu.memory_space<vmem>>
    %dma_start3A_59 = tpu.memref_squeeze %dma_start3A_58 : memref<1x128xi32, #tpu.memory_space<vmem>> -> memref<128xi32, #tpu.memory_space<vmem>>
    %dma_start3A_60 = arith.constant 0 : i32
    %dma_start3A_61 = arith.constant 0 : i32
    %dma_start3A_62 = tpu.memref_slice %arg2[%dma_start3A_60, %dma_start3A_61] : memref<10000x128xf32, #tpu.memory_space<hbm>> -> memref<10000x128xf32, #tpu.memory_space<hbm>>
    tpu.enqueue_indirect_dma source(%dma_start3A_62 : memref<10000x128xf32, #tpu.memory_space<hbm>>) target(%arg7 : memref<128x128xf32, #tpu.memory_space<vmem>>) offsets(%dma_start3A_59 : memref<128xi32, #tpu.memory_space<vmem>>) semaphore(%arg12 : memref<!tpu.dma_semaphore, #tpu.memory_space<semaphore_mem>>)
    %scan3A_63 = arith.constant 0 : i32
    %scan3A_64 = arith.constant 9 : i32
    %scan3A_65 = arith.addi %scan3A_63, %scan3A_64 : i32
    %scan3A_66 = arith.constant 1 : i32
    scf.for %scan3A_198 = %scan3A_63 to %scan3A_65 step %scan3A_66  : i32 {
      %mul3A_199 = arith.constant 2 : i32
      %mul3A_200 = arith.muli %scan3A_198, %mul3A_199 : i32
      %add3A_201 = arith.constant 0 : i32
      %add3A_202 = arith.addi %add3A_201, %mul3A_200 : i32
      %dma_start3A_203 = arith.constant 1 : i32
      %dma_start3A_204 = arith.constant 0 : i32
      %dma_start3A_205 = tpu.memref_slice %arg5[%dma_start3A_203, %dma_start3A_204] : memref<8x128xi32, #tpu.memory_space<vmem>> -> memref<1x128xi32, #tpu.memory_space<vmem>>
      %dma_start3A_206 = tpu.memref_squeeze %dma_start3A_205 : memref<1x128xi32, #tpu.memory_space<vmem>> -> memref<128xi32, #tpu.memory_space<vmem>>
      %dma_start3A_207 = arith.constant 0 : i32
      %dma_start3A_208 = arith.constant 0 : i32
      %dma_start3A_209 = tpu.memref_slice %arg2[%dma_start3A_207, %dma_start3A_208] : memref<10000x128xf32, #tpu.memory_space<hbm>> -> memref<10000x128xf32, #tpu.memory_space<hbm>>
      tpu.enqueue_indirect_dma source(%dma_start3A_209 : memref<10000x128xf32, #tpu.memory_space<hbm>>) target(%arg8 : memref<128x128xf32, #tpu.memory_space<vmem>>) offsets(%dma_start3A_206 : memref<128xi32, #tpu.memory_space<vmem>>) semaphore(%arg13 : memref<!tpu.dma_semaphore, #tpu.memory_space<semaphore_mem>>)
      %dma_wait3A_210 = arith.constant 0 : i32
      %dma_wait3A_211 = arith.constant 0 : i32
      %dma_wait3A_212 = tpu.memref_slice %arg5[%dma_wait3A_210, %dma_wait3A_211] : memref<8x128xi32, #tpu.memory_space<vmem>> -> memref<1x128xi32, #tpu.memory_space<vmem>>
      %dma_wait3A_213 = tpu.memref_squeeze %dma_wait3A_212 : memref<1x128xi32, #tpu.memory_space<vmem>> -> memref<128xi32, #tpu.memory_space<vmem>>
      %dma_wait3A_214 = arith.constant 0 : i32
      %dma_wait3A_215 = arith.constant 0 : i32
      %dma_wait3A_216 = tpu.memref_slice %arg2[%dma_wait3A_214, %dma_wait3A_215] : memref<10000x128xf32, #tpu.memory_space<hbm>> -> memref<10000x128xf32, #tpu.memory_space<hbm>>
      tpu.wait_indirect_dma semaphore(%arg12 : memref<!tpu.dma_semaphore, #tpu.memory_space<semaphore_mem>>) src(%dma_wait3A_216 : memref<10000x128xf32, #tpu.memory_space<hbm>>) dst(%arg7 : memref<128x128xf32, #tpu.memory_space<vmem>>)
      %run_scoped3A_217 = arith.constant 4 : i32
      "tpu.region"() ({
        %run_scoped3A_367 = tpu.sem_alloc : memref<!tpu.dma_semaphore, #tpu.memory_space<semaphore_mem>>
        %dma_start3A_368 = arith.constant 0 : i32
        %dma_start3A_369 = tpu.memref_slice %arg5[%run_scoped3A_217, %dma_start3A_368] : memref<8x128xi32, #tpu.memory_space<vmem>> -> memref<1x128xi32, #tpu.memory_space<vmem>>
        %dma_start3A_370 = tpu.memref_squeeze %dma_start3A_369 : memref<1x128xi32, #tpu.memory_space<vmem>> -> memref<128xi32, #tpu.memory_space<vmem>>
        %dma_start3A_371 = arith.constant 0 : i32
        %dma_start3A_372 = arith.constant 0 : i32
        %dma_start3A_373 = tpu.memref_slice %arg9[%dma_start3A_371, %dma_start3A_372] : memref<10112x128xf32, #tpu.memory_space<vmem_shared>> -> memref<10112x128xf32, #tpu.memory_space<vmem_shared>>
        tpu.enqueue_indirect_dma source(%arg7 : memref<128x128xf32, #tpu.memory_space<vmem>>) target(%dma_start3A_373 : memref<10112x128xf32, #tpu.memory_space<vmem_shared>>) offsets(%dma_start3A_370 : memref<128xi32, #tpu.memory_space<vmem>>) semaphore(%run_scoped3A_367 : memref<!tpu.dma_semaphore, #tpu.memory_space<semaphore_mem>>) {add = true}
        %dma_wait3A_374 = arith.constant 0 : i32
        %dma_wait3A_375 = tpu.memref_slice %arg5[%run_scoped3A_217, %dma_wait3A_374] : memref<8x128xi32, #tpu.memory_space<vmem>> -> memref<1x128xi32, #tpu.memory_space<vmem>>
        %dma_wait3A_376 = tpu.memref_squeeze %dma_wait3A_375 : memref<1x128xi32, #tpu.memory_space<vmem>> -> memref<128xi32, #tpu.memory_space<vmem>>
        %dma_wait3A_377 = arith.constant 0 : i32
        %dma_wait3A_378 = arith.constant 0 : i32
        %dma_wait3A_379 = tpu.memref_slice %arg9[%dma_wait3A_377, %dma_wait3A_378] : memref<10112x128xf32, #tpu.memory_space<vmem_shared>> -> memref<10112x128xf32, #tpu.memory_space<vmem_shared>>
        tpu.wait_indirect_dma semaphore(%run_scoped3A_367 : memref<!tpu.dma_semaphore, #tpu.memory_space<semaphore_mem>>) src(%arg7 : memref<128x128xf32, #tpu.memory_space<vmem>>) dst(%dma_wait3A_379 : memref<10112x128xf32, #tpu.memory_space<vmem_shared>>)
        tpu.yield
      }) : () -> ()
      %dma_start3A_218 = arith.constant 2 : i32
      %dma_start3A_219 = arith.constant 0 : i32
      %dma_start3A_220 = tpu.memref_slice %arg5[%dma_start3A_218, %dma_start3A_219] : memref<8x128xi32, #tpu.memory_space<vmem>> -> memref<1x128xi32, #tpu.memory_space<vmem>>
      %dma_start3A_221 = tpu.memref_squeeze %dma_start3A_220 : memref<1x128xi32, #tpu.memory_space<vmem>> -> memref<128xi32, #tpu.memory_space<vmem>>
      %dma_start3A_222 = arith.constant 0 : i32
      %dma_start3A_223 = arith.constant 0 : i32
      %dma_start3A_224 = tpu.memref_slice %arg2[%dma_start3A_222, %dma_start3A_223] : memref<10000x128xf32, #tpu.memory_space<hbm>> -> memref<10000x128xf32, #tpu.memory_space<hbm>>
      tpu.enqueue_indirect_dma source(%dma_start3A_224 : memref<10000x128xf32, #tpu.memory_space<hbm>>) target(%arg7 : memref<128x128xf32, #tpu.memory_space<vmem>>) offsets(%dma_start3A_221 : memref<128xi32, #tpu.memory_space<vmem>>) semaphore(%arg12 : memref<!tpu.dma_semaphore, #tpu.memory_space<semaphore_mem>>)
      %dma_wait3A_225 = arith.constant 1 : i32
      %dma_wait3A_226 = arith.constant 0 : i32
      %dma_wait3A_227 = tpu.memref_slice %arg5[%dma_wait3A_225, %dma_wait3A_226] : memref<8x128xi32, #tpu.memory_space<vmem>> -> memref<1x128xi32, #tpu.memory_space<vmem>>
      %dma_wait3A_228 = tpu.memref_squeeze %dma_wait3A_227 : memref<1x128xi32, #tpu.memory_space<vmem>> -> memref<128xi32, #tpu.memory_space<vmem>>
      %dma_wait3A_229 = arith.constant 0 : i32
      %dma_wait3A_230 = arith.constant 0 : i32
      %dma_wait3A_231 = tpu.memref_slice %arg2[%dma_wait3A_229, %dma_wait3A_230] : memref<10000x128xf32, #tpu.memory_space<hbm>> -> memref<10000x128xf32, #tpu.memory_space<hbm>>
      tpu.wait_indirect_dma semaphore(%arg13 : memref<!tpu.dma_semaphore, #tpu.memory_space<semaphore_mem>>) src(%dma_wait3A_231 : memref<10000x128xf32, #tpu.memory_space<hbm>>) dst(%arg8 : memref<128x128xf32, #tpu.memory_space<vmem>>)
      %run_scoped3A_232 = arith.constant 5 : i32
      "tpu.region"() ({
        %run_scoped3A_367 = tpu.sem_alloc : memref<!tpu.dma_semaphore, #tpu.memory_space<semaphore_mem>>
        %dma_start3A_368 = arith.constant 0 : i32
        %dma_start3A_369 = tpu.memref_slice %arg5[%run_scoped3A_232, %dma_start3A_368] : memref<8x128xi32, #tpu.memory_space<vmem>> -> memref<1x128xi32, #tpu.memory_space<vmem>>
        %dma_start3A_370 = tpu.memref_squeeze %dma_start3A_369 : memref<1x128xi32, #tpu.memory_space<vmem>> -> memref<128xi32, #tpu.memory_space<vmem>>
        %dma_start3A_371 = arith.constant 0 : i32
        %dma_start3A_372 = arith.constant 0 : i32
        %dma_start3A_373 = tpu.memref_slice %arg9[%dma_start3A_371, %dma_start3A_372] : memref<10112x128xf32, #tpu.memory_space<vmem_shared>> -> memref<10112x128xf32, #tpu.memory_space<vmem_shared>>
        tpu.enqueue_indirect_dma source(%arg8 : memref<128x128xf32, #tpu.memory_space<vmem>>) target(%dma_start3A_373 : memref<10112x128xf32, #tpu.memory_space<vmem_shared>>) offsets(%dma_start3A_370 : memref<128xi32, #tpu.memory_space<vmem>>) semaphore(%run_scoped3A_367 : memref<!tpu.dma_semaphore, #tpu.memory_space<semaphore_mem>>) {add = true}
        %dma_wait3A_374 = arith.constant 0 : i32
        %dma_wait3A_375 = tpu.memref_slice %arg5[%run_scoped3A_232, %dma_wait3A_374] : memref<8x128xi32, #tpu.memory_space<vmem>> -> memref<1x128xi32, #tpu.memory_space<vmem>>
        %dma_wait3A_376 = tpu.memref_squeeze %dma_wait3A_375 : memref<1x128xi32, #tpu.memory_space<vmem>> -> memref<128xi32, #tpu.memory_space<vmem>>
        %dma_wait3A_377 = arith.constant 0 : i32
        %dma_wait3A_378 = arith.constant 0 : i32
        %dma_wait3A_379 = tpu.memref_slice %arg9[%dma_wait3A_377, %dma_wait3A_378] : memref<10112x128xf32, #tpu.memory_space<vmem_shared>> -> memref<10112x128xf32, #tpu.memory_space<vmem_shared>>
        tpu.wait_indirect_dma semaphore(%run_scoped3A_367 : memref<!tpu.dma_semaphore, #tpu.memory_space<semaphore_mem>>) src(%arg8 : memref<128x128xf32, #tpu.memory_space<vmem>>) dst(%dma_wait3A_379 : memref<10112x128xf32, #tpu.memory_space<vmem_shared>>)
        tpu.yield
      }) : () -> ()
      %dma_start3A_233 = arith.constant 3 : i32
      %dma_start3A_234 = arith.constant 0 : i32
      %dma_start3A_235 = tpu.memref_slice %arg5[%dma_start3A_233, %dma_start3A_234] : memref<8x128xi32, #tpu.memory_space<vmem>> -> memref<1x128xi32, #tpu.memory_space<vmem>>
      %dma_start3A_236 = tpu.memref_squeeze %dma_start3A_235 : memref<1x128xi32, #tpu.memory_space<vmem>> -> memref<128xi32, #tpu.memory_space<vmem>>
      %dma_start3A_237 = arith.constant 0 : i32
      %dma_start3A_238 = arith.constant 0 : i32
      %dma_start3A_239 = tpu.memref_slice %arg2[%dma_start3A_237, %dma_start3A_238] : memref<10000x128xf32, #tpu.memory_space<hbm>> -> memref<10000x128xf32, #tpu.memory_space<hbm>>
      tpu.enqueue_indirect_dma source(%dma_start3A_239 : memref<10000x128xf32, #tpu.memory_space<hbm>>) target(%arg8 : memref<128x128xf32, #tpu.memory_space<vmem>>) offsets(%dma_start3A_236 : memref<128xi32, #tpu.memory_space<vmem>>) semaphore(%arg13 : memref<!tpu.dma_semaphore, #tpu.memory_space<semaphore_mem>>)
      %dma_wait3A_240 = arith.constant 2 : i32
      %dma_wait3A_241 = arith.constant 0 : i32
      %dma_wait3A_242 = tpu.memref_slice %arg5[%dma_wait3A_240, %dma_wait3A_241] : memref<8x128xi32, #tpu.memory_space<vmem>> -> memref<1x128xi32, #tpu.memory_space<vmem>>
      %dma_wait3A_243 = tpu.memref_squeeze %dma_wait3A_242 : memref<1x128xi32, #tpu.memory_space<vmem>> -> memref<128xi32, #tpu.memory_space<vmem>>
      %dma_wait3A_244 = arith.constant 0 : i32
      %dma_wait3A_245 = arith.constant 0 : i32
      %dma_wait3A_246 = tpu.memref_slice %arg2[%dma_wait3A_244, %dma_wait3A_245] : memref<10000x128xf32, #tpu.memory_space<hbm>> -> memref<10000x128xf32, #tpu.memory_space<hbm>>
      tpu.wait_indirect_dma semaphore(%arg12 : memref<!tpu.dma_semaphore, #tpu.memory_space<semaphore_mem>>) src(%dma_wait3A_246 : memref<10000x128xf32, #tpu.memory_space<hbm>>) dst(%arg7 : memref<128x128xf32, #tpu.memory_space<vmem>>)
      %run_scoped3A_247 = arith.constant 6 : i32
      "tpu.region"() ({
        %run_scoped3A_367 = tpu.sem_alloc : memref<!tpu.dma_semaphore, #tpu.memory_space<semaphore_mem>>
        %dma_start3A_368 = arith.constant 0 : i32
        %dma_start3A_369 = tpu.memref_slice %arg5[%run_scoped3A_247, %dma_start3A_368] : memref<8x128xi32, #tpu.memory_space<vmem>> -> memref<1x128xi32, #tpu.memory_space<vmem>>
        %dma_start3A_370 = tpu.memref_squeeze %dma_start3A_369 : memref<1x128xi32, #tpu.memory_space<vmem>> -> memref<128xi32, #tpu.memory_space<vmem>>
        %dma_start3A_371 = arith.constant 0 : i32
        %dma_start3A_372 = arith.constant 0 : i32
        %dma_start3A_373 = tpu.memref_slice %arg9[%dma_start3A_371, %dma_start3A_372] : memref<10112x128xf32, #tpu.memory_space<vmem_shared>> -> memref<10112x128xf32, #tpu.memory_space<vmem_shared>>
        tpu.enqueue_indirect_dma source(%arg7 : memref<128x128xf32, #tpu.memory_space<vmem>>) target(%dma_start3A_373 : memref<10112x128xf32, #tpu.memory_space<vmem_shared>>) offsets(%dma_start3A_370 : memref<128xi32, #tpu.memory_space<vmem>>) semaphore(%run_scoped3A_367 : memref<!tpu.dma_semaphore, #tpu.memory_space<semaphore_mem>>) {add = true}
        %dma_wait3A_374 = arith.constant 0 : i32
        %dma_wait3A_375 = tpu.memref_slice %arg5[%run_scoped3A_247, %dma_wait3A_374] : memref<8x128xi32, #tpu.memory_space<vmem>> -> memref<1x128xi32, #tpu.memory_space<vmem>>
        %dma_wait3A_376 = tpu.memref_squeeze %dma_wait3A_375 : memref<1x128xi32, #tpu.memory_space<vmem>> -> memref<128xi32, #tpu.memory_space<vmem>>
        %dma_wait3A_377 = arith.constant 0 : i32
        %dma_wait3A_378 = arith.constant 0 : i32
        %dma_wait3A_379 = tpu.memref_slice %arg9[%dma_wait3A_377, %dma_wait3A_378] : memref<10112x128xf32, #tpu.memory_space<vmem_shared>> -> memref<10112x128xf32, #tpu.memory_space<vmem_shared>>
        tpu.wait_indirect_dma semaphore(%run_scoped3A_367 : memref<!tpu.dma_semaphore, #tpu.memory_space<semaphore_mem>>) src(%arg7 : memref<128x128xf32, #tpu.memory_space<vmem>>) dst(%dma_wait3A_379 : memref<10112x128xf32, #tpu.memory_space<vmem_shared>>)
        tpu.yield
      }) : () -> ()
      %add3A_248 = arith.constant 1 : i32
      %add3A_249 = arith.addi %add3A_202, %add3A_248 : i32
      %add3A_250 = arith.addi %mul3A_2, %add3A_249 : i32
      %dma_wait3A_251 = arith.constant 0 : i32
      %dma_wait3A_252 = arith.constant 0 : i32
      %dma_wait3A_253 = tpu.memref_slice %arg3[%add3A_250, %dma_wait3A_251, %dma_wait3A_252] : memref<640x8x128xi32, #tpu.memory_space<hbm>> -> memref<1x8x128xi32, #tpu.memory_space<hbm>>
      %dma_wait3A_254 = tpu.memref_squeeze %dma_wait3A_253 : memref<1x8x128xi32, #tpu.memory_space<hbm>> -> memref<8x128xi32, #tpu.memory_space<hbm>>
      %dma_wait3A_255 = arith.constant 0 : i32
      %dma_wait3A_256 = arith.constant 0 : i32
      %dma_wait3A_257 = tpu.memref_slice %arg3[%add3A_250, %dma_wait3A_255, %dma_wait3A_256] : memref<640x8x128xi32, #tpu.memory_space<hbm>> -> memref<1x8x128xi32, #tpu.memory_space<hbm>>
      %dma_wait3A_258 = tpu.memref_squeeze %dma_wait3A_257 : memref<1x8x128xi32, #tpu.memory_space<hbm>> -> memref<8x128xi32, #tpu.memory_space<hbm>>
      tpu.wait_dma2 semaphore(%arg11 : memref<!tpu.dma_semaphore, #tpu.memory_space<semaphore_mem>>) src(%dma_wait3A_258 : memref<8x128xi32, #tpu.memory_space<hbm>>) dst(%arg6 : memref<8x128xi32, #tpu.memory_space<vmem>>)
      %dma_start3A_259 = arith.constant 0 : i32
      %dma_start3A_260 = arith.constant 0 : i32
      %dma_start3A_261 = tpu.memref_slice %arg6[%dma_start3A_259, %dma_start3A_260] : memref<8x128xi32, #tpu.memory_space<vmem>> -> memref<1x128xi32, #tpu.memory_space<vmem>>
      %dma_start3A_262 = tpu.memref_squeeze %dma_start3A_261 : memref<1x128xi32, #tpu.memory_space<vmem>> -> memref<128xi32, #tpu.memory_space<vmem>>
      %dma_start3A_263 = arith.constant 0 : i32
      %dma_start3A_264 = arith.constant 0 : i32
      %dma_start3A_265 = tpu.memref_slice %arg2[%dma_start3A_263, %dma_start3A_264] : memref<10000x128xf32, #tpu.memory_space<hbm>> -> memref<10000x128xf32, #tpu.memory_space<hbm>>
      tpu.enqueue_indirect_dma source(%dma_start3A_265 : memref<10000x128xf32, #tpu.memory_space<hbm>>) target(%arg7 : memref<128x128xf32, #tpu.memory_space<vmem>>) offsets(%dma_start3A_262 : memref<128xi32, #tpu.memory_space<vmem>>) semaphore(%arg12 : memref<!tpu.dma_semaphore, #tpu.memory_space<semaphore_mem>>)
      %dma_wait3A_266 = arith.constant 3 : i32
      %dma_wait3A_267 = arith.constant 0 : i32
      %dma_wait3A_268 = tpu.memref_slice %arg5[%dma_wait3A_266, %dma_wait3A_267] : memref<8x128xi32, #tpu.memory_space<vmem>> -> memref<1x128xi32, #tpu.memory_space<vmem>>
      %dma_wait3A_269 = tpu.memref_squeeze %dma_wait3A_268 : memref<1x128xi32, #tpu.memory_space<vmem>> -> memref<128xi32, #tpu.memory_space<vmem>>
      %dma_wait3A_270 = arith.constant 0 : i32
      %dma_wait3A_271 = arith.constant 0 : i32
      %dma_wait3A_272 = tpu.memref_slice %arg2[%dma_wait3A_270, %dma_wait3A_271] : memref<10000x128xf32, #tpu.memory_space<hbm>> -> memref<10000x128xf32, #tpu.memory_space<hbm>>
      tpu.wait_indirect_dma semaphore(%arg13 : memref<!tpu.dma_semaphore, #tpu.memory_space<semaphore_mem>>) src(%dma_wait3A_272 : memref<10000x128xf32, #tpu.memory_space<hbm>>) dst(%arg8 : memref<128x128xf32, #tpu.memory_space<vmem>>)
      %run_scoped3A_273 = arith.constant 7 : i32
      "tpu.region"() ({
        %run_scoped3A_367 = tpu.sem_alloc : memref<!tpu.dma_semaphore, #tpu.memory_space<semaphore_mem>>
        %dma_start3A_368 = arith.constant 0 : i32
        %dma_start3A_369 = tpu.memref_slice %arg5[%run_scoped3A_273, %dma_start3A_368] : memref<8x128xi32, #tpu.memory_space<vmem>> -> memref<1x128xi32, #tpu.memory_space<vmem>>
        %dma_start3A_370 = tpu.memref_squeeze %dma_start3A_369 : memref<1x128xi32, #tpu.memory_space<vmem>> -> memref<128xi32, #tpu.memory_space<vmem>>
        %dma_start3A_371 = arith.constant 0 : i32
        %dma_start3A_372 = arith.constant 0 : i32
        %dma_start3A_373 = tpu.memref_slice %arg9[%dma_start3A_371, %dma_start3A_372] : memref<10112x128xf32, #tpu.memory_space<vmem_shared>> -> memref<10112x128xf32, #tpu.memory_space<vmem_shared>>
        tpu.enqueue_indirect_dma source(%arg8 : memref<128x128xf32, #tpu.memory_space<vmem>>) target(%dma_start3A_373 : memref<10112x128xf32, #tpu.memory_space<vmem_shared>>) offsets(%dma_start3A_370 : memref<128xi32, #tpu.memory_space<vmem>>) semaphore(%run_scoped3A_367 : memref<!tpu.dma_semaphore, #tpu.memory_space<semaphore_mem>>) {add = true}
        %dma_wait3A_374 = arith.constant 0 : i32
        %dma_wait3A_375 = tpu.memref_slice %arg5[%run_scoped3A_273, %dma_wait3A_374] : memref<8x128xi32, #tpu.memory_space<vmem>> -> memref<1x128xi32, #tpu.memory_space<vmem>>
        %dma_wait3A_376 = tpu.memref_squeeze %dma_wait3A_375 : memref<1x128xi32, #tpu.memory_space<vmem>> -> memref<128xi32, #tpu.memory_space<vmem>>
        %dma_wait3A_377 = arith.constant 0 : i32
        %dma_wait3A_378 = arith.constant 0 : i32
        %dma_wait3A_379 = tpu.memref_slice %arg9[%dma_wait3A_377, %dma_wait3A_378] : memref<10112x128xf32, #tpu.memory_space<vmem_shared>> -> memref<10112x128xf32, #tpu.memory_space<vmem_shared>>
        tpu.wait_indirect_dma semaphore(%run_scoped3A_367 : memref<!tpu.dma_semaphore, #tpu.memory_space<semaphore_mem>>) src(%arg8 : memref<128x128xf32, #tpu.memory_space<vmem>>) dst(%dma_wait3A_379 : memref<10112x128xf32, #tpu.memory_space<vmem_shared>>)
        tpu.yield
      }) : () -> ()
      %add3A_274 = arith.constant 2 : i32
      %add3A_275 = arith.addi %add3A_202, %add3A_274 : i32
      %add3A_276 = arith.addi %mul3A_2, %add3A_275 : i32
      %dma_start3A_277 = arith.constant 0 : i32
      %dma_start3A_278 = arith.constant 0 : i32
      %dma_start3A_279 = tpu.memref_slice %arg3[%add3A_276, %dma_start3A_277, %dma_start3A_278] : memref<640x8x128xi32, #tpu.memory_space<hbm>> -> memref<1x8x128xi32, #tpu.memory_space<hbm>>
      %dma_start3A_280 = tpu.memref_squeeze %dma_start3A_279 : memref<1x8x128xi32, #tpu.memory_space<hbm>> -> memref<8x128xi32, #tpu.memory_space<hbm>>
      %dma_start3A_281 = arith.constant 0 : i32
      %dma_start3A_282 = arith.constant 0 : i32
      %dma_start3A_283 = tpu.memref_slice %arg3[%add3A_276, %dma_start3A_281, %dma_start3A_282] : memref<640x8x128xi32, #tpu.memory_space<hbm>> -> memref<1x8x128xi32, #tpu.memory_space<hbm>>
      %dma_start3A_284 = tpu.memref_squeeze %dma_start3A_283 : memref<1x8x128xi32, #tpu.memory_space<hbm>> -> memref<8x128xi32, #tpu.memory_space<hbm>>
      tpu.enqueue_dma source(%dma_start3A_284 : memref<8x128xi32, #tpu.memory_space<hbm>>) target(%arg5 : memref<8x128xi32, #tpu.memory_space<vmem>>) target_semaphore(%arg10 : memref<!tpu.dma_semaphore, #tpu.memory_space<semaphore_mem>>)
      %dma_start3A_285 = arith.constant 1 : i32
      %dma_start3A_286 = arith.constant 0 : i32
      %dma_start3A_287 = tpu.memref_slice %arg6[%dma_start3A_285, %dma_start3A_286] : memref<8x128xi32, #tpu.memory_space<vmem>> -> memref<1x128xi32, #tpu.memory_space<vmem>>
      %dma_start3A_288 = tpu.memref_squeeze %dma_start3A_287 : memref<1x128xi32, #tpu.memory_space<vmem>> -> memref<128xi32, #tpu.memory_space<vmem>>
      %dma_start3A_289 = arith.constant 0 : i32
      %dma_start3A_290 = arith.constant 0 : i32
      %dma_start3A_291 = tpu.memref_slice %arg2[%dma_start3A_289, %dma_start3A_290] : memref<10000x128xf32, #tpu.memory_space<hbm>> -> memref<10000x128xf32, #tpu.memory_space<hbm>>
      tpu.enqueue_indirect_dma source(%dma_start3A_291 : memref<10000x128xf32, #tpu.memory_space<hbm>>) target(%arg8 : memref<128x128xf32, #tpu.memory_space<vmem>>) offsets(%dma_start3A_288 : memref<128xi32, #tpu.memory_space<vmem>>) semaphore(%arg13 : memref<!tpu.dma_semaphore, #tpu.memory_space<semaphore_mem>>)
      %dma_wait3A_292 = arith.constant 0 : i32
      %dma_wait3A_293 = arith.constant 0 : i32
      %dma_wait3A_294 = tpu.memref_slice %arg6[%dma_wait3A_292, %dma_wait3A_293] : memref<8x128xi32, #tpu.memory_space<vmem>> -> memref<1x128xi32, #tpu.memory_space<vmem>>
      %dma_wait3A_295 = tpu.memref_squeeze %dma_wait3A_294 : memref<1x128xi32, #tpu.memory_space<vmem>> -> memref<128xi32, #tpu.memory_space<vmem>>
      %dma_wait3A_296 = arith.constant 0 : i32
      %dma_wait3A_297 = arith.constant 0 : i32
      %dma_wait3A_298 = tpu.memref_slice %arg2[%dma_wait3A_296, %dma_wait3A_297] : memref<10000x128xf32, #tpu.memory_space<hbm>> -> memref<10000x128xf32, #tpu.memory_space<hbm>>
      tpu.wait_indirect_dma semaphore(%arg12 : memref<!tpu.dma_semaphore, #tpu.memory_space<semaphore_mem>>) src(%dma_wait3A_298 : memref<10000x128xf32, #tpu.memory_space<hbm>>) dst(%arg7 : memref<128x128xf32, #tpu.memory_space<vmem>>)
      %run_scoped3A_299 = arith.constant 4 : i32
      "tpu.region"() ({
        %run_scoped3A_367 = tpu.sem_alloc : memref<!tpu.dma_semaphore, #tpu.memory_space<semaphore_mem>>
        %dma_start3A_368 = arith.constant 0 : i32
        %dma_start3A_369 = tpu.memref_slice %arg6[%run_scoped3A_299, %dma_start3A_368] : memref<8x128xi32, #tpu.memory_space<vmem>> -> memref<1x128xi32, #tpu.memory_space<vmem>>
        %dma_start3A_370 = tpu.memref_squeeze %dma_start3A_369 : memref<1x128xi32, #tpu.memory_space<vmem>> -> memref<128xi32, #tpu.memory_space<vmem>>
        %dma_start3A_371 = arith.constant 0 : i32
        %dma_start3A_372 = arith.constant 0 : i32
        %dma_start3A_373 = tpu.memref_slice %arg9[%dma_start3A_371, %dma_start3A_372] : memref<10112x128xf32, #tpu.memory_space<vmem_shared>> -> memref<10112x128xf32, #tpu.memory_space<vmem_shared>>
        tpu.enqueue_indirect_dma source(%arg7 : memref<128x128xf32, #tpu.memory_space<vmem>>) target(%dma_start3A_373 : memref<10112x128xf32, #tpu.memory_space<vmem_shared>>) offsets(%dma_start3A_370 : memref<128xi32, #tpu.memory_space<vmem>>) semaphore(%run_scoped3A_367 : memref<!tpu.dma_semaphore, #tpu.memory_space<semaphore_mem>>) {add = true}
        %dma_wait3A_374 = arith.constant 0 : i32
        %dma_wait3A_375 = tpu.memref_slice %arg6[%run_scoped3A_299, %dma_wait3A_374] : memref<8x128xi32, #tpu.memory_space<vmem>> -> memref<1x128xi32, #tpu.memory_space<vmem>>
        %dma_wait3A_376 = tpu.memref_squeeze %dma_wait3A_375 : memref<1x128xi32, #tpu.memory_space<vmem>> -> memref<128xi32, #tpu.memory_space<vmem>>
        %dma_wait3A_377 = arith.constant 0 : i32
        %dma_wait3A_378 = arith.constant 0 : i32
        %dma_wait3A_379 = tpu.memref_slice %arg9[%dma_wait3A_377, %dma_wait3A_378] : memref<10112x128xf32, #tpu.memory_space<vmem_shared>> -> memref<10112x128xf32, #tpu.memory_space<vmem_shared>>
        tpu.wait_indirect_dma semaphore(%run_scoped3A_367 : memref<!tpu.dma_semaphore, #tpu.memory_space<semaphore_mem>>) src(%arg7 : memref<128x128xf32, #tpu.memory_space<vmem>>) dst(%dma_wait3A_379 : memref<10112x128xf32, #tpu.memory_space<vmem_shared>>)
        tpu.yield
      }) : () -> ()
      %dma_start3A_300 = arith.constant 2 : i32
      %dma_start3A_301 = arith.constant 0 : i32
      %dma_start3A_302 = tpu.memref_slice %arg6[%dma_start3A_300, %dma_start3A_301] : memref<8x128xi32, #tpu.memory_space<vmem>> -> memref<1x128xi32, #tpu.memory_space<vmem>>
      %dma_start3A_303 = tpu.memref_squeeze %dma_start3A_302 : memref<1x128xi32, #tpu.memory_space<vmem>> -> memref<128xi32, #tpu.memory_space<vmem>>
      %dma_start3A_304 = arith.constant 0 : i32
      %dma_start3A_305 = arith.constant 0 : i32
      %dma_start3A_306 = tpu.memref_slice %arg2[%dma_start3A_304, %dma_start3A_305] : memref<10000x128xf32, #tpu.memory_space<hbm>> -> memref<10000x128xf32, #tpu.memory_space<hbm>>
      tpu.enqueue_indirect_dma source(%dma_start3A_306 : memref<10000x128xf32, #tpu.memory_space<hbm>>) target(%arg7 : memref<128x128xf32, #tpu.memory_space<vmem>>) offsets(%dma_start3A_303 : memref<128xi32, #tpu.memory_space<vmem>>) semaphore(%arg12 : memref<!tpu.dma_semaphore, #tpu.memory_space<semaphore_mem>>)
      %dma_wait3A_307 = arith.constant 1 : i32
      %dma_wait3A_308 = arith.constant 0 : i32
      %dma_wait3A_309 = tpu.memref_slice %arg6[%dma_wait3A_307, %dma_wait3A_308] : memref<8x128xi32, #tpu.memory_space<vmem>> -> memref<1x128xi32, #tpu.memory_space<vmem>>
      %dma_wait3A_310 = tpu.memref_squeeze %dma_wait3A_309 : memref<1x128xi32, #tpu.memory_space<vmem>> -> memref<128xi32, #tpu.memory_space<vmem>>
      %dma_wait3A_311 = arith.constant 0 : i32
      %dma_wait3A_312 = arith.constant 0 : i32
      %dma_wait3A_313 = tpu.memref_slice %arg2[%dma_wait3A_311, %dma_wait3A_312] : memref<10000x128xf32, #tpu.memory_space<hbm>> -> memref<10000x128xf32, #tpu.memory_space<hbm>>
      tpu.wait_indirect_dma semaphore(%arg13 : memref<!tpu.dma_semaphore, #tpu.memory_space<semaphore_mem>>) src(%dma_wait3A_313 : memref<10000x128xf32, #tpu.memory_space<hbm>>) dst(%arg8 : memref<128x128xf32, #tpu.memory_space<vmem>>)
      %run_scoped3A_314 = arith.constant 5 : i32
      "tpu.region"() ({
        %run_scoped3A_367 = tpu.sem_alloc : memref<!tpu.dma_semaphore, #tpu.memory_space<semaphore_mem>>
        %dma_start3A_368 = arith.constant 0 : i32
        %dma_start3A_369 = tpu.memref_slice %arg6[%run_scoped3A_314, %dma_start3A_368] : memref<8x128xi32, #tpu.memory_space<vmem>> -> memref<1x128xi32, #tpu.memory_space<vmem>>
        %dma_start3A_370 = tpu.memref_squeeze %dma_start3A_369 : memref<1x128xi32, #tpu.memory_space<vmem>> -> memref<128xi32, #tpu.memory_space<vmem>>
        %dma_start3A_371 = arith.constant 0 : i32
        %dma_start3A_372 = arith.constant 0 : i32
        %dma_start3A_373 = tpu.memref_slice %arg9[%dma_start3A_371, %dma_start3A_372] : memref<10112x128xf32, #tpu.memory_space<vmem_shared>> -> memref<10112x128xf32, #tpu.memory_space<vmem_shared>>
        tpu.enqueue_indirect_dma source(%arg8 : memref<128x128xf32, #tpu.memory_space<vmem>>) target(%dma_start3A_373 : memref<10112x128xf32, #tpu.memory_space<vmem_shared>>) offsets(%dma_start3A_370 : memref<128xi32, #tpu.memory_space<vmem>>) semaphore(%run_scoped3A_367 : memref<!tpu.dma_semaphore, #tpu.memory_space<semaphore_mem>>) {add = true}
        %dma_wait3A_374 = arith.constant 0 : i32
        %dma_wait3A_375 = tpu.memref_slice %arg6[%run_scoped3A_314, %dma_wait3A_374] : memref<8x128xi32, #tpu.memory_space<vmem>> -> memref<1x128xi32, #tpu.memory_space<vmem>>
        %dma_wait3A_376 = tpu.memref_squeeze %dma_wait3A_375 : memref<1x128xi32, #tpu.memory_space<vmem>> -> memref<128xi32, #tpu.memory_space<vmem>>
        %dma_wait3A_377 = arith.constant 0 : i32
        %dma_wait3A_378 = arith.constant 0 : i32
        %dma_wait3A_379 = tpu.memref_slice %arg9[%dma_wait3A_377, %dma_wait3A_378] : memref<10112x128xf32, #tpu.memory_space<vmem_shared>> -> memref<10112x128xf32, #tpu.memory_space<vmem_shared>>
        tpu.wait_indirect_dma semaphore(%run_scoped3A_367 : memref<!tpu.dma_semaphore, #tpu.memory_space<semaphore_mem>>) src(%arg8 : memref<128x128xf32, #tpu.memory_space<vmem>>) dst(%dma_wait3A_379 : memref<10112x128xf32, #tpu.memory_space<vmem_shared>>)
        tpu.yield
      }) : () -> ()
      %dma_start3A_315 = arith.constant 3 : i32
      %dma_start3A_316 = arith.constant 0 : i32
      %dma_start3A_317 = tpu.memref_slice %arg6[%dma_start3A_315, %dma_start3A_316] : memref<8x128xi32, #tpu.memory_space<vmem>> -> memref<1x128xi32, #tpu.memory_space<vmem>>
      %dma_start3A_318 = tpu.memref_squeeze %dma_start3A_317 : memref<1x128xi32, #tpu.memory_space<vmem>> -> memref<128xi32, #tpu.memory_space<vmem>>
      %dma_start3A_319 = arith.constant 0 : i32
      %dma_start3A_320 = arith.constant 0 : i32
      %dma_start3A_321 = tpu.memref_slice %arg2[%dma_start3A_319, %dma_start3A_320] : memref<10000x128xf32, #tpu.memory_space<hbm>> -> memref<10000x128xf32, #tpu.memory_space<hbm>>
      tpu.enqueue_indirect_dma source(%dma_start3A_321 : memref<10000x128xf32, #tpu.memory_space<hbm>>) target(%arg8 : memref<128x128xf32, #tpu.memory_space<vmem>>) offsets(%dma_start3A_318 : memref<128xi32, #tpu.memory_space<vmem>>) semaphore(%arg13 : memref<!tpu.dma_semaphore, #tpu.memory_space<semaphore_mem>>)
      %dma_wait3A_322 = arith.constant 2 : i32
      %dma_wait3A_323 = arith.constant 0 : i32
      %dma_wait3A_324 = tpu.memref_slice %arg6[%dma_wait3A_322, %dma_wait3A_323] : memref<8x128xi32, #tpu.memory_space<vmem>> -> memref<1x128xi32, #tpu.memory_space<vmem>>
      %dma_wait3A_325 = tpu.memref_squeeze %dma_wait3A_324 : memref<1x128xi32, #tpu.memory_space<vmem>> -> memref<128xi32, #tpu.memory_space<vmem>>
      %dma_wait3A_326 = arith.constant 0 : i32
      %dma_wait3A_327 = arith.constant 0 : i32
      %dma_wait3A_328 = tpu.memref_slice %arg2[%dma_wait3A_326, %dma_wait3A_327] : memref<10000x128xf32, #tpu.memory_space<hbm>> -> memref<10000x128xf32, #tpu.memory_space<hbm>>
      tpu.wait_indirect_dma semaphore(%arg12 : memref<!tpu.dma_semaphore, #tpu.memory_space<semaphore_mem>>) src(%dma_wait3A_328 : memref<10000x128xf32, #tpu.memory_space<hbm>>) dst(%arg7 : memref<128x128xf32, #tpu.memory_space<vmem>>)
      %run_scoped3A_329 = arith.constant 6 : i32
      "tpu.region"() ({
        %run_scoped3A_367 = tpu.sem_alloc : memref<!tpu.dma_semaphore, #tpu.memory_space<semaphore_mem>>
        %dma_start3A_368 = arith.constant 0 : i32
        %dma_start3A_369 = tpu.memref_slice %arg6[%run_scoped3A_329, %dma_start3A_368] : memref<8x128xi32, #tpu.memory_space<vmem>> -> memref<1x128xi32, #tpu.memory_space<vmem>>
        %dma_start3A_370 = tpu.memref_squeeze %dma_start3A_369 : memref<1x128xi32, #tpu.memory_space<vmem>> -> memref<128xi32, #tpu.memory_space<vmem>>
        %dma_start3A_371 = arith.constant 0 : i32
        %dma_start3A_372 = arith.constant 0 : i32
        %dma_start3A_373 = tpu.memref_slice %arg9[%dma_start3A_371, %dma_start3A_372] : memref<10112x128xf32, #tpu.memory_space<vmem_shared>> -> memref<10112x128xf32, #tpu.memory_space<vmem_shared>>
        tpu.enqueue_indirect_dma source(%arg7 : memref<128x128xf32, #tpu.memory_space<vmem>>) target(%dma_start3A_373 : memref<10112x128xf32, #tpu.memory_space<vmem_shared>>) offsets(%dma_start3A_370 : memref<128xi32, #tpu.memory_space<vmem>>) semaphore(%run_scoped3A_367 : memref<!tpu.dma_semaphore, #tpu.memory_space<semaphore_mem>>) {add = true}
        %dma_wait3A_374 = arith.constant 0 : i32
        %dma_wait3A_375 = tpu.memref_slice %arg6[%run_scoped3A_329, %dma_wait3A_374] : memref<8x128xi32, #tpu.memory_space<vmem>> -> memref<1x128xi32, #tpu.memory_space<vmem>>
        %dma_wait3A_376 = tpu.memref_squeeze %dma_wait3A_375 : memref<1x128xi32, #tpu.memory_space<vmem>> -> memref<128xi32, #tpu.memory_space<vmem>>
        %dma_wait3A_377 = arith.constant 0 : i32
        %dma_wait3A_378 = arith.constant 0 : i32
        %dma_wait3A_379 = tpu.memref_slice %arg9[%dma_wait3A_377, %dma_wait3A_378] : memref<10112x128xf32, #tpu.memory_space<vmem_shared>> -> memref<10112x128xf32, #tpu.memory_space<vmem_shared>>
        tpu.wait_indirect_dma semaphore(%run_scoped3A_367 : memref<!tpu.dma_semaphore, #tpu.memory_space<semaphore_mem>>) src(%arg7 : memref<128x128xf32, #tpu.memory_space<vmem>>) dst(%dma_wait3A_379 : memref<10112x128xf32, #tpu.memory_space<vmem_shared>>)
        tpu.yield
      }) : () -> ()
      %add3A_330 = arith.constant 2 : i32
      %add3A_331 = arith.addi %add3A_202, %add3A_330 : i32
      %add3A_332 = arith.addi %mul3A_2, %add3A_331 : i32
      %dma_wait3A_333 = arith.constant 0 : i32
      %dma_wait3A_334 = arith.constant 0 : i32
      %dma_wait3A_335 = tpu.memref_slice %arg3[%add3A_332, %dma_wait3A_333, %dma_wait3A_334] : memref<640x8x128xi32, #tpu.memory_space<hbm>> -> memref<1x8x128xi32, #tpu.memory_space<hbm>>
      %dma_wait3A_336 = tpu.memref_squeeze %dma_wait3A_335 : memref<1x8x128xi32, #tpu.memory_space<hbm>> -> memref<8x128xi32, #tpu.memory_space<hbm>>
      %dma_wait3A_337 = arith.constant 0 : i32
      %dma_wait3A_338 = arith.constant 0 : i32
      %dma_wait3A_339 = tpu.memref_slice %arg3[%add3A_332, %dma_wait3A_337, %dma_wait3A_338] : memref<640x8x128xi32, #tpu.memory_space<hbm>> -> memref<1x8x128xi32, #tpu.memory_space<hbm>>
      %dma_wait3A_340 = tpu.memref_squeeze %dma_wait3A_339 : memref<1x8x128xi32, #tpu.memory_space<hbm>> -> memref<8x128xi32, #tpu.memory_space<hbm>>
      tpu.wait_dma2 semaphore(%arg10 : memref<!tpu.dma_semaphore, #tpu.memory_space<semaphore_mem>>) src(%dma_wait3A_340 : memref<8x128xi32, #tpu.memory_space<hbm>>) dst(%arg5 : memref<8x128xi32, #tpu.memory_space<vmem>>)
      %dma_start3A_341 = arith.constant 0 : i32
      %dma_start3A_342 = arith.constant 0 : i32
      %dma_start3A_343 = tpu.memref_slice %arg5[%dma_start3A_341, %dma_start3A_342] : memref<8x128xi32, #tpu.memory_space<vmem>> -> memref<1x128xi32, #tpu.memory_space<vmem>>
      %dma_start3A_344 = tpu.memref_squeeze %dma_start3A_343 : memref<1x128xi32, #tpu.memory_space<vmem>> -> memref<128xi32, #tpu.memory_space<vmem>>
      %dma_start3A_345 = arith.constant 0 : i32
      %dma_start3A_346 = arith.constant 0 : i32
      %dma_start3A_347 = tpu.memref_slice %arg2[%dma_start3A_345, %dma_start3A_346] : memref<10000x128xf32, #tpu.memory_space<hbm>> -> memref<10000x128xf32, #tpu.memory_space<hbm>>
      tpu.enqueue_indirect_dma source(%dma_start3A_347 : memref<10000x128xf32, #tpu.memory_space<hbm>>) target(%arg7 : memref<128x128xf32, #tpu.memory_space<vmem>>) offsets(%dma_start3A_344 : memref<128xi32, #tpu.memory_space<vmem>>) semaphore(%arg12 : memref<!tpu.dma_semaphore, #tpu.memory_space<semaphore_mem>>)
      %dma_wait3A_348 = arith.constant 3 : i32
      %dma_wait3A_349 = arith.constant 0 : i32
      %dma_wait3A_350 = tpu.memref_slice %arg6[%dma_wait3A_348, %dma_wait3A_349] : memref<8x128xi32, #tpu.memory_space<vmem>> -> memref<1x128xi32, #tpu.memory_space<vmem>>
      %dma_wait3A_351 = tpu.memref_squeeze %dma_wait3A_350 : memref<1x128xi32, #tpu.memory_space<vmem>> -> memref<128xi32, #tpu.memory_space<vmem>>
      %dma_wait3A_352 = arith.constant 0 : i32
      %dma_wait3A_353 = arith.constant 0 : i32
      %dma_wait3A_354 = tpu.memref_slice %arg2[%dma_wait3A_352, %dma_wait3A_353] : memref<10000x128xf32, #tpu.memory_space<hbm>> -> memref<10000x128xf32, #tpu.memory_space<hbm>>
      tpu.wait_indirect_dma semaphore(%arg13 : memref<!tpu.dma_semaphore, #tpu.memory_space<semaphore_mem>>) src(%dma_wait3A_354 : memref<10000x128xf32, #tpu.memory_space<hbm>>) dst(%arg8 : memref<128x128xf32, #tpu.memory_space<vmem>>)
      %run_scoped3A_355 = arith.constant 7 : i32
      "tpu.region"() ({
        %run_scoped3A_367 = tpu.sem_alloc : memref<!tpu.dma_semaphore, #tpu.memory_space<semaphore_mem>>
        %dma_start3A_368 = arith.constant 0 : i32
        %dma_start3A_369 = tpu.memref_slice %arg6[%run_scoped3A_355, %dma_start3A_368] : memref<8x128xi32, #tpu.memory_space<vmem>> -> memref<1x128xi32, #tpu.memory_space<vmem>>
        %dma_start3A_370 = tpu.memref_squeeze %dma_start3A_369 : memref<1x128xi32, #tpu.memory_space<vmem>> -> memref<128xi32, #tpu.memory_space<vmem>>
        %dma_start3A_371 = arith.constant 0 : i32
        %dma_start3A_372 = arith.constant 0 : i32
        %dma_start3A_373 = tpu.memref_slice %arg9[%dma_start3A_371, %dma_start3A_372] : memref<10112x128xf32, #tpu.memory_space<vmem_shared>> -> memref<10112x128xf32, #tpu.memory_space<vmem_shared>>
        tpu.enqueue_indirect_dma source(%arg8 : memref<128x128xf32, #tpu.memory_space<vmem>>) target(%dma_start3A_373 : memref<10112x128xf32, #tpu.memory_space<vmem_shared>>) offsets(%dma_start3A_370 : memref<128xi32, #tpu.memory_space<vmem>>) semaphore(%run_scoped3A_367 : memref<!tpu.dma_semaphore, #tpu.memory_space<semaphore_mem>>) {add = true}
        %dma_wait3A_374 = arith.constant 0 : i32
        %dma_wait3A_375 = tpu.memref_slice %arg6[%run_scoped3A_355, %dma_wait3A_374] : memref<8x128xi32, #tpu.memory_space<vmem>> -> memref<1x128xi32, #tpu.memory_space<vmem>>
        %dma_wait3A_376 = tpu.memref_squeeze %dma_wait3A_375 : memref<1x128xi32, #tpu.memory_space<vmem>> -> memref<128xi32, #tpu.memory_space<vmem>>
        %dma_wait3A_377 = arith.constant 0 : i32
        %dma_wait3A_378 = arith.constant 0 : i32
        %dma_wait3A_379 = tpu.memref_slice %arg9[%dma_wait3A_377, %dma_wait3A_378] : memref<10112x128xf32, #tpu.memory_space<vmem_shared>> -> memref<10112x128xf32, #tpu.memory_space<vmem_shared>>
        tpu.wait_indirect_dma semaphore(%run_scoped3A_367 : memref<!tpu.dma_semaphore, #tpu.memory_space<semaphore_mem>>) src(%arg8 : memref<128x128xf32, #tpu.memory_space<vmem>>) dst(%dma_wait3A_379 : memref<10112x128xf32, #tpu.memory_space<vmem_shared>>)
        tpu.yield
      }) : () -> ()
      %add3A_356 = arith.constant 3 : i32
      %add3A_357 = arith.addi %add3A_202, %add3A_356 : i32
      %add3A_358 = arith.addi %mul3A_2, %add3A_357 : i32
      %dma_start3A_359 = arith.constant 0 : i32
      %dma_start3A_360 = arith.constant 0 : i32
      %dma_start3A_361 = tpu.memref_slice %arg3[%add3A_358, %dma_start3A_359, %dma_start3A_360] : memref<640x8x128xi32, #tpu.memory_space<hbm>> -> memref<1x8x128xi32, #tpu.memory_space<hbm>>
      %dma_start3A_362 = tpu.memref_squeeze %dma_start3A_361 : memref<1x8x128xi32, #tpu.memory_space<hbm>> -> memref<8x128xi32, #tpu.memory_space<hbm>>
      %dma_start3A_363 = arith.constant 0 : i32
      %dma_start3A_364 = arith.constant 0 : i32
      %dma_start3A_365 = tpu.memref_slice %arg3[%add3A_358, %dma_start3A_363, %dma_start3A_364] : memref<640x8x128xi32, #tpu.memory_space<hbm>> -> memref<1x8x128xi32, #tpu.memory_space<hbm>>
      %dma_start3A_366 = tpu.memref_squeeze %dma_start3A_365 : memref<1x8x128xi32, #tpu.memory_space<hbm>> -> memref<8x128xi32, #tpu.memory_space<hbm>>
      tpu.enqueue_dma source(%dma_start3A_366 : memref<8x128xi32, #tpu.memory_space<hbm>>) target(%arg6 : memref<8x128xi32, #tpu.memory_space<vmem>>) target_semaphore(%arg11 : memref<!tpu.dma_semaphore, #tpu.memory_space<semaphore_mem>>)
    }
    %scan3A_67 = arith.constant 9 : i32
    %dma_start3A_68 = arith.constant 1 : i32
    %dma_start3A_69 = arith.constant 0 : i32
    %dma_start3A_70 = tpu.memref_slice %arg5[%dma_start3A_68, %dma_start3A_69] : memref<8x128xi32, #tpu.memory_space<vmem>> -> memref<1x128xi32, #tpu.memory_space<vmem>>
    %dma_start3A_71 = tpu.memref_squeeze %dma_start3A_70 : memref<1x128xi32, #tpu.memory_space<vmem>> -> memref<128xi32, #tpu.memory_space<vmem>>
    %dma_start3A_72 = arith.constant 0 : i32
    %dma_start3A_73 = arith.constant 0 : i32
    %dma_start3A_74 = tpu.memref_slice %arg2[%dma_start3A_72, %dma_start3A_73] : memref<10000x128xf32, #tpu.memory_space<hbm>> -> memref<10000x128xf32, #tpu.memory_space<hbm>>
    tpu.enqueue_indirect_dma source(%dma_start3A_74 : memref<10000x128xf32, #tpu.memory_space<hbm>>) target(%arg8 : memref<128x128xf32, #tpu.memory_space<vmem>>) offsets(%dma_start3A_71 : memref<128xi32, #tpu.memory_space<vmem>>) semaphore(%arg13 : memref<!tpu.dma_semaphore, #tpu.memory_space<semaphore_mem>>)
    %dma_wait3A_75 = arith.constant 0 : i32
    %dma_wait3A_76 = arith.constant 0 : i32
    %dma_wait3A_77 = tpu.memref_slice %arg5[%dma_wait3A_75, %dma_wait3A_76] : memref<8x128xi32, #tpu.memory_space<vmem>> -> memref<1x128xi32, #tpu.memory_space<vmem>>
    %dma_wait3A_78 = tpu.memref_squeeze %dma_wait3A_77 : memref<1x128xi32, #tpu.memory_space<vmem>> -> memref<128xi32, #tpu.memory_space<vmem>>
    %dma_wait3A_79 = arith.constant 0 : i32
    %dma_wait3A_80 = arith.constant 0 : i32
    %dma_wait3A_81 = tpu.memref_slice %arg2[%dma_wait3A_79, %dma_wait3A_80] : memref<10000x128xf32, #tpu.memory_space<hbm>> -> memref<10000x128xf32, #tpu.memory_space<hbm>>
    tpu.wait_indirect_dma semaphore(%arg12 : memref<!tpu.dma_semaphore, #tpu.memory_space<semaphore_mem>>) src(%dma_wait3A_81 : memref<10000x128xf32, #tpu.memory_space<hbm>>) dst(%arg7 : memref<128x128xf32, #tpu.memory_space<vmem>>)
    %run_scoped3A = arith.constant 4 : i32
    "tpu.region"() ({
      %run_scoped3A_198 = tpu.sem_alloc : memref<!tpu.dma_semaphore, #tpu.memory_space<semaphore_mem>>
      %dma_start3A_199 = arith.constant 0 : i32
      %dma_start3A_200 = tpu.memref_slice %arg5[%run_scoped3A, %dma_start3A_199] : memref<8x128xi32, #tpu.memory_space<vmem>> -> memref<1x128xi32, #tpu.memory_space<vmem>>
      %dma_start3A_201 = tpu.memref_squeeze %dma_start3A_200 : memref<1x128xi32, #tpu.memory_space<vmem>> -> memref<128xi32, #tpu.memory_space<vmem>>
      %dma_start3A_202 = arith.constant 0 : i32
      %dma_start3A_203 = arith.constant 0 : i32
      %dma_start3A_204 = tpu.memref_slice %arg9[%dma_start3A_202, %dma_start3A_203] : memref<10112x128xf32, #tpu.memory_space<vmem_shared>> -> memref<10112x128xf32, #tpu.memory_space<vmem_shared>>
      tpu.enqueue_indirect_dma source(%arg7 : memref<128x128xf32, #tpu.memory_space<vmem>>) target(%dma_start3A_204 : memref<10112x128xf32, #tpu.memory_space<vmem_shared>>) offsets(%dma_start3A_201 : memref<128xi32, #tpu.memory_space<vmem>>) semaphore(%run_scoped3A_198 : memref<!tpu.dma_semaphore, #tpu.memory_space<semaphore_mem>>) {add = true}
      %dma_wait3A_205 = arith.constant 0 : i32
      %dma_wait3A_206 = tpu.memref_slice %arg5[%run_scoped3A, %dma_wait3A_205] : memref<8x128xi32, #tpu.memory_space<vmem>> -> memref<1x128xi32, #tpu.memory_space<vmem>>
      %dma_wait3A_207 = tpu.memref_squeeze %dma_wait3A_206 : memref<1x128xi32, #tpu.memory_space<vmem>> -> memref<128xi32, #tpu.memory_space<vmem>>
      %dma_wait3A_208 = arith.constant 0 : i32
      %dma_wait3A_209 = arith.constant 0 : i32
      %dma_wait3A_210 = tpu.memref_slice %arg9[%dma_wait3A_208, %dma_wait3A_209] : memref<10112x128xf32, #tpu.memory_space<vmem_shared>> -> memref<10112x128xf32, #tpu.memory_space<vmem_shared>>
      tpu.wait_indirect_dma semaphore(%run_scoped3A_198 : memref<!tpu.dma_semaphore, #tpu.memory_space<semaphore_mem>>) src(%arg7 : memref<128x128xf32, #tpu.memory_space<vmem>>) dst(%dma_wait3A_210 : memref<10112x128xf32, #tpu.memory_space<vmem_shared>>)
      tpu.yield
    }) : () -> ()
    %dma_start3A_82 = arith.constant 2 : i32
    %dma_start3A_83 = arith.constant 0 : i32
    %dma_start3A_84 = tpu.memref_slice %arg5[%dma_start3A_82, %dma_start3A_83] : memref<8x128xi32, #tpu.memory_space<vmem>> -> memref<1x128xi32, #tpu.memory_space<vmem>>
    %dma_start3A_85 = tpu.memref_squeeze %dma_start3A_84 : memref<1x128xi32, #tpu.memory_space<vmem>> -> memref<128xi32, #tpu.memory_space<vmem>>
    %dma_start3A_86 = arith.constant 0 : i32
    %dma_start3A_87 = arith.constant 0 : i32
    %dma_start3A_88 = tpu.memref_slice %arg2[%dma_start3A_86, %dma_start3A_87] : memref<10000x128xf32, #tpu.memory_space<hbm>> -> memref<10000x128xf32, #tpu.memory_space<hbm>>
    tpu.enqueue_indirect_dma source(%dma_start3A_88 : memref<10000x128xf32, #tpu.memory_space<hbm>>) target(%arg7 : memref<128x128xf32, #tpu.memory_space<vmem>>) offsets(%dma_start3A_85 : memref<128xi32, #tpu.memory_space<vmem>>) semaphore(%arg12 : memref<!tpu.dma_semaphore, #tpu.memory_space<semaphore_mem>>)
    %dma_wait3A_89 = arith.constant 1 : i32
    %dma_wait3A_90 = arith.constant 0 : i32
    %dma_wait3A_91 = tpu.memref_slice %arg5[%dma_wait3A_89, %dma_wait3A_90] : memref<8x128xi32, #tpu.memory_space<vmem>> -> memref<1x128xi32, #tpu.memory_space<vmem>>
    %dma_wait3A_92 = tpu.memref_squeeze %dma_wait3A_91 : memref<1x128xi32, #tpu.memory_space<vmem>> -> memref<128xi32, #tpu.memory_space<vmem>>
    %dma_wait3A_93 = arith.constant 0 : i32
    %dma_wait3A_94 = arith.constant 0 : i32
    %dma_wait3A_95 = tpu.memref_slice %arg2[%dma_wait3A_93, %dma_wait3A_94] : memref<10000x128xf32, #tpu.memory_space<hbm>> -> memref<10000x128xf32, #tpu.memory_space<hbm>>
    tpu.wait_indirect_dma semaphore(%arg13 : memref<!tpu.dma_semaphore, #tpu.memory_space<semaphore_mem>>) src(%dma_wait3A_95 : memref<10000x128xf32, #tpu.memory_space<hbm>>) dst(%arg8 : memref<128x128xf32, #tpu.memory_space<vmem>>)
    %run_scoped3A_96 = arith.constant 5 : i32
    "tpu.region"() ({
      %run_scoped3A_198 = tpu.sem_alloc : memref<!tpu.dma_semaphore, #tpu.memory_space<semaphore_mem>>
      %dma_start3A_199 = arith.constant 0 : i32
      %dma_start3A_200 = tpu.memref_slice %arg5[%run_scoped3A_96, %dma_start3A_199] : memref<8x128xi32, #tpu.memory_space<vmem>> -> memref<1x128xi32, #tpu.memory_space<vmem>>
      %dma_start3A_201 = tpu.memref_squeeze %dma_start3A_200 : memref<1x128xi32, #tpu.memory_space<vmem>> -> memref<128xi32, #tpu.memory_space<vmem>>
      %dma_start3A_202 = arith.constant 0 : i32
      %dma_start3A_203 = arith.constant 0 : i32
      %dma_start3A_204 = tpu.memref_slice %arg9[%dma_start3A_202, %dma_start3A_203] : memref<10112x128xf32, #tpu.memory_space<vmem_shared>> -> memref<10112x128xf32, #tpu.memory_space<vmem_shared>>
      tpu.enqueue_indirect_dma source(%arg8 : memref<128x128xf32, #tpu.memory_space<vmem>>) target(%dma_start3A_204 : memref<10112x128xf32, #tpu.memory_space<vmem_shared>>) offsets(%dma_start3A_201 : memref<128xi32, #tpu.memory_space<vmem>>) semaphore(%run_scoped3A_198 : memref<!tpu.dma_semaphore, #tpu.memory_space<semaphore_mem>>) {add = true}
      %dma_wait3A_205 = arith.constant 0 : i32
      %dma_wait3A_206 = tpu.memref_slice %arg5[%run_scoped3A_96, %dma_wait3A_205] : memref<8x128xi32, #tpu.memory_space<vmem>> -> memref<1x128xi32, #tpu.memory_space<vmem>>
      %dma_wait3A_207 = tpu.memref_squeeze %dma_wait3A_206 : memref<1x128xi32, #tpu.memory_space<vmem>> -> memref<128xi32, #tpu.memory_space<vmem>>
      %dma_wait3A_208 = arith.constant 0 : i32
      %dma_wait3A_209 = arith.constant 0 : i32
      %dma_wait3A_210 = tpu.memref_slice %arg9[%dma_wait3A_208, %dma_wait3A_209] : memref<10112x128xf32, #tpu.memory_space<vmem_shared>> -> memref<10112x128xf32, #tpu.memory_space<vmem_shared>>
      tpu.wait_indirect_dma semaphore(%run_scoped3A_198 : memref<!tpu.dma_semaphore, #tpu.memory_space<semaphore_mem>>) src(%arg8 : memref<128x128xf32, #tpu.memory_space<vmem>>) dst(%dma_wait3A_210 : memref<10112x128xf32, #tpu.memory_space<vmem_shared>>)
      tpu.yield
    }) : () -> ()
    %dma_start3A_97 = arith.constant 3 : i32
    %dma_start3A_98 = arith.constant 0 : i32
    %dma_start3A_99 = tpu.memref_slice %arg5[%dma_start3A_97, %dma_start3A_98] : memref<8x128xi32, #tpu.memory_space<vmem>> -> memref<1x128xi32, #tpu.memory_space<vmem>>
    %dma_start3A_100 = tpu.memref_squeeze %dma_start3A_99 : memref<1x128xi32, #tpu.memory_space<vmem>> -> memref<128xi32, #tpu.memory_space<vmem>>
    %dma_start3A_101 = arith.constant 0 : i32
    %dma_start3A_102 = arith.constant 0 : i32
    %dma_start3A_103 = tpu.memref_slice %arg2[%dma_start3A_101, %dma_start3A_102] : memref<10000x128xf32, #tpu.memory_space<hbm>> -> memref<10000x128xf32, #tpu.memory_space<hbm>>
    tpu.enqueue_indirect_dma source(%dma_start3A_103 : memref<10000x128xf32, #tpu.memory_space<hbm>>) target(%arg8 : memref<128x128xf32, #tpu.memory_space<vmem>>) offsets(%dma_start3A_100 : memref<128xi32, #tpu.memory_space<vmem>>) semaphore(%arg13 : memref<!tpu.dma_semaphore, #tpu.memory_space<semaphore_mem>>)
    %dma_wait3A_104 = arith.constant 2 : i32
    %dma_wait3A_105 = arith.constant 0 : i32
    %dma_wait3A_106 = tpu.memref_slice %arg5[%dma_wait3A_104, %dma_wait3A_105] : memref<8x128xi32, #tpu.memory_space<vmem>> -> memref<1x128xi32, #tpu.memory_space<vmem>>
    %dma_wait3A_107 = tpu.memref_squeeze %dma_wait3A_106 : memref<1x128xi32, #tpu.memory_space<vmem>> -> memref<128xi32, #tpu.memory_space<vmem>>
    %dma_wait3A_108 = arith.constant 0 : i32
    %dma_wait3A_109 = arith.constant 0 : i32
    %dma_wait3A_110 = tpu.memref_slice %arg2[%dma_wait3A_108, %dma_wait3A_109] : memref<10000x128xf32, #tpu.memory_space<hbm>> -> memref<10000x128xf32, #tpu.memory_space<hbm>>
    tpu.wait_indirect_dma semaphore(%arg12 : memref<!tpu.dma_semaphore, #tpu.memory_space<semaphore_mem>>) src(%dma_wait3A_110 : memref<10000x128xf32, #tpu.memory_space<hbm>>) dst(%arg7 : memref<128x128xf32, #tpu.memory_space<vmem>>)
    %run_scoped3A_111 = arith.constant 6 : i32
    "tpu.region"() ({
      %run_scoped3A_198 = tpu.sem_alloc : memref<!tpu.dma_semaphore, #tpu.memory_space<semaphore_mem>>
      %dma_start3A_199 = arith.constant 0 : i32
      %dma_start3A_200 = tpu.memref_slice %arg5[%run_scoped3A_111, %dma_start3A_199] : memref<8x128xi32, #tpu.memory_space<vmem>> -> memref<1x128xi32, #tpu.memory_space<vmem>>
      %dma_start3A_201 = tpu.memref_squeeze %dma_start3A_200 : memref<1x128xi32, #tpu.memory_space<vmem>> -> memref<128xi32, #tpu.memory_space<vmem>>
      %dma_start3A_202 = arith.constant 0 : i32
      %dma_start3A_203 = arith.constant 0 : i32
      %dma_start3A_204 = tpu.memref_slice %arg9[%dma_start3A_202, %dma_start3A_203] : memref<10112x128xf32, #tpu.memory_space<vmem_shared>> -> memref<10112x128xf32, #tpu.memory_space<vmem_shared>>
      tpu.enqueue_indirect_dma source(%arg7 : memref<128x128xf32, #tpu.memory_space<vmem>>) target(%dma_start3A_204 : memref<10112x128xf32, #tpu.memory_space<vmem_shared>>) offsets(%dma_start3A_201 : memref<128xi32, #tpu.memory_space<vmem>>) semaphore(%run_scoped3A_198 : memref<!tpu.dma_semaphore, #tpu.memory_space<semaphore_mem>>) {add = true}
      %dma_wait3A_205 = arith.constant 0 : i32
      %dma_wait3A_206 = tpu.memref_slice %arg5[%run_scoped3A_111, %dma_wait3A_205] : memref<8x128xi32, #tpu.memory_space<vmem>> -> memref<1x128xi32, #tpu.memory_space<vmem>>
      %dma_wait3A_207 = tpu.memref_squeeze %dma_wait3A_206 : memref<1x128xi32, #tpu.memory_space<vmem>> -> memref<128xi32, #tpu.memory_space<vmem>>
      %dma_wait3A_208 = arith.constant 0 : i32
      %dma_wait3A_209 = arith.constant 0 : i32
      %dma_wait3A_210 = tpu.memref_slice %arg9[%dma_wait3A_208, %dma_wait3A_209] : memref<10112x128xf32, #tpu.memory_space<vmem_shared>> -> memref<10112x128xf32, #tpu.memory_space<vmem_shared>>
      tpu.wait_indirect_dma semaphore(%run_scoped3A_198 : memref<!tpu.dma_semaphore, #tpu.memory_space<semaphore_mem>>) src(%arg7 : memref<128x128xf32, #tpu.memory_space<vmem>>) dst(%dma_wait3A_210 : memref<10112x128xf32, #tpu.memory_space<vmem_shared>>)
      tpu.yield
    }) : () -> ()
    %add3A_112 = arith.constant 19 : i32
    %add3A_113 = arith.addi %mul3A_2, %add3A_112 : i32
    %dma_wait3A_114 = arith.constant 0 : i32
    %dma_wait3A_115 = arith.constant 0 : i32
    %dma_wait3A_116 = tpu.memref_slice %arg3[%add3A_113, %dma_wait3A_114, %dma_wait3A_115] : memref<640x8x128xi32, #tpu.memory_space<hbm>> -> memref<1x8x128xi32, #tpu.memory_space<hbm>>
    %dma_wait3A_117 = tpu.memref_squeeze %dma_wait3A_116 : memref<1x8x128xi32, #tpu.memory_space<hbm>> -> memref<8x128xi32, #tpu.memory_space<hbm>>
    %dma_wait3A_118 = arith.constant 0 : i32
    %dma_wait3A_119 = arith.constant 0 : i32
    %dma_wait3A_120 = tpu.memref_slice %arg3[%add3A_113, %dma_wait3A_118, %dma_wait3A_119] : memref<640x8x128xi32, #tpu.memory_space<hbm>> -> memref<1x8x128xi32, #tpu.memory_space<hbm>>
    %dma_wait3A_121 = tpu.memref_squeeze %dma_wait3A_120 : memref<1x8x128xi32, #tpu.memory_space<hbm>> -> memref<8x128xi32, #tpu.memory_space<hbm>>
    tpu.wait_dma2 semaphore(%arg11 : memref<!tpu.dma_semaphore, #tpu.memory_space<semaphore_mem>>) src(%dma_wait3A_121 : memref<8x128xi32, #tpu.memory_space<hbm>>) dst(%arg6 : memref<8x128xi32, #tpu.memory_space<vmem>>)
    %dma_start3A_122 = arith.constant 0 : i32
    %dma_start3A_123 = arith.constant 0 : i32
    %dma_start3A_124 = tpu.memref_slice %arg6[%dma_start3A_122, %dma_start3A_123] : memref<8x128xi32, #tpu.memory_space<vmem>> -> memref<1x128xi32, #tpu.memory_space<vmem>>
    %dma_start3A_125 = tpu.memref_squeeze %dma_start3A_124 : memref<1x128xi32, #tpu.memory_space<vmem>> -> memref<128xi32, #tpu.memory_space<vmem>>
    %dma_start3A_126 = arith.constant 0 : i32
    %dma_start3A_127 = arith.constant 0 : i32
    %dma_start3A_128 = tpu.memref_slice %arg2[%dma_start3A_126, %dma_start3A_127] : memref<10000x128xf32, #tpu.memory_space<hbm>> -> memref<10000x128xf32, #tpu.memory_space<hbm>>
    tpu.enqueue_indirect_dma source(%dma_start3A_128 : memref<10000x128xf32, #tpu.memory_space<hbm>>) target(%arg7 : memref<128x128xf32, #tpu.memory_space<vmem>>) offsets(%dma_start3A_125 : memref<128xi32, #tpu.memory_space<vmem>>) semaphore(%arg12 : memref<!tpu.dma_semaphore, #tpu.memory_space<semaphore_mem>>)
    %dma_wait3A_129 = arith.constant 3 : i32
    %dma_wait3A_130 = arith.constant 0 : i32
    %dma_wait3A_131 = tpu.memref_slice %arg5[%dma_wait3A_129, %dma_wait3A_130] : memref<8x128xi32, #tpu.memory_space<vmem>> -> memref<1x128xi32, #tpu.memory_space<vmem>>
    %dma_wait3A_132 = tpu.memref_squeeze %dma_wait3A_131 : memref<1x128xi32, #tpu.memory_space<vmem>> -> memref<128xi32, #tpu.memory_space<vmem>>
    %dma_wait3A_133 = arith.constant 0 : i32
    %dma_wait3A_134 = arith.constant 0 : i32
    %dma_wait3A_135 = tpu.memref_slice %arg2[%dma_wait3A_133, %dma_wait3A_134] : memref<10000x128xf32, #tpu.memory_space<hbm>> -> memref<10000x128xf32, #tpu.memory_space<hbm>>
    tpu.wait_indirect_dma semaphore(%arg13 : memref<!tpu.dma_semaphore, #tpu.memory_space<semaphore_mem>>) src(%dma_wait3A_135 : memref<10000x128xf32, #tpu.memory_space<hbm>>) dst(%arg8 : memref<128x128xf32, #tpu.memory_space<vmem>>)
    %run_scoped3A_136 = arith.constant 7 : i32
    "tpu.region"() ({
      %run_scoped3A_198 = tpu.sem_alloc : memref<!tpu.dma_semaphore, #tpu.memory_space<semaphore_mem>>
      %dma_start3A_199 = arith.constant 0 : i32
      %dma_start3A_200 = tpu.memref_slice %arg5[%run_scoped3A_136, %dma_start3A_199] : memref<8x128xi32, #tpu.memory_space<vmem>> -> memref<1x128xi32, #tpu.memory_space<vmem>>
      %dma_start3A_201 = tpu.memref_squeeze %dma_start3A_200 : memref<1x128xi32, #tpu.memory_space<vmem>> -> memref<128xi32, #tpu.memory_space<vmem>>
      %dma_start3A_202 = arith.constant 0 : i32
      %dma_start3A_203 = arith.constant 0 : i32
      %dma_start3A_204 = tpu.memref_slice %arg9[%dma_start3A_202, %dma_start3A_203] : memref<10112x128xf32, #tpu.memory_space<vmem_shared>> -> memref<10112x128xf32, #tpu.memory_space<vmem_shared>>
      tpu.enqueue_indirect_dma source(%arg8 : memref<128x128xf32, #tpu.memory_space<vmem>>) target(%dma_start3A_204 : memref<10112x128xf32, #tpu.memory_space<vmem_shared>>) offsets(%dma_start3A_201 : memref<128xi32, #tpu.memory_space<vmem>>) semaphore(%run_scoped3A_198 : memref<!tpu.dma_semaphore, #tpu.memory_space<semaphore_mem>>) {add = true}
      %dma_wait3A_205 = arith.constant 0 : i32
      %dma_wait3A_206 = tpu.memref_slice %arg5[%run_scoped3A_136, %dma_wait3A_205] : memref<8x128xi32, #tpu.memory_space<vmem>> -> memref<1x128xi32, #tpu.memory_space<vmem>>
      %dma_wait3A_207 = tpu.memref_squeeze %dma_wait3A_206 : memref<1x128xi32, #tpu.memory_space<vmem>> -> memref<128xi32, #tpu.memory_space<vmem>>
      %dma_wait3A_208 = arith.constant 0 : i32
      %dma_wait3A_209 = arith.constant 0 : i32
      %dma_wait3A_210 = tpu.memref_slice %arg9[%dma_wait3A_208, %dma_wait3A_209] : memref<10112x128xf32, #tpu.memory_space<vmem_shared>> -> memref<10112x128xf32, #tpu.memory_space<vmem_shared>>
      tpu.wait_indirect_dma semaphore(%run_scoped3A_198 : memref<!tpu.dma_semaphore, #tpu.memory_space<semaphore_mem>>) src(%arg8 : memref<128x128xf32, #tpu.memory_space<vmem>>) dst(%dma_wait3A_210 : memref<10112x128xf32, #tpu.memory_space<vmem_shared>>)
      tpu.yield
    }) : () -> ()
    %dma_start3A_137 = arith.constant 1 : i32
    %dma_start3A_138 = arith.constant 0 : i32
    %dma_start3A_139 = tpu.memref_slice %arg6[%dma_start3A_137, %dma_start3A_138] : memref<8x128xi32, #tpu.memory_space<vmem>> -> memref<1x128xi32, #tpu.memory_space<vmem>>
    %dma_start3A_140 = tpu.memref_squeeze %dma_start3A_139 : memref<1x128xi32, #tpu.memory_space<vmem>> -> memref<128xi32, #tpu.memory_space<vmem>>
    %dma_start3A_141 = arith.constant 0 : i32
    %dma_start3A_142 = arith.constant 0 : i32
    %dma_start3A_143 = tpu.memref_slice %arg2[%dma_start3A_141, %dma_start3A_142] : memref<10000x128xf32, #tpu.memory_space<hbm>> -> memref<10000x128xf32, #tpu.memory_space<hbm>>
    tpu.enqueue_indirect_dma source(%dma_start3A_143 : memref<10000x128xf32, #tpu.memory_space<hbm>>) target(%arg8 : memref<128x128xf32, #tpu.memory_space<vmem>>) offsets(%dma_start3A_140 : memref<128xi32, #tpu.memory_space<vmem>>) semaphore(%arg13 : memref<!tpu.dma_semaphore, #tpu.memory_space<semaphore_mem>>)
    %dma_wait3A_144 = arith.constant 0 : i32
    %dma_wait3A_145 = arith.constant 0 : i32
    %dma_wait3A_146 = tpu.memref_slice %arg6[%dma_wait3A_144, %dma_wait3A_145] : memref<8x128xi32, #tpu.memory_space<vmem>> -> memref<1x128xi32, #tpu.memory_space<vmem>>
    %dma_wait3A_147 = tpu.memref_squeeze %dma_wait3A_146 : memref<1x128xi32, #tpu.memory_space<vmem>> -> memref<128xi32, #tpu.memory_space<vmem>>
    %dma_wait3A_148 = arith.constant 0 : i32
    %dma_wait3A_149 = arith.constant 0 : i32
    %dma_wait3A_150 = tpu.memref_slice %arg2[%dma_wait3A_148, %dma_wait3A_149] : memref<10000x128xf32, #tpu.memory_space<hbm>> -> memref<10000x128xf32, #tpu.memory_space<hbm>>
    tpu.wait_indirect_dma semaphore(%arg12 : memref<!tpu.dma_semaphore, #tpu.memory_space<semaphore_mem>>) src(%dma_wait3A_150 : memref<10000x128xf32, #tpu.memory_space<hbm>>) dst(%arg7 : memref<128x128xf32, #tpu.memory_space<vmem>>)
    %run_scoped3A_151 = arith.constant 4 : i32
    "tpu.region"() ({
      %run_scoped3A_198 = tpu.sem_alloc : memref<!tpu.dma_semaphore, #tpu.memory_space<semaphore_mem>>
      %dma_start3A_199 = arith.constant 0 : i32
      %dma_start3A_200 = tpu.memref_slice %arg6[%run_scoped3A_151, %dma_start3A_199] : memref<8x128xi32, #tpu.memory_space<vmem>> -> memref<1x128xi32, #tpu.memory_space<vmem>>
      %dma_start3A_201 = tpu.memref_squeeze %dma_start3A_200 : memref<1x128xi32, #tpu.memory_space<vmem>> -> memref<128xi32, #tpu.memory_space<vmem>>
      %dma_start3A_202 = arith.constant 0 : i32
      %dma_start3A_203 = arith.constant 0 : i32
      %dma_start3A_204 = tpu.memref_slice %arg9[%dma_start3A_202, %dma_start3A_203] : memref<10112x128xf32, #tpu.memory_space<vmem_shared>> -> memref<10112x128xf32, #tpu.memory_space<vmem_shared>>
      tpu.enqueue_indirect_dma source(%arg7 : memref<128x128xf32, #tpu.memory_space<vmem>>) target(%dma_start3A_204 : memref<10112x128xf32, #tpu.memory_space<vmem_shared>>) offsets(%dma_start3A_201 : memref<128xi32, #tpu.memory_space<vmem>>) semaphore(%run_scoped3A_198 : memref<!tpu.dma_semaphore, #tpu.memory_space<semaphore_mem>>) {add = true}
      %dma_wait3A_205 = arith.constant 0 : i32
      %dma_wait3A_206 = tpu.memref_slice %arg6[%run_scoped3A_151, %dma_wait3A_205] : memref<8x128xi32, #tpu.memory_space<vmem>> -> memref<1x128xi32, #tpu.memory_space<vmem>>
      %dma_wait3A_207 = tpu.memref_squeeze %dma_wait3A_206 : memref<1x128xi32, #tpu.memory_space<vmem>> -> memref<128xi32, #tpu.memory_space<vmem>>
      %dma_wait3A_208 = arith.constant 0 : i32
      %dma_wait3A_209 = arith.constant 0 : i32
      %dma_wait3A_210 = tpu.memref_slice %arg9[%dma_wait3A_208, %dma_wait3A_209] : memref<10112x128xf32, #tpu.memory_space<vmem_shared>> -> memref<10112x128xf32, #tpu.memory_space<vmem_shared>>
      tpu.wait_indirect_dma semaphore(%run_scoped3A_198 : memref<!tpu.dma_semaphore, #tpu.memory_space<semaphore_mem>>) src(%arg7 : memref<128x128xf32, #tpu.memory_space<vmem>>) dst(%dma_wait3A_210 : memref<10112x128xf32, #tpu.memory_space<vmem_shared>>)
      tpu.yield
    }) : () -> ()
    %dma_start3A_152 = arith.constant 2 : i32
    %dma_start3A_153 = arith.constant 0 : i32
    %dma_start3A_154 = tpu.memref_slice %arg6[%dma_start3A_152, %dma_start3A_153] : memref<8x128xi32, #tpu.memory_space<vmem>> -> memref<1x128xi32, #tpu.memory_space<vmem>>
    %dma_start3A_155 = tpu.memref_squeeze %dma_start3A_154 : memref<1x128xi32, #tpu.memory_space<vmem>> -> memref<128xi32, #tpu.memory_space<vmem>>
    %dma_start3A_156 = arith.constant 0 : i32
    %dma_start3A_157 = arith.constant 0 : i32
    %dma_start3A_158 = tpu.memref_slice %arg2[%dma_start3A_156, %dma_start3A_157] : memref<10000x128xf32, #tpu.memory_space<hbm>> -> memref<10000x128xf32, #tpu.memory_space<hbm>>
    tpu.enqueue_indirect_dma source(%dma_start3A_158 : memref<10000x128xf32, #tpu.memory_space<hbm>>) target(%arg7 : memref<128x128xf32, #tpu.memory_space<vmem>>) offsets(%dma_start3A_155 : memref<128xi32, #tpu.memory_space<vmem>>) semaphore(%arg12 : memref<!tpu.dma_semaphore, #tpu.memory_space<semaphore_mem>>)
    %dma_wait3A_159 = arith.constant 1 : i32
    %dma_wait3A_160 = arith.constant 0 : i32
    %dma_wait3A_161 = tpu.memref_slice %arg6[%dma_wait3A_159, %dma_wait3A_160] : memref<8x128xi32, #tpu.memory_space<vmem>> -> memref<1x128xi32, #tpu.memory_space<vmem>>
    %dma_wait3A_162 = tpu.memref_squeeze %dma_wait3A_161 : memref<1x128xi32, #tpu.memory_space<vmem>> -> memref<128xi32, #tpu.memory_space<vmem>>
    %dma_wait3A_163 = arith.constant 0 : i32
    %dma_wait3A_164 = arith.constant 0 : i32
    %dma_wait3A_165 = tpu.memref_slice %arg2[%dma_wait3A_163, %dma_wait3A_164] : memref<10000x128xf32, #tpu.memory_space<hbm>> -> memref<10000x128xf32, #tpu.memory_space<hbm>>
    tpu.wait_indirect_dma semaphore(%arg13 : memref<!tpu.dma_semaphore, #tpu.memory_space<semaphore_mem>>) src(%dma_wait3A_165 : memref<10000x128xf32, #tpu.memory_space<hbm>>) dst(%arg8 : memref<128x128xf32, #tpu.memory_space<vmem>>)
    %run_scoped3A_166 = arith.constant 5 : i32
    "tpu.region"() ({
      %run_scoped3A_198 = tpu.sem_alloc : memref<!tpu.dma_semaphore, #tpu.memory_space<semaphore_mem>>
      %dma_start3A_199 = arith.constant 0 : i32
      %dma_start3A_200 = tpu.memref_slice %arg6[%run_scoped3A_166, %dma_start3A_199] : memref<8x128xi32, #tpu.memory_space<vmem>> -> memref<1x128xi32, #tpu.memory_space<vmem>>
      %dma_start3A_201 = tpu.memref_squeeze %dma_start3A_200 : memref<1x128xi32, #tpu.memory_space<vmem>> -> memref<128xi32, #tpu.memory_space<vmem>>
      %dma_start3A_202 = arith.constant 0 : i32
      %dma_start3A_203 = arith.constant 0 : i32
      %dma_start3A_204 = tpu.memref_slice %arg9[%dma_start3A_202, %dma_start3A_203] : memref<10112x128xf32, #tpu.memory_space<vmem_shared>> -> memref<10112x128xf32, #tpu.memory_space<vmem_shared>>
      tpu.enqueue_indirect_dma source(%arg8 : memref<128x128xf32, #tpu.memory_space<vmem>>) target(%dma_start3A_204 : memref<10112x128xf32, #tpu.memory_space<vmem_shared>>) offsets(%dma_start3A_201 : memref<128xi32, #tpu.memory_space<vmem>>) semaphore(%run_scoped3A_198 : memref<!tpu.dma_semaphore, #tpu.memory_space<semaphore_mem>>) {add = true}
      %dma_wait3A_205 = arith.constant 0 : i32
      %dma_wait3A_206 = tpu.memref_slice %arg6[%run_scoped3A_166, %dma_wait3A_205] : memref<8x128xi32, #tpu.memory_space<vmem>> -> memref<1x128xi32, #tpu.memory_space<vmem>>
      %dma_wait3A_207 = tpu.memref_squeeze %dma_wait3A_206 : memref<1x128xi32, #tpu.memory_space<vmem>> -> memref<128xi32, #tpu.memory_space<vmem>>
      %dma_wait3A_208 = arith.constant 0 : i32
      %dma_wait3A_209 = arith.constant 0 : i32
      %dma_wait3A_210 = tpu.memref_slice %arg9[%dma_wait3A_208, %dma_wait3A_209] : memref<10112x128xf32, #tpu.memory_space<vmem_shared>> -> memref<10112x128xf32, #tpu.memory_space<vmem_shared>>
      tpu.wait_indirect_dma semaphore(%run_scoped3A_198 : memref<!tpu.dma_semaphore, #tpu.memory_space<semaphore_mem>>) src(%arg8 : memref<128x128xf32, #tpu.memory_space<vmem>>) dst(%dma_wait3A_210 : memref<10112x128xf32, #tpu.memory_space<vmem_shared>>)
      tpu.yield
    }) : () -> ()
    %dma_start3A_167 = arith.constant 3 : i32
    %dma_start3A_168 = arith.constant 0 : i32
    %dma_start3A_169 = tpu.memref_slice %arg6[%dma_start3A_167, %dma_start3A_168] : memref<8x128xi32, #tpu.memory_space<vmem>> -> memref<1x128xi32, #tpu.memory_space<vmem>>
    %dma_start3A_170 = tpu.memref_squeeze %dma_start3A_169 : memref<1x128xi32, #tpu.memory_space<vmem>> -> memref<128xi32, #tpu.memory_space<vmem>>
    %dma_start3A_171 = arith.constant 0 : i32
    %dma_start3A_172 = arith.constant 0 : i32
    %dma_start3A_173 = tpu.memref_slice %arg2[%dma_start3A_171, %dma_start3A_172] : memref<10000x128xf32, #tpu.memory_space<hbm>> -> memref<10000x128xf32, #tpu.memory_space<hbm>>
    tpu.enqueue_indirect_dma source(%dma_start3A_173 : memref<10000x128xf32, #tpu.memory_space<hbm>>) target(%arg8 : memref<128x128xf32, #tpu.memory_space<vmem>>) offsets(%dma_start3A_170 : memref<128xi32, #tpu.memory_space<vmem>>) semaphore(%arg13 : memref<!tpu.dma_semaphore, #tpu.memory_space<semaphore_mem>>)
    %dma_wait3A_174 = arith.constant 2 : i32
    %dma_wait3A_175 = arith.constant 0 : i32
    %dma_wait3A_176 = tpu.memref_slice %arg6[%dma_wait3A_174, %dma_wait3A_175] : memref<8x128xi32, #tpu.memory_space<vmem>> -> memref<1x128xi32, #tpu.memory_space<vmem>>
    %dma_wait3A_177 = tpu.memref_squeeze %dma_wait3A_176 : memref<1x128xi32, #tpu.memory_space<vmem>> -> memref<128xi32, #tpu.memory_space<vmem>>
    %dma_wait3A_178 = arith.constant 0 : i32
    %dma_wait3A_179 = arith.constant 0 : i32
    %dma_wait3A_180 = tpu.memref_slice %arg2[%dma_wait3A_178, %dma_wait3A_179] : memref<10000x128xf32, #tpu.memory_space<hbm>> -> memref<10000x128xf32, #tpu.memory_space<hbm>>
    tpu.wait_indirect_dma semaphore(%arg12 : memref<!tpu.dma_semaphore, #tpu.memory_space<semaphore_mem>>) src(%dma_wait3A_180 : memref<10000x128xf32, #tpu.memory_space<hbm>>) dst(%arg7 : memref<128x128xf32, #tpu.memory_space<vmem>>)
    %run_scoped3A_181 = arith.constant 6 : i32
    "tpu.region"() ({
      %run_scoped3A_198 = tpu.sem_alloc : memref<!tpu.dma_semaphore, #tpu.memory_space<semaphore_mem>>
      %dma_start3A_199 = arith.constant 0 : i32
      %dma_start3A_200 = tpu.memref_slice %arg6[%run_scoped3A_181, %dma_start3A_199] : memref<8x128xi32, #tpu.memory_space<vmem>> -> memref<1x128xi32, #tpu.memory_space<vmem>>
      %dma_start3A_201 = tpu.memref_squeeze %dma_start3A_200 : memref<1x128xi32, #tpu.memory_space<vmem>> -> memref<128xi32, #tpu.memory_space<vmem>>
      %dma_start3A_202 = arith.constant 0 : i32
      %dma_start3A_203 = arith.constant 0 : i32
      %dma_start3A_204 = tpu.memref_slice %arg9[%dma_start3A_202, %dma_start3A_203] : memref<10112x128xf32, #tpu.memory_space<vmem_shared>> -> memref<10112x128xf32, #tpu.memory_space<vmem_shared>>
      tpu.enqueue_indirect_dma source(%arg7 : memref<128x128xf32, #tpu.memory_space<vmem>>) target(%dma_start3A_204 : memref<10112x128xf32, #tpu.memory_space<vmem_shared>>) offsets(%dma_start3A_201 : memref<128xi32, #tpu.memory_space<vmem>>) semaphore(%run_scoped3A_198 : memref<!tpu.dma_semaphore, #tpu.memory_space<semaphore_mem>>) {add = true}
      %dma_wait3A_205 = arith.constant 0 : i32
      %dma_wait3A_206 = tpu.memref_slice %arg6[%run_scoped3A_181, %dma_wait3A_205] : memref<8x128xi32, #tpu.memory_space<vmem>> -> memref<1x128xi32, #tpu.memory_space<vmem>>
      %dma_wait3A_207 = tpu.memref_squeeze %dma_wait3A_206 : memref<1x128xi32, #tpu.memory_space<vmem>> -> memref<128xi32, #tpu.memory_space<vmem>>
      %dma_wait3A_208 = arith.constant 0 : i32
      %dma_wait3A_209 = arith.constant 0 : i32
      %dma_wait3A_210 = tpu.memref_slice %arg9[%dma_wait3A_208, %dma_wait3A_209] : memref<10112x128xf32, #tpu.memory_space<vmem_shared>> -> memref<10112x128xf32, #tpu.memory_space<vmem_shared>>
      tpu.wait_indirect_dma semaphore(%run_scoped3A_198 : memref<!tpu.dma_semaphore, #tpu.memory_space<semaphore_mem>>) src(%arg7 : memref<128x128xf32, #tpu.memory_space<vmem>>) dst(%dma_wait3A_210 : memref<10112x128xf32, #tpu.memory_space<vmem_shared>>)
      tpu.yield
    }) : () -> ()
    %dma_wait3A_182 = arith.constant 3 : i32
    %dma_wait3A_183 = arith.constant 0 : i32
    %dma_wait3A_184 = tpu.memref_slice %arg6[%dma_wait3A_182, %dma_wait3A_183] : memref<8x128xi32, #tpu.memory_space<vmem>> -> memref<1x128xi32, #tpu.memory_space<vmem>>
    %dma_wait3A_185 = tpu.memref_squeeze %dma_wait3A_184 : memref<1x128xi32, #tpu.memory_space<vmem>> -> memref<128xi32, #tpu.memory_space<vmem>>
    %dma_wait3A_186 = arith.constant 0 : i32
    %dma_wait3A_187 = arith.constant 0 : i32
    %dma_wait3A_188 = tpu.memref_slice %arg2[%dma_wait3A_186, %dma_wait3A_187] : memref<10000x128xf32, #tpu.memory_space<hbm>> -> memref<10000x128xf32, #tpu.memory_space<hbm>>
    tpu.wait_indirect_dma semaphore(%arg13 : memref<!tpu.dma_semaphore, #tpu.memory_space<semaphore_mem>>) src(%dma_wait3A_188 : memref<10000x128xf32, #tpu.memory_space<hbm>>) dst(%arg8 : memref<128x128xf32, #tpu.memory_space<vmem>>)
    %run_scoped3A_189 = arith.constant 7 : i32
    "tpu.region"() ({
      %run_scoped3A_198 = tpu.sem_alloc : memref<!tpu.dma_semaphore, #tpu.memory_space<semaphore_mem>>
      %dma_start3A_199 = arith.constant 0 : i32
      %dma_start3A_200 = tpu.memref_slice %arg6[%run_scoped3A_189, %dma_start3A_199] : memref<8x128xi32, #tpu.memory_space<vmem>> -> memref<1x128xi32, #tpu.memory_space<vmem>>
      %dma_start3A_201 = tpu.memref_squeeze %dma_start3A_200 : memref<1x128xi32, #tpu.memory_space<vmem>> -> memref<128xi32, #tpu.memory_space<vmem>>
      %dma_start3A_202 = arith.constant 0 : i32
      %dma_start3A_203 = arith.constant 0 : i32
      %dma_start3A_204 = tpu.memref_slice %arg9[%dma_start3A_202, %dma_start3A_203] : memref<10112x128xf32, #tpu.memory_space<vmem_shared>> -> memref<10112x128xf32, #tpu.memory_space<vmem_shared>>
      tpu.enqueue_indirect_dma source(%arg8 : memref<128x128xf32, #tpu.memory_space<vmem>>) target(%dma_start3A_204 : memref<10112x128xf32, #tpu.memory_space<vmem_shared>>) offsets(%dma_start3A_201 : memref<128xi32, #tpu.memory_space<vmem>>) semaphore(%run_scoped3A_198 : memref<!tpu.dma_semaphore, #tpu.memory_space<semaphore_mem>>) {add = true}
      %dma_wait3A_205 = arith.constant 0 : i32
      %dma_wait3A_206 = tpu.memref_slice %arg6[%run_scoped3A_189, %dma_wait3A_205] : memref<8x128xi32, #tpu.memory_space<vmem>> -> memref<1x128xi32, #tpu.memory_space<vmem>>
      %dma_wait3A_207 = tpu.memref_squeeze %dma_wait3A_206 : memref<1x128xi32, #tpu.memory_space<vmem>> -> memref<128xi32, #tpu.memory_space<vmem>>
      %dma_wait3A_208 = arith.constant 0 : i32
      %dma_wait3A_209 = arith.constant 0 : i32
      %dma_wait3A_210 = tpu.memref_slice %arg9[%dma_wait3A_208, %dma_wait3A_209] : memref<10112x128xf32, #tpu.memory_space<vmem_shared>> -> memref<10112x128xf32, #tpu.memory_space<vmem_shared>>
      tpu.wait_indirect_dma semaphore(%run_scoped3A_198 : memref<!tpu.dma_semaphore, #tpu.memory_space<semaphore_mem>>) src(%arg8 : memref<128x128xf32, #tpu.memory_space<vmem>>) dst(%dma_wait3A_210 : memref<10112x128xf32, #tpu.memory_space<vmem_shared>>)
      tpu.yield
    }) : () -> ()
    %barrier3A_190 = arith.constant 0 : index
    tpu.barrier barrier_id(%barrier3A_190)
    %mul3A_191 = arith.constant 632 : i32
    %mul3A_192 = arith.muli %arg1, %mul3A_191 : i32
    %mul3A_193 = arith.constant 10112 : i32
    %mul3A_194 = arith.muli %arg0, %mul3A_193 : i32
    %mul3A_195 = arith.constant 632 : i32
    %mul3A_196 = arith.muli %arg1, %mul3A_195 : i32
    %add3A_197 = arith.addi %mul3A_194, %mul3A_196 : i32
    "tpu.region"() ({
      %run_scoped3A_198 = tpu.sem_alloc : memref<!tpu.dma_semaphore, #tpu.memory_space<semaphore_mem>>
      %dma_start3A_199 = arith.constant 0 : i32
      %dma_start3A_200 = tpu.memref_slice %arg4[%add3A_197, %dma_start3A_199] : memref<20224x128xf32, #tpu.memory_space<hbm>> -> memref<632x128xf32, #tpu.memory_space<hbm>>
      %dma_start3A_201 = arith.constant 0 : i32
      %dma_start3A_202 = tpu.memref_slice %arg9[%mul3A_192, %dma_start3A_201] : memref<10112x128xf32, #tpu.memory_space<vmem_shared>> -> memref<632x128xf32, #tpu.memory_space<vmem_shared>>
      tpu.enqueue_dma source(%dma_start3A_202 : memref<632x128xf32, #tpu.memory_space<vmem_shared>>) target(%dma_start3A_200 : memref<632x128xf32, #tpu.memory_space<hbm>>) target_semaphore(%run_scoped3A_198 : memref<!tpu.dma_semaphore, #tpu.memory_space<semaphore_mem>>)
      %dma_wait3A_203 = arith.constant 0 : i32
      %dma_wait3A_204 = tpu.memref_slice %arg4[%add3A_197, %dma_wait3A_203] : memref<20224x128xf32, #tpu.memory_space<hbm>> -> memref<632x128xf32, #tpu.memory_space<hbm>>
      %dma_wait3A_205 = arith.constant 0 : i32
      %dma_wait3A_206 = tpu.memref_slice %arg9[%mul3A_192, %dma_wait3A_205] : memref<10112x128xf32, #tpu.memory_space<vmem_shared>> -> memref<632x128xf32, #tpu.memory_space<vmem_shared>>
      tpu.wait_dma2 semaphore(%run_scoped3A_198 : memref<!tpu.dma_semaphore, #tpu.memory_space<semaphore_mem>>) src(%dma_wait3A_206 : memref<632x128xf32, #tpu.memory_space<vmem_shared>>) dst(%dma_wait3A_204 : memref<632x128xf32, #tpu.memory_space<hbm>>)
      tpu.yield
    }) : () -> ()
    return
  }
}

module attributes {stable_mosaic.version = 14 : i64} {
  func.func @_t1_body(%arg0: memref<10000x128xf32, #tpu.memory_space<vmem>>, %arg1: memref<128x128xf32, #tpu.memory_space<vmem>>, %arg2: memref<20224x1xf32, #tpu.memory_space<vmem>>, %arg3: memref<10000x128xf32, #tpu.memory_space<vmem>>) attributes {dimension_semantics = [], scalar_prefetch = 0 : i64, scratch_operands = 0 : i64, tpu.core_type = #tpu.core_type<tc>} {
    %get3A = arith.constant 0 : index
    %get3A_0 = arith.constant 0 : index
    %get3A_1 = vector.load %arg2[%get3A, %get3A_0] : memref<20224x1xf32, #tpu.memory_space<vmem>>, vector<10000x1xf32>
    %get3A_2 = arith.constant 10112 : index
    %get3A_3 = arith.constant 0 : index
    %get3A_4 = vector.load %arg2[%get3A_2, %get3A_3] : memref<20224x1xf32, #tpu.memory_space<vmem>>, vector<10000x1xf32>
    %add3A = arith.addf %get3A_1, %get3A_4 : vector<10000x1xf32>
    %add3A_5 = arith.constant 1.000000e+00 : f32
    %add3A_6 = vector.broadcast %add3A_5 : f32 to vector<10000x1xf32>
    %add3A_7 = arith.addf %add3A, %add3A_6 : vector<10000x1xf32>
    %rsqrt3A = math.rsqrt %add3A_7 : vector<10000x1xf32>
    %get3A_8 = arith.constant 0 : index
    %get3A_9 = arith.constant 0 : index
    %get3A_10 = vector.load %arg0[%get3A_8, %get3A_9] : memref<10000x128xf32, #tpu.memory_space<vmem>>, vector<10000x128xf32>
    %get3A_11 = arith.constant 0 : index
    %get3A_12 = arith.constant 0 : index
    %get3A_13 = vector.load %arg1[%get3A_11, %get3A_12] : memref<128x128xf32, #tpu.memory_space<vmem>>, vector<128x128xf32>
    %dot_general3A = arith.constant dense<0.000000e+00> : vector<10000x128xf32>
    %dot_general3A_14 = tpu.matmul %get3A_10, %get3A_13, %dot_general3A {dimension_numbers = #tpu.dot_dimension_numbers<[1], [0], [0], [1], [0, 0, 1, 1], [], []>, transpose_lhs_hint = false} : vector<10000x128xf32>, vector<128x128xf32>, vector<10000x128xf32> -> vector<10000x128xf32>
    %mul3A = vector.broadcast %rsqrt3A : vector<10000x1xf32> to vector<10000x128xf32>
    %mul3A_15 = arith.mulf %mul3A, %dot_general3A_14 : vector<10000x128xf32>
    %swap3A = arith.constant 0 : index
    %swap3A_16 = arith.constant 0 : index
    %swap3A_17 = vector.load %arg3[%swap3A, %swap3A_16] : memref<10000x128xf32, #tpu.memory_space<vmem>>, vector<10000x128xf32>
    tpu.vector_store %arg3[%swap3A, %swap3A_16], %mul3A_15 {strides = array<i32>} : memref<10000x128xf32, #tpu.memory_space<vmem>>, vector<10000x128xf32>,
    return
  }
}

module attributes {stable_mosaic.version = 14 : i64} {
  func.func @_tmid_body(%arg0: memref<20224x128xf32, #tpu.memory_space<vmem>>, %arg1: memref<10000x128xf32, #tpu.memory_space<vmem>>, %arg2: memref<20224x1xf32, #tpu.memory_space<vmem>>, %arg3: memref<1x128xf32, #tpu.memory_space<vmem>>, %arg4: memref<1x128xf32, #tpu.memory_space<vmem>>, %arg5: memref<1x128xf32, #tpu.memory_space<vmem>>, %arg6: memref<128x128xf32, #tpu.memory_space<vmem>>, %arg7: memref<10000x128xf32, #tpu.memory_space<vmem>>) attributes {dimension_semantics = [], scalar_prefetch = 0 : i64, scratch_operands = 0 : i64, tpu.core_type = #tpu.core_type<tc>} {
    %get3A = arith.constant 0 : index
    %get3A_0 = arith.constant 0 : index
    %get3A_1 = vector.load %arg2[%get3A, %get3A_0] : memref<20224x1xf32, #tpu.memory_space<vmem>>, vector<10000x1xf32>
    %get3A_2 = arith.constant 10112 : index
    %get3A_3 = arith.constant 0 : index
    %get3A_4 = vector.load %arg2[%get3A_2, %get3A_3] : memref<20224x1xf32, #tpu.memory_space<vmem>>, vector<10000x1xf32>
    %add3A = arith.addf %get3A_1, %get3A_4 : vector<10000x1xf32>
    %add3A_5 = arith.constant 1.000000e+00 : f32
    %add3A_6 = vector.broadcast %add3A_5 : f32 to vector<10000x1xf32>
    %add3A_7 = arith.addf %add3A, %add3A_6 : vector<10000x1xf32>
    %rsqrt3A = math.rsqrt %add3A_7 : vector<10000x1xf32>
    %get3A_8 = arith.constant 0 : index
    %get3A_9 = arith.constant 0 : index
    %get3A_10 = vector.load %arg0[%get3A_8, %get3A_9] : memref<20224x128xf32, #tpu.memory_space<vmem>>, vector<10000x128xf32>
    %get3A_11 = arith.constant 10112 : index
    %get3A_12 = arith.constant 0 : index
    %get3A_13 = vector.load %arg0[%get3A_11, %get3A_12] : memref<20224x128xf32, #tpu.memory_space<vmem>>, vector<10000x128xf32>
    %add3A_14 = arith.addf %get3A_10, %get3A_13 : vector<10000x128xf32>
    %get3A_15 = arith.constant 0 : index
    %get3A_16 = arith.constant 0 : index
    %get3A_17 = vector.load %arg1[%get3A_15, %get3A_16] : memref<10000x128xf32, #tpu.memory_space<vmem>>, vector<10000x128xf32>
    %add3A_18 = arith.addf %add3A_14, %get3A_17 : vector<10000x128xf32>
    %mul3A = vector.broadcast %rsqrt3A : vector<10000x1xf32> to vector<10000x128xf32>
    %mul3A_19 = arith.mulf %mul3A, %add3A_18 : vector<10000x128xf32>
    %get3A_20 = arith.constant 0 : index
    %get3A_21 = arith.constant 0 : index
    %get3A_22 = vector.load %arg3[%get3A_20, %get3A_21] : memref<1x128xf32, #tpu.memory_space<vmem>>, vector<1x128xf32>
    %add3A_23 = vector.broadcast %get3A_22 : vector<1x128xf32> to vector<10000x128xf32>
    %add3A_24 = arith.addf %mul3A_19, %add3A_23 : vector<10000x128xf32>
    %max3A = arith.constant 0.000000e+00 : f32
    %max3A_25 = vector.broadcast %max3A : f32 to vector<10000x128xf32>
    %max3A_26 = arith.maximumf %add3A_24, %max3A_25 : vector<10000x128xf32>
    %get3A_27 = arith.constant 0 : index
    %get3A_28 = arith.constant 0 : index
    %get3A_29 = vector.load %arg4[%get3A_27, %get3A_28] : memref<1x128xf32, #tpu.memory_space<vmem>>, vector<1x128xf32>
    %sqrt3A = arith.constant 1.000010e+00 : f32
    %sqrt3A_30 = math.sqrt %sqrt3A : f32
    %div3A = arith.constant 1.000000e+00 : f32
    %div3A_31 = arith.divf %div3A, %sqrt3A_30 : f32
    %mul3A_32 = vector.broadcast %div3A_31 : f32 to vector<1x128xf32>
    %mul3A_33 = arith.mulf %get3A_29, %mul3A_32 : vector<1x128xf32>
    %mul3A_34 = vector.broadcast %mul3A_33 : vector<1x128xf32> to vector<10000x128xf32>
    %mul3A_35 = arith.mulf %max3A_26, %mul3A_34 : vector<10000x128xf32>
    %get3A_36 = arith.constant 0 : index
    %get3A_37 = arith.constant 0 : index
    %get3A_38 = vector.load %arg5[%get3A_36, %get3A_37] : memref<1x128xf32, #tpu.memory_space<vmem>>, vector<1x128xf32>
    %add3A_39 = vector.broadcast %get3A_38 : vector<1x128xf32> to vector<10000x128xf32>
    %add3A_40 = arith.addf %mul3A_35, %add3A_39 : vector<10000x128xf32>
    %get3A_41 = arith.constant 0 : index
    %get3A_42 = arith.constant 0 : index
    %get3A_43 = vector.load %arg2[%get3A_41, %get3A_42] : memref<20224x1xf32, #tpu.memory_space<vmem>>, vector<10000x1xf32>
    %get3A_44 = arith.constant 10112 : index
    %get3A_45 = arith.constant 0 : index
    %get3A_46 = vector.load %arg2[%get3A_44, %get3A_45] : memref<20224x1xf32, #tpu.memory_space<vmem>>, vector<10000x1xf32>
    %add3A_47 = arith.addf %get3A_43, %get3A_46 : vector<10000x1xf32>
    %add3A_48 = arith.constant 1.000000e+00 : f32
    %add3A_49 = vector.broadcast %add3A_48 : f32 to vector<10000x1xf32>
    %add3A_50 = arith.addf %add3A_47, %add3A_49 : vector<10000x1xf32>
    %rsqrt3A_51 = math.rsqrt %add3A_50 : vector<10000x1xf32>
    %get3A_52 = arith.constant 0 : index
    %get3A_53 = arith.constant 0 : index
    %get3A_54 = vector.load %arg6[%get3A_52, %get3A_53] : memref<128x128xf32, #tpu.memory_space<vmem>>, vector<128x128xf32>
    %dot_general3A = arith.constant dense<0.000000e+00> : vector<10000x128xf32>
    %dot_general3A_55 = tpu.matmul %add3A_40, %get3A_54, %dot_general3A {dimension_numbers = #tpu.dot_dimension_numbers<[1], [0], [0], [1], [0, 0, 1, 1], [], []>, transpose_lhs_hint = false} : vector<10000x128xf32>, vector<128x128xf32>, vector<10000x128xf32> -> vector<10000x128xf32>
    %mul3A_56 = vector.broadcast %rsqrt3A_51 : vector<10000x1xf32> to vector<10000x128xf32>
    %mul3A_57 = arith.mulf %mul3A_56, %dot_general3A_55 : vector<10000x128xf32>
    %swap3A = arith.constant 0 : index
    %swap3A_58 = arith.constant 0 : index
    %swap3A_59 = vector.load %arg7[%swap3A, %swap3A_58] : memref<10000x128xf32, #tpu.memory_space<vmem>>, vector<10000x128xf32>
    tpu.vector_store %arg7[%swap3A, %swap3A_58], %mul3A_57 {strides = array<i32>} : memref<10000x128xf32, #tpu.memory_space<vmem>>, vector<10000x128xf32>,
    return
  }
}

module attributes {stable_mosaic.version = 14 : i64} {
  func.func @_t4_body(%arg0: memref<20224x128xf32, #tpu.memory_space<vmem>>, %arg1: memref<10000x128xf32, #tpu.memory_space<vmem>>, %arg2: memref<20224x1xf32, #tpu.memory_space<vmem>>, %arg3: memref<1x128xf32, #tpu.memory_space<vmem>>, %arg4: memref<1x128xf32, #tpu.memory_space<vmem>>, %arg5: memref<1x128xf32, #tpu.memory_space<vmem>>, %arg6: memref<10000x1xi32, #tpu.memory_space<vmem>>, %arg7: memref<128x128xf32, #tpu.memory_space<vmem>>, %arg8: memref<1x128xf32, #tpu.memory_space<vmem>>, %arg9: memref<128x128xf32, #tpu.memory_space<vmem>>, %arg10: memref<1x128xf32, #tpu.memory_space<vmem>>, %arg11: memref<64x128xf32, #tpu.memory_space<vmem>>) attributes {dimension_semantics = [], scalar_prefetch = 0 : i64, scratch_operands = 0 : i64, tpu.core_type = #tpu.core_type<tc>} {
    %get3A = arith.constant 0 : index
    %get3A_0 = arith.constant 0 : index
    %get3A_1 = vector.load %arg2[%get3A, %get3A_0] : memref<20224x1xf32, #tpu.memory_space<vmem>>, vector<10000x1xf32>
    %get3A_2 = arith.constant 10112 : index
    %get3A_3 = arith.constant 0 : index
    %get3A_4 = vector.load %arg2[%get3A_2, %get3A_3] : memref<20224x1xf32, #tpu.memory_space<vmem>>, vector<10000x1xf32>
    %add3A = arith.addf %get3A_1, %get3A_4 : vector<10000x1xf32>
    %add3A_5 = arith.constant 1.000000e+00 : f32
    %add3A_6 = vector.broadcast %add3A_5 : f32 to vector<10000x1xf32>
    %add3A_7 = arith.addf %add3A, %add3A_6 : vector<10000x1xf32>
    %rsqrt3A = math.rsqrt %add3A_7 : vector<10000x1xf32>
    %get3A_8 = arith.constant 0 : index
    %get3A_9 = arith.constant 0 : index
    %get3A_10 = vector.load %arg0[%get3A_8, %get3A_9] : memref<20224x128xf32, #tpu.memory_space<vmem>>, vector<10000x128xf32>
    %get3A_11 = arith.constant 10112 : index
    %get3A_12 = arith.constant 0 : index
    %get3A_13 = vector.load %arg0[%get3A_11, %get3A_12] : memref<20224x128xf32, #tpu.memory_space<vmem>>, vector<10000x128xf32>
    %add3A_14 = arith.addf %get3A_10, %get3A_13 : vector<10000x128xf32>
    %get3A_15 = arith.constant 0 : index
    %get3A_16 = arith.constant 0 : index
    %get3A_17 = vector.load %arg1[%get3A_15, %get3A_16] : memref<10000x128xf32, #tpu.memory_space<vmem>>, vector<10000x128xf32>
    %add3A_18 = arith.addf %add3A_14, %get3A_17 : vector<10000x128xf32>
    %mul3A = vector.broadcast %rsqrt3A : vector<10000x1xf32> to vector<10000x128xf32>
    %mul3A_19 = arith.mulf %mul3A, %add3A_18 : vector<10000x128xf32>
    %get3A_20 = arith.constant 0 : index
    %get3A_21 = arith.constant 0 : index
    %get3A_22 = vector.load %arg3[%get3A_20, %get3A_21] : memref<1x128xf32, #tpu.memory_space<vmem>>, vector<1x128xf32>
    %add3A_23 = vector.broadcast %get3A_22 : vector<1x128xf32> to vector<10000x128xf32>
    %add3A_24 = arith.addf %mul3A_19, %add3A_23 : vector<10000x128xf32>
    %max3A = arith.constant 0.000000e+00 : f32
    %max3A_25 = vector.broadcast %max3A : f32 to vector<10000x128xf32>
    %max3A_26 = arith.maximumf %add3A_24, %max3A_25 : vector<10000x128xf32>
    %get3A_27 = arith.constant 0 : index
    %get3A_28 = arith.constant 0 : index
    %get3A_29 = vector.load %arg4[%get3A_27, %get3A_28] : memref<1x128xf32, #tpu.memory_space<vmem>>, vector<1x128xf32>
    %sqrt3A = arith.constant 1.000010e+00 : f32
    %sqrt3A_30 = math.sqrt %sqrt3A : f32
    %div3A = arith.constant 1.000000e+00 : f32
    %div3A_31 = arith.divf %div3A, %sqrt3A_30 : f32
    %mul3A_32 = vector.broadcast %div3A_31 : f32 to vector<1x128xf32>
    %mul3A_33 = arith.mulf %get3A_29, %mul3A_32 : vector<1x128xf32>
    %mul3A_34 = vector.broadcast %mul3A_33 : vector<1x128xf32> to vector<10000x128xf32>
    %mul3A_35 = arith.mulf %max3A_26, %mul3A_34 : vector<10000x128xf32>
    %get3A_36 = arith.constant 0 : index
    %get3A_37 = arith.constant 0 : index
    %get3A_38 = vector.load %arg5[%get3A_36, %get3A_37] : memref<1x128xf32, #tpu.memory_space<vmem>>, vector<1x128xf32>
    %add3A_39 = vector.broadcast %get3A_38 : vector<1x128xf32> to vector<10000x128xf32>
    %add3A_40 = arith.addf %mul3A_35, %add3A_39 : vector<10000x128xf32>
    %iota3A = tpu.iota {dimensions = array<i32: 1>} : vector<10000x64xi32>
    %get3A_41 = arith.constant 0 : index
    %get3A_42 = arith.constant 0 : index
    %get3A_43 = vector.load %arg6[%get3A_41, %get3A_42] : memref<10000x1xi32, #tpu.memory_space<vmem>>, vector<10000x1xi32>
    %eq3A = vector.broadcast %get3A_43 : vector<10000x1xi32> to vector<10000x64xi32>
    %eq3A_44 = arith.cmpi eq, %eq3A, %iota3A : vector<10000x64xi32>
    %convert_element_type3A = arith.extui %eq3A_44 : vector<10000x64xi1> to vector<10000x64xi32>
    %convert_element_type3A_45 = arith.sitofp %convert_element_type3A : vector<10000x64xi32> to vector<10000x64xf32>
    %dot_general3A = arith.constant dense<0.000000e+00> : vector<64x128xf32>
    %dot_general3A_46 = tpu.matmul %convert_element_type3A_45, %add3A_40, %dot_general3A {dimension_numbers = #tpu.dot_dimension_numbers<[0], [0], [1], [1], [0, 1, 1, 1], [], []>, transpose_lhs_hint = false} : vector<10000x64xf32>, vector<10000x128xf32>, vector<64x128xf32> -> vector<64x128xf32>
    %broadcast_in_dim3A = arith.constant 1.000000e+00 : f32
    %broadcast_in_dim3A_47 = vector.broadcast %broadcast_in_dim3A : f32 to vector<10000x1xf32>
    %dot_general3A_48 = arith.constant dense<0.000000e+00> : vector<64x1xf32>
    %dot_general3A_49 = tpu.matmul %convert_element_type3A_45, %broadcast_in_dim3A_47, %dot_general3A_48 {dimension_numbers = #tpu.dot_dimension_numbers<[0], [0], [1], [1], [0, 1, 1, 1], [], []>, transpose_lhs_hint = false} : vector<10000x64xf32>, vector<10000x1xf32>, vector<64x1xf32> -> vector<64x1xf32>
    %max3A_50 = arith.constant 1.000000e+00 : f32
    %max3A_51 = vector.broadcast %max3A_50 : f32 to vector<64x1xf32>
    %max3A_52 = arith.maximumf %dot_general3A_49, %max3A_51 : vector<64x1xf32>
    %div3A_53 = vector.broadcast %max3A_52 : vector<64x1xf32> to vector<64x128xf32>
    %div3A_54 = arith.divf %dot_general3A_46, %div3A_53 : vector<64x128xf32>
    %get3A_55 = arith.constant 0 : index
    %get3A_56 = arith.constant 0 : index
    %get3A_57 = vector.load %arg7[%get3A_55, %get3A_56] : memref<128x128xf32, #tpu.memory_space<vmem>>, vector<128x128xf32>
    %dot_general3A_58 = arith.constant dense<0.000000e+00> : vector<64x128xf32>
    %dot_general3A_59 = tpu.matmul %div3A_54, %get3A_57, %dot_general3A_58 {dimension_numbers = #tpu.dot_dimension_numbers<[1], [1], [0], [0], [0, 0, 1, 0], [], []>, transpose_lhs_hint = false} : vector<64x128xf32>, vector<128x128xf32>, vector<64x128xf32> -> vector<64x128xf32>
    %get3A_60 = arith.constant 0 : index
    %get3A_61 = arith.constant 0 : index
    %get3A_62 = vector.load %arg8[%get3A_60, %get3A_61] : memref<1x128xf32, #tpu.memory_space<vmem>>, vector<1x128xf32>
    %add3A_63 = vector.broadcast %get3A_62 : vector<1x128xf32> to vector<64x128xf32>
    %add3A_64 = arith.addf %dot_general3A_59, %add3A_63 : vector<64x128xf32>
    %max3A_65 = arith.constant 0.000000e+00 : f32
    %max3A_66 = vector.broadcast %max3A_65 : f32 to vector<64x128xf32>
    %max3A_67 = arith.maximumf %add3A_64, %max3A_66 : vector<64x128xf32>
    %get3A_68 = arith.constant 0 : index
    %get3A_69 = arith.constant 0 : index
    %get3A_70 = vector.load %arg9[%get3A_68, %get3A_69] : memref<128x128xf32, #tpu.memory_space<vmem>>, vector<128x128xf32>
    %dot_general3A_71 = arith.constant dense<0.000000e+00> : vector<64x128xf32>
    %dot_general3A_72 = tpu.matmul %max3A_67, %get3A_70, %dot_general3A_71 {dimension_numbers = #tpu.dot_dimension_numbers<[1], [1], [0], [0], [0, 0, 1, 0], [], []>, transpose_lhs_hint = false} : vector<64x128xf32>, vector<128x128xf32>, vector<64x128xf32> -> vector<64x128xf32>
    %get3A_73 = arith.constant 0 : index
    %get3A_74 = arith.constant 0 : index
    %get3A_75 = vector.load %arg10[%get3A_73, %get3A_74] : memref<1x128xf32, #tpu.memory_space<vmem>>, vector<1x128xf32>
    %add3A_76 = vector.broadcast %get3A_75 : vector<1x128xf32> to vector<64x128xf32>
    %add3A_77 = arith.addf %dot_general3A_72, %add3A_76 : vector<64x128xf32>
    %swap3A = arith.constant 0 : index
    %swap3A_78 = arith.constant 0 : index
    %swap3A_79 = vector.load %arg11[%swap3A, %swap3A_78] : memref<64x128xf32, #tpu.memory_space<vmem>>, vector<64x128xf32>
    tpu.vector_store %arg11[%swap3A, %swap3A_78], %add3A_77 {strides = array<i32>} : memref<64x128xf32, #tpu.memory_space<vmem>>, vector<64x128xf32>,
    return
  }
}

</mosaic_0001>

<sc_bundles>
// kernel: kernel.10.cloned.1.call-start
scs
__scs_entry_jumppad:
0x0: {  	(pc) =	sbr.rel $0x88, $3  }
0x1: {  	(tag) =	ssettag $0x0;
	lr =	simm.s32 $0x1  }
0x2: {  	[smem:$0x3F8E] =	sst lr;
	_ =	strace $0xD0000000  }
0x3: {  	_ = 	snop  }
0x4: {  	_ = 	snop  }
0x5: {  	_ = 	snop  }
0x6: {  	_ = 	snop  }
0x7: {  	_ = 	snop  }
__scs_overlays_trampoline_lowered:
0x8: {  	[smem:$0x3F9D] =	sst s0  }
0x9: {  	[smem:$0x3F9E] =	sst s1  }
0xa: {  	[smem:$0x3F9F] =	sst s2  }
0xb: {  	[smem:$0x3FA0] =	sst s3  }
0xc: {  	[smem:$0x3FA1] =	sst s4  }
0xd: {  	[smem:$0x3FA2] =	sst s5  }
0xe: {  	[smem:$0x3FA3] =	sst s6  }
0xf: {  	[smem:$0x3FA4] =	sst s7  }
0x10: {  	[smem:$0x3FA5] =	sst s8  }
0x11: {  	[smem:$0x3FA6] =	sst s9;
	s0 =	simm.s32 @!p0 $0x0  }
0x12: {  	s1 =	sld [smem:$0x3F8C];
	s0 =	simm.s32 @p0 $0x1  }
0x13: {  	[smem:$0x3FA7] =	sst s0;
	s0 =	simm.s32 @!p1 $0x0  }
0x14: {  	s2 =	sld [smem:$0x3F8B];
	s0 =	simm.s32 @p1 $0x1  }
0x15: {  	[smem:$0x3FA8] =	sst s0;
	s0 =	simm.s32 @!p2 $0x0  }
0x16: {  	s3 =	sld [smem:$0x3FDB];
	s0 =	simm.s32 @p2 $0x1  }
0x17: {  	s4 =	simm.s32 $0x1BF5;
	[smem:$0x3FAA] =	sst s0  }
0x18: {  	s0 =	sld [smem:$0x3F8D];
	_ =	swait.ge [sflag:s4], $0x0  }
0x19: {  	s7 =	sld [smem:$0x3F8E]  }
0x1a: {  	s8 =	sadd.s32 $0xFFFFE003, lr  }
0x1b: {  	s9 =	sadd.s32 $0xFFFFFEF7, lr;
	s5 =	simm.s32 $0xFFFFFFFF;
	p2 =	slt.u32 s8, $0xFFFFF086  }
0x1c: {  	p1 =	slt.u32 s9, $0xF7A;
	s5 =	simm.s32 @!p2 $0x0  }
0x1d: {  	s5 =	simm.s32 @p1 $0x1;
	p0 =	seq.s32 s7, s2  }
0x1e: {  	s7 =	smul.u32 @!p0 $0xF7A, s2;
	p2 =	seq.s32 @!p0 s5, $0x0  }
0x1f: {  	s9 =	smul.u32 $0xF7A, s1;
	s8 =	simm.s32 @!p0 $0x1BF5;
	p2 =	por !p2, p0  }
0x20: {  	[sflag:s8] =	ssyncset.s32 @!p0 $0xFFFFF086;
	s6 =	sadd.s32 @!p0 s3, s7;
	s7 =	simm.s32 @!p0 $0x108  }
0x21: {  	s3 =	sadd.s32 s3, s9;
	s6 =	sadd.s32 @!p0 $0x88, s6;
	s7 =	simm.s32 @p2 $0x1082  }
0x22: {  	[simem:s7], [sflag:s8] =	dma.local @!p0 [hbm:s6], $0xF7A  }
0x23: {  	s9 =	sor.u32 $0xD0000000, s2;
	s6 =	simm.s32 $0x108;
	_ =	swait.ge @!p0 [sflag:s8], $0x0  }
0x24: {  	s3 =	sadd.s32 $0x88, s3;
	s6 =	simm.s32 @!p1 $0x1082;
	[sflag:s4] =	ssyncset.s32 $0xFFFFF086  }
0x25: {  	[simem:s6], [sflag:s4] =	dma.local [hbm:s3], $0xF7A  }
0x26: {  	[smem:$0x3F8E] =	sst s1;
	(tag) =	ssettag s2;
	_ =	strace s9  }
0x27: {  	s1 =	sld [smem:$0x3F9E]  }
0x28: {  	s2 =	sld [smem:$0x3F9F]  }
0x29: {  	s4 =	sld [smem:$0x3FA1]  }
0x2a: {  	p0 =	seq.s32 s5, $0x0;
	s5 =	sld [smem:$0x3FA2]  }
0x2b: {  	s6 =	sld [smem:$0x3FA3]  }
0x2c: {  	s7 =	sld [smem:$0x3FA4]  }
0x2d: {  	s3 =	simm.s32 $0x108;
	s8 =	sld [smem:$0x3FA5]  }
0x2e: {  	s3 =	simm.s32 @!p0 $0x1082;
	s9 =	sld [smem:$0x3FA6]  }
0x2f: {  	lr =	sadd.s32 s0, s3;
	s0 =	sld [smem:$0x3F9D]  }
0x30: {  	s3 =	sld [smem:$0x3FA0]  }
0x31: {  	[smem:$0x3FA9] =	sst s10  }
0x32: {  	s10 =	sld [smem:$0x3FA7];
	_ =	sdelay $0x3  }
0x33: {  	p0 =	seq.s32 s10, $0x1;
	s10 =	sld [smem:$0x3FA9];
	_ =	sdelay $0x3  }
0x34: {  	[smem:$0x3FA9] =	sst s10  }
0x35: {  	s10 =	sld [smem:$0x3FA8];
	_ =	sdelay $0x3  }
0x36: {  	p1 =	seq.s32 s10, $0x1;
	s10 =	sld [smem:$0x3FA9];
	_ =	sdelay $0x3  }
0x37: {  	[smem:$0x3FA9] =	sst s10  }
0x38: {  	s10 =	sld [smem:$0x3FAA]  }
0x39: {  	_ = 	snop;
	(pc) =	sbr.ind lr, $3  }
0x3a: {  	_ = 	snop  }
0x3b: {  	_ = 	snop  }
0x3c: {  	p2 =	seq.s32 s10, $0x1;
	s10 =	sld [smem:$0x3FA9]  }
0x3d: {  	_ =	shalt  }
0x3e: {  	_ =	shalt  }
0x3f: {  	_ =	shalt  }
0x40: {  	_ =	shalt  }
0x41: {  	_ =	shalt  }
0x42: {  	_ =	shalt  }
0x43: {  	_ =	shalt  }
0x44: {  	_ =	shalt  }
0x45: {  	_ =	shalt  }
0x46: {  	_ =	shalt  }
0x47: {  	_ =	shalt  }
0x48: {  	_ =	shalt  }
0x49: {  	_ =	shalt  }
0x4a: {  	_ =	shalt  }
0x4b: {  	_ =	shalt  }
0x4c: {  	_ =	shalt  }
0x4d: {  	_ =	shalt  }
0x4e: {  	_ =	shalt  }
0x4f: {  	_ =	shalt  }
0x50: {  	_ =	shalt  }
0x51: {  	_ =	shalt  }
0x52: {  	_ =	shalt  }
0x53: {  	_ =	shalt  }
0x54: {  	_ =	shalt  }
0x55: {  	_ =	shalt  }
0x56: {  	_ =	shalt  }
0x57: {  	_ =	shalt  }
0x58: {  	_ =	shalt  }
0x59: {  	_ =	shalt  }
0x5a: {  	_ =	shalt  }
0x5b: {  	_ =	shalt  }
0x5c: {  	_ =	shalt  }
0x5d: {  	_ =	shalt  }
0x5e: {  	_ =	shalt  }
0x5f: {  	_ =	shalt  }
0x60: {  	_ =	shalt  }
0x61: {  	_ =	shalt  }
0x62: {  	_ =	shalt  }
0x63: {  	_ =	shalt  }
0x64: {  	_ =	shalt  }
0x65: {  	_ =	shalt  }
0x66: {  	_ =	shalt  }
0x67: {  	_ =	shalt  }
0x68: {  	_ =	shalt  }
0x69: {  	_ =	shalt  }
0x6a: {  	_ =	shalt  }
0x6b: {  	_ =	shalt  }
0x6c: {  	_ =	shalt  }
0x6d: {  	_ =	shalt  }
0x6e: {  	_ =	shalt  }
0x6f: {  	_ =	shalt  }
0x70: {  	_ =	shalt  }
0x71: {  	_ =	shalt  }
0x72: {  	_ =	shalt  }
0x73: {  	_ =	shalt  }
0x74: {  	_ =	shalt  }
0x75: {  	_ =	shalt  }
0x76: {  	_ =	shalt  }
0x77: {  	_ =	shalt  }
0x78: {  	_ =	shalt  }
0x79: {  	_ =	shalt  }
0x7a: {  	_ =	shalt  }
0x7b: {  	_ =	shalt  }
0x7c: {  	_ =	shalt  }
0x7d: {  	_ =	shalt  }
0x7e: {  	_ =	shalt  }
0x7f: {  	_ =	shalt  }
0x80: {  	_ =	shalt  }
0x81: {  	_ =	shalt  }
0x82: {  	_ =	shalt  }
0x83: {  	_ =	shalt  }
0x84: {  	_ =	shalt  }
0x85: {  	_ =	shalt  }
0x86: {  	_ =	shalt  }
0x87: {  	_ =	shalt  }
.Lfunc_end0:
.L_simem_size_0:
called_computation_lowered:
.L_overlay_start_0:
0x88: {  	s2 =	sld [smem:$0x3FD9]  }
0x89: {  	s3 =	sld [smem:$0x3FFE];
	_ =	sdelay $0x1  }
0x8a: {  	s1 =	srdreg.scid  }
0x8b: {  	s0 =	sand.u32 $0x1, s1  }
0x8c: {  	s16 =	sshll.u32 s0, $0xA;
	s2 =	sadd.s32 s3, s2  }
0x8d: {  	s2 =	sadd.s32 s2, s16  }
0x8e: {  	[smem:$0x3FB5] =	sst s2  }
0x8f: {  	_ = 	snop  }
0x90: {  	(tm) =	ssettm $0x1  }
0x91: {  	s17 =	sld [smem:$0x3FFB];
	_ =	sdelay $0x3  }
0x92: {  	_ =	strace s17  }
0x93: {  	s2 =	sld [smem:$0x3FFC];
	_ =	sdelay $0x3  }
0x94: {  	_ =	strace s2  }
0x95: {  	s2 =	sld [smem:$0x3FFD];
	_ =	sdelay $0x3  }
0x96: {  	_ =	strace s2  }
0x97: {  	_ =	strace $0x8FFFFFFF  }
0x98: {  	s18 =	sld [smem:$0x3FDB];
	_ =	sdelay $0x1  }
0x99: {  	s19 =	simm.s32 $_scs_section_size  }
0x9a: {  	s4 =	simm.s32 $_size__tile_overlayer_lowered;
	s5 =	simm.s32 $_tile_overlayer_lowered  }
0x9b: {  	s22 =	simm.s32 $0x1BFF;
	s21 =	sshll.u32 s5, $0x1;
	s2 =	sadd.s32 s19, s18  }
0x9c: {  	s6 =	simm.s32 $0x0;
	s20 =	sshll.u32 s4, $0x1;
	s4 =	sadd.s32 s21, s2  }
0x9d: {  	[timem:s6], [sflag:s22] =	dma.local [hbm:s4], s20  }
0x9e: {  	_ =	swait.ge [sflag:s22], s20  }
0x9f: {  	s3 =	ssub.s32 $0x0, s20;
	[sflag:s22] =	ssyncset.done $0x0  }
0xa0: {  	[sflag:s22] =	ssyncadd.s32 s3;
	_ =	sdelay $0x1  }
0xa1: {  	s23 =	simm.s32 $0x1B8B  }
0xa2: {  	_ =	swait.ge [sflag:s23], $0x1  }
0xa3: {  	[sflag:s23] =	ssyncset.done $0x0  }
0xa4: {  	s25 =	simm.s32 $0x1B8E;
	s24 =	sld [smem:$0x3FFE];
	[sflag:s23] =	ssyncadd.s32 $0xFFFFFFFF  }
0xa5: {  	s26 =	simm.s32 $execute0_lowered;
	[smem:$0x3FD2] =	sst s25  }
0xa6: {  	s4 =	sshll.u32 s26, $0x1;
	_ =	strace $0x80000046;
	[dreg:$0x1] =	wrdreg $0xFFFFFFFF  }
0xa7: {  	s28 =	simm.s32 $_size_execute0_lowered;
	s2 =	sadd.s32 s2, s4;
	[dreg:$0x0] =	wrdreg $0x0  }
0xa8: {  	s4 =	sshll.u32 s28, $0x1;
	[dreg:$0x2] =	wrdreg s2  }
0xa9: {  	[dreg:$0x3] =	wrdreg s4  }
0xaa: {  	[dreg:$0x4] =	wrdreg $0xC0  }
0xab: {  	_ =	task [dreg:s6], $0x5FFFF  }
0xac: {  	[dreg:$0x1] =	wrdreg $0xFFFFFFFF  }
0xad: {  	[dreg:$0x0] =	wrdreg $0x60  }
0xae: {  	[dreg:$0x2] =	wrdreg s24  }
0xaf: {  	[dreg:$0x3] =	wrdreg $0x44000  }
0xb0: {  	[dreg:$0x4] =	wrdreg $0x9  }
0xb1: {  	_ =	task.clear_ibuf [dreg:s6], $0x5FFFF;
	_ =	strace $0x90000046  }
0xb2: {  	s29 =	simm.s32 $0x9;
	_ =	strace $0x80000048  }
0xb3: {  	_ =	swait.ge [sflag:s29], $0x1  }
0xb4: {  	[sflag:s29] =	ssyncadd.s32 $0xFFFFFFFF  }
0xb5: {  	_ =	strace $0x90000048  }
0xb6: {  	_ =	sfence  }
0xb7: {  	s30 =	sld [smem:$0x0];
	_ =	sdelay $0x2  }
0xb8: {  	s31 =	sshll.u32 s1, $0xD;
	s1 =	sshrl.u32 s1, $0x2  }
0xb9: {  	s3 =	sand.u32 $0x4000, s31;
	s1 =	sadd.s32 s1, s30  }
0xba: {  	s0 =	sor.u32 s3, s0;
	s1 =	sshll.u32 s1, $0x11  }
0xbb: {  	s0 =	sor.u32 s1, s0  }
0xbc: {  	s0 =	sadd.s32 $0x8F2B, s0  }
0xbd: {  	[sflag:s0] =	ssyncadd.remote.s32 $0x1  }
0xbe: {  	_ =	sfence.sel $0xFFFF  }
0xbf: {  	[dreg:$0x0] =	wrdreg $0xFFFFFFFF;
	(pc) =	sbr.abs _section_cstart, $3  }
0xc0: {  	[dreg:$0x1] =	wrdreg $0xFFFFFFFF  }
0xc1: {  	_ =	task.clear_ibuf [dreg:s6], $0x2FFFF;
	_ =	strace $0x9FFFFFFF  }
0xc2: {  	(tm) =	ssettm $0x7FFFFFFF  }
0xc3: {  	_ =	shalt  }
tec
execute0_lowered:
.L_overlay_start_1:
0x0: {  	(tag) =	ssettag $0x1  }
0x1: {  	s4 =	rddreg [dreg:$0x0]  }
0x2: {  	s2 =	rddreg [dreg:$0x1]  }
0x3: {  	s0 =	srdreg.scid;
	s1 =	rddreg [dreg:$0x2];
	s3 =	simm.s32 $0x0  }
0x4: {  	s13 =	simm.s32 $0x1;
	s14 =	simm.s32 $0x80;
	s5 =	sand.u32 $0x1, s0  }
0x5: {  	s15 =	simm.s32 $0x200;
	s0 =	stileid.u32;
	s6 =	smul.u32 $0xA000, s5  }
0x6: {  	s16 =	simm.s32 $0x280;
	s17 =	simm.s32 $0x300;
	s7 =	smul.u32 $0x2780, s0  }
0x7: {  	s18 =	simm.s32 $0x380;
	[smem:$0x7FF] =	sst s3;
	s8 =	smul.u32 $0x27800, s5  }
0x8: {  	s21 =	simm.s32 $0x0;
	s9 =	smul.u32 $0x4F000, s0;
	_ =	strace $0x80000047  }
0x9: {  	s5 =	ssub.s32 $0x2, s5;
	s12 =	smul.u32 $0xA00, s0;
	s19 =	sshll.u32 s0, $0x6  }
0xa: {  	s31 =	sshrl.u32 s5, $0x1;
	s19 =	sor.u32 $0x1C01, s19;
	s11 =	sadd.s32 s6, s4  }
0xb: {  	s28 =	sadd.s32 s7, s8;
	s29 =	sshrl.u32 s9, $0x2;
	s10 =	ssub.s32 s5, s31  }
0xc: {  	s30 =	sadd.s32 s28, s4;
	s4 =	sadd.s32 s29, s2;
	s10 =	smax.u32 s10, $0x1  }
0xd: {  	s11 =	sadd.s32 s12, s11;
	s12 =	simm.s32 $0x400;
	s5 =	sadd.s32 $0x4000, s4  }
0xe: {  	s6 =	sadd.s32 $0x8000, s4;
	s7 =	sadd.s32 $0xC000, s4;
	s8 =	sadd.s32 $0x10000, s4  }
0xf: {  	v0 =	vimm.f32 $0.0e+00;
	v1 =	vimm.f32 $1.000000000e+00;
	s9 =	sadd.s32 $0x18800, s30;
	s11 =	sadd.s32 $0x4800, s11;
	s20 =	sshrl.u32 s4, $0x3  }
.LBB2_1:
0x10: {  	s22 =	simm.s32 $0x0;
	s23 =	simm.s32 $0x200  }
.LBB2_2:
0x11: {  	p0 =	sne.s32 s23, $0xFE00;
	[tilespmem:s22+$0x470] =	vst v0  }
0x12: {  	[tilespmem:s22+$0x400] =	vst v0  }
0x13: {  	[tilespmem:s22+$0x410] =	vst v0  }
.Ltmp0:
0x14: {  	[tilespmem:s22+$0x420] =	vst v0;
	(pc) =	sbr.rel @p0 .LBB2_2-.Ltmp0, $4  }
0x15: {  	[tilespmem:s22+$0x430] =	vst v0  }
0x16: {  	[tilespmem:s22+$0x440] =	vst v0  }
0x17: {  	[tilespmem:s22+$0x450] =	vst v0  }
0x18: {  	[tilespmem:s22+$0x460] =	vst v0;
	s22 =	sshra.s32 s23, $0x2;
	s23 =	sadd.s32 $0x200, s23  }
0x19: {  	[tilespmem:s22+$0x470] =	vst v0  }
0x1a: {  	[tilespmem:s22+$0x400] =	vst v0  }
0x1b: {  	[tilespmem:s22+$0x410] =	vst v0  }
0x1c: {  	[tilespmem:s22+$0x420] =	vst v0  }
0x1d: {  	[tilespmem:s22+$0x430] =	vst v0  }
0x1e: {  	[tilespmem:s22+$0x440] =	vst v0  }
0x1f: {  	[tilespmem:s22+$0x450] =	vst v0  }
0x20: {  	[tilespmem:s22+$0x460] =	vst v0  }
0x21: {  	[spmem:s4] =	stream.linear.scatter [tilespmem:s12], [sflag:$0x1], $0x4000, $0x38;
	[tilespmem:$0x18000] =	vst v63  }
0x22: {  	_ =	swait.ge [sflag:s13], $0x4000  }
0x23: {  	[sflag:s13] =	ssyncset.done $0x0  }
0x24: {  	[sflag:s13] =	ssyncadd.s32 $0xFFFFC000  }
0x25: {  	[spmem:s5] =	stream.linear.scatter [tilespmem:s12], [sflag:$0x1], $0x4000, $0x38;
	[tilespmem:$0x18000] =	vst v63  }
0x26: {  	_ =	swait.ge [sflag:s13], $0x4000  }
0x27: {  	[sflag:s13] =	ssyncset.done $0x0  }
0x28: {  	[sflag:s13] =	ssyncadd.s32 $0xFFFFC000  }
0x29: {  	[spmem:s6] =	stream.linear.scatter [tilespmem:s12], [sflag:$0x1], $0x4000, $0x38;
	[tilespmem:$0x18000] =	vst v63  }
0x2a: {  	_ =	swait.ge [sflag:s13], $0x4000  }
0x2b: {  	[sflag:s13] =	ssyncset.done $0x0  }
0x2c: {  	[sflag:s13] =	ssyncadd.s32 $0xFFFFC000  }
0x2d: {  	[spmem:s7] =	stream.linear.scatter [tilespmem:s12], [sflag:$0x1], $0x4000, $0x38;
	[tilespmem:$0x18000] =	vst v63  }
0x2e: {  	_ =	swait.ge [sflag:s13], $0x4000  }
0x2f: {  	[sflag:s13] =	ssyncset.done $0x0  }
0x30: {  	[sflag:s13] =	ssyncadd.s32 $0xFFFFC000  }
0x31: {  	[spmem:s8] =	stream.linear.scatter [tilespmem:s12], [sflag:$0x1], $0x3C00, $0x38;
	[tilespmem:$0x18000] =	vst v63  }
0x32: {  	_ =	swait.ge [sflag:s13], $0x3C00  }
0x33: {  	[sflag:s13] =	ssyncset.done $0x0  }
0x34: {  	s22 =	simm.s32 $0x0;
	s23 =	simm.s32 $0x200;
	[sflag:s13] =	ssyncadd.s32 $0xFFFFC400  }
.LBB2_4:
0x35: {  	p0 =	sne.s32 s23, $0xFE00;
	[tilespmem:s22+$0x470] =	vst v1  }
0x36: {  	[tilespmem:s22+$0x400] =	vst v1  }
0x37: {  	[tilespmem:s22+$0x410] =	vst v1  }
.Ltmp1:
0x38: {  	[tilespmem:s22+$0x420] =	vst v1;
	(pc) =	sbr.rel @p0 .LBB2_4-.Ltmp1, $4  }
0x39: {  	[tilespmem:s22+$0x430] =	vst v1  }
0x3a: {  	[tilespmem:s22+$0x440] =	vst v1  }
0x3b: {  	[tilespmem:s22+$0x450] =	vst v1  }
0x3c: {  	[tilespmem:s22+$0x460] =	vst v1;
	s22 =	sshra.s32 s23, $0x2;
	s23 =	sadd.s32 $0x200, s23  }
0x3d: {  	[tilespmem:s22+$0x470] =	vst v1  }
0x3e: {  	[tilespmem:s22+$0x400] =	vst v1  }
0x3f: {  	[tilespmem:s22+$0x410] =	vst v1  }
0x40: {  	[tilespmem:s22+$0x420] =	vst v1  }
0x41: {  	[tilespmem:s22+$0x430] =	vst v1  }
0x42: {  	[tilespmem:s22+$0x440] =	vst v1  }
0x43: {  	[tilespmem:s22+$0x450] =	vst v1  }
0x44: {  	[tilespmem:s22+$0x460] =	vst v1  }
0x45: {  	s31 =	sadd.s32 $0x0, s11;
	[bflag:$0x0] =	sbarrier.arrive $0xFFFF  }
0x46: {  	[tilespmem:s3], [sflag:$0x1] =	stream.linear.gather [hbm4b:s31+s3], $0x400, $0x38;
	[tilespmem:$0x18000] =	vst v63  }
0x47: {  	_ =	swait.ge [sflag:s13], $0x400  }
0x48: {  	[sflag:s13] =	ssyncset.done $0x0  }
0x49: {  	[sflag:s13] =	ssyncadd.s32 $0xFFFFFC00  }
0x4a: {  	[spmem:s2] =	stream.indirect.scatter.add.f32 [tilespmem:s12], [sflag:$0x1], $0x80, s15, s14, $0xb8;
	[tilespmem:$0x18000] =	vst v63  }
0x4b: {  	_ =	swait.ge [sflag:s13], $0x4000  }
0x4c: {  	[sflag:s13] =	ssyncset.done $0x0  }
0x4d: {  	[sflag:s13] =	ssyncadd.s32 $0xFFFFC000  }
0x4e: {  	[spmem:s2] =	stream.indirect.scatter.add.f32 [tilespmem:s12], [sflag:$0x1], $0x80, s16, s14, $0xb8;
	[tilespmem:$0x18000] =	vst v63  }
0x4f: {  	_ =	swait.ge [sflag:s13], $0x4000  }
0x50: {  	[sflag:s13] =	ssyncset.done $0x0  }
0x51: {  	[sflag:s13] =	ssyncadd.s32 $0xFFFFC000  }
0x52: {  	[spmem:s2] =	stream.indirect.scatter.add.f32 [tilespmem:s12], [sflag:$0x1], $0x80, s17, s14, $0xb8;
	[tilespmem:$0x18000] =	vst v63  }
0x53: {  	_ =	swait.ge [sflag:s13], $0x4000  }
0x54: {  	[sflag:s13] =	ssyncset.done $0x0  }
0x55: {  	[sflag:s13] =	ssyncadd.s32 $0xFFFFC000  }
0x56: {  	[spmem:s2] =	stream.indirect.scatter.add.f32 [tilespmem:s12], [sflag:$0x1], $0x80, s18, s14, $0xb8;
	[tilespmem:$0x18000] =	vst v63  }
0x57: {  	_ =	swait.ge [sflag:s13], $0x4000  }
0x58: {  	s22 =	simm.s32 $0x80;
	s23 =	simm.s32 $0x100;
	[sflag:s13] =	ssyncset.done $0x0  }
.LBB2_6:
0x59: {  	s24 =	sadd.s32 s22, s11  }
0x5a: {  	[sflag:s13] =	ssyncadd.s32 $0xFFFFC000;
	s22 =	smov.u32 s23;
	s25 =	sadd.s32 $0x80, s23  }
0x5b: {  	[tilespmem:s3], [sflag:$0x1] =	stream.linear.gather [hbm4b:s24+s3], $0x400, $0x38;
	[tilespmem:$0x18000] =	vst v63  }
0x5c: {  	p0 =	sne.s32 s23, $0x980;
	_ =	swait.ge [sflag:s13], $0x400  }
0x5d: {  	[sflag:s13] =	ssyncset.done $0x0  }
0x5e: {  	[sflag:s13] =	ssyncadd.s32 $0xFFFFFC00  }
0x5f: {  	[spmem:s2] =	stream.indirect.scatter.add.f32 [tilespmem:s12], [sflag:$0x1], $0x80, s15, s14, $0xb8;
	[tilespmem:$0x18000] =	vst v63  }
0x60: {  	_ =	swait.ge [sflag:s13], $0x4000  }
0x61: {  	[sflag:s13] =	ssyncset.done $0x0  }
0x62: {  	[sflag:s13] =	ssyncadd.s32 $0xFFFFC000  }
0x63: {  	[spmem:s2] =	stream.indirect.scatter.add.f32 [tilespmem:s12], [sflag:$0x1], $0x80, s16, s14, $0xb8;
	[tilespmem:$0x18000] =	vst v63  }
0x64: {  	_ =	swait.ge [sflag:s13], $0x4000  }
0x65: {  	[sflag:s13] =	ssyncset.done $0x0  }
0x66: {  	[sflag:s13] =	ssyncadd.s32 $0xFFFFC000  }
0x67: {  	[spmem:s2] =	stream.indirect.scatter.add.f32 [tilespmem:s12], [sflag:$0x1], $0x80, s17, s14, $0xb8;
	[tilespmem:$0x18000] =	vst v63  }
0x68: {  	_ =	swait.ge [sflag:s13], $0x4000  }
.Ltmp2:
0x69: {  	[sflag:s13] =	ssyncset.done $0x0;
	(pc) =	sbr.rel @p0 .LBB2_6-.Ltmp2, $4  }
0x6a: {  	[sflag:s13] =	ssyncadd.s32 $0xFFFFC000  }
0x6b: {  	[spmem:s2] =	stream.indirect.scatter.add.f32 [tilespmem:s12], [sflag:$0x1], $0x80, s18, s14, $0xb8;
	[tilespmem:$0x18000] =	vst v63  }
0x6c: {  	_ =	swait.ge [sflag:s13], $0x4000  }
0x6d: {  	s23 =	smov.u32 s25;
	[sflag:s13] =	ssyncset.done $0x0  }
0x6e: {  	s22 =	sadd.s32 s22, s11;
	[sflag:s13] =	ssyncadd.s32 $0xFFFFC000  }
0x6f: {  	[tilespmem:s3], [sflag:$0x1] =	stream.linear.gather [hbm4b:s22+s3], $0x400, $0x38;
	[tilespmem:$0x18000] =	vst v63  }
0x70: {  	_ =	swait.ge [sflag:s13], $0x400  }
0x71: {  	[sflag:s13] =	ssyncset.done $0x0  }
0x72: {  	[sflag:s13] =	ssyncadd.s32 $0xFFFFFC00  }
0x73: {  	[spmem:s2] =	stream.indirect.scatter.add.f32 [tilespmem:s12], [sflag:$0x1], $0x80, s15, s14, $0xb8;
	[tilespmem:$0x18000] =	vst v63  }
0x74: {  	_ =	swait.ge [sflag:s13], $0x4000  }
0x75: {  	[sflag:s13] =	ssyncset.done $0x0  }
0x76: {  	[sflag:s13] =	ssyncadd.s32 $0xFFFFC000  }
0x77: {  	[spmem:s2] =	stream.indirect.scatter.add.f32 [tilespmem:s12], [sflag:$0x1], $0x80, s16, s14, $0xb8;
	[tilespmem:$0x18000] =	vst v63  }
0x78: {  	_ =	swait.ge [sflag:s13], $0x4000  }
0x79: {  	[sflag:s13] =	ssyncset.done $0x0  }
0x7a: {  	[sflag:s13] =	ssyncadd.s32 $0xFFFFC000  }
0x7b: {  	[spmem:s2] =	stream.indirect.scatter.add.f32 [tilespmem:s12], [sflag:$0x1], $0x80, s17, s14, $0xb8;
	[tilespmem:$0x18000] =	vst v63  }
0x7c: {  	_ =	swait.ge [sflag:s13], $0x4000  }
0x7d: {  	[sflag:s13] =	ssyncset.done $0x0  }
0x7e: {  	[sflag:s13] =	ssyncadd.s32 $0xFFFFC000  }
0x7f: {  	[spmem:s2] =	stream.indirect.scatter.add.f32 [tilespmem:s12], [sflag:$0x1], $0x80, s18, s14, $0xb8;
	[tilespmem:$0x18000] =	vst v63  }
0x80: {  	_ =	swait.ge [sflag:s13], $0x4000  }
0x81: {  	s21 =	sadd.s32 $0x1, s21;
	[sflag:s13] =	ssyncset.done $0x0  }
0x82: {  	p0 =	sne.s32 s21, s10;
	[sflag:s13] =	ssyncadd.s32 $0xFFFFC000  }
.Ltmp3:
0x83: {  	[bflag:$0x0] =	sbarrier.arrive $0xFFFF;
	(pc) =	sbr.rel @p0 .LBB2_1-.Ltmp3, $4  }
0x84: {  	[hbm:s9], [sflag:s19] =	dma.local [spmem:s20], $0x2780  }
0x85: {  	_ =	swait.ge [sflag:s13], $0x2780  }
0x86: {  	[sflag:s13] =	ssyncset.done $0x0  }
0x87: {  	[sflag:s13] =	ssyncadd.s32 $0xFFFFD880  }
0x88: {  	_ =	sfence.sel $0x180000  }
0x89: {  	[bflag:$0x0] =	sbarrier.arrive $0xFFFF  }
0x8a: {  	p0 =	sne.s32 s0, $0x0;
	_ =	strace $0x90000047  }
0x8b: {  	s0 =	sadd.s32 @!p0 $0x100000, s1;
	[bflag:$0x2] =	sbarrier.arrive $0xFFFF  }
0x8c: {  	[sflag:s0] =	ssyncadd.tile.s32 @!p0 $0x1;
	_ =	shalt  }
.Lfunc_end2:
_tile_overlayer_lowered:
.L_overlay_start_2:
0x8d: {  	(tag) =	ssettag $0x2  }
0x8e: {  	s0 =	rddreg [dreg:$0x0];
	s2 =	stileid.u32  }
0x8f: {  	s1 =	rddreg [dreg:$0x1];
	p0 =	sne.s32 s2, $0x0  }
0x90: {  	s3 =	rddreg [dreg:$0x2];
	[bflag:$0x3] =	sbarrier.arrive $0xFFFF;
	s2 =	simm.s32 @!p0 $0x1C01  }
0x91: {  	[timem:s3], [sflag:s2] =	dma.local @!p0 [hbm:s0], s1  }
0x92: {  	s0 =	simm.s32 @!p0 $0x1  }
0x93: {  	_ =	swait.ge @!p0 [sflag:s0], s1  }
0x94: {  	s1 =	ssub.s32 @!p0 $0x0, s1;
	[sflag:s0] =	ssyncset.done @!p0 $0x0  }
0x95: {  	[sflag:s0] =	ssyncadd.s32 @!p0 s1  }
0x96: {  	[bflag:$0x3] =	sbarrier.arrive $0xFFFF  }
0x97: {  	_ =	shalt  }

// kernel: kernel.13.cloned.1.call-start
scs
__scs_entry_jumppad:
0x0: {  	(pc) =	sbr.rel $0x88, $3  }
0x1: {  	(tag) =	ssettag $0x0;
	lr =	simm.s32 $0x1  }
0x2: {  	[smem:$0x3F8E] =	sst lr;
	_ =	strace $0xD0000000  }
0x3: {  	_ = 	snop  }
0x4: {  	_ = 	snop  }
0x5: {  	_ = 	snop  }
0x6: {  	_ = 	snop  }
0x7: {  	_ = 	snop  }
__scs_overlays_trampoline_lowered:
0x8: {  	[smem:$0x3F9D] =	sst s0  }
0x9: {  	[smem:$0x3F9E] =	sst s1  }
0xa: {  	[smem:$0x3F9F] =	sst s2  }
0xb: {  	[smem:$0x3FA0] =	sst s3  }
0xc: {  	[smem:$0x3FA1] =	sst s4  }
0xd: {  	[smem:$0x3FA2] =	sst s5  }
0xe: {  	[smem:$0x3FA3] =	sst s6  }
0xf: {  	[smem:$0x3FA4] =	sst s7  }
0x10: {  	[smem:$0x3FA5] =	sst s8  }
0x11: {  	[smem:$0x3FA6] =	sst s9;
	s0 =	simm.s32 @!p0 $0x0  }
0x12: {  	s1 =	sld [smem:$0x3F8C];
	s0 =	simm.s32 @p0 $0x1  }
0x13: {  	[smem:$0x3FA7] =	sst s0;
	s0 =	simm.s32 @!p1 $0x0  }
0x14: {  	s2 =	sld [smem:$0x3F8B];
	s0 =	simm.s32 @p1 $0x1  }
0x15: {  	[smem:$0x3FA8] =	sst s0;
	s0 =	simm.s32 @!p2 $0x0  }
0x16: {  	s3 =	sld [smem:$0x3FDB];
	s0 =	simm.s32 @p2 $0x1  }
0x17: {  	s4 =	simm.s32 $0x1BF5;
	[smem:$0x3FAA] =	sst s0  }
0x18: {  	s0 =	sld [smem:$0x3F8D];
	_ =	swait.ge [sflag:s4], $0x0  }
0x19: {  	s7 =	sld [smem:$0x3F8E]  }
0x1a: {  	s8 =	sadd.s32 $0xFFFFE003, lr  }
0x1b: {  	s9 =	sadd.s32 $0xFFFFFEF7, lr;
	s5 =	simm.s32 $0xFFFFFFFF;
	p2 =	slt.u32 s8, $0xFFFFF086  }
0x1c: {  	p1 =	slt.u32 s9, $0xF7A;
	s5 =	simm.s32 @!p2 $0x0  }
0x1d: {  	s5 =	simm.s32 @p1 $0x1;
	p0 =	seq.s32 s7, s2  }
0x1e: {  	s7 =	smul.u32 @!p0 $0xF7A, s2;
	p2 =	seq.s32 @!p0 s5, $0x0  }
0x1f: {  	s9 =	smul.u32 $0xF7A, s1;
	s8 =	simm.s32 @!p0 $0x1BF5;
	p2 =	por !p2, p0  }
0x20: {  	[sflag:s8] =	ssyncset.s32 @!p0 $0xFFFFF086;
	s6 =	sadd.s32 @!p0 s3, s7;
	s7 =	simm.s32 @!p0 $0x108  }
0x21: {  	s3 =	sadd.s32 s3, s9;
	s6 =	sadd.s32 @!p0 $0x88, s6;
	s7 =	simm.s32 @p2 $0x1082  }
0x22: {  	[simem:s7], [sflag:s8] =	dma.local @!p0 [hbm:s6], $0xF7A  }
0x23: {  	s9 =	sor.u32 $0xD0000000, s2;
	s6 =	simm.s32 $0x108;
	_ =	swait.ge @!p0 [sflag:s8], $0x0  }
0x24: {  	s3 =	sadd.s32 $0x88, s3;
	s6 =	simm.s32 @!p1 $0x1082;
	[sflag:s4] =	ssyncset.s32 $0xFFFFF086  }
0x25: {  	[simem:s6], [sflag:s4] =	dma.local [hbm:s3], $0xF7A  }
0x26: {  	[smem:$0x3F8E] =	sst s1;
	(tag) =	ssettag s2;
	_ =	strace s9  }
0x27: {  	s1 =	sld [smem:$0x3F9E]  }
0x28: {  	s2 =	sld [smem:$0x3F9F]  }
0x29: {  	s4 =	sld [smem:$0x3FA1]  }
0x2a: {  	p0 =	seq.s32 s5, $0x0;
	s5 =	sld [smem:$0x3FA2]  }
0x2b: {  	s6 =	sld [smem:$0x3FA3]  }
0x2c: {  	s7 =	sld [smem:$0x3FA4]  }
0x2d: {  	s3 =	simm.s32 $0x108;
	s8 =	sld [smem:$0x3FA5]  }
0x2e: {  	s3 =	simm.s32 @!p0 $0x1082;
	s9 =	sld [smem:$0x3FA6]  }
0x2f: {  	lr =	sadd.s32 s0, s3;
	s0 =	sld [smem:$0x3F9D]  }
0x30: {  	s3 =	sld [smem:$0x3FA0]  }
0x31: {  	[smem:$0x3FA9] =	sst s10  }
0x32: {  	s10 =	sld [smem:$0x3FA7];
	_ =	sdelay $0x3  }
0x33: {  	p0 =	seq.s32 s10, $0x1;
	s10 =	sld [smem:$0x3FA9];
	_ =	sdelay $0x3  }
0x34: {  	[smem:$0x3FA9] =	sst s10  }
0x35: {  	s10 =	sld [smem:$0x3FA8];
	_ =	sdelay $0x3  }
0x36: {  	p1 =	seq.s32 s10, $0x1;
	s10 =	sld [smem:$0x3FA9];
	_ =	sdelay $0x3  }
0x37: {  	[smem:$0x3FA9] =	sst s10  }
0x38: {  	s10 =	sld [smem:$0x3FAA]  }
0x39: {  	_ = 	snop;
	(pc) =	sbr.ind lr, $3  }
0x3a: {  	_ = 	snop  }
0x3b: {  	_ = 	snop  }
0x3c: {  	p2 =	seq.s32 s10, $0x1;
	s10 =	sld [smem:$0x3FA9]  }
0x3d: {  	_ =	shalt  }
0x3e: {  	_ =	shalt  }
0x3f: {  	_ =	shalt  }
0x40: {  	_ =	shalt  }
0x41: {  	_ =	shalt  }
0x42: {  	_ =	shalt  }
0x43: {  	_ =	shalt  }
0x44: {  	_ =	shalt  }
0x45: {  	_ =	shalt  }
0x46: {  	_ =	shalt  }
0x47: {  	_ =	shalt  }
0x48: {  	_ =	shalt  }
0x49: {  	_ =	shalt  }
0x4a: {  	_ =	shalt  }
0x4b: {  	_ =	shalt  }
0x4c: {  	_ =	shalt  }
0x4d: {  	_ =	shalt  }
0x4e: {  	_ =	shalt  }
0x4f: {  	_ =	shalt  }
0x50: {  	_ =	shalt  }
0x51: {  	_ =	shalt  }
0x52: {  	_ =	shalt  }
0x53: {  	_ =	shalt  }
0x54: {  	_ =	shalt  }
0x55: {  	_ =	shalt  }
0x56: {  	_ =	shalt  }
0x57: {  	_ =	shalt  }
0x58: {  	_ =	shalt  }
0x59: {  	_ =	shalt  }
0x5a: {  	_ =	shalt  }
0x5b: {  	_ =	shalt  }
0x5c: {  	_ =	shalt  }
0x5d: {  	_ =	shalt  }
0x5e: {  	_ =	shalt  }
0x5f: {  	_ =	shalt  }
0x60: {  	_ =	shalt  }
0x61: {  	_ =	shalt  }
0x62: {  	_ =	shalt  }
0x63: {  	_ =	shalt  }
0x64: {  	_ =	shalt  }
0x65: {  	_ =	shalt  }
0x66: {  	_ =	shalt  }
0x67: {  	_ =	shalt  }
0x68: {  	_ =	shalt  }
0x69: {  	_ =	shalt  }
0x6a: {  	_ =	shalt  }
0x6b: {  	_ =	shalt  }
0x6c: {  	_ =	shalt  }
0x6d: {  	_ =	shalt  }
0x6e: {  	_ =	shalt  }
0x6f: {  	_ =	shalt  }
0x70: {  	_ =	shalt  }
0x71: {  	_ =	shalt  }
0x72: {  	_ =	shalt  }
0x73: {  	_ =	shalt  }
0x74: {  	_ =	shalt  }
0x75: {  	_ =	shalt  }
0x76: {  	_ =	shalt  }
0x77: {  	_ =	shalt  }
0x78: {  	_ =	shalt  }
0x79: {  	_ =	shalt  }
0x7a: {  	_ =	shalt  }
0x7b: {  	_ =	shalt  }
0x7c: {  	_ =	shalt  }
0x7d: {  	_ =	shalt  }
0x7e: {  	_ =	shalt  }
0x7f: {  	_ =	shalt  }
0x80: {  	_ =	shalt  }
0x81: {  	_ =	shalt  }
0x82: {  	_ =	shalt  }
0x83: {  	_ =	shalt  }
0x84: {  	_ =	shalt  }
0x85: {  	_ =	shalt  }
0x86: {  	_ =	shalt  }
0x87: {  	_ =	shalt  }
.Lfunc_end0:
.L_simem_size_0:
called_computation.1_lowered:
.L_overlay_start_0:
0x88: {  	s2 =	sld [smem:$0x3FD9]  }
0x89: {  	s3 =	sld [smem:$0x3FFE];
	_ =	sdelay $0x1  }
0x8a: {  	s1 =	srdreg.scid  }
0x8b: {  	s0 =	sand.u32 $0x1, s1  }
0x8c: {  	s16 =	sshll.u32 s0, $0xA;
	s2 =	sadd.s32 s3, s2  }
0x8d: {  	s2 =	sadd.s32 s2, s16  }
0x8e: {  	[smem:$0x3FB5] =	sst s2  }
0x8f: {  	_ = 	snop  }
0x90: {  	(tm) =	ssettm $0x1  }
0x91: {  	s17 =	sld [smem:$0x3FFB];
	_ =	sdelay $0x3  }
0x92: {  	_ =	strace s17  }
0x93: {  	s2 =	sld [smem:$0x3FFC];
	_ =	sdelay $0x3  }
0x94: {  	_ =	strace s2  }
0x95: {  	s2 =	sld [smem:$0x3FFD];
	_ =	sdelay $0x3  }
0x96: {  	_ =	strace s2  }
0x97: {  	_ =	strace $0x8FFFFFFF  }
0x98: {  	s18 =	sld [smem:$0x3FDB];
	_ =	sdelay $0x1  }
0x99: {  	s19 =	simm.s32 $_scs_section_size  }
0x9a: {  	s4 =	simm.s32 $_size__tile_overlayer_lowered;
	s5 =	simm.s32 $_tile_overlayer_lowered  }
0x9b: {  	s22 =	simm.s32 $0x1BFF;
	s21 =	sshll.u32 s5, $0x1;
	s2 =	sadd.s32 s19, s18  }
0x9c: {  	s6 =	simm.s32 $0x0;
	s20 =	sshll.u32 s4, $0x1;
	s4 =	sadd.s32 s21, s2  }
0x9d: {  	[timem:s6], [sflag:s22] =	dma.local [hbm:s4], s20  }
0x9e: {  	_ =	swait.ge [sflag:s22], s20  }
0x9f: {  	s3 =	ssub.s32 $0x0, s20;
	[sflag:s22] =	ssyncset.done $0x0  }
0xa0: {  	[sflag:s22] =	ssyncadd.s32 s3;
	_ =	sdelay $0x1  }
0xa1: {  	s23 =	simm.s32 $0x1B8B  }
0xa2: {  	_ =	swait.ge [sflag:s23], $0x1  }
0xa3: {  	[sflag:s23] =	ssyncset.done $0x0  }
0xa4: {  	s25 =	simm.s32 $0x1B8E;
	s24 =	sld [smem:$0x3FFE];
	[sflag:s23] =	ssyncadd.s32 $0xFFFFFFFF  }
0xa5: {  	s26 =	simm.s32 $execute0_lowered;
	[smem:$0x3FD2] =	sst s25  }
0xa6: {  	s4 =	sshll.u32 s26, $0x1;
	_ =	strace $0x80000049;
	[dreg:$0x1] =	wrdreg $0xFFFFFFFF  }
0xa7: {  	s28 =	simm.s32 $_size_execute0_lowered;
	s2 =	sadd.s32 s2, s4;
	[dreg:$0x0] =	wrdreg $0x0  }
0xa8: {  	s4 =	sshll.u32 s28, $0x1;
	[dreg:$0x2] =	wrdreg s2  }
0xa9: {  	[dreg:$0x3] =	wrdreg s4  }
0xaa: {  	[dreg:$0x4] =	wrdreg $0xC0  }
0xab: {  	_ =	task [dreg:s6], $0x5FFFF  }
0xac: {  	[dreg:$0x1] =	wrdreg $0xFFFFFFFF  }
0xad: {  	[dreg:$0x0] =	wrdreg $0x60  }
0xae: {  	[dreg:$0x2] =	wrdreg s24  }
0xaf: {  	[dreg:$0x3] =	wrdreg $0x88000  }
0xb0: {  	[dreg:$0x4] =	wrdreg $0x9  }
0xb1: {  	_ =	task.clear_ibuf [dreg:s6], $0x5FFFF;
	_ =	strace $0x90000049  }
0xb2: {  	s29 =	simm.s32 $0x9;
	_ =	strace $0x8000004B  }
0xb3: {  	_ =	swait.ge [sflag:s29], $0x1  }
0xb4: {  	[sflag:s29] =	ssyncadd.s32 $0xFFFFFFFF  }
0xb5: {  	_ =	strace $0x9000004B  }
0xb6: {  	_ =	sfence  }
0xb7: {  	s30 =	sld [smem:$0x0];
	_ =	sdelay $0x2  }
0xb8: {  	s31 =	sshll.u32 s1, $0xD;
	s1 =	sshrl.u32 s1, $0x2  }
0xb9: {  	s3 =	sand.u32 $0x4000, s31;
	s1 =	sadd.s32 s1, s30  }
0xba: {  	s0 =	sor.u32 s3, s0;
	s1 =	sshll.u32 s1, $0x11  }
0xbb: {  	s0 =	sor.u32 s1, s0  }
0xbc: {  	s0 =	sadd.s32 $0x8F2B, s0  }
0xbd: {  	[sflag:s0] =	ssyncadd.remote.s32 $0x1  }
0xbe: {  	_ =	sfence.sel $0xFFFF  }
0xbf: {  	[dreg:$0x0] =	wrdreg $0xFFFFFFFF;
	(pc) =	sbr.abs _section_cstart, $3  }
0xc0: {  	[dreg:$0x1] =	wrdreg $0xFFFFFFFF  }
0xc1: {  	_ =	task.clear_ibuf [dreg:s6], $0x2FFFF;
	_ =	strace $0x9FFFFFFF  }
0xc2: {  	(tm) =	ssettm $0x7FFFFFFF  }
0xc3: {  	_ =	shalt  }
tec
execute0_lowered:
.L_overlay_start_1:
0x0: {  	(tag) =	ssettag $0x1  }
0x1: {  	s0 =	rddreg [dreg:$0x0]  }
0x2: {  	s2 =	rddreg [dreg:$0x1]  }
0x3: {  	s1 =	srdreg.scid;
	s12 =	stileid.u32  }
0x4: {  	s3 =	simm.s32 $0x0;
	s28 =	simm.s32 $0x300;
	s29 =	simm.s32 $0x2  }
0x5: {  	s30 =	simm.s32 $0x380;
	s31 =	simm.s32 $0x480;
	s5 =	smul.u32 $0x2780, s12  }
0x6: {  	s1 =	sand.u32 $0x1, s1;
	[smem:$0x7FF] =	sst s3;
	s14 =	smul.u32 $0x4F000, s12  }
0x7: {  	s4 =	sadd.s32 $0x67800, s0;
	s7 =	sadd.s32 $0x4800, s0;
	s10 =	smul.u32 $0x14, s12  }
0x8: {  	s6 =	smul.u32 $0x27800, s1;
	_ =	strace $0x8000004A;
	s15 =	ssub.s32 $0x2, s1  }
0x9: {  	s8 =	smul.u32 $0x140, s1;
	s1 =	sshll.u32 s1, $0x4;
	s9 =	sshrl.u32 s15, $0x1  }
0xa: {  	s1 =	sor.u32 s12, s1;
	s16 =	sshrl.u32 s14, $0x2;
	s5 =	sadd.s32 s5, s6  }
0xb: {  	s11 =	ssub.s32 s15, s9;
	s1 =	smul.u32 $0xA00, s1;
	s17 =	sadd.s32 s10, s8  }
0xc: {  	s15 =	simm.s32 $0x800;
	s8 =	simm.s32 $0x700;
	s10 =	simm.s32 $0x780  }
0xd: {  	s0 =	sadd.s32 s5, s0;
	s5 =	sadd.s32 s16, s2;
	s6 =	sshll.u32 s17, $0x7  }
0xe: {  	s26 =	smax.u32 s11, $0x1;
	s16 =	simm.s32 $0x5;
	s17 =	simm.s32 $0x400  }
0xf: {  	s11 =	simm.s32 $0x0;
	s18 =	sadd.s32 $0x4000, s5;
	[dreg:$0xb] =	wrdreg s26  }
0x10: {  	s19 =	sadd.s32 $0x8000, s5;
	s20 =	sadd.s32 $0xC000, s5;
	[dreg:$0x4] =	wrdreg s18  }
0x11: {  	s21 =	sadd.s32 s7, s1;
	s22 =	sadd.s32 s6, s7;
	[dreg:$0x5] =	wrdreg s19  }
0x12: {  	s23 =	sadd.s32 $0x10000, s5;
	s0 =	sadd.s32 $0x8EA00, s0;
	[dreg:$0x6] =	wrdreg s20  }
0x13: {  	s26 =	simm.s32 $0x180;
	s1 =	simm.s32 $0x500;
	[dreg:$0x8] =	wrdreg s23  }
0x14: {  	s6 =	simm.s32 $0x680;
	s7 =	simm.s32 $0x580;
	[dreg:$0x7] =	wrdreg s21  }
0x15: {  	s24 =	sadd.s32 $0x80, s21;
	s25 =	sadd.s32 $0x180, s22;
	[dreg:$0xa] =	wrdreg s0  }
0x16: {  	s14 =	sadd.s32 $0x100, s22;
	s18 =	simm.s32 $0x1;
	s19 =	simm.s32 $0x80  }
0x17: {  	s20 =	simm.s32 $0x4800;
	s21 =	simm.s32 $0x3;
	s22 =	simm.s32 $0x200  }
0x18: {  	s23 =	simm.s32 $0x100;
	s0 =	simm.s32 $0x600;
	[dreg:$0x9] =	wrdreg s24  }
0x19: {  	v0 =	vimm.f32 $0.0e+00;
	[dreg:$0x3] =	wrdreg s25;
	s24 =	simm.s32 $0x4;
	s25 =	simm.s32 $0x280  }
.LBB2_1:
0x1a: {  	s12 =	simm.s32 $0x0;
	s13 =	simm.s32 $0x200  }
.LBB2_2:
0x1b: {  	p0 =	sne.s32 s13, $0xFE00;
	[tilespmem:s12+$0x870] =	vst v0  }
0x1c: {  	[tilespmem:s12+$0x800] =	vst v0  }
0x1d: {  	[tilespmem:s12+$0x810] =	vst v0  }
.Ltmp0:
0x1e: {  	[tilespmem:s12+$0x820] =	vst v0;
	(pc) =	sbr.rel @p0 .LBB2_2-.Ltmp0, $4  }
0x1f: {  	[tilespmem:s12+$0x830] =	vst v0  }
0x20: {  	[tilespmem:s12+$0x840] =	vst v0  }
0x21: {  	[tilespmem:s12+$0x850] =	vst v0  }
0x22: {  	[tilespmem:s12+$0x860] =	vst v0;
	s12 =	sshra.s32 s13, $0x2;
	s13 =	sadd.s32 $0x200, s13  }
0x23: {  	[tilespmem:s12+$0x870] =	vst v0  }
0x24: {  	[tilespmem:s12+$0x800] =	vst v0  }
0x25: {  	[tilespmem:s12+$0x810] =	vst v0  }
0x26: {  	[tilespmem:s12+$0x820] =	vst v0  }
0x27: {  	[tilespmem:s12+$0x830] =	vst v0  }
0x28: {  	[tilespmem:s12+$0x840] =	vst v0  }
0x29: {  	[tilespmem:s12+$0x850] =	vst v0  }
0x2a: {  	[tilespmem:s12+$0x860] =	vst v0  }
0x2b: {  	[spmem:s5] =	stream.linear.scatter [tilespmem:s15], [sflag:$0x5], $0x4000, $0x38;
	[tilespmem:$0x1C400] =	vst v63  }
0x2c: {  	_ =	swait.ge [sflag:s16], $0x4000  }
0x2d: {  	[sflag:s16] =	ssyncset.done $0x0  }
0x2e: {  	s9 =	rddreg [dreg:$0x4];
	[sflag:s16] =	ssyncadd.s32 $0xFFFFC000  }
0x2f: {  	[spmem:s9] =	stream.linear.scatter [tilespmem:s15], [sflag:$0x5], $0x4000, $0x38;
	[tilespmem:$0x1C400] =	vst v63  }
0x30: {  	_ =	swait.ge [sflag:s16], $0x4000  }
0x31: {  	[sflag:s16] =	ssyncset.done $0x0  }
0x32: {  	s12 =	rddreg [dreg:$0x5];
	[sflag:s16] =	ssyncadd.s32 $0xFFFFC000  }
0x33: {  	[spmem:s12] =	stream.linear.scatter [tilespmem:s15], [sflag:$0x5], $0x4000, $0x38;
	[tilespmem:$0x1C400] =	vst v63  }
0x34: {  	_ =	swait.ge [sflag:s16], $0x4000  }
0x35: {  	[sflag:s16] =	ssyncset.done $0x0  }
0x36: {  	s13 =	rddreg [dreg:$0x6];
	[sflag:s16] =	ssyncadd.s32 $0xFFFFC000  }
0x37: {  	[spmem:s13] =	stream.linear.scatter [tilespmem:s15], [sflag:$0x5], $0x4000, $0x38;
	[tilespmem:$0x1C400] =	vst v63  }
0x38: {  	_ =	swait.ge [sflag:s16], $0x4000  }
0x39: {  	[sflag:s16] =	ssyncset.done $0x0  }
0x3a: {  	s12 =	rddreg [dreg:$0x8];
	[sflag:s16] =	ssyncadd.s32 $0xFFFFC000  }
0x3b: {  	[spmem:s12] =	stream.linear.scatter [tilespmem:s15], [sflag:$0x5], $0x3C00, $0x38;
	[tilespmem:$0x1C400] =	vst v63  }
0x3c: {  	_ =	swait.ge [sflag:s16], $0x3C00  }
0x3d: {  	[sflag:s16] =	ssyncset.done $0x0  }
0x3e: {  	[sflag:s16] =	ssyncadd.s32 $0xFFFFC400  }
0x3f: {  	[bflag:$0x0] =	sbarrier.arrive $0xFFFF  }
0x40: {  	s12 =	simm.s32 $0x0;
	s13 =	rddreg [dreg:$0x7]  }
0x41: {  	[tilespmem:s12], [sflag:$0x1] =	stream.linear.gather [hbm4b:s13+s12], $0x400, $0x38;
	[tilespmem:$0x1C400] =	vst v63  }
0x42: {  	s13 =	rddreg [dreg:$0x9]  }
0x43: {  	[tilespmem:s17], [sflag:$0x2] =	stream.linear.gather [hbm4b:s13+s12], $0x400, $0x38;
	[tilespmem:$0x1C400] =	vst v63  }
0x44: {  	_ =	swait.ge [sflag:s18], $0x400  }
0x45: {  	[sflag:s18] =	ssyncset.done $0x0  }
0x46: {  	[sflag:s18] =	ssyncadd.s32 $0xFFFFFC00  }
0x47: {  	[tilespmem:s15], [sflag:$0x3] =	stream.indirect.gather [hbm4b:s4+s19], $0x80, s12, s19, $0xb8;
	[tilespmem:$0x1C400] =	vst v63  }
0x48: {  	_ = 	snop  }
0x49: {  	[tilespmem:s20], [sflag:$0x4] =	stream.indirect.gather [hbm4b:s4+s19], $0x80, s19, s19, $0xb8;
	[tilespmem:$0x1C400] =	vst v63  }
0x4a: {  	_ =	swait.ge [sflag:s21], $0x4000  }
0x4b: {  	[sflag:s21] =	ssyncset.done $0x0  }
0x4c: {  	[sflag:s21] =	ssyncadd.s32 $0xFFFFC000  }
0x4d: {  	[spmem:s2] =	stream.indirect.scatter.add.f32 [tilespmem:s15], [sflag:$0x5], $0x80, s22, s19, $0xb8;
	[tilespmem:$0x1C400] =	vst v63  }
0x4e: {  	_ =	swait.ge [sflag:s16], $0x4000  }
0x4f: {  	[sflag:s16] =	ssyncset.done $0x0  }
0x50: {  	[sflag:s16] =	ssyncadd.s32 $0xFFFFC000  }
0x51: {  	[tilespmem:s15], [sflag:$0x3] =	stream.indirect.gather [hbm4b:s4+s19], $0x80, s23, s19, $0xb8;
	[tilespmem:$0x1C400] =	vst v63  }
0x52: {  	_ =	swait.ge [sflag:s24], $0x4000  }
0x53: {  	[sflag:s24] =	ssyncset.done $0x0  }
0x54: {  	[sflag:s24] =	ssyncadd.s32 $0xFFFFC000  }
0x55: {  	[spmem:s2] =	stream.indirect.scatter.add.f32 [tilespmem:s20], [sflag:$0x5], $0x80, s25, s19, $0xb8;
	[tilespmem:$0x1C400] =	vst v63  }
0x56: {  	_ =	swait.ge [sflag:s16], $0x4000  }
0x57: {  	[sflag:s16] =	ssyncset.done $0x0  }
0x58: {  	[sflag:s16] =	ssyncadd.s32 $0xFFFFC000  }
0x59: {  	[tilespmem:s20], [sflag:$0x4] =	stream.indirect.gather [hbm4b:s4+s19], $0x80, s26, s19, $0xb8;
	[tilespmem:$0x1C400] =	vst v63  }
0x5a: {  	_ =	swait.ge [sflag:s21], $0x4000  }
0x5b: {  	[sflag:s21] =	ssyncset.done $0x0  }
0x5c: {  	[sflag:s21] =	ssyncadd.s32 $0xFFFFC000  }
0x5d: {  	[spmem:s2] =	stream.indirect.scatter.add.f32 [tilespmem:s15], [sflag:$0x5], $0x80, s28, s19, $0xb8;
	[tilespmem:$0x1C400] =	vst v63  }
0x5e: {  	_ =	swait.ge [sflag:s16], $0x4000  }
0x5f: {  	[sflag:s16] =	ssyncset.done $0x0  }
0x60: {  	[sflag:s16] =	ssyncadd.s32 $0xFFFFC000  }
0x61: {  	_ =	swait.ge [sflag:s29], $0x400  }
0x62: {  	[sflag:s29] =	ssyncset.done $0x0  }
0x63: {  	[sflag:s29] =	ssyncadd.s32 $0xFFFFFC00  }
0x64: {  	[tilespmem:s15], [sflag:$0x3] =	stream.indirect.gather [hbm4b:s4+s19], $0x80, s17, s19, $0xb8;
	[tilespmem:$0x1C400] =	vst v63  }
0x65: {  	_ =	swait.ge [sflag:s24], $0x4000  }
0x66: {  	[sflag:s24] =	ssyncset.done $0x0  }
0x67: {  	[sflag:s24] =	ssyncadd.s32 $0xFFFFC000  }
0x68: {  	[spmem:s2] =	stream.indirect.scatter.add.f32 [tilespmem:s20], [sflag:$0x5], $0x80, s30, s19, $0xb8;
	[tilespmem:$0x1C400] =	vst v63  }
0x69: {  	_ =	swait.ge [sflag:s16], $0x4000  }
0x6a: {  	[sflag:s16] =	ssyncset.done $0x0  }
0x6b: {  	s13 =	sadd.s32 $0x0, s14;
	[sflag:s16] =	ssyncadd.s32 $0xFFFFC000  }
0x6c: {  	[tilespmem:s3], [sflag:$0x1] =	stream.linear.gather [hbm4b:s13+s3], $0x400, $0x38;
	[tilespmem:$0x1C400] =	vst v63  }
0x6d: {  	_ = 	snop  }
0x6e: {  	[tilespmem:s20], [sflag:$0x4] =	stream.indirect.gather [hbm4b:s4+s19], $0x80, s31, s19, $0xb8;
	[tilespmem:$0x1C400] =	vst v63  }
0x6f: {  	_ =	swait.ge [sflag:s21], $0x4000  }
0x70: {  	[sflag:s21] =	ssyncset.done $0x0  }
0x71: {  	[sflag:s21] =	ssyncadd.s32 $0xFFFFC000  }
0x72: {  	[spmem:s2] =	stream.indirect.scatter.add.f32 [tilespmem:s15], [sflag:$0x5], $0x80, s0, s19, $0xb8;
	[tilespmem:$0x1C400] =	vst v63  }
0x73: {  	_ =	swait.ge [sflag:s16], $0x4000  }
0x74: {  	[sflag:s16] =	ssyncset.done $0x0  }
0x75: {  	[sflag:s16] =	ssyncadd.s32 $0xFFFFC000  }
0x76: {  	[tilespmem:s15], [sflag:$0x3] =	stream.indirect.gather [hbm4b:s4+s19], $0x80, s1, s19, $0xb8;
	[tilespmem:$0x1C400] =	vst v63  }
0x77: {  	_ =	swait.ge [sflag:s24], $0x4000  }
0x78: {  	[sflag:s24] =	ssyncset.done $0x0  }
0x79: {  	[sflag:s24] =	ssyncadd.s32 $0xFFFFC000  }
0x7a: {  	[spmem:s2] =	stream.indirect.scatter.add.f32 [tilespmem:s20], [sflag:$0x5], $0x80, s6, s19, $0xb8;
	[tilespmem:$0x1C400] =	vst v63  }
0x7b: {  	_ =	swait.ge [sflag:s16], $0x4000  }
0x7c: {  	[sflag:s16] =	ssyncset.done $0x0  }
0x7d: {  	[sflag:s16] =	ssyncadd.s32 $0xFFFFC000  }
0x7e: {  	[tilespmem:s20], [sflag:$0x4] =	stream.indirect.gather [hbm4b:s4+s19], $0x80, s7, s19, $0xb8;
	[tilespmem:$0x1C400] =	vst v63  }
0x7f: {  	_ =	swait.ge [sflag:s21], $0x4000  }
0x80: {  	[sflag:s21] =	ssyncset.done $0x0  }
0x81: {  	[sflag:s21] =	ssyncadd.s32 $0xFFFFC000  }
0x82: {  	[spmem:s2] =	stream.indirect.scatter.add.f32 [tilespmem:s15], [sflag:$0x5], $0x80, s8, s19, $0xb8;
	[tilespmem:$0x1C400] =	vst v63  }
0x83: {  	_ =	swait.ge [sflag:s16], $0x4000  }
0x84: {  	[sflag:s16] =	ssyncset.done $0x0  }
0x85: {  	[sflag:s16] =	ssyncadd.s32 $0xFFFFC000  }
0x86: {  	_ =	swait.ge [sflag:s18], $0x400  }
0x87: {  	[sflag:s18] =	ssyncset.done $0x0  }
0x88: {  	[sflag:s18] =	ssyncadd.s32 $0xFFFFFC00  }
0x89: {  	[tilespmem:s15], [sflag:$0x3] =	stream.indirect.gather [hbm4b:s4+s19], $0x80, s3, s19, $0xb8;
	[tilespmem:$0x1C400] =	vst v63  }
0x8a: {  	_ =	swait.ge [sflag:s24], $0x4000  }
0x8b: {  	[sflag:s24] =	ssyncset.done $0x0  }
0x8c: {  	[sflag:s24] =	ssyncadd.s32 $0xFFFFC000  }
0x8d: {  	[spmem:s2] =	stream.indirect.scatter.add.f32 [tilespmem:s20], [sflag:$0x5], $0x80, s10, s19, $0xb8;
	[tilespmem:$0x1C400] =	vst v63  }
0x8e: {  	_ =	swait.ge [sflag:s16], $0x4000  }
0x8f: {  	s13 =	rddreg [dreg:$0x3];
	[sflag:s16] =	ssyncset.done $0x0  }
0x90: {  	s12 =	simm.s32 $0x100;
	[sflag:s16] =	ssyncadd.s32 $0xFFFFC000;
	s13 =	sadd.s32 $0x0, s13  }
.LBB2_4:
0x91: {  	[tilespmem:s17], [sflag:$0x2] =	stream.linear.gather [hbm4b:s13+s3], $0x400, $0x38;
	[tilespmem:$0x1C400] =	vst v63  }
0x92: {  	_ = 	snop  }
0x93: {  	[tilespmem:s20], [sflag:$0x4] =	stream.indirect.gather [hbm4b:s4+s19], $0x80, s19, s19, $0xb8;
	[tilespmem:$0x1C400] =	vst v63  }
0x94: {  	_ =	swait.ge [sflag:s21], $0x4000  }
0x95: {  	[sflag:s21] =	ssyncset.done $0x0  }
0x96: {  	[sflag:s21] =	ssyncadd.s32 $0xFFFFC000  }
0x97: {  	[spmem:s2] =	stream.indirect.scatter.add.f32 [tilespmem:s15], [sflag:$0x5], $0x80, s22, s19, $0xb8;
	[tilespmem:$0x1C400] =	vst v63  }
0x98: {  	_ =	swait.ge [sflag:s16], $0x4000  }
0x99: {  	[sflag:s16] =	ssyncset.done $0x0  }
0x9a: {  	[sflag:s16] =	ssyncadd.s32 $0xFFFFC000  }
0x9b: {  	[tilespmem:s15], [sflag:$0x3] =	stream.indirect.gather [hbm4b:s4+s19], $0x80, s23, s19, $0xb8;
	[tilespmem:$0x1C400] =	vst v63  }
0x9c: {  	_ =	swait.ge [sflag:s24], $0x4000  }
0x9d: {  	[sflag:s24] =	ssyncset.done $0x0  }
0x9e: {  	[sflag:s24] =	ssyncadd.s32 $0xFFFFC000  }
0x9f: {  	[spmem:s2] =	stream.indirect.scatter.add.f32 [tilespmem:s20], [sflag:$0x5], $0x80, s25, s19, $0xb8;
	[tilespmem:$0x1C400] =	vst v63  }
0xa0: {  	_ =	swait.ge [sflag:s16], $0x4000  }
0xa1: {  	[sflag:s16] =	ssyncset.done $0x0  }
0xa2: {  	[sflag:s16] =	ssyncadd.s32 $0xFFFFC000  }
0xa3: {  	[tilespmem:s20], [sflag:$0x4] =	stream.indirect.gather [hbm4b:s4+s19], $0x80, s26, s19, $0xb8;
	[tilespmem:$0x1C400] =	vst v63  }
0xa4: {  	_ =	swait.ge [sflag:s21], $0x4000  }
0xa5: {  	[sflag:s21] =	ssyncset.done $0x0  }
0xa6: {  	[sflag:s21] =	ssyncadd.s32 $0xFFFFC000  }
0xa7: {  	[spmem:s2] =	stream.indirect.scatter.add.f32 [tilespmem:s15], [sflag:$0x5], $0x80, s28, s19, $0xb8;
	[tilespmem:$0x1C400] =	vst v63  }
0xa8: {  	_ =	swait.ge [sflag:s16], $0x4000  }
0xa9: {  	[sflag:s16] =	ssyncset.done $0x0  }
0xaa: {  	[sflag:s16] =	ssyncadd.s32 $0xFFFFC000  }
0xab: {  	_ =	swait.ge [sflag:s29], $0x400  }
0xac: {  	[sflag:s29] =	ssyncset.done $0x0  }
0xad: {  	[sflag:s29] =	ssyncadd.s32 $0xFFFFFC00  }
0xae: {  	[tilespmem:s15], [sflag:$0x3] =	stream.indirect.gather [hbm4b:s4+s19], $0x80, s17, s19, $0xb8;
	[tilespmem:$0x1C400] =	vst v63  }
0xaf: {  	_ =	swait.ge [sflag:s24], $0x4000  }
0xb0: {  	[sflag:s24] =	ssyncset.done $0x0  }
0xb1: {  	[sflag:s24] =	ssyncadd.s32 $0xFFFFC000  }
0xb2: {  	[spmem:s2] =	stream.indirect.scatter.add.f32 [tilespmem:s20], [sflag:$0x5], $0x80, s30, s19, $0xb8;
	[tilespmem:$0x1C400] =	vst v63  }
0xb3: {  	_ =	swait.ge [sflag:s16], $0x4000  }
0xb4: {  	s13 =	smov.u32 s12;
	[sflag:s16] =	ssyncset.done $0x0  }
0xb5: {  	s9 =	sadd.s32 s13, s14;
	[sflag:s16] =	ssyncadd.s32 $0xFFFFC000  }
0xb6: {  	[tilespmem:s3], [sflag:$0x1] =	stream.linear.gather [hbm4b:s9+s3], $0x400, $0x38;
	[tilespmem:$0x1C400] =	vst v63  }
0xb7: {  	_ = 	snop  }
0xb8: {  	[tilespmem:s20], [sflag:$0x4] =	stream.indirect.gather [hbm4b:s4+s19], $0x80, s31, s19, $0xb8;
	[tilespmem:$0x1C400] =	vst v63  }
0xb9: {  	_ =	swait.ge [sflag:s21], $0x4000  }
0xba: {  	[sflag:s21] =	ssyncset.done $0x0  }
0xbb: {  	[sflag:s21] =	ssyncadd.s32 $0xFFFFC000  }
0xbc: {  	[spmem:s2] =	stream.indirect.scatter.add.f32 [tilespmem:s15], [sflag:$0x5], $0x80, s0, s19, $0xb8;
	[tilespmem:$0x1C400] =	vst v63  }
0xbd: {  	_ =	swait.ge [sflag:s16], $0x4000  }
0xbe: {  	[sflag:s16] =	ssyncset.done $0x0  }
0xbf: {  	[sflag:s16] =	ssyncadd.s32 $0xFFFFC000  }
0xc0: {  	[tilespmem:s15], [sflag:$0x3] =	stream.indirect.gather [hbm4b:s4+s19], $0x80, s1, s19, $0xb8;
	[tilespmem:$0x1C400] =	vst v63  }
0xc1: {  	_ =	swait.ge [sflag:s24], $0x4000  }
0xc2: {  	[sflag:s24] =	ssyncset.done $0x0  }
0xc3: {  	[sflag:s24] =	ssyncadd.s32 $0xFFFFC000  }
0xc4: {  	[spmem:s2] =	stream.indirect.scatter.add.f32 [tilespmem:s20], [sflag:$0x5], $0x80, s6, s19, $0xb8;
	[tilespmem:$0x1C400] =	vst v63  }
0xc5: {  	_ =	swait.ge [sflag:s16], $0x4000  }
0xc6: {  	[sflag:s16] =	ssyncset.done $0x0  }
0xc7: {  	[sflag:s16] =	ssyncadd.s32 $0xFFFFC000  }
0xc8: {  	[tilespmem:s20], [sflag:$0x4] =	stream.indirect.gather [hbm4b:s4+s19], $0x80, s7, s19, $0xb8;
	[tilespmem:$0x1C400] =	vst v63  }
0xc9: {  	_ =	swait.ge [sflag:s21], $0x4000  }
0xca: {  	[sflag:s21] =	ssyncset.done $0x0  }
0xcb: {  	[sflag:s21] =	ssyncadd.s32 $0xFFFFC000  }
0xcc: {  	[spmem:s2] =	stream.indirect.scatter.add.f32 [tilespmem:s15], [sflag:$0x5], $0x80, s8, s19, $0xb8;
	[tilespmem:$0x1C400] =	vst v63  }
0xcd: {  	_ =	swait.ge [sflag:s16], $0x4000  }
0xce: {  	[sflag:s16] =	ssyncset.done $0x0  }
0xcf: {  	[sflag:s16] =	ssyncadd.s32 $0xFFFFC000  }
0xd0: {  	_ =	swait.ge [sflag:s18], $0x400  }
0xd1: {  	[sflag:s18] =	ssyncset.done $0x0  }
0xd2: {  	[sflag:s18] =	ssyncadd.s32 $0xFFFFFC00  }
0xd3: {  	[tilespmem:s15], [sflag:$0x3] =	stream.indirect.gather [hbm4b:s4+s19], $0x80, s3, s19, $0xb8;
	[tilespmem:$0x1C400] =	vst v63  }
0xd4: {  	_ =	swait.ge [sflag:s24], $0x4000  }
0xd5: {  	p0 =	sne.s32 s12, $0x800;
	[sflag:s24] =	ssyncset.done $0x0  }
.Ltmp1:
0xd6: {  	[sflag:s24] =	ssyncadd.s32 $0xFFFFC000;
	(pc) =	sbr.rel @p0 .LBB2_4-.Ltmp1, $4  }
0xd7: {  	[spmem:s2] =	stream.indirect.scatter.add.f32 [tilespmem:s20], [sflag:$0x5], $0x80, s10, s19, $0xb8;
	[tilespmem:$0x1C400] =	vst v63  }
0xd8: {  	_ =	swait.ge [sflag:s16], $0x4000  }
0xd9: {  	[sflag:s16] =	ssyncset.done $0x0;
	s9 =	rddreg [dreg:$0x3]  }
0xda: {  	s12 =	sadd.s32 $0x100, s12;
	[sflag:s16] =	ssyncadd.s32 $0xFFFFC000;
	s13 =	sadd.s32 s13, s9  }
0xdb: {  	[tilespmem:s17], [sflag:$0x2] =	stream.linear.gather [hbm4b:s13+s3], $0x400, $0x38;
	[tilespmem:$0x1C400] =	vst v63  }
0xdc: {  	_ = 	snop  }
0xdd: {  	[tilespmem:s20], [sflag:$0x4] =	stream.indirect.gather [hbm4b:s4+s19], $0x80, s19, s19, $0xb8;
	[tilespmem:$0x1C400] =	vst v63  }
0xde: {  	_ =	swait.ge [sflag:s21], $0x4000  }
0xdf: {  	[sflag:s21] =	ssyncset.done $0x0  }
0xe0: {  	[sflag:s21] =	ssyncadd.s32 $0xFFFFC000  }
0xe1: {  	[spmem:s2] =	stream.indirect.scatter.add.f32 [tilespmem:s15], [sflag:$0x5], $0x80, s22, s19, $0xb8;
	[tilespmem:$0x1C400] =	vst v63  }
0xe2: {  	_ =	swait.ge [sflag:s16], $0x4000  }
0xe3: {  	[sflag:s16] =	ssyncset.done $0x0  }
0xe4: {  	[sflag:s16] =	ssyncadd.s32 $0xFFFFC000  }
0xe5: {  	[tilespmem:s15], [sflag:$0x3] =	stream.indirect.gather [hbm4b:s4+s19], $0x80, s23, s19, $0xb8;
	[tilespmem:$0x1C400] =	vst v63  }
0xe6: {  	_ =	swait.ge [sflag:s24], $0x4000  }
0xe7: {  	[sflag:s24] =	ssyncset.done $0x0  }
0xe8: {  	[sflag:s24] =	ssyncadd.s32 $0xFFFFC000  }
0xe9: {  	[spmem:s2] =	stream.indirect.scatter.add.f32 [tilespmem:s20], [sflag:$0x5], $0x80, s25, s19, $0xb8;
	[tilespmem:$0x1C400] =	vst v63  }
0xea: {  	_ =	swait.ge [sflag:s16], $0x4000  }
0xeb: {  	[sflag:s16] =	ssyncset.done $0x0  }
0xec: {  	[sflag:s16] =	ssyncadd.s32 $0xFFFFC000  }
0xed: {  	[tilespmem:s20], [sflag:$0x4] =	stream.indirect.gather [hbm4b:s4+s19], $0x80, s26, s19, $0xb8;
	[tilespmem:$0x1C400] =	vst v63  }
0xee: {  	_ =	swait.ge [sflag:s21], $0x4000  }
0xef: {  	[sflag:s21] =	ssyncset.done $0x0  }
0xf0: {  	[sflag:s21] =	ssyncadd.s32 $0xFFFFC000  }
0xf1: {  	[spmem:s2] =	stream.indirect.scatter.add.f32 [tilespmem:s15], [sflag:$0x5], $0x80, s28, s19, $0xb8;
	[tilespmem:$0x1C400] =	vst v63  }
0xf2: {  	_ =	swait.ge [sflag:s16], $0x4000  }
0xf3: {  	[sflag:s16] =	ssyncset.done $0x0  }
0xf4: {  	[sflag:s16] =	ssyncadd.s32 $0xFFFFC000  }
0xf5: {  	_ =	swait.ge [sflag:s29], $0x400  }
0xf6: {  	[sflag:s29] =	ssyncset.done $0x0  }
0xf7: {  	[sflag:s29] =	ssyncadd.s32 $0xFFFFFC00  }
0xf8: {  	[tilespmem:s15], [sflag:$0x3] =	stream.indirect.gather [hbm4b:s4+s19], $0x80, s17, s19, $0xb8;
	[tilespmem:$0x1C400] =	vst v63  }
0xf9: {  	_ =	swait.ge [sflag:s24], $0x4000  }
0xfa: {  	[sflag:s24] =	ssyncset.done $0x0  }
0xfb: {  	[sflag:s24] =	ssyncadd.s32 $0xFFFFC000  }
0xfc: {  	[spmem:s2] =	stream.indirect.scatter.add.f32 [tilespmem:s20], [sflag:$0x5], $0x80, s30, s19, $0xb8;
	[tilespmem:$0x1C400] =	vst v63  }
0xfd: {  	_ =	swait.ge [sflag:s16], $0x4000  }
0xfe: {  	[sflag:s16] =	ssyncset.done $0x0  }
0xff: {  	[sflag:s16] =	ssyncadd.s32 $0xFFFFC000  }
0x100: {  	[tilespmem:s20], [sflag:$0x4] =	stream.indirect.gather [hbm4b:s4+s19], $0x80, s31, s19, $0xb8;
	[tilespmem:$0x1C400] =	vst v63  }
0x101: {  	_ =	swait.ge [sflag:s21], $0x4000  }
0x102: {  	[sflag:s21] =	ssyncset.done $0x0  }
0x103: {  	[sflag:s21] =	ssyncadd.s32 $0xFFFFC000  }
0x104: {  	[spmem:s2] =	stream.indirect.scatter.add.f32 [tilespmem:s15], [sflag:$0x5], $0x80, s0, s19, $0xb8;
	[tilespmem:$0x1C400] =	vst v63  }
0x105: {  	_ =	swait.ge [sflag:s16], $0x4000  }
0x106: {  	[sflag:s16] =	ssyncset.done $0x0  }
0x107: {  	[sflag:s16] =	ssyncadd.s32 $0xFFFFC000  }
0x108: {  	[tilespmem:s15], [sflag:$0x3] =	stream.indirect.gather [hbm4b:s4+s19], $0x80, s1, s19, $0xb8;
	[tilespmem:$0x1C400] =	vst v63  }
0x109: {  	_ =	swait.ge [sflag:s24], $0x4000  }
0x10a: {  	[sflag:s24] =	ssyncset.done $0x0  }
0x10b: {  	[sflag:s24] =	ssyncadd.s32 $0xFFFFC000  }
0x10c: {  	[spmem:s2] =	stream.indirect.scatter.add.f32 [tilespmem:s20], [sflag:$0x5], $0x80, s6, s19, $0xb8;
	[tilespmem:$0x1C400] =	vst v63  }
0x10d: {  	_ =	swait.ge [sflag:s16], $0x4000  }
0x10e: {  	[sflag:s16] =	ssyncset.done $0x0  }
0x10f: {  	[sflag:s16] =	ssyncadd.s32 $0xFFFFC000  }
0x110: {  	[tilespmem:s20], [sflag:$0x4] =	stream.indirect.gather [hbm4b:s4+s19], $0x80, s7, s19, $0xb8;
	[tilespmem:$0x1C400] =	vst v63  }
0x111: {  	_ =	swait.ge [sflag:s21], $0x4000  }
0x112: {  	[sflag:s21] =	ssyncset.done $0x0  }
0x113: {  	[sflag:s21] =	ssyncadd.s32 $0xFFFFC000  }
0x114: {  	[spmem:s2] =	stream.indirect.scatter.add.f32 [tilespmem:s15], [sflag:$0x5], $0x80, s8, s19, $0xb8;
	[tilespmem:$0x1C400] =	vst v63  }
0x115: {  	_ =	swait.ge [sflag:s16], $0x4000  }
0x116: {  	[sflag:s16] =	ssyncset.done $0x0  }
0x117: {  	[sflag:s16] =	ssyncadd.s32 $0xFFFFC000  }
0x118: {  	_ =	swait.ge [sflag:s24], $0x4000  }
0x119: {  	[sflag:s24] =	ssyncset.done $0x0  }
0x11a: {  	[sflag:s24] =	ssyncadd.s32 $0xFFFFC000  }
0x11b: {  	[spmem:s2] =	stream.indirect.scatter.add.f32 [tilespmem:s20], [sflag:$0x5], $0x80, s10, s19, $0xb8;
	[tilespmem:$0x1C400] =	vst v63  }
0x11c: {  	_ =	swait.ge [sflag:s16], $0x4000  }
0x11d: {  	[sflag:s16] =	ssyncset.done $0x0  }
0x11e: {  	s9 =	stileid.u32;
	[sflag:s16] =	ssyncadd.s32 $0xFFFFC000  }
0x11f: {  	s9 =	sshll.u32 s9, $0x6;
	[bflag:$0x0] =	sbarrier.arrive $0xFFFF  }
0x120: {  	s12 =	sshrl.u32 s5, $0x3;
	s9 =	sor.u32 $0x1C05, s9;
	s13 =	rddreg [dreg:$0xa]  }
0x121: {  	[hbm:s13], [sflag:s9] =	dma.local [spmem:s12], $0x2780  }
0x122: {  	_ =	swait.ge [sflag:s16], $0x2780  }
0x123: {  	s11 =	sadd.s32 $0x1, s11;
	s13 =	rddreg [dreg:$0xb]  }
0x124: {  	p0 =	sne.s32 s11, s13  }
.Ltmp2:
0x125: {  	_ = 	snop;
	(pc) =	sbr.rel @p0 .LBB2_1-.Ltmp2, $3  }
0x126: {  	_ =	sdelay $0x1  }
0x127: {  	[sflag:s16] =	ssyncset.done $0x0  }
0x128: {  	[sflag:s16] =	ssyncadd.s32 $0xFFFFD880  }
0x129: {  	_ =	sfence.sel $0x180000  }
0x12a: {  	[bflag:$0x0] =	sbarrier.arrive $0xFFFF  }
0x12b: {  	_ =	strace $0x9000004A  }
0x12c: {  	s0 =	stileid.u32;
	[bflag:$0x2] =	sbarrier.arrive $0xFFFF  }
0x12d: {  	p0 =	sne.s32 s0, $0x0;
	s0 =	rddreg [dreg:$0x2]  }
0x12e: {  	s0 =	sadd.s32 @!p0 $0x100000, s0  }
0x12f: {  	[sflag:s0] =	ssyncadd.tile.s32 @!p0 $0x1;
	_ =	shalt  }
.Lfunc_end2:
_tile_overlayer_lowered:
.L_overlay_start_2:
0x130: {  	(tag) =	ssettag $0x2  }
0x131: {  	s0 =	rddreg [dreg:$0x0];
	s2 =	stileid.u32  }
0x132: {  	s1 =	rddreg [dreg:$0x1];
	p0 =	sne.s32 s2, $0x0  }
0x133: {  	s3 =	rddreg [dreg:$0x2];
	[bflag:$0x3] =	sbarrier.arrive $0xFFFF;
	s2 =	simm.s32 @!p0 $0x1C05  }
0x134: {  	[timem:s3], [sflag:s2] =	dma.local @!p0 [hbm:s0], s1  }
0x135: {  	s0 =	simm.s32 @!p0 $0x5  }
0x136: {  	_ =	swait.ge @!p0 [sflag:s0], s1  }
0x137: {  	s1 =	ssub.s32 @!p0 $0x0, s1;
	[sflag:s0] =	ssyncset.done @!p0 $0x0  }
0x138: {  	[sflag:s0] =	ssyncadd.s32 @!p0 s1  }
0x139: {  	[bflag:$0x3] =	sbarrier.arrive $0xFFFF  }
0x13a: {  	_ =	shalt  }

// kernel: kernel.16.cloned.1.call-start
scs
__scs_entry_jumppad:
0x0: {  	(pc) =	sbr.rel $0x88, $3  }
0x1: {  	(tag) =	ssettag $0x0;
	lr =	simm.s32 $0x1  }
0x2: {  	[smem:$0x3F8E] =	sst lr;
	_ =	strace $0xD0000000  }
0x3: {  	_ = 	snop  }
0x4: {  	_ = 	snop  }
0x5: {  	_ = 	snop  }
0x6: {  	_ = 	snop  }
0x7: {  	_ = 	snop  }
__scs_overlays_trampoline_lowered:
0x8: {  	[smem:$0x3F9D] =	sst s0  }
0x9: {  	[smem:$0x3F9E] =	sst s1  }
0xa: {  	[smem:$0x3F9F] =	sst s2  }
0xb: {  	[smem:$0x3FA0] =	sst s3  }
0xc: {  	[smem:$0x3FA1] =	sst s4  }
0xd: {  	[smem:$0x3FA2] =	sst s5  }
0xe: {  	[smem:$0x3FA3] =	sst s6  }
0xf: {  	[smem:$0x3FA4] =	sst s7  }
0x10: {  	[smem:$0x3FA5] =	sst s8  }
0x11: {  	[smem:$0x3FA6] =	sst s9;
	s0 =	simm.s32 @!p0 $0x0  }
0x12: {  	s1 =	sld [smem:$0x3F8C];
	s0 =	simm.s32 @p0 $0x1  }
0x13: {  	[smem:$0x3FA7] =	sst s0;
	s0 =	simm.s32 @!p1 $0x0  }
0x14: {  	s2 =	sld [smem:$0x3F8B];
	s0 =	simm.s32 @p1 $0x1  }
0x15: {  	[smem:$0x3FA8] =	sst s0;
	s0 =	simm.s32 @!p2 $0x0  }
0x16: {  	s3 =	sld [smem:$0x3FDB];
	s0 =	simm.s32 @p2 $0x1  }
0x17: {  	s4 =	simm.s32 $0x1BF5;
	[smem:$0x3FAA] =	sst s0  }
0x18: {  	s0 =	sld [smem:$0x3F8D];
	_ =	swait.ge [sflag:s4], $0x0  }
0x19: {  	s7 =	sld [smem:$0x3F8E]  }
0x1a: {  	s8 =	sadd.s32 $0xFFFFE003, lr  }
0x1b: {  	s9 =	sadd.s32 $0xFFFFFEF7, lr;
	s5 =	simm.s32 $0xFFFFFFFF;
	p2 =	slt.u32 s8, $0xFFFFF086  }
0x1c: {  	p1 =	slt.u32 s9, $0xF7A;
	s5 =	simm.s32 @!p2 $0x0  }
0x1d: {  	s5 =	simm.s32 @p1 $0x1;
	p0 =	seq.s32 s7, s2  }
0x1e: {  	s7 =	smul.u32 @!p0 $0xF7A, s2;
	p2 =	seq.s32 @!p0 s5, $0x0  }
0x1f: {  	s9 =	smul.u32 $0xF7A, s1;
	s8 =	simm.s32 @!p0 $0x1BF5;
	p2 =	por !p2, p0  }
0x20: {  	[sflag:s8] =	ssyncset.s32 @!p0 $0xFFFFF086;
	s6 =	sadd.s32 @!p0 s3, s7;
	s7 =	simm.s32 @!p0 $0x108  }
0x21: {  	s3 =	sadd.s32 s3, s9;
	s6 =	sadd.s32 @!p0 $0x88, s6;
	s7 =	simm.s32 @p2 $0x1082  }
0x22: {  	[simem:s7], [sflag:s8] =	dma.local @!p0 [hbm:s6], $0xF7A  }
0x23: {  	s9 =	sor.u32 $0xD0000000, s2;
	s6 =	simm.s32 $0x108;
	_ =	swait.ge @!p0 [sflag:s8], $0x0  }
0x24: {  	s3 =	sadd.s32 $0x88, s3;
	s6 =	simm.s32 @!p1 $0x1082;
	[sflag:s4] =	ssyncset.s32 $0xFFFFF086  }
0x25: {  	[simem:s6], [sflag:s4] =	dma.local [hbm:s3], $0xF7A  }
0x26: {  	[smem:$0x3F8E] =	sst s1;
	(tag) =	ssettag s2;
	_ =	strace s9  }
0x27: {  	s1 =	sld [smem:$0x3F9E]  }
0x28: {  	s2 =	sld [smem:$0x3F9F]  }
0x29: {  	s4 =	sld [smem:$0x3FA1]  }
0x2a: {  	p0 =	seq.s32 s5, $0x0;
	s5 =	sld [smem:$0x3FA2]  }
0x2b: {  	s6 =	sld [smem:$0x3FA3]  }
0x2c: {  	s7 =	sld [smem:$0x3FA4]  }
0x2d: {  	s3 =	simm.s32 $0x108;
	s8 =	sld [smem:$0x3FA5]  }
0x2e: {  	s3 =	simm.s32 @!p0 $0x1082;
	s9 =	sld [smem:$0x3FA6]  }
0x2f: {  	lr =	sadd.s32 s0, s3;
	s0 =	sld [smem:$0x3F9D]  }
0x30: {  	s3 =	sld [smem:$0x3FA0]  }
0x31: {  	[smem:$0x3FA9] =	sst s10  }
0x32: {  	s10 =	sld [smem:$0x3FA7];
	_ =	sdelay $0x3  }
0x33: {  	p0 =	seq.s32 s10, $0x1;
	s10 =	sld [smem:$0x3FA9];
	_ =	sdelay $0x3  }
0x34: {  	[smem:$0x3FA9] =	sst s10  }
0x35: {  	s10 =	sld [smem:$0x3FA8];
	_ =	sdelay $0x3  }
0x36: {  	p1 =	seq.s32 s10, $0x1;
	s10 =	sld [smem:$0x3FA9];
	_ =	sdelay $0x3  }
0x37: {  	[smem:$0x3FA9] =	sst s10  }
0x38: {  	s10 =	sld [smem:$0x3FAA]  }
0x39: {  	_ = 	snop;
	(pc) =	sbr.ind lr, $3  }
0x3a: {  	_ = 	snop  }
0x3b: {  	_ = 	snop  }
0x3c: {  	p2 =	seq.s32 s10, $0x1;
	s10 =	sld [smem:$0x3FA9]  }
0x3d: {  	_ =	shalt  }
0x3e: {  	_ =	shalt  }
0x3f: {  	_ =	shalt  }
0x40: {  	_ =	shalt  }
0x41: {  	_ =	shalt  }
0x42: {  	_ =	shalt  }
0x43: {  	_ =	shalt  }
0x44: {  	_ =	shalt  }
0x45: {  	_ =	shalt  }
0x46: {  	_ =	shalt  }
0x47: {  	_ =	shalt  }
0x48: {  	_ =	shalt  }
0x49: {  	_ =	shalt  }
0x4a: {  	_ =	shalt  }
0x4b: {  	_ =	shalt  }
0x4c: {  	_ =	shalt  }
0x4d: {  	_ =	shalt  }
0x4e: {  	_ =	shalt  }
0x4f: {  	_ =	shalt  }
0x50: {  	_ =	shalt  }
0x51: {  	_ =	shalt  }
0x52: {  	_ =	shalt  }
0x53: {  	_ =	shalt  }
0x54: {  	_ =	shalt  }
0x55: {  	_ =	shalt  }
0x56: {  	_ =	shalt  }
0x57: {  	_ =	shalt  }
0x58: {  	_ =	shalt  }
0x59: {  	_ =	shalt  }
0x5a: {  	_ =	shalt  }
0x5b: {  	_ =	shalt  }
0x5c: {  	_ =	shalt  }
0x5d: {  	_ =	shalt  }
0x5e: {  	_ =	shalt  }
0x5f: {  	_ =	shalt  }
0x60: {  	_ =	shalt  }
0x61: {  	_ =	shalt  }
0x62: {  	_ =	shalt  }
0x63: {  	_ =	shalt  }
0x64: {  	_ =	shalt  }
0x65: {  	_ =	shalt  }
0x66: {  	_ =	shalt  }
0x67: {  	_ =	shalt  }
0x68: {  	_ =	shalt  }
0x69: {  	_ =	shalt  }
0x6a: {  	_ =	shalt  }
0x6b: {  	_ =	shalt  }
0x6c: {  	_ =	shalt  }
0x6d: {  	_ =	shalt  }
0x6e: {  	_ =	shalt  }
0x6f: {  	_ =	shalt  }
0x70: {  	_ =	shalt  }
0x71: {  	_ =	shalt  }
0x72: {  	_ =	shalt  }
0x73: {  	_ =	shalt  }
0x74: {  	_ =	shalt  }
0x75: {  	_ =	shalt  }
0x76: {  	_ =	shalt  }
0x77: {  	_ =	shalt  }
0x78: {  	_ =	shalt  }
0x79: {  	_ =	shalt  }
0x7a: {  	_ =	shalt  }
0x7b: {  	_ =	shalt  }
0x7c: {  	_ =	shalt  }
0x7d: {  	_ =	shalt  }
0x7e: {  	_ =	shalt  }
0x7f: {  	_ =	shalt  }
0x80: {  	_ =	shalt  }
0x81: {  	_ =	shalt  }
0x82: {  	_ =	shalt  }
0x83: {  	_ =	shalt  }
0x84: {  	_ =	shalt  }
0x85: {  	_ =	shalt  }
0x86: {  	_ =	shalt  }
0x87: {  	_ =	shalt  }
.Lfunc_end0:
.L_simem_size_0:
called_computation.2_lowered:
.L_overlay_start_0:
0x88: {  	s2 =	sld [smem:$0x3FD9]  }
0x89: {  	s3 =	sld [smem:$0x3FFE];
	_ =	sdelay $0x1  }
0x8a: {  	s1 =	srdreg.scid  }
0x8b: {  	s0 =	sand.u32 $0x1, s1  }
0x8c: {  	s16 =	sshll.u32 s0, $0xA;
	s2 =	sadd.s32 s3, s2  }
0x8d: {  	s2 =	sadd.s32 s2, s16  }
0x8e: {  	[smem:$0x3FB5] =	sst s2  }
0x8f: {  	_ = 	snop  }
0x90: {  	(tm) =	ssettm $0x1  }
0x91: {  	s17 =	sld [smem:$0x3FFB];
	_ =	sdelay $0x3  }
0x92: {  	_ =	strace s17  }
0x93: {  	s2 =	sld [smem:$0x3FFC];
	_ =	sdelay $0x3  }
0x94: {  	_ =	strace s2  }
0x95: {  	s2 =	sld [smem:$0x3FFD];
	_ =	sdelay $0x3  }
0x96: {  	_ =	strace s2  }
0x97: {  	_ =	strace $0x8FFFFFFF  }
0x98: {  	s18 =	sld [smem:$0x3FDB];
	_ =	sdelay $0x1  }
0x99: {  	s19 =	simm.s32 $_scs_section_size  }
0x9a: {  	s4 =	simm.s32 $_size__tile_overlayer_lowered;
	s5 =	simm.s32 $_tile_overlayer_lowered  }
0x9b: {  	s22 =	simm.s32 $0x1BFF;
	s21 =	sshll.u32 s5, $0x1;
	s2 =	sadd.s32 s19, s18  }
0x9c: {  	s6 =	simm.s32 $0x0;
	s20 =	sshll.u32 s4, $0x1;
	s4 =	sadd.s32 s21, s2  }
0x9d: {  	[timem:s6], [sflag:s22] =	dma.local [hbm:s4], s20  }
0x9e: {  	_ =	swait.ge [sflag:s22], s20  }
0x9f: {  	s3 =	ssub.s32 $0x0, s20;
	[sflag:s22] =	ssyncset.done $0x0  }
0xa0: {  	[sflag:s22] =	ssyncadd.s32 s3;
	_ =	sdelay $0x1  }
0xa1: {  	s23 =	simm.s32 $0x1B8B  }
0xa2: {  	_ =	swait.ge [sflag:s23], $0x1  }
0xa3: {  	[sflag:s23] =	ssyncset.done $0x0  }
0xa4: {  	s25 =	simm.s32 $0x1B8E;
	s24 =	sld [smem:$0x3FFE];
	[sflag:s23] =	ssyncadd.s32 $0xFFFFFFFF  }
0xa5: {  	s26 =	simm.s32 $execute0_lowered;
	[smem:$0x3FD2] =	sst s25  }
0xa6: {  	s4 =	sshll.u32 s26, $0x1;
	_ =	strace $0x8000004C;
	[dreg:$0x1] =	wrdreg $0xFFFFFFFF  }
0xa7: {  	s28 =	simm.s32 $_size_execute0_lowered;
	s2 =	sadd.s32 s2, s4;
	[dreg:$0x0] =	wrdreg $0x0  }
0xa8: {  	s4 =	sshll.u32 s28, $0x1;
	[dreg:$0x2] =	wrdreg s2  }
0xa9: {  	[dreg:$0x3] =	wrdreg s4  }
0xaa: {  	[dreg:$0x4] =	wrdreg $0xC0  }
0xab: {  	_ =	task [dreg:s6], $0x5FFFF  }
0xac: {  	[dreg:$0x1] =	wrdreg $0xFFFFFFFF  }
0xad: {  	[dreg:$0x0] =	wrdreg $0x60  }
0xae: {  	[dreg:$0x2] =	wrdreg s24  }
0xaf: {  	[dreg:$0x3] =	wrdreg $0x88000  }
0xb0: {  	[dreg:$0x4] =	wrdreg $0x9  }
0xb1: {  	_ =	task.clear_ibuf [dreg:s6], $0x5FFFF;
	_ =	strace $0x9000004C  }
0xb2: {  	s29 =	simm.s32 $0x9;
	_ =	strace $0x8000004E  }
0xb3: {  	_ =	swait.ge [sflag:s29], $0x1  }
0xb4: {  	[sflag:s29] =	ssyncadd.s32 $0xFFFFFFFF  }
0xb5: {  	_ =	strace $0x9000004E  }
0xb6: {  	_ =	sfence  }
0xb7: {  	s30 =	sld [smem:$0x0];
	_ =	sdelay $0x2  }
0xb8: {  	s31 =	sshll.u32 s1, $0xD;
	s1 =	sshrl.u32 s1, $0x2  }
0xb9: {  	s3 =	sand.u32 $0x4000, s31;
	s1 =	sadd.s32 s1, s30  }
0xba: {  	s0 =	sor.u32 s3, s0;
	s1 =	sshll.u32 s1, $0x11  }
0xbb: {  	s0 =	sor.u32 s1, s0  }
0xbc: {  	s0 =	sadd.s32 $0x8F2B, s0  }
0xbd: {  	[sflag:s0] =	ssyncadd.remote.s32 $0x1  }
0xbe: {  	_ =	sfence.sel $0xFFFF  }
0xbf: {  	[dreg:$0x0] =	wrdreg $0xFFFFFFFF;
	(pc) =	sbr.abs _section_cstart, $3  }
0xc0: {  	[dreg:$0x1] =	wrdreg $0xFFFFFFFF  }
0xc1: {  	_ =	task.clear_ibuf [dreg:s6], $0x2FFFF;
	_ =	strace $0x9FFFFFFF  }
0xc2: {  	(tm) =	ssettm $0x7FFFFFFF  }
0xc3: {  	_ =	shalt  }
tec
execute0_lowered:
.L_overlay_start_1:
0x0: {  	(tag) =	ssettag $0x1  }
0x1: {  	s0 =	rddreg [dreg:$0x0]  }
0x2: {  	s2 =	rddreg [dreg:$0x1]  }
0x3: {  	s1 =	srdreg.scid;
	s12 =	stileid.u32  }
0x4: {  	s3 =	simm.s32 $0x0;
	s28 =	simm.s32 $0x300;
	s29 =	simm.s32 $0x2  }
0x5: {  	s30 =	simm.s32 $0x380;
	s31 =	simm.s32 $0x480;
	s5 =	smul.u32 $0x2780, s12  }
0x6: {  	s1 =	sand.u32 $0x1, s1;
	[smem:$0x7FF] =	sst s3;
	s14 =	smul.u32 $0x4F000, s12  }
0x7: {  	s4 =	sadd.s32 $0x67800, s0;
	s7 =	sadd.s32 $0x4800, s0;
	s10 =	smul.u32 $0x14, s12  }
0x8: {  	s6 =	smul.u32 $0x27800, s1;
	_ =	strace $0x8000004D;
	s15 =	ssub.s32 $0x2, s1  }
0x9: {  	s8 =	smul.u32 $0x140, s1;
	s1 =	sshll.u32 s1, $0x4;
	s9 =	sshrl.u32 s15, $0x1  }
0xa: {  	s1 =	sor.u32 s12, s1;
	s16 =	sshrl.u32 s14, $0x2;
	s5 =	sadd.s32 s5, s6  }
0xb: {  	s11 =	ssub.s32 s15, s9;
	s1 =	smul.u32 $0xA00, s1;
	s17 =	sadd.s32 s10, s8  }
0xc: {  	s15 =	simm.s32 $0x800;
	s8 =	simm.s32 $0x700;
	s10 =	simm.s32 $0x780  }
0xd: {  	s0 =	sadd.s32 s5, s0;
	s5 =	sadd.s32 s16, s2;
	s6 =	sshll.u32 s17, $0x7  }
0xe: {  	s26 =	smax.u32 s11, $0x1;
	s16 =	simm.s32 $0x5;
	s17 =	simm.s32 $0x400  }
0xf: {  	s11 =	simm.s32 $0x0;
	s18 =	sadd.s32 $0x4000, s5;
	[dreg:$0xb] =	wrdreg s26  }
0x10: {  	s19 =	sadd.s32 $0x8000, s5;
	s20 =	sadd.s32 $0xC000, s5;
	[dreg:$0x4] =	wrdreg s18  }
0x11: {  	s21 =	sadd.s32 s7, s1;
	s22 =	sadd.s32 s6, s7;
	[dreg:$0x5] =	wrdreg s19  }
0x12: {  	s23 =	sadd.s32 $0x10000, s5;
	s0 =	sadd.s32 $0x8EA00, s0;
	[dreg:$0x6] =	wrdreg s20  }
0x13: {  	s26 =	simm.s32 $0x180;
	s1 =	simm.s32 $0x500;
	[dreg:$0x8] =	wrdreg s23  }
0x14: {  	s6 =	simm.s32 $0x680;
	s7 =	simm.s32 $0x580;
	[dreg:$0x7] =	wrdreg s21  }
0x15: {  	s24 =	sadd.s32 $0x80, s21;
	s25 =	sadd.s32 $0x180, s22;
	[dreg:$0xa] =	wrdreg s0  }
0x16: {  	s14 =	sadd.s32 $0x100, s22;
	s18 =	simm.s32 $0x1;
	s19 =	simm.s32 $0x80  }
0x17: {  	s20 =	simm.s32 $0x4800;
	s21 =	simm.s32 $0x3;
	s22 =	simm.s32 $0x200  }
0x18: {  	s23 =	simm.s32 $0x100;
	s0 =	simm.s32 $0x600;
	[dreg:$0x9] =	wrdreg s24  }
0x19: {  	v0 =	vimm.f32 $0.0e+00;
	[dreg:$0x3] =	wrdreg s25;
	s24 =	simm.s32 $0x4;
	s25 =	simm.s32 $0x280  }
.LBB2_1:
0x1a: {  	s12 =	simm.s32 $0x0;
	s13 =	simm.s32 $0x200  }
.LBB2_2:
0x1b: {  	p0 =	sne.s32 s13, $0xFE00;
	[tilespmem:s12+$0x870] =	vst v0  }
0x1c: {  	[tilespmem:s12+$0x800] =	vst v0  }
0x1d: {  	[tilespmem:s12+$0x810] =	vst v0  }
.Ltmp0:
0x1e: {  	[tilespmem:s12+$0x820] =	vst v0;
	(pc) =	sbr.rel @p0 .LBB2_2-.Ltmp0, $4  }
0x1f: {  	[tilespmem:s12+$0x830] =	vst v0  }
0x20: {  	[tilespmem:s12+$0x840] =	vst v0  }
0x21: {  	[tilespmem:s12+$0x850] =	vst v0  }
0x22: {  	[tilespmem:s12+$0x860] =	vst v0;
	s12 =	sshra.s32 s13, $0x2;
	s13 =	sadd.s32 $0x200, s13  }
0x23: {  	[tilespmem:s12+$0x870] =	vst v0  }
0x24: {  	[tilespmem:s12+$0x800] =	vst v0  }
0x25: {  	[tilespmem:s12+$0x810] =	vst v0  }
0x26: {  	[tilespmem:s12+$0x820] =	vst v0  }
0x27: {  	[tilespmem:s12+$0x830] =	vst v0  }
0x28: {  	[tilespmem:s12+$0x840] =	vst v0  }
0x29: {  	[tilespmem:s12+$0x850] =	vst v0  }
0x2a: {  	[tilespmem:s12+$0x860] =	vst v0  }
0x2b: {  	[spmem:s5] =	stream.linear.scatter [tilespmem:s15], [sflag:$0x5], $0x4000, $0x38;
	[tilespmem:$0x1C400] =	vst v63  }
0x2c: {  	_ =	swait.ge [sflag:s16], $0x4000  }
0x2d: {  	[sflag:s16] =	ssyncset.done $0x0  }
0x2e: {  	s9 =	rddreg [dreg:$0x4];
	[sflag:s16] =	ssyncadd.s32 $0xFFFFC000  }
0x2f: {  	[spmem:s9] =	stream.linear.scatter [tilespmem:s15], [sflag:$0x5], $0x4000, $0x38;
	[tilespmem:$0x1C400] =	vst v63  }
0x30: {  	_ =	swait.ge [sflag:s16], $0x4000  }
0x31: {  	[sflag:s16] =	ssyncset.done $0x0  }
0x32: {  	s12 =	rddreg [dreg:$0x5];
	[sflag:s16] =	ssyncadd.s32 $0xFFFFC000  }
0x33: {  	[spmem:s12] =	stream.linear.scatter [tilespmem:s15], [sflag:$0x5], $0x4000, $0x38;
	[tilespmem:$0x1C400] =	vst v63  }
0x34: {  	_ =	swait.ge [sflag:s16], $0x4000  }
0x35: {  	[sflag:s16] =	ssyncset.done $0x0  }
0x36: {  	s13 =	rddreg [dreg:$0x6];
	[sflag:s16] =	ssyncadd.s32 $0xFFFFC000  }
0x37: {  	[spmem:s13] =	stream.linear.scatter [tilespmem:s15], [sflag:$0x5], $0x4000, $0x38;
	[tilespmem:$0x1C400] =	vst v63  }
0x38: {  	_ =	swait.ge [sflag:s16], $0x4000  }
0x39: {  	[sflag:s16] =	ssyncset.done $0x0  }
0x3a: {  	s12 =	rddreg [dreg:$0x8];
	[sflag:s16] =	ssyncadd.s32 $0xFFFFC000  }
0x3b: {  	[spmem:s12] =	stream.linear.scatter [tilespmem:s15], [sflag:$0x5], $0x3C00, $0x38;
	[tilespmem:$0x1C400] =	vst v63  }
0x3c: {  	_ =	swait.ge [sflag:s16], $0x3C00  }
0x3d: {  	[sflag:s16] =	ssyncset.done $0x0  }
0x3e: {  	[sflag:s16] =	ssyncadd.s32 $0xFFFFC400  }
0x3f: {  	[bflag:$0x0] =	sbarrier.arrive $0xFFFF  }
0x40: {  	s12 =	simm.s32 $0x0;
	s13 =	rddreg [dreg:$0x7]  }
0x41: {  	[tilespmem:s12], [sflag:$0x1] =	stream.linear.gather [hbm4b:s13+s12], $0x400, $0x38;
	[tilespmem:$0x1C400] =	vst v63  }
0x42: {  	s13 =	rddreg [dreg:$0x9]  }
0x43: {  	[tilespmem:s17], [sflag:$0x2] =	stream.linear.gather [hbm4b:s13+s12], $0x400, $0x38;
	[tilespmem:$0x1C400] =	vst v63  }
0x44: {  	_ =	swait.ge [sflag:s18], $0x400  }
0x45: {  	[sflag:s18] =	ssyncset.done $0x0  }
0x46: {  	[sflag:s18] =	ssyncadd.s32 $0xFFFFFC00  }
0x47: {  	[tilespmem:s15], [sflag:$0x3] =	stream.indirect.gather [hbm4b:s4+s19], $0x80, s12, s19, $0xb8;
	[tilespmem:$0x1C400] =	vst v63  }
0x48: {  	_ = 	snop  }
0x49: {  	[tilespmem:s20], [sflag:$0x4] =	stream.indirect.gather [hbm4b:s4+s19], $0x80, s19, s19, $0xb8;
	[tilespmem:$0x1C400] =	vst v63  }
0x4a: {  	_ =	swait.ge [sflag:s21], $0x4000  }
0x4b: {  	[sflag:s21] =	ssyncset.done $0x0  }
0x4c: {  	[sflag:s21] =	ssyncadd.s32 $0xFFFFC000  }
0x4d: {  	[spmem:s2] =	stream.indirect.scatter.add.f32 [tilespmem:s15], [sflag:$0x5], $0x80, s22, s19, $0xb8;
	[tilespmem:$0x1C400] =	vst v63  }
0x4e: {  	_ =	swait.ge [sflag:s16], $0x4000  }
0x4f: {  	[sflag:s16] =	ssyncset.done $0x0  }
0x50: {  	[sflag:s16] =	ssyncadd.s32 $0xFFFFC000  }
0x51: {  	[tilespmem:s15], [sflag:$0x3] =	stream.indirect.gather [hbm4b:s4+s19], $0x80, s23, s19, $0xb8;
	[tilespmem:$0x1C400] =	vst v63  }
0x52: {  	_ =	swait.ge [sflag:s24], $0x4000  }
0x53: {  	[sflag:s24] =	ssyncset.done $0x0  }
0x54: {  	[sflag:s24] =	ssyncadd.s32 $0xFFFFC000  }
0x55: {  	[spmem:s2] =	stream.indirect.scatter.add.f32 [tilespmem:s20], [sflag:$0x5], $0x80, s25, s19, $0xb8;
	[tilespmem:$0x1C400] =	vst v63  }
0x56: {  	_ =	swait.ge [sflag:s16], $0x4000  }
0x57: {  	[sflag:s16] =	ssyncset.done $0x0  }
0x58: {  	[sflag:s16] =	ssyncadd.s32 $0xFFFFC000  }
0x59: {  	[tilespmem:s20], [sflag:$0x4] =	stream.indirect.gather [hbm4b:s4+s19], $0x80, s26, s19, $0xb8;
	[tilespmem:$0x1C400] =	vst v63  }
0x5a: {  	_ =	swait.ge [sflag:s21], $0x4000  }
0x5b: {  	[sflag:s21] =	ssyncset.done $0x0  }
0x5c: {  	[sflag:s21] =	ssyncadd.s32 $0xFFFFC000  }
0x5d: {  	[spmem:s2] =	stream.indirect.scatter.add.f32 [tilespmem:s15], [sflag:$0x5], $0x80, s28, s19, $0xb8;
	[tilespmem:$0x1C400] =	vst v63  }
0x5e: {  	_ =	swait.ge [sflag:s16], $0x4000  }
0x5f: {  	[sflag:s16] =	ssyncset.done $0x0  }
0x60: {  	[sflag:s16] =	ssyncadd.s32 $0xFFFFC000  }
0x61: {  	_ =	swait.ge [sflag:s29], $0x400  }
0x62: {  	[sflag:s29] =	ssyncset.done $0x0  }
0x63: {  	[sflag:s29] =	ssyncadd.s32 $0xFFFFFC00  }
0x64: {  	[tilespmem:s15], [sflag:$0x3] =	stream.indirect.gather [hbm4b:s4+s19], $0x80, s17, s19, $0xb8;
	[tilespmem:$0x1C400] =	vst v63  }
0x65: {  	_ =	swait.ge [sflag:s24], $0x4000  }
0x66: {  	[sflag:s24] =	ssyncset.done $0x0  }
0x67: {  	[sflag:s24] =	ssyncadd.s32 $0xFFFFC000  }
0x68: {  	[spmem:s2] =	stream.indirect.scatter.add.f32 [tilespmem:s20], [sflag:$0x5], $0x80, s30, s19, $0xb8;
	[tilespmem:$0x1C400] =	vst v63  }
0x69: {  	_ =	swait.ge [sflag:s16], $0x4000  }
0x6a: {  	[sflag:s16] =	ssyncset.done $0x0  }
0x6b: {  	s13 =	sadd.s32 $0x0, s14;
	[sflag:s16] =	ssyncadd.s32 $0xFFFFC000  }
0x6c: {  	[tilespmem:s3], [sflag:$0x1] =	stream.linear.gather [hbm4b:s13+s3], $0x400, $0x38;
	[tilespmem:$0x1C400] =	vst v63  }
0x6d: {  	_ = 	snop  }
0x6e: {  	[tilespmem:s20], [sflag:$0x4] =	stream.indirect.gather [hbm4b:s4+s19], $0x80, s31, s19, $0xb8;
	[tilespmem:$0x1C400] =	vst v63  }
0x6f: {  	_ =	swait.ge [sflag:s21], $0x4000  }
0x70: {  	[sflag:s21] =	ssyncset.done $0x0  }
0x71: {  	[sflag:s21] =	ssyncadd.s32 $0xFFFFC000  }
0x72: {  	[spmem:s2] =	stream.indirect.scatter.add.f32 [tilespmem:s15], [sflag:$0x5], $0x80, s0, s19, $0xb8;
	[tilespmem:$0x1C400] =	vst v63  }
0x73: {  	_ =	swait.ge [sflag:s16], $0x4000  }
0x74: {  	[sflag:s16] =	ssyncset.done $0x0  }
0x75: {  	[sflag:s16] =	ssyncadd.s32 $0xFFFFC000  }
0x76: {  	[tilespmem:s15], [sflag:$0x3] =	stream.indirect.gather [hbm4b:s4+s19], $0x80, s1, s19, $0xb8;
	[tilespmem:$0x1C400] =	vst v63  }
0x77: {  	_ =	swait.ge [sflag:s24], $0x4000  }
0x78: {  	[sflag:s24] =	ssyncset.done $0x0  }
0x79: {  	[sflag:s24] =	ssyncadd.s32 $0xFFFFC000  }
0x7a: {  	[spmem:s2] =	stream.indirect.scatter.add.f32 [tilespmem:s20], [sflag:$0x5], $0x80, s6, s19, $0xb8;
	[tilespmem:$0x1C400] =	vst v63  }
0x7b: {  	_ =	swait.ge [sflag:s16], $0x4000  }
0x7c: {  	[sflag:s16] =	ssyncset.done $0x0  }
0x7d: {  	[sflag:s16] =	ssyncadd.s32 $0xFFFFC000  }
0x7e: {  	[tilespmem:s20], [sflag:$0x4] =	stream.indirect.gather [hbm4b:s4+s19], $0x80, s7, s19, $0xb8;
	[tilespmem:$0x1C400] =	vst v63  }
0x7f: {  	_ =	swait.ge [sflag:s21], $0x4000  }
0x80: {  	[sflag:s21] =	ssyncset.done $0x0  }
0x81: {  	[sflag:s21] =	ssyncadd.s32 $0xFFFFC000  }
0x82: {  	[spmem:s2] =	stream.indirect.scatter.add.f32 [tilespmem:s15], [sflag:$0x5], $0x80, s8, s19, $0xb8;
	[tilespmem:$0x1C400] =	vst v63  }
0x83: {  	_ =	swait.ge [sflag:s16], $0x4000  }
0x84: {  	[sflag:s16] =	ssyncset.done $0x0  }
0x85: {  	[sflag:s16] =	ssyncadd.s32 $0xFFFFC000  }
0x86: {  	_ =	swait.ge [sflag:s18], $0x400  }
0x87: {  	[sflag:s18] =	ssyncset.done $0x0  }
0x88: {  	[sflag:s18] =	ssyncadd.s32 $0xFFFFFC00  }
0x89: {  	[tilespmem:s15], [sflag:$0x3] =	stream.indirect.gather [hbm4b:s4+s19], $0x80, s3, s19, $0xb8;
	[tilespmem:$0x1C400] =	vst v63  }
0x8a: {  	_ =	swait.ge [sflag:s24], $0x4000  }
0x8b: {  	[sflag:s24] =	ssyncset.done $0x0  }
0x8c: {  	[sflag:s24] =	ssyncadd.s32 $0xFFFFC000  }
0x8d: {  	[spmem:s2] =	stream.indirect.scatter.add.f32 [tilespmem:s20], [sflag:$0x5], $0x80, s10, s19, $0xb8;
	[tilespmem:$0x1C400] =	vst v63  }
0x8e: {  	_ =	swait.ge [sflag:s16], $0x4000  }
0x8f: {  	s13 =	rddreg [dreg:$0x3];
	[sflag:s16] =	ssyncset.done $0x0  }
0x90: {  	s12 =	simm.s32 $0x100;
	[sflag:s16] =	ssyncadd.s32 $0xFFFFC000;
	s13 =	sadd.s32 $0x0, s13  }
.LBB2_4:
0x91: {  	[tilespmem:s17], [sflag:$0x2] =	stream.linear.gather [hbm4b:s13+s3], $0x400, $0x38;
	[tilespmem:$0x1C400] =	vst v63  }
0x92: {  	_ = 	snop  }
0x93: {  	[tilespmem:s20], [sflag:$0x4] =	stream.indirect.gather [hbm4b:s4+s19], $0x80, s19, s19, $0xb8;
	[tilespmem:$0x1C400] =	vst v63  }
0x94: {  	_ =	swait.ge [sflag:s21], $0x4000  }
0x95: {  	[sflag:s21] =	ssyncset.done $0x0  }
0x96: {  	[sflag:s21] =	ssyncadd.s32 $0xFFFFC000  }
0x97: {  	[spmem:s2] =	stream.indirect.scatter.add.f32 [tilespmem:s15], [sflag:$0x5], $0x80, s22, s19, $0xb8;
	[tilespmem:$0x1C400] =	vst v63  }
0x98: {  	_ =	swait.ge [sflag:s16], $0x4000  }
0x99: {  	[sflag:s16] =	ssyncset.done $0x0  }
0x9a: {  	[sflag:s16] =	ssyncadd.s32 $0xFFFFC000  }
0x9b: {  	[tilespmem:s15], [sflag:$0x3] =	stream.indirect.gather [hbm4b:s4+s19], $0x80, s23, s19, $0xb8;
	[tilespmem:$0x1C400] =	vst v63  }
0x9c: {  	_ =	swait.ge [sflag:s24], $0x4000  }
0x9d: {  	[sflag:s24] =	ssyncset.done $0x0  }
0x9e: {  	[sflag:s24] =	ssyncadd.s32 $0xFFFFC000  }
0x9f: {  	[spmem:s2] =	stream.indirect.scatter.add.f32 [tilespmem:s20], [sflag:$0x5], $0x80, s25, s19, $0xb8;
	[tilespmem:$0x1C400] =	vst v63  }
0xa0: {  	_ =	swait.ge [sflag:s16], $0x4000  }
0xa1: {  	[sflag:s16] =	ssyncset.done $0x0  }
0xa2: {  	[sflag:s16] =	ssyncadd.s32 $0xFFFFC000  }
0xa3: {  	[tilespmem:s20], [sflag:$0x4] =	stream.indirect.gather [hbm4b:s4+s19], $0x80, s26, s19, $0xb8;
	[tilespmem:$0x1C400] =	vst v63  }
0xa4: {  	_ =	swait.ge [sflag:s21], $0x4000  }
0xa5: {  	[sflag:s21] =	ssyncset.done $0x0  }
0xa6: {  	[sflag:s21] =	ssyncadd.s32 $0xFFFFC000  }
0xa7: {  	[spmem:s2] =	stream.indirect.scatter.add.f32 [tilespmem:s15], [sflag:$0x5], $0x80, s28, s19, $0xb8;
	[tilespmem:$0x1C400] =	vst v63  }
0xa8: {  	_ =	swait.ge [sflag:s16], $0x4000  }
0xa9: {  	[sflag:s16] =	ssyncset.done $0x0  }
0xaa: {  	[sflag:s16] =	ssyncadd.s32 $0xFFFFC000  }
0xab: {  	_ =	swait.ge [sflag:s29], $0x400  }
0xac: {  	[sflag:s29] =	ssyncset.done $0x0  }
0xad: {  	[sflag:s29] =	ssyncadd.s32 $0xFFFFFC00  }
0xae: {  	[tilespmem:s15], [sflag:$0x3] =	stream.indirect.gather [hbm4b:s4+s19], $0x80, s17, s19, $0xb8;
	[tilespmem:$0x1C400] =	vst v63  }
0xaf: {  	_ =	swait.ge [sflag:s24], $0x4000  }
0xb0: {  	[sflag:s24] =	ssyncset.done $0x0  }
0xb1: {  	[sflag:s24] =	ssyncadd.s32 $0xFFFFC000  }
0xb2: {  	[spmem:s2] =	stream.indirect.scatter.add.f32 [tilespmem:s20], [sflag:$0x5], $0x80, s30, s19, $0xb8;
	[tilespmem:$0x1C400] =	vst v63  }
0xb3: {  	_ =	swait.ge [sflag:s16], $0x4000  }
0xb4: {  	s13 =	smov.u32 s12;
	[sflag:s16] =	ssyncset.done $0x0  }
0xb5: {  	s9 =	sadd.s32 s13, s14;
	[sflag:s16] =	ssyncadd.s32 $0xFFFFC000  }
0xb6: {  	[tilespmem:s3], [sflag:$0x1] =	stream.linear.gather [hbm4b:s9+s3], $0x400, $0x38;
	[tilespmem:$0x1C400] =	vst v63  }
0xb7: {  	_ = 	snop  }
0xb8: {  	[tilespmem:s20], [sflag:$0x4] =	stream.indirect.gather [hbm4b:s4+s19], $0x80, s31, s19, $0xb8;
	[tilespmem:$0x1C400] =	vst v63  }
0xb9: {  	_ =	swait.ge [sflag:s21], $0x4000  }
0xba: {  	[sflag:s21] =	ssyncset.done $0x0  }
0xbb: {  	[sflag:s21] =	ssyncadd.s32 $0xFFFFC000  }
0xbc: {  	[spmem:s2] =	stream.indirect.scatter.add.f32 [tilespmem:s15], [sflag:$0x5], $0x80, s0, s19, $0xb8;
	[tilespmem:$0x1C400] =	vst v63  }
0xbd: {  	_ =	swait.ge [sflag:s16], $0x4000  }
0xbe: {  	[sflag:s16] =	ssyncset.done $0x0  }
0xbf: {  	[sflag:s16] =	ssyncadd.s32 $0xFFFFC000  }
0xc0: {  	[tilespmem:s15], [sflag:$0x3] =	stream.indirect.gather [hbm4b:s4+s19], $0x80, s1, s19, $0xb8;
	[tilespmem:$0x1C400] =	vst v63  }
0xc1: {  	_ =	swait.ge [sflag:s24], $0x4000  }
0xc2: {  	[sflag:s24] =	ssyncset.done $0x0  }
0xc3: {  	[sflag:s24] =	ssyncadd.s32 $0xFFFFC000  }
0xc4: {  	[spmem:s2] =	stream.indirect.scatter.add.f32 [tilespmem:s20], [sflag:$0x5], $0x80, s6, s19, $0xb8;
	[tilespmem:$0x1C400] =	vst v63  }
0xc5: {  	_ =	swait.ge [sflag:s16], $0x4000  }
0xc6: {  	[sflag:s16] =	ssyncset.done $0x0  }
0xc7: {  	[sflag:s16] =	ssyncadd.s32 $0xFFFFC000  }
0xc8: {  	[tilespmem:s20], [sflag:$0x4] =	stream.indirect.gather [hbm4b:s4+s19], $0x80, s7, s19, $0xb8;
	[tilespmem:$0x1C400] =	vst v63  }
0xc9: {  	_ =	swait.ge [sflag:s21], $0x4000  }
0xca: {  	[sflag:s21] =	ssyncset.done $0x0  }
0xcb: {  	[sflag:s21] =	ssyncadd.s32 $0xFFFFC000  }
0xcc: {  	[spmem:s2] =	stream.indirect.scatter.add.f32 [tilespmem:s15], [sflag:$0x5], $0x80, s8, s19, $0xb8;
	[tilespmem:$0x1C400] =	vst v63  }
0xcd: {  	_ =	swait.ge [sflag:s16], $0x4000  }
0xce: {  	[sflag:s16] =	ssyncset.done $0x0  }
0xcf: {  	[sflag:s16] =	ssyncadd.s32 $0xFFFFC000  }
0xd0: {  	_ =	swait.ge [sflag:s18], $0x400  }
0xd1: {  	[sflag:s18] =	ssyncset.done $0x0  }
0xd2: {  	[sflag:s18] =	ssyncadd.s32 $0xFFFFFC00  }
0xd3: {  	[tilespmem:s15], [sflag:$0x3] =	stream.indirect.gather [hbm4b:s4+s19], $0x80, s3, s19, $0xb8;
	[tilespmem:$0x1C400] =	vst v63  }
0xd4: {  	_ =	swait.ge [sflag:s24], $0x4000  }
0xd5: {  	p0 =	sne.s32 s12, $0x800;
	[sflag:s24] =	ssyncset.done $0x0  }
.Ltmp1:
0xd6: {  	[sflag:s24] =	ssyncadd.s32 $0xFFFFC000;
	(pc) =	sbr.rel @p0 .LBB2_4-.Ltmp1, $4  }
0xd7: {  	[spmem:s2] =	stream.indirect.scatter.add.f32 [tilespmem:s20], [sflag:$0x5], $0x80, s10, s19, $0xb8;
	[tilespmem:$0x1C400] =	vst v63  }
0xd8: {  	_ =	swait.ge [sflag:s16], $0x4000  }
0xd9: {  	[sflag:s16] =	ssyncset.done $0x0;
	s9 =	rddreg [dreg:$0x3]  }
0xda: {  	s12 =	sadd.s32 $0x100, s12;
	[sflag:s16] =	ssyncadd.s32 $0xFFFFC000;
	s13 =	sadd.s32 s13, s9  }
0xdb: {  	[tilespmem:s17], [sflag:$0x2] =	stream.linear.gather [hbm4b:s13+s3], $0x400, $0x38;
	[tilespmem:$0x1C400] =	vst v63  }
0xdc: {  	_ = 	snop  }
0xdd: {  	[tilespmem:s20], [sflag:$0x4] =	stream.indirect.gather [hbm4b:s4+s19], $0x80, s19, s19, $0xb8;
	[tilespmem:$0x1C400] =	vst v63  }
0xde: {  	_ =	swait.ge [sflag:s21], $0x4000  }
0xdf: {  	[sflag:s21] =	ssyncset.done $0x0  }
0xe0: {  	[sflag:s21] =	ssyncadd.s32 $0xFFFFC000  }
0xe1: {  	[spmem:s2] =	stream.indirect.scatter.add.f32 [tilespmem:s15], [sflag:$0x5], $0x80, s22, s19, $0xb8;
	[tilespmem:$0x1C400] =	vst v63  }
0xe2: {  	_ =	swait.ge [sflag:s16], $0x4000  }
0xe3: {  	[sflag:s16] =	ssyncset.done $0x0  }
0xe4: {  	[sflag:s16] =	ssyncadd.s32 $0xFFFFC000  }
0xe5: {  	[tilespmem:s15], [sflag:$0x3] =	stream.indirect.gather [hbm4b:s4+s19], $0x80, s23, s19, $0xb8;
	[tilespmem:$0x1C400] =	vst v63  }
0xe6: {  	_ =	swait.ge [sflag:s24], $0x4000  }
0xe7: {  	[sflag:s24] =	ssyncset.done $0x0  }
0xe8: {  	[sflag:s24] =	ssyncadd.s32 $0xFFFFC000  }
0xe9: {  	[spmem:s2] =	stream.indirect.scatter.add.f32 [tilespmem:s20], [sflag:$0x5], $0x80, s25, s19, $0xb8;
	[tilespmem:$0x1C400] =	vst v63  }
0xea: {  	_ =	swait.ge [sflag:s16], $0x4000  }
0xeb: {  	[sflag:s16] =	ssyncset.done $0x0  }
0xec: {  	[sflag:s16] =	ssyncadd.s32 $0xFFFFC000  }
0xed: {  	[tilespmem:s20], [sflag:$0x4] =	stream.indirect.gather [hbm4b:s4+s19], $0x80, s26, s19, $0xb8;
	[tilespmem:$0x1C400] =	vst v63  }
0xee: {  	_ =	swait.ge [sflag:s21], $0x4000  }
0xef: {  	[sflag:s21] =	ssyncset.done $0x0  }
0xf0: {  	[sflag:s21] =	ssyncadd.s32 $0xFFFFC000  }
0xf1: {  	[spmem:s2] =	stream.indirect.scatter.add.f32 [tilespmem:s15], [sflag:$0x5], $0x80, s28, s19, $0xb8;
	[tilespmem:$0x1C400] =	vst v63  }
0xf2: {  	_ =	swait.ge [sflag:s16], $0x4000  }
0xf3: {  	[sflag:s16] =	ssyncset.done $0x0  }
0xf4: {  	[sflag:s16] =	ssyncadd.s32 $0xFFFFC000  }
0xf5: {  	_ =	swait.ge [sflag:s29], $0x400  }
0xf6: {  	[sflag:s29] =	ssyncset.done $0x0  }
0xf7: {  	[sflag:s29] =	ssyncadd.s32 $0xFFFFFC00  }
0xf8: {  	[tilespmem:s15], [sflag:$0x3] =	stream.indirect.gather [hbm4b:s4+s19], $0x80, s17, s19, $0xb8;
	[tilespmem:$0x1C400] =	vst v63  }
0xf9: {  	_ =	swait.ge [sflag:s24], $0x4000  }
0xfa: {  	[sflag:s24] =	ssyncset.done $0x0  }
0xfb: {  	[sflag:s24] =	ssyncadd.s32 $0xFFFFC000  }
0xfc: {  	[spmem:s2] =	stream.indirect.scatter.add.f32 [tilespmem:s20], [sflag:$0x5], $0x80, s30, s19, $0xb8;
	[tilespmem:$0x1C400] =	vst v63  }
0xfd: {  	_ =	swait.ge [sflag:s16], $0x4000  }
0xfe: {  	[sflag:s16] =	ssyncset.done $0x0  }
0xff: {  	[sflag:s16] =	ssyncadd.s32 $0xFFFFC000  }
0x100: {  	[tilespmem:s20], [sflag:$0x4] =	stream.indirect.gather [hbm4b:s4+s19], $0x80, s31, s19, $0xb8;
	[tilespmem:$0x1C400] =	vst v63  }
0x101: {  	_ =	swait.ge [sflag:s21], $0x4000  }
0x102: {  	[sflag:s21] =	ssyncset.done $0x0  }
0x103: {  	[sflag:s21] =	ssyncadd.s32 $0xFFFFC000  }
0x104: {  	[spmem:s2] =	stream.indirect.scatter.add.f32 [tilespmem:s15], [sflag:$0x5], $0x80, s0, s19, $0xb8;
	[tilespmem:$0x1C400] =	vst v63  }
0x105: {  	_ =	swait.ge [sflag:s16], $0x4000  }
0x106: {  	[sflag:s16] =	ssyncset.done $0x0  }
0x107: {  	[sflag:s16] =	ssyncadd.s32 $0xFFFFC000  }
0x108: {  	[tilespmem:s15], [sflag:$0x3] =	stream.indirect.gather [hbm4b:s4+s19], $0x80, s1, s19, $0xb8;
	[tilespmem:$0x1C400] =	vst v63  }
0x109: {  	_ =	swait.ge [sflag:s24], $0x4000  }
0x10a: {  	[sflag:s24] =	ssyncset.done $0x0  }
0x10b: {  	[sflag:s24] =	ssyncadd.s32 $0xFFFFC000  }
0x10c: {  	[spmem:s2] =	stream.indirect.scatter.add.f32 [tilespmem:s20], [sflag:$0x5], $0x80, s6, s19, $0xb8;
	[tilespmem:$0x1C400] =	vst v63  }
0x10d: {  	_ =	swait.ge [sflag:s16], $0x4000  }
0x10e: {  	[sflag:s16] =	ssyncset.done $0x0  }
0x10f: {  	[sflag:s16] =	ssyncadd.s32 $0xFFFFC000  }
0x110: {  	[tilespmem:s20], [sflag:$0x4] =	stream.indirect.gather [hbm4b:s4+s19], $0x80, s7, s19, $0xb8;
	[tilespmem:$0x1C400] =	vst v63  }
0x111: {  	_ =	swait.ge [sflag:s21], $0x4000  }
0x112: {  	[sflag:s21] =	ssyncset.done $0x0  }
0x113: {  	[sflag:s21] =	ssyncadd.s32 $0xFFFFC000  }
0x114: {  	[spmem:s2] =	stream.indirect.scatter.add.f32 [tilespmem:s15], [sflag:$0x5], $0x80, s8, s19, $0xb8;
	[tilespmem:$0x1C400] =	vst v63  }
0x115: {  	_ =	swait.ge [sflag:s16], $0x4000  }
0x116: {  	[sflag:s16] =	ssyncset.done $0x0  }
0x117: {  	[sflag:s16] =	ssyncadd.s32 $0xFFFFC000  }
0x118: {  	_ =	swait.ge [sflag:s24], $0x4000  }
0x119: {  	[sflag:s24] =	ssyncset.done $0x0  }
0x11a: {  	[sflag:s24] =	ssyncadd.s32 $0xFFFFC000  }
0x11b: {  	[spmem:s2] =	stream.indirect.scatter.add.f32 [tilespmem:s20], [sflag:$0x5], $0x80, s10, s19, $0xb8;
	[tilespmem:$0x1C400] =	vst v63  }
0x11c: {  	_ =	swait.ge [sflag:s16], $0x4000  }
0x11d: {  	[sflag:s16] =	ssyncset.done $0x0  }
0x11e: {  	s9 =	stileid.u32;
	[sflag:s16] =	ssyncadd.s32 $0xFFFFC000  }
0x11f: {  	s9 =	sshll.u32 s9, $0x6;
	[bflag:$0x0] =	sbarrier.arrive $0xFFFF  }
0x120: {  	s12 =	sshrl.u32 s5, $0x3;
	s9 =	sor.u32 $0x1C05, s9;
	s13 =	rddreg [dreg:$0xa]  }
0x121: {  	[hbm:s13], [sflag:s9] =	dma.local [spmem:s12], $0x2780  }
0x122: {  	_ =	swait.ge [sflag:s16], $0x2780  }
0x123: {  	s11 =	sadd.s32 $0x1, s11;
	s13 =	rddreg [dreg:$0xb]  }
0x124: {  	p0 =	sne.s32 s11, s13  }
.Ltmp2:
0x125: {  	_ = 	snop;
	(pc) =	sbr.rel @p0 .LBB2_1-.Ltmp2, $3  }
0x126: {  	_ =	sdelay $0x1  }
0x127: {  	[sflag:s16] =	ssyncset.done $0x0  }
0x128: {  	[sflag:s16] =	ssyncadd.s32 $0xFFFFD880  }
0x129: {  	_ =	sfence.sel $0x180000  }
0x12a: {  	[bflag:$0x0] =	sbarrier.arrive $0xFFFF  }
0x12b: {  	_ =	strace $0x9000004D  }
0x12c: {  	s0 =	stileid.u32;
	[bflag:$0x2] =	sbarrier.arrive $0xFFFF  }
0x12d: {  	p0 =	sne.s32 s0, $0x0;
	s0 =	rddreg [dreg:$0x2]  }
0x12e: {  	s0 =	sadd.s32 @!p0 $0x100000, s0  }
0x12f: {  	[sflag:s0] =	ssyncadd.tile.s32 @!p0 $0x1;
	_ =	shalt  }
.Lfunc_end2:
_tile_overlayer_lowered:
.L_overlay_start_2:
0x130: {  	(tag) =	ssettag $0x2  }
0x131: {  	s0 =	rddreg [dreg:$0x0];
	s2 =	stileid.u32  }
0x132: {  	s1 =	rddreg [dreg:$0x1];
	p0 =	sne.s32 s2, $0x0  }
0x133: {  	s3 =	rddreg [dreg:$0x2];
	[bflag:$0x3] =	sbarrier.arrive $0xFFFF;
	s2 =	simm.s32 @!p0 $0x1C05  }
0x134: {  	[timem:s3], [sflag:s2] =	dma.local @!p0 [hbm:s0], s1  }
0x135: {  	s0 =	simm.s32 @!p0 $0x5  }
0x136: {  	_ =	swait.ge @!p0 [sflag:s0], s1  }
0x137: {  	s1 =	ssub.s32 @!p0 $0x0, s1;
	[sflag:s0] =	ssyncset.done @!p0 $0x0  }
0x138: {  	[sflag:s0] =	ssyncadd.s32 @!p0 s1  }
0x139: {  	[bflag:$0x3] =	sbarrier.arrive $0xFFFF  }
0x13a: {  	_ =	shalt  }

// kernel: kernel.19.cloned.1.call-start
scs
__scs_entry_jumppad:
0x0: {  	(pc) =	sbr.rel $0x88, $3  }
0x1: {  	(tag) =	ssettag $0x0;
	lr =	simm.s32 $0x1  }
0x2: {  	[smem:$0x3F8E] =	sst lr;
	_ =	strace $0xD0000000  }
0x3: {  	_ = 	snop  }
0x4: {  	_ = 	snop  }
0x5: {  	_ = 	snop  }
0x6: {  	_ = 	snop  }
0x7: {  	_ = 	snop  }
__scs_overlays_trampoline_lowered:
0x8: {  	[smem:$0x3F9D] =	sst s0  }
0x9: {  	[smem:$0x3F9E] =	sst s1  }
0xa: {  	[smem:$0x3F9F] =	sst s2  }
0xb: {  	[smem:$0x3FA0] =	sst s3  }
0xc: {  	[smem:$0x3FA1] =	sst s4  }
0xd: {  	[smem:$0x3FA2] =	sst s5  }
0xe: {  	[smem:$0x3FA3] =	sst s6  }
0xf: {  	[smem:$0x3FA4] =	sst s7  }
0x10: {  	[smem:$0x3FA5] =	sst s8  }
0x11: {  	[smem:$0x3FA6] =	sst s9;
	s0 =	simm.s32 @!p0 $0x0  }
0x12: {  	s1 =	sld [smem:$0x3F8C];
	s0 =	simm.s32 @p0 $0x1  }
0x13: {  	[smem:$0x3FA7] =	sst s0;
	s0 =	simm.s32 @!p1 $0x0  }
0x14: {  	s2 =	sld [smem:$0x3F8B];
	s0 =	simm.s32 @p1 $0x1  }
0x15: {  	[smem:$0x3FA8] =	sst s0;
	s0 =	simm.s32 @!p2 $0x0  }
0x16: {  	s3 =	sld [smem:$0x3FDB];
	s0 =	simm.s32 @p2 $0x1  }
0x17: {  	s4 =	simm.s32 $0x1BF5;
	[smem:$0x3FAA] =	sst s0  }
0x18: {  	s0 =	sld [smem:$0x3F8D];
	_ =	swait.ge [sflag:s4], $0x0  }
0x19: {  	s7 =	sld [smem:$0x3F8E]  }
0x1a: {  	s8 =	sadd.s32 $0xFFFFE003, lr  }
0x1b: {  	s9 =	sadd.s32 $0xFFFFFEF7, lr;
	s5 =	simm.s32 $0xFFFFFFFF;
	p2 =	slt.u32 s8, $0xFFFFF086  }
0x1c: {  	p1 =	slt.u32 s9, $0xF7A;
	s5 =	simm.s32 @!p2 $0x0  }
0x1d: {  	s5 =	simm.s32 @p1 $0x1;
	p0 =	seq.s32 s7, s2  }
0x1e: {  	s7 =	smul.u32 @!p0 $0xF7A, s2;
	p2 =	seq.s32 @!p0 s5, $0x0  }
0x1f: {  	s9 =	smul.u32 $0xF7A, s1;
	s8 =	simm.s32 @!p0 $0x1BF5;
	p2 =	por !p2, p0  }
0x20: {  	[sflag:s8] =	ssyncset.s32 @!p0 $0xFFFFF086;
	s6 =	sadd.s32 @!p0 s3, s7;
	s7 =	simm.s32 @!p0 $0x108  }
0x21: {  	s3 =	sadd.s32 s3, s9;
	s6 =	sadd.s32 @!p0 $0x88, s6;
	s7 =	simm.s32 @p2 $0x1082  }
0x22: {  	[simem:s7], [sflag:s8] =	dma.local @!p0 [hbm:s6], $0xF7A  }
0x23: {  	s9 =	sor.u32 $0xD0000000, s2;
	s6 =	simm.s32 $0x108;
	_ =	swait.ge @!p0 [sflag:s8], $0x0  }
0x24: {  	s3 =	sadd.s32 $0x88, s3;
	s6 =	simm.s32 @!p1 $0x1082;
	[sflag:s4] =	ssyncset.s32 $0xFFFFF086  }
0x25: {  	[simem:s6], [sflag:s4] =	dma.local [hbm:s3], $0xF7A  }
0x26: {  	[smem:$0x3F8E] =	sst s1;
	(tag) =	ssettag s2;
	_ =	strace s9  }
0x27: {  	s1 =	sld [smem:$0x3F9E]  }
0x28: {  	s2 =	sld [smem:$0x3F9F]  }
0x29: {  	s4 =	sld [smem:$0x3FA1]  }
0x2a: {  	p0 =	seq.s32 s5, $0x0;
	s5 =	sld [smem:$0x3FA2]  }
0x2b: {  	s6 =	sld [smem:$0x3FA3]  }
0x2c: {  	s7 =	sld [smem:$0x3FA4]  }
0x2d: {  	s3 =	simm.s32 $0x108;
	s8 =	sld [smem:$0x3FA5]  }
0x2e: {  	s3 =	simm.s32 @!p0 $0x1082;
	s9 =	sld [smem:$0x3FA6]  }
0x2f: {  	lr =	sadd.s32 s0, s3;
	s0 =	sld [smem:$0x3F9D]  }
0x30: {  	s3 =	sld [smem:$0x3FA0]  }
0x31: {  	[smem:$0x3FA9] =	sst s10  }
0x32: {  	s10 =	sld [smem:$0x3FA7];
	_ =	sdelay $0x3  }
0x33: {  	p0 =	seq.s32 s10, $0x1;
	s10 =	sld [smem:$0x3FA9];
	_ =	sdelay $0x3  }
0x34: {  	[smem:$0x3FA9] =	sst s10  }
0x35: {  	s10 =	sld [smem:$0x3FA8];
	_ =	sdelay $0x3  }
0x36: {  	p1 =	seq.s32 s10, $0x1;
	s10 =	sld [smem:$0x3FA9];
	_ =	sdelay $0x3  }
0x37: {  	[smem:$0x3FA9] =	sst s10  }
0x38: {  	s10 =	sld [smem:$0x3FAA]  }
0x39: {  	_ = 	snop;
	(pc) =	sbr.ind lr, $3  }
0x3a: {  	_ = 	snop  }
0x3b: {  	_ = 	snop  }
0x3c: {  	p2 =	seq.s32 s10, $0x1;
	s10 =	sld [smem:$0x3FA9]  }
0x3d: {  	_ =	shalt  }
0x3e: {  	_ =	shalt  }
0x3f: {  	_ =	shalt  }
0x40: {  	_ =	shalt  }
0x41: {  	_ =	shalt  }
0x42: {  	_ =	shalt  }
0x43: {  	_ =	shalt  }
0x44: {  	_ =	shalt  }
0x45: {  	_ =	shalt  }
0x46: {  	_ =	shalt  }
0x47: {  	_ =	shalt  }
0x48: {  	_ =	shalt  }
0x49: {  	_ =	shalt  }
0x4a: {  	_ =	shalt  }
0x4b: {  	_ =	shalt  }
0x4c: {  	_ =	shalt  }
0x4d: {  	_ =	shalt  }
0x4e: {  	_ =	shalt  }
0x4f: {  	_ =	shalt  }
0x50: {  	_ =	shalt  }
0x51: {  	_ =	shalt  }
0x52: {  	_ =	shalt  }
0x53: {  	_ =	shalt  }
0x54: {  	_ =	shalt  }
0x55: {  	_ =	shalt  }
0x56: {  	_ =	shalt  }
0x57: {  	_ =	shalt  }
0x58: {  	_ =	shalt  }
0x59: {  	_ =	shalt  }
0x5a: {  	_ =	shalt  }
0x5b: {  	_ =	shalt  }
0x5c: {  	_ =	shalt  }
0x5d: {  	_ =	shalt  }
0x5e: {  	_ =	shalt  }
0x5f: {  	_ =	shalt  }
0x60: {  	_ =	shalt  }
0x61: {  	_ =	shalt  }
0x62: {  	_ =	shalt  }
0x63: {  	_ =	shalt  }
0x64: {  	_ =	shalt  }
0x65: {  	_ =	shalt  }
0x66: {  	_ =	shalt  }
0x67: {  	_ =	shalt  }
0x68: {  	_ =	shalt  }
0x69: {  	_ =	shalt  }
0x6a: {  	_ =	shalt  }
0x6b: {  	_ =	shalt  }
0x6c: {  	_ =	shalt  }
0x6d: {  	_ =	shalt  }
0x6e: {  	_ =	shalt  }
0x6f: {  	_ =	shalt  }
0x70: {  	_ =	shalt  }
0x71: {  	_ =	shalt  }
0x72: {  	_ =	shalt  }
0x73: {  	_ =	shalt  }
0x74: {  	_ =	shalt  }
0x75: {  	_ =	shalt  }
0x76: {  	_ =	shalt  }
0x77: {  	_ =	shalt  }
0x78: {  	_ =	shalt  }
0x79: {  	_ =	shalt  }
0x7a: {  	_ =	shalt  }
0x7b: {  	_ =	shalt  }
0x7c: {  	_ =	shalt  }
0x7d: {  	_ =	shalt  }
0x7e: {  	_ =	shalt  }
0x7f: {  	_ =	shalt  }
0x80: {  	_ =	shalt  }
0x81: {  	_ =	shalt  }
0x82: {  	_ =	shalt  }
0x83: {  	_ =	shalt  }
0x84: {  	_ =	shalt  }
0x85: {  	_ =	shalt  }
0x86: {  	_ =	shalt  }
0x87: {  	_ =	shalt  }
.Lfunc_end0:
.L_simem_size_0:
called_computation.3_lowered:
.L_overlay_start_0:
0x88: {  	s2 =	sld [smem:$0x3FD9]  }
0x89: {  	s3 =	sld [smem:$0x3FFE];
	_ =	sdelay $0x1  }
0x8a: {  	s1 =	srdreg.scid  }
0x8b: {  	s0 =	sand.u32 $0x1, s1  }
0x8c: {  	s16 =	sshll.u32 s0, $0xA;
	s2 =	sadd.s32 s3, s2  }
0x8d: {  	s2 =	sadd.s32 s2, s16  }
0x8e: {  	[smem:$0x3FB5] =	sst s2  }
0x8f: {  	_ = 	snop  }
0x90: {  	(tm) =	ssettm $0x1  }
0x91: {  	s17 =	sld [smem:$0x3FFB];
	_ =	sdelay $0x3  }
0x92: {  	_ =	strace s17  }
0x93: {  	s2 =	sld [smem:$0x3FFC];
	_ =	sdelay $0x3  }
0x94: {  	_ =	strace s2  }
0x95: {  	s2 =	sld [smem:$0x3FFD];
	_ =	sdelay $0x3  }
0x96: {  	_ =	strace s2  }
0x97: {  	_ =	strace $0x8FFFFFFF  }
0x98: {  	s18 =	sld [smem:$0x3FDB];
	_ =	sdelay $0x1  }
0x99: {  	s19 =	simm.s32 $_scs_section_size  }
0x9a: {  	s4 =	simm.s32 $_size__tile_overlayer_lowered;
	s5 =	simm.s32 $_tile_overlayer_lowered  }
0x9b: {  	s22 =	simm.s32 $0x1BFF;
	s21 =	sshll.u32 s5, $0x1;
	s2 =	sadd.s32 s19, s18  }
0x9c: {  	s6 =	simm.s32 $0x0;
	s20 =	sshll.u32 s4, $0x1;
	s4 =	sadd.s32 s21, s2  }
0x9d: {  	[timem:s6], [sflag:s22] =	dma.local [hbm:s4], s20  }
0x9e: {  	_ =	swait.ge [sflag:s22], s20  }
0x9f: {  	s3 =	ssub.s32 $0x0, s20;
	[sflag:s22] =	ssyncset.done $0x0  }
0xa0: {  	[sflag:s22] =	ssyncadd.s32 s3;
	_ =	sdelay $0x1  }
0xa1: {  	s23 =	simm.s32 $0x1B8B  }
0xa2: {  	_ =	swait.ge [sflag:s23], $0x1  }
0xa3: {  	[sflag:s23] =	ssyncset.done $0x0  }
0xa4: {  	s25 =	simm.s32 $0x1B8E;
	s24 =	sld [smem:$0x3FFE];
	[sflag:s23] =	ssyncadd.s32 $0xFFFFFFFF  }
0xa5: {  	s26 =	simm.s32 $execute0_lowered;
	[smem:$0x3FD2] =	sst s25  }
0xa6: {  	s4 =	sshll.u32 s26, $0x1;
	_ =	strace $0x8000004F;
	[dreg:$0x1] =	wrdreg $0xFFFFFFFF  }
0xa7: {  	s28 =	simm.s32 $_size_execute0_lowered;
	s2 =	sadd.s32 s2, s4;
	[dreg:$0x0] =	wrdreg $0x0  }
0xa8: {  	s4 =	sshll.u32 s28, $0x1;
	[dreg:$0x2] =	wrdreg s2  }
0xa9: {  	[dreg:$0x3] =	wrdreg s4  }
0xaa: {  	[dreg:$0x4] =	wrdreg $0xC0  }
0xab: {  	_ =	task [dreg:s6], $0x5FFFF  }
0xac: {  	[dreg:$0x1] =	wrdreg $0xFFFFFFFF  }
0xad: {  	[dreg:$0x0] =	wrdreg $0x60  }
0xae: {  	[dreg:$0x2] =	wrdreg s24  }
0xaf: {  	[dreg:$0x3] =	wrdreg $0x88000  }
0xb0: {  	[dreg:$0x4] =	wrdreg $0x9  }
0xb1: {  	_ =	task.clear_ibuf [dreg:s6], $0x5FFFF;
	_ =	strace $0x9000004F  }
0xb2: {  	s29 =	simm.s32 $0x9;
	_ =	strace $0x80000051  }
0xb3: {  	_ =	swait.ge [sflag:s29], $0x1  }
0xb4: {  	[sflag:s29] =	ssyncadd.s32 $0xFFFFFFFF  }
0xb5: {  	_ =	strace $0x90000051  }
0xb6: {  	_ =	sfence  }
0xb7: {  	s30 =	sld [smem:$0x0];
	_ =	sdelay $0x2  }
0xb8: {  	s31 =	sshll.u32 s1, $0xD;
	s1 =	sshrl.u32 s1, $0x2  }
0xb9: {  	s3 =	sand.u32 $0x4000, s31;
	s1 =	sadd.s32 s1, s30  }
0xba: {  	s0 =	sor.u32 s3, s0;
	s1 =	sshll.u32 s1, $0x11  }
0xbb: {  	s0 =	sor.u32 s1, s0  }
0xbc: {  	s0 =	sadd.s32 $0x8F2B, s0  }
0xbd: {  	[sflag:s0] =	ssyncadd.remote.s32 $0x1  }
0xbe: {  	_ =	sfence.sel $0xFFFF  }
0xbf: {  	[dreg:$0x0] =	wrdreg $0xFFFFFFFF;
	(pc) =	sbr.abs _section_cstart, $3  }
0xc0: {  	[dreg:$0x1] =	wrdreg $0xFFFFFFFF  }
0xc1: {  	_ =	task.clear_ibuf [dreg:s6], $0x2FFFF;
	_ =	strace $0x9FFFFFFF  }
0xc2: {  	(tm) =	ssettm $0x7FFFFFFF  }
0xc3: {  	_ =	shalt  }
tec
execute0_lowered:
.L_overlay_start_1:
0x0: {  	(tag) =	ssettag $0x1  }
0x1: {  	s0 =	rddreg [dreg:$0x0]  }
0x2: {  	s2 =	rddreg [dreg:$0x1]  }
0x3: {  	s1 =	srdreg.scid;
	s12 =	stileid.u32  }
0x4: {  	s3 =	simm.s32 $0x0;
	s28 =	simm.s32 $0x300;
	s29 =	simm.s32 $0x2  }
0x5: {  	s30 =	simm.s32 $0x380;
	s31 =	simm.s32 $0x480;
	s5 =	smul.u32 $0x2780, s12  }
0x6: {  	s1 =	sand.u32 $0x1, s1;
	[smem:$0x7FF] =	sst s3;
	s14 =	smul.u32 $0x4F000, s12  }
0x7: {  	s4 =	sadd.s32 $0x67800, s0;
	s7 =	sadd.s32 $0x4800, s0;
	s10 =	smul.u32 $0x14, s12  }
0x8: {  	s6 =	smul.u32 $0x27800, s1;
	_ =	strace $0x80000050;
	s15 =	ssub.s32 $0x2, s1  }
0x9: {  	s8 =	smul.u32 $0x140, s1;
	s1 =	sshll.u32 s1, $0x4;
	s9 =	sshrl.u32 s15, $0x1  }
0xa: {  	s1 =	sor.u32 s12, s1;
	s16 =	sshrl.u32 s14, $0x2;
	s5 =	sadd.s32 s5, s6  }
0xb: {  	s11 =	ssub.s32 s15, s9;
	s1 =	smul.u32 $0xA00, s1;
	s17 =	sadd.s32 s10, s8  }
0xc: {  	s15 =	simm.s32 $0x800;
	s8 =	simm.s32 $0x700;
	s10 =	simm.s32 $0x780  }
0xd: {  	s0 =	sadd.s32 s5, s0;
	s5 =	sadd.s32 s16, s2;
	s6 =	sshll.u32 s17, $0x7  }
0xe: {  	s26 =	smax.u32 s11, $0x1;
	s16 =	simm.s32 $0x5;
	s17 =	simm.s32 $0x400  }
0xf: {  	s11 =	simm.s32 $0x0;
	s18 =	sadd.s32 $0x4000, s5;
	[dreg:$0xb] =	wrdreg s26  }
0x10: {  	s19 =	sadd.s32 $0x8000, s5;
	s20 =	sadd.s32 $0xC000, s5;
	[dreg:$0x4] =	wrdreg s18  }
0x11: {  	s21 =	sadd.s32 s7, s1;
	s22 =	sadd.s32 s6, s7;
	[dreg:$0x5] =	wrdreg s19  }
0x12: {  	s23 =	sadd.s32 $0x10000, s5;
	s0 =	sadd.s32 $0x8EA00, s0;
	[dreg:$0x6] =	wrdreg s20  }
0x13: {  	s26 =	simm.s32 $0x180;
	s1 =	simm.s32 $0x500;
	[dreg:$0x8] =	wrdreg s23  }
0x14: {  	s6 =	simm.s32 $0x680;
	s7 =	simm.s32 $0x580;
	[dreg:$0x7] =	wrdreg s21  }
0x15: {  	s24 =	sadd.s32 $0x80, s21;
	s25 =	sadd.s32 $0x180, s22;
	[dreg:$0xa] =	wrdreg s0  }
0x16: {  	s14 =	sadd.s32 $0x100, s22;
	s18 =	simm.s32 $0x1;
	s19 =	simm.s32 $0x80  }
0x17: {  	s20 =	simm.s32 $0x4800;
	s21 =	simm.s32 $0x3;
	s22 =	simm.s32 $0x200  }
0x18: {  	s23 =	simm.s32 $0x100;
	s0 =	simm.s32 $0x600;
	[dreg:$0x9] =	wrdreg s24  }
0x19: {  	v0 =	vimm.f32 $0.0e+00;
	[dreg:$0x3] =	wrdreg s25;
	s24 =	simm.s32 $0x4;
	s25 =	simm.s32 $0x280  }
.LBB2_1:
0x1a: {  	s12 =	simm.s32 $0x0;
	s13 =	simm.s32 $0x200  }
.LBB2_2:
0x1b: {  	p0 =	sne.s32 s13, $0xFE00;
	[tilespmem:s12+$0x870] =	vst v0  }
0x1c: {  	[tilespmem:s12+$0x800] =	vst v0  }
0x1d: {  	[tilespmem:s12+$0x810] =	vst v0  }
.Ltmp0:
0x1e: {  	[tilespmem:s12+$0x820] =	vst v0;
	(pc) =	sbr.rel @p0 .LBB2_2-.Ltmp0, $4  }
0x1f: {  	[tilespmem:s12+$0x830] =	vst v0  }
0x20: {  	[tilespmem:s12+$0x840] =	vst v0  }
0x21: {  	[tilespmem:s12+$0x850] =	vst v0  }
0x22: {  	[tilespmem:s12+$0x860] =	vst v0;
	s12 =	sshra.s32 s13, $0x2;
	s13 =	sadd.s32 $0x200, s13  }
0x23: {  	[tilespmem:s12+$0x870] =	vst v0  }
0x24: {  	[tilespmem:s12+$0x800] =	vst v0  }
0x25: {  	[tilespmem:s12+$0x810] =	vst v0  }
0x26: {  	[tilespmem:s12+$0x820] =	vst v0  }
0x27: {  	[tilespmem:s12+$0x830] =	vst v0  }
0x28: {  	[tilespmem:s12+$0x840] =	vst v0  }
0x29: {  	[tilespmem:s12+$0x850] =	vst v0  }
0x2a: {  	[tilespmem:s12+$0x860] =	vst v0  }
0x2b: {  	[spmem:s5] =	stream.linear.scatter [tilespmem:s15], [sflag:$0x5], $0x4000, $0x38;
	[tilespmem:$0x1C400] =	vst v63  }
0x2c: {  	_ =	swait.ge [sflag:s16], $0x4000  }
0x2d: {  	[sflag:s16] =	ssyncset.done $0x0  }
0x2e: {  	s9 =	rddreg [dreg:$0x4];
	[sflag:s16] =	ssyncadd.s32 $0xFFFFC000  }
0x2f: {  	[spmem:s9] =	stream.linear.scatter [tilespmem:s15], [sflag:$0x5], $0x4000, $0x38;
	[tilespmem:$0x1C400] =	vst v63  }
0x30: {  	_ =	swait.ge [sflag:s16], $0x4000  }
0x31: {  	[sflag:s16] =	ssyncset.done $0x0  }
0x32: {  	s12 =	rddreg [dreg:$0x5];
	[sflag:s16] =	ssyncadd.s32 $0xFFFFC000  }
0x33: {  	[spmem:s12] =	stream.linear.scatter [tilespmem:s15], [sflag:$0x5], $0x4000, $0x38;
	[tilespmem:$0x1C400] =	vst v63  }
0x34: {  	_ =	swait.ge [sflag:s16], $0x4000  }
0x35: {  	[sflag:s16] =	ssyncset.done $0x0  }
0x36: {  	s13 =	rddreg [dreg:$0x6];
	[sflag:s16] =	ssyncadd.s32 $0xFFFFC000  }
0x37: {  	[spmem:s13] =	stream.linear.scatter [tilespmem:s15], [sflag:$0x5], $0x4000, $0x38;
	[tilespmem:$0x1C400] =	vst v63  }
0x38: {  	_ =	swait.ge [sflag:s16], $0x4000  }
0x39: {  	[sflag:s16] =	ssyncset.done $0x0  }
0x3a: {  	s12 =	rddreg [dreg:$0x8];
	[sflag:s16] =	ssyncadd.s32 $0xFFFFC000  }
0x3b: {  	[spmem:s12] =	stream.linear.scatter [tilespmem:s15], [sflag:$0x5], $0x3C00, $0x38;
	[tilespmem:$0x1C400] =	vst v63  }
0x3c: {  	_ =	swait.ge [sflag:s16], $0x3C00  }
0x3d: {  	[sflag:s16] =	ssyncset.done $0x0  }
0x3e: {  	[sflag:s16] =	ssyncadd.s32 $0xFFFFC400  }
0x3f: {  	[bflag:$0x0] =	sbarrier.arrive $0xFFFF  }
0x40: {  	s12 =	simm.s32 $0x0;
	s13 =	rddreg [dreg:$0x7]  }
0x41: {  	[tilespmem:s12], [sflag:$0x1] =	stream.linear.gather [hbm4b:s13+s12], $0x400, $0x38;
	[tilespmem:$0x1C400] =	vst v63  }
0x42: {  	s13 =	rddreg [dreg:$0x9]  }
0x43: {  	[tilespmem:s17], [sflag:$0x2] =	stream.linear.gather [hbm4b:s13+s12], $0x400, $0x38;
	[tilespmem:$0x1C400] =	vst v63  }
0x44: {  	_ =	swait.ge [sflag:s18], $0x400  }
0x45: {  	[sflag:s18] =	ssyncset.done $0x0  }
0x46: {  	[sflag:s18] =	ssyncadd.s32 $0xFFFFFC00  }
0x47: {  	[tilespmem:s15], [sflag:$0x3] =	stream.indirect.gather [hbm4b:s4+s19], $0x80, s12, s19, $0xb8;
	[tilespmem:$0x1C400] =	vst v63  }
0x48: {  	_ = 	snop  }
0x49: {  	[tilespmem:s20], [sflag:$0x4] =	stream.indirect.gather [hbm4b:s4+s19], $0x80, s19, s19, $0xb8;
	[tilespmem:$0x1C400] =	vst v63  }
0x4a: {  	_ =	swait.ge [sflag:s21], $0x4000  }
0x4b: {  	[sflag:s21] =	ssyncset.done $0x0  }
0x4c: {  	[sflag:s21] =	ssyncadd.s32 $0xFFFFC000  }
0x4d: {  	[spmem:s2] =	stream.indirect.scatter.add.f32 [tilespmem:s15], [sflag:$0x5], $0x80, s22, s19, $0xb8;
	[tilespmem:$0x1C400] =	vst v63  }
0x4e: {  	_ =	swait.ge [sflag:s16], $0x4000  }
0x4f: {  	[sflag:s16] =	ssyncset.done $0x0  }
0x50: {  	[sflag:s16] =	ssyncadd.s32 $0xFFFFC000  }
0x51: {  	[tilespmem:s15], [sflag:$0x3] =	stream.indirect.gather [hbm4b:s4+s19], $0x80, s23, s19, $0xb8;
	[tilespmem:$0x1C400] =	vst v63  }
0x52: {  	_ =	swait.ge [sflag:s24], $0x4000  }
0x53: {  	[sflag:s24] =	ssyncset.done $0x0  }
0x54: {  	[sflag:s24] =	ssyncadd.s32 $0xFFFFC000  }
0x55: {  	[spmem:s2] =	stream.indirect.scatter.add.f32 [tilespmem:s20], [sflag:$0x5], $0x80, s25, s19, $0xb8;
	[tilespmem:$0x1C400] =	vst v63  }
0x56: {  	_ =	swait.ge [sflag:s16], $0x4000  }
0x57: {  	[sflag:s16] =	ssyncset.done $0x0  }
0x58: {  	[sflag:s16] =	ssyncadd.s32 $0xFFFFC000  }
0x59: {  	[tilespmem:s20], [sflag:$0x4] =	stream.indirect.gather [hbm4b:s4+s19], $0x80, s26, s19, $0xb8;
	[tilespmem:$0x1C400] =	vst v63  }
0x5a: {  	_ =	swait.ge [sflag:s21], $0x4000  }
0x5b: {  	[sflag:s21] =	ssyncset.done $0x0  }
0x5c: {  	[sflag:s21] =	ssyncadd.s32 $0xFFFFC000  }
0x5d: {  	[spmem:s2] =	stream.indirect.scatter.add.f32 [tilespmem:s15], [sflag:$0x5], $0x80, s28, s19, $0xb8;
	[tilespmem:$0x1C400] =	vst v63  }
0x5e: {  	_ =	swait.ge [sflag:s16], $0x4000  }
0x5f: {  	[sflag:s16] =	ssyncset.done $0x0  }
0x60: {  	[sflag:s16] =	ssyncadd.s32 $0xFFFFC000  }
0x61: {  	_ =	swait.ge [sflag:s29], $0x400  }
0x62: {  	[sflag:s29] =	ssyncset.done $0x0  }
0x63: {  	[sflag:s29] =	ssyncadd.s32 $0xFFFFFC00  }
0x64: {  	[tilespmem:s15], [sflag:$0x3] =	stream.indirect.gather [hbm4b:s4+s19], $0x80, s17, s19, $0xb8;
	[tilespmem:$0x1C400] =	vst v63  }
0x65: {  	_ =	swait.ge [sflag:s24], $0x4000  }
0x66: {  	[sflag:s24] =	ssyncset.done $0x0  }
0x67: {  	[sflag:s24] =	ssyncadd.s32 $0xFFFFC000  }
0x68: {  	[spmem:s2] =	stream.indirect.scatter.add.f32 [tilespmem:s20], [sflag:$0x5], $0x80, s30, s19, $0xb8;
	[tilespmem:$0x1C400] =	vst v63  }
0x69: {  	_ =	swait.ge [sflag:s16], $0x4000  }
0x6a: {  	[sflag:s16] =	ssyncset.done $0x0  }
0x6b: {  	s13 =	sadd.s32 $0x0, s14;
	[sflag:s16] =	ssyncadd.s32 $0xFFFFC000  }
0x6c: {  	[tilespmem:s3], [sflag:$0x1] =	stream.linear.gather [hbm4b:s13+s3], $0x400, $0x38;
	[tilespmem:$0x1C400] =	vst v63  }
0x6d: {  	_ = 	snop  }
0x6e: {  	[tilespmem:s20], [sflag:$0x4] =	stream.indirect.gather [hbm4b:s4+s19], $0x80, s31, s19, $0xb8;
	[tilespmem:$0x1C400] =	vst v63  }
0x6f: {  	_ =	swait.ge [sflag:s21], $0x4000  }
0x70: {  	[sflag:s21] =	ssyncset.done $0x0  }
0x71: {  	[sflag:s21] =	ssyncadd.s32 $0xFFFFC000  }
0x72: {  	[spmem:s2] =	stream.indirect.scatter.add.f32 [tilespmem:s15], [sflag:$0x5], $0x80, s0, s19, $0xb8;
	[tilespmem:$0x1C400] =	vst v63  }
0x73: {  	_ =	swait.ge [sflag:s16], $0x4000  }
0x74: {  	[sflag:s16] =	ssyncset.done $0x0  }
0x75: {  	[sflag:s16] =	ssyncadd.s32 $0xFFFFC000  }
0x76: {  	[tilespmem:s15], [sflag:$0x3] =	stream.indirect.gather [hbm4b:s4+s19], $0x80, s1, s19, $0xb8;
	[tilespmem:$0x1C400] =	vst v63  }
0x77: {  	_ =	swait.ge [sflag:s24], $0x4000  }
0x78: {  	[sflag:s24] =	ssyncset.done $0x0  }
0x79: {  	[sflag:s24] =	ssyncadd.s32 $0xFFFFC000  }
0x7a: {  	[spmem:s2] =	stream.indirect.scatter.add.f32 [tilespmem:s20], [sflag:$0x5], $0x80, s6, s19, $0xb8;
	[tilespmem:$0x1C400] =	vst v63  }
0x7b: {  	_ =	swait.ge [sflag:s16], $0x4000  }
0x7c: {  	[sflag:s16] =	ssyncset.done $0x0  }
0x7d: {  	[sflag:s16] =	ssyncadd.s32 $0xFFFFC000  }
0x7e: {  	[tilespmem:s20], [sflag:$0x4] =	stream.indirect.gather [hbm4b:s4+s19], $0x80, s7, s19, $0xb8;
	[tilespmem:$0x1C400] =	vst v63  }
0x7f: {  	_ =	swait.ge [sflag:s21], $0x4000  }
0x80: {  	[sflag:s21] =	ssyncset.done $0x0  }
0x81: {  	[sflag:s21] =	ssyncadd.s32 $0xFFFFC000  }
0x82: {  	[spmem:s2] =	stream.indirect.scatter.add.f32 [tilespmem:s15], [sflag:$0x5], $0x80, s8, s19, $0xb8;
	[tilespmem:$0x1C400] =	vst v63  }
0x83: {  	_ =	swait.ge [sflag:s16], $0x4000  }
0x84: {  	[sflag:s16] =	ssyncset.done $0x0  }
0x85: {  	[sflag:s16] =	ssyncadd.s32 $0xFFFFC000  }
0x86: {  	_ =	swait.ge [sflag:s18], $0x400  }
0x87: {  	[sflag:s18] =	ssyncset.done $0x0  }
0x88: {  	[sflag:s18] =	ssyncadd.s32 $0xFFFFFC00  }
0x89: {  	[tilespmem:s15], [sflag:$0x3] =	stream.indirect.gather [hbm4b:s4+s19], $0x80, s3, s19, $0xb8;
	[tilespmem:$0x1C400] =	vst v63  }
0x8a: {  	_ =	swait.ge [sflag:s24], $0x4000  }
0x8b: {  	[sflag:s24] =	ssyncset.done $0x0  }
0x8c: {  	[sflag:s24] =	ssyncadd.s32 $0xFFFFC000  }
0x8d: {  	[spmem:s2] =	stream.indirect.scatter.add.f32 [tilespmem:s20], [sflag:$0x5], $0x80, s10, s19, $0xb8;
	[tilespmem:$0x1C400] =	vst v63  }
0x8e: {  	_ =	swait.ge [sflag:s16], $0x4000  }
0x8f: {  	s13 =	rddreg [dreg:$0x3];
	[sflag:s16] =	ssyncset.done $0x0  }
0x90: {  	s12 =	simm.s32 $0x100;
	[sflag:s16] =	ssyncadd.s32 $0xFFFFC000;
	s13 =	sadd.s32 $0x0, s13  }
.LBB2_4:
0x91: {  	[tilespmem:s17], [sflag:$0x2] =	stream.linear.gather [hbm4b:s13+s3], $0x400, $0x38;
	[tilespmem:$0x1C400] =	vst v63  }
0x92: {  	_ = 	snop  }
0x93: {  	[tilespmem:s20], [sflag:$0x4] =	stream.indirect.gather [hbm4b:s4+s19], $0x80, s19, s19, $0xb8;
	[tilespmem:$0x1C400] =	vst v63  }
0x94: {  	_ =	swait.ge [sflag:s21], $0x4000  }
0x95: {  	[sflag:s21] =	ssyncset.done $0x0  }
0x96: {  	[sflag:s21] =	ssyncadd.s32 $0xFFFFC000  }
0x97: {  	[spmem:s2] =	stream.indirect.scatter.add.f32 [tilespmem:s15], [sflag:$0x5], $0x80, s22, s19, $0xb8;
	[tilespmem:$0x1C400] =	vst v63  }
0x98: {  	_ =	swait.ge [sflag:s16], $0x4000  }
0x99: {  	[sflag:s16] =	ssyncset.done $0x0  }
0x9a: {  	[sflag:s16] =	ssyncadd.s32 $0xFFFFC000  }
0x9b: {  	[tilespmem:s15], [sflag:$0x3] =	stream.indirect.gather [hbm4b:s4+s19], $0x80, s23, s19, $0xb8;
	[tilespmem:$0x1C400] =	vst v63  }
0x9c: {  	_ =	swait.ge [sflag:s24], $0x4000  }
0x9d: {  	[sflag:s24] =	ssyncset.done $0x0  }
0x9e: {  	[sflag:s24] =	ssyncadd.s32 $0xFFFFC000  }
0x9f: {  	[spmem:s2] =	stream.indirect.scatter.add.f32 [tilespmem:s20], [sflag:$0x5], $0x80, s25, s19, $0xb8;
	[tilespmem:$0x1C400] =	vst v63  }
0xa0: {  	_ =	swait.ge [sflag:s16], $0x4000  }
0xa1: {  	[sflag:s16] =	ssyncset.done $0x0  }
0xa2: {  	[sflag:s16] =	ssyncadd.s32 $0xFFFFC000  }
0xa3: {  	[tilespmem:s20], [sflag:$0x4] =	stream.indirect.gather [hbm4b:s4+s19], $0x80, s26, s19, $0xb8;
	[tilespmem:$0x1C400] =	vst v63  }
0xa4: {  	_ =	swait.ge [sflag:s21], $0x4000  }
0xa5: {  	[sflag:s21] =	ssyncset.done $0x0  }
0xa6: {  	[sflag:s21] =	ssyncadd.s32 $0xFFFFC000  }
0xa7: {  	[spmem:s2] =	stream.indirect.scatter.add.f32 [tilespmem:s15], [sflag:$0x5], $0x80, s28, s19, $0xb8;
	[tilespmem:$0x1C400] =	vst v63  }
0xa8: {  	_ =	swait.ge [sflag:s16], $0x4000  }
0xa9: {  	[sflag:s16] =	ssyncset.done $0x0  }
0xaa: {  	[sflag:s16] =	ssyncadd.s32 $0xFFFFC000  }
0xab: {  	_ =	swait.ge [sflag:s29], $0x400  }
0xac: {  	[sflag:s29] =	ssyncset.done $0x0  }
0xad: {  	[sflag:s29] =	ssyncadd.s32 $0xFFFFFC00  }
0xae: {  	[tilespmem:s15], [sflag:$0x3] =	stream.indirect.gather [hbm4b:s4+s19], $0x80, s17, s19, $0xb8;
	[tilespmem:$0x1C400] =	vst v63  }
0xaf: {  	_ =	swait.ge [sflag:s24], $0x4000  }
0xb0: {  	[sflag:s24] =	ssyncset.done $0x0  }
0xb1: {  	[sflag:s24] =	ssyncadd.s32 $0xFFFFC000  }
0xb2: {  	[spmem:s2] =	stream.indirect.scatter.add.f32 [tilespmem:s20], [sflag:$0x5], $0x80, s30, s19, $0xb8;
	[tilespmem:$0x1C400] =	vst v63  }
0xb3: {  	_ =	swait.ge [sflag:s16], $0x4000  }
0xb4: {  	s13 =	smov.u32 s12;
	[sflag:s16] =	ssyncset.done $0x0  }
0xb5: {  	s9 =	sadd.s32 s13, s14;
	[sflag:s16] =	ssyncadd.s32 $0xFFFFC000  }
0xb6: {  	[tilespmem:s3], [sflag:$0x1] =	stream.linear.gather [hbm4b:s9+s3], $0x400, $0x38;
	[tilespmem:$0x1C400] =	vst v63  }
0xb7: {  	_ = 	snop  }
0xb8: {  	[tilespmem:s20], [sflag:$0x4] =	stream.indirect.gather [hbm4b:s4+s19], $0x80, s31, s19, $0xb8;
	[tilespmem:$0x1C400] =	vst v63  }
0xb9: {  	_ =	swait.ge [sflag:s21], $0x4000  }
0xba: {  	[sflag:s21] =	ssyncset.done $0x0  }
0xbb: {  	[sflag:s21] =	ssyncadd.s32 $0xFFFFC000  }
0xbc: {  	[spmem:s2] =	stream.indirect.scatter.add.f32 [tilespmem:s15], [sflag:$0x5], $0x80, s0, s19, $0xb8;
	[tilespmem:$0x1C400] =	vst v63  }
0xbd: {  	_ =	swait.ge [sflag:s16], $0x4000  }
0xbe: {  	[sflag:s16] =	ssyncset.done $0x0  }
0xbf: {  	[sflag:s16] =	ssyncadd.s32 $0xFFFFC000  }
0xc0: {  	[tilespmem:s15], [sflag:$0x3] =	stream.indirect.gather [hbm4b:s4+s19], $0x80, s1, s19, $0xb8;
	[tilespmem:$0x1C400] =	vst v63  }
0xc1: {  	_ =	swait.ge [sflag:s24], $0x4000  }
0xc2: {  	[sflag:s24] =	ssyncset.done $0x0  }
0xc3: {  	[sflag:s24] =	ssyncadd.s32 $0xFFFFC000  }
0xc4: {  	[spmem:s2] =	stream.indirect.scatter.add.f32 [tilespmem:s20], [sflag:$0x5], $0x80, s6, s19, $0xb8;
	[tilespmem:$0x1C400] =	vst v63  }
0xc5: {  	_ =	swait.ge [sflag:s16], $0x4000  }
0xc6: {  	[sflag:s16] =	ssyncset.done $0x0  }
0xc7: {  	[sflag:s16] =	ssyncadd.s32 $0xFFFFC000  }
0xc8: {  	[tilespmem:s20], [sflag:$0x4] =	stream.indirect.gather [hbm4b:s4+s19], $0x80, s7, s19, $0xb8;
	[tilespmem:$0x1C400] =	vst v63  }
0xc9: {  	_ =	swait.ge [sflag:s21], $0x4000  }
0xca: {  	[sflag:s21] =	ssyncset.done $0x0  }
0xcb: {  	[sflag:s21] =	ssyncadd.s32 $0xFFFFC000  }
0xcc: {  	[spmem:s2] =	stream.indirect.scatter.add.f32 [tilespmem:s15], [sflag:$0x5], $0x80, s8, s19, $0xb8;
	[tilespmem:$0x1C400] =	vst v63  }
0xcd: {  	_ =	swait.ge [sflag:s16], $0x4000  }
0xce: {  	[sflag:s16] =	ssyncset.done $0x0  }
0xcf: {  	[sflag:s16] =	ssyncadd.s32 $0xFFFFC000  }
0xd0: {  	_ =	swait.ge [sflag:s18], $0x400  }
0xd1: {  	[sflag:s18] =	ssyncset.done $0x0  }
0xd2: {  	[sflag:s18] =	ssyncadd.s32 $0xFFFFFC00  }
0xd3: {  	[tilespmem:s15], [sflag:$0x3] =	stream.indirect.gather [hbm4b:s4+s19], $0x80, s3, s19, $0xb8;
	[tilespmem:$0x1C400] =	vst v63  }
0xd4: {  	_ =	swait.ge [sflag:s24], $0x4000  }
0xd5: {  	p0 =	sne.s32 s12, $0x800;
	[sflag:s24] =	ssyncset.done $0x0  }
.Ltmp1:
0xd6: {  	[sflag:s24] =	ssyncadd.s32 $0xFFFFC000;
	(pc) =	sbr.rel @p0 .LBB2_4-.Ltmp1, $4  }
0xd7: {  	[spmem:s2] =	stream.indirect.scatter.add.f32 [tilespmem:s20], [sflag:$0x5], $0x80, s10, s19, $0xb8;
	[tilespmem:$0x1C400] =	vst v63  }
0xd8: {  	_ =	swait.ge [sflag:s16], $0x4000  }
0xd9: {  	[sflag:s16] =	ssyncset.done $0x0;
	s9 =	rddreg [dreg:$0x3]  }
0xda: {  	s12 =	sadd.s32 $0x100, s12;
	[sflag:s16] =	ssyncadd.s32 $0xFFFFC000;
	s13 =	sadd.s32 s13, s9  }
0xdb: {  	[tilespmem:s17], [sflag:$0x2] =	stream.linear.gather [hbm4b:s13+s3], $0x400, $0x38;
	[tilespmem:$0x1C400] =	vst v63  }
0xdc: {  	_ = 	snop  }
0xdd: {  	[tilespmem:s20], [sflag:$0x4] =	stream.indirect.gather [hbm4b:s4+s19], $0x80, s19, s19, $0xb8;
	[tilespmem:$0x1C400] =	vst v63  }
0xde: {  	_ =	swait.ge [sflag:s21], $0x4000  }
0xdf: {  	[sflag:s21] =	ssyncset.done $0x0  }
0xe0: {  	[sflag:s21] =	ssyncadd.s32 $0xFFFFC000  }
0xe1: {  	[spmem:s2] =	stream.indirect.scatter.add.f32 [tilespmem:s15], [sflag:$0x5], $0x80, s22, s19, $0xb8;
	[tilespmem:$0x1C400] =	vst v63  }
0xe2: {  	_ =	swait.ge [sflag:s16], $0x4000  }
0xe3: {  	[sflag:s16] =	ssyncset.done $0x0  }
0xe4: {  	[sflag:s16] =	ssyncadd.s32 $0xFFFFC000  }
0xe5: {  	[tilespmem:s15], [sflag:$0x3] =	stream.indirect.gather [hbm4b:s4+s19], $0x80, s23, s19, $0xb8;
	[tilespmem:$0x1C400] =	vst v63  }
0xe6: {  	_ =	swait.ge [sflag:s24], $0x4000  }
0xe7: {  	[sflag:s24] =	ssyncset.done $0x0  }
0xe8: {  	[sflag:s24] =	ssyncadd.s32 $0xFFFFC000  }
0xe9: {  	[spmem:s2] =	stream.indirect.scatter.add.f32 [tilespmem:s20], [sflag:$0x5], $0x80, s25, s19, $0xb8;
	[tilespmem:$0x1C400] =	vst v63  }
0xea: {  	_ =	swait.ge [sflag:s16], $0x4000  }
0xeb: {  	[sflag:s16] =	ssyncset.done $0x0  }
0xec: {  	[sflag:s16] =	ssyncadd.s32 $0xFFFFC000  }
0xed: {  	[tilespmem:s20], [sflag:$0x4] =	stream.indirect.gather [hbm4b:s4+s19], $0x80, s26, s19, $0xb8;
	[tilespmem:$0x1C400] =	vst v63  }
0xee: {  	_ =	swait.ge [sflag:s21], $0x4000  }
0xef: {  	[sflag:s21] =	ssyncset.done $0x0  }
0xf0: {  	[sflag:s21] =	ssyncadd.s32 $0xFFFFC000  }
0xf1: {  	[spmem:s2] =	stream.indirect.scatter.add.f32 [tilespmem:s15], [sflag:$0x5], $0x80, s28, s19, $0xb8;
	[tilespmem:$0x1C400] =	vst v63  }
0xf2: {  	_ =	swait.ge [sflag:s16], $0x4000  }
0xf3: {  	[sflag:s16] =	ssyncset.done $0x0  }
0xf4: {  	[sflag:s16] =	ssyncadd.s32 $0xFFFFC000  }
0xf5: {  	_ =	swait.ge [sflag:s29], $0x400  }
0xf6: {  	[sflag:s29] =	ssyncset.done $0x0  }
0xf7: {  	[sflag:s29] =	ssyncadd.s32 $0xFFFFFC00  }
0xf8: {  	[tilespmem:s15], [sflag:$0x3] =	stream.indirect.gather [hbm4b:s4+s19], $0x80, s17, s19, $0xb8;
	[tilespmem:$0x1C400] =	vst v63  }
0xf9: {  	_ =	swait.ge [sflag:s24], $0x4000  }
0xfa: {  	[sflag:s24] =	ssyncset.done $0x0  }
0xfb: {  	[sflag:s24] =	ssyncadd.s32 $0xFFFFC000  }
0xfc: {  	[spmem:s2] =	stream.indirect.scatter.add.f32 [tilespmem:s20], [sflag:$0x5], $0x80, s30, s19, $0xb8;
	[tilespmem:$0x1C400] =	vst v63  }
0xfd: {  	_ =	swait.ge [sflag:s16], $0x4000  }
0xfe: {  	[sflag:s16] =	ssyncset.done $0x0  }
0xff: {  	[sflag:s16] =	ssyncadd.s32 $0xFFFFC000  }
0x100: {  	[tilespmem:s20], [sflag:$0x4] =	stream.indirect.gather [hbm4b:s4+s19], $0x80, s31, s19, $0xb8;
	[tilespmem:$0x1C400] =	vst v63  }
0x101: {  	_ =	swait.ge [sflag:s21], $0x4000  }
0x102: {  	[sflag:s21] =	ssyncset.done $0x0  }
0x103: {  	[sflag:s21] =	ssyncadd.s32 $0xFFFFC000  }
0x104: {  	[spmem:s2] =	stream.indirect.scatter.add.f32 [tilespmem:s15], [sflag:$0x5], $0x80, s0, s19, $0xb8;
	[tilespmem:$0x1C400] =	vst v63  }
0x105: {  	_ =	swait.ge [sflag:s16], $0x4000  }
0x106: {  	[sflag:s16] =	ssyncset.done $0x0  }
0x107: {  	[sflag:s16] =	ssyncadd.s32 $0xFFFFC000  }
0x108: {  	[tilespmem:s15], [sflag:$0x3] =	stream.indirect.gather [hbm4b:s4+s19], $0x80, s1, s19, $0xb8;
	[tilespmem:$0x1C400] =	vst v63  }
0x109: {  	_ =	swait.ge [sflag:s24], $0x4000  }
0x10a: {  	[sflag:s24] =	ssyncset.done $0x0  }
0x10b: {  	[sflag:s24] =	ssyncadd.s32 $0xFFFFC000  }
0x10c: {  	[spmem:s2] =	stream.indirect.scatter.add.f32 [tilespmem:s20], [sflag:$0x5], $0x80, s6, s19, $0xb8;
	[tilespmem:$0x1C400] =	vst v63  }
0x10d: {  	_ =	swait.ge [sflag:s16], $0x4000  }
0x10e: {  	[sflag:s16] =	ssyncset.done $0x0  }
0x10f: {  	[sflag:s16] =	ssyncadd.s32 $0xFFFFC000  }
0x110: {  	[tilespmem:s20], [sflag:$0x4] =	stream.indirect.gather [hbm4b:s4+s19], $0x80, s7, s19, $0xb8;
	[tilespmem:$0x1C400] =	vst v63  }
0x111: {  	_ =	swait.ge [sflag:s21], $0x4000  }
0x112: {  	[sflag:s21] =	ssyncset.done $0x0  }
0x113: {  	[sflag:s21] =	ssyncadd.s32 $0xFFFFC000  }
0x114: {  	[spmem:s2] =	stream.indirect.scatter.add.f32 [tilespmem:s15], [sflag:$0x5], $0x80, s8, s19, $0xb8;
	[tilespmem:$0x1C400] =	vst v63  }
0x115: {  	_ =	swait.ge [sflag:s16], $0x4000  }
0x116: {  	[sflag:s16] =	ssyncset.done $0x0  }
0x117: {  	[sflag:s16] =	ssyncadd.s32 $0xFFFFC000  }
0x118: {  	_ =	swait.ge [sflag:s24], $0x4000  }
0x119: {  	[sflag:s24] =	ssyncset.done $0x0  }
0x11a: {  	[sflag:s24] =	ssyncadd.s32 $0xFFFFC000  }
0x11b: {  	[spmem:s2] =	stream.indirect.scatter.add.f32 [tilespmem:s20], [sflag:$0x5], $0x80, s10, s19, $0xb8;
	[tilespmem:$0x1C400] =	vst v63  }
0x11c: {  	_ =	swait.ge [sflag:s16], $0x4000  }
0x11d: {  	[sflag:s16] =	ssyncset.done $0x0  }
0x11e: {  	s9 =	stileid.u32;
	[sflag:s16] =	ssyncadd.s32 $0xFFFFC000  }
0x11f: {  	s9 =	sshll.u32 s9, $0x6;
	[bflag:$0x0] =	sbarrier.arrive $0xFFFF  }
0x120: {  	s12 =	sshrl.u32 s5, $0x3;
	s9 =	sor.u32 $0x1C05, s9;
	s13 =	rddreg [dreg:$0xa]  }
0x121: {  	[hbm:s13], [sflag:s9] =	dma.local [spmem:s12], $0x2780  }
0x122: {  	_ =	swait.ge [sflag:s16], $0x2780  }
0x123: {  	s11 =	sadd.s32 $0x1, s11;
	s13 =	rddreg [dreg:$0xb]  }
0x124: {  	p0 =	sne.s32 s11, s13  }
.Ltmp2:
0x125: {  	_ = 	snop;
	(pc) =	sbr.rel @p0 .LBB2_1-.Ltmp2, $3  }
0x126: {  	_ =	sdelay $0x1  }
0x127: {  	[sflag:s16] =	ssyncset.done $0x0  }
0x128: {  	[sflag:s16] =	ssyncadd.s32 $0xFFFFD880  }
0x129: {  	_ =	sfence.sel $0x180000  }
0x12a: {  	[bflag:$0x0] =	sbarrier.arrive $0xFFFF  }
0x12b: {  	_ =	strace $0x90000050  }
0x12c: {  	s0 =	stileid.u32;
	[bflag:$0x2] =	sbarrier.arrive $0xFFFF  }
0x12d: {  	p0 =	sne.s32 s0, $0x0;
	s0 =	rddreg [dreg:$0x2]  }
0x12e: {  	s0 =	sadd.s32 @!p0 $0x100000, s0  }
0x12f: {  	[sflag:s0] =	ssyncadd.tile.s32 @!p0 $0x1;
	_ =	shalt  }
.Lfunc_end2:
_tile_overlayer_lowered:
.L_overlay_start_2:
0x130: {  	(tag) =	ssettag $0x2  }
0x131: {  	s0 =	rddreg [dreg:$0x0];
	s2 =	stileid.u32  }
0x132: {  	s1 =	rddreg [dreg:$0x1];
	p0 =	sne.s32 s2, $0x0  }
0x133: {  	s3 =	rddreg [dreg:$0x2];
	[bflag:$0x3] =	sbarrier.arrive $0xFFFF;
	s2 =	simm.s32 @!p0 $0x1C05  }
0x134: {  	[timem:s3], [sflag:s2] =	dma.local @!p0 [hbm:s0], s1  }
0x135: {  	s0 =	simm.s32 @!p0 $0x5  }
0x136: {  	_ =	swait.ge @!p0 [sflag:s0], s1  }
0x137: {  	s1 =	ssub.s32 @!p0 $0x0, s1;
	[sflag:s0] =	ssyncset.done @!p0 $0x0  }
0x138: {  	[sflag:s0] =	ssyncadd.s32 @!p0 s1  }
0x139: {  	[bflag:$0x3] =	sbarrier.arrive $0xFFFF  }
0x13a: {  	_ =	shalt  }

</sc_bundles>
